<compile_context>
chip_gen: v7x
topology: tpu7x:2x2x1
jax: 0.10.2.dev20260603
libtpu: 0.0.44.dev20260713+nightly
codegen_flags: <defaults>
</compile_context>

<pallas_src>
import jax
import jax.numpy as jnp
from jax import lax
from jax.experimental import pallas as pl
from jax.experimental.pallas import tpu as pltpu
from jax.experimental.pallas import tpu_sc as plsc

_NC = 2
_NS = 16
_NW = _NC * _NS
_LANES = 16

_N = 8192
_D = 1024
_L = 2048
_J = _D // 128
_RPW = _N // _NW
_C = 16
_NCHUNK = _RPW // _C
_NPAIR = _NCHUNK // 2
_QIDX = _C * _J
_EPS = 1e-12


def _ln_chunk(e3_v, o_v, g_v, b_v, segbuf_v, acc_v, stat_v, sgs):
    zero = jnp.zeros((_LANES,), jnp.float32)
    e_v = e3_v.at[0]

    def p1(k, carry):
        accs = carry
        j16 = (k >> 3) * _LANES
        off = (k & 7) * _LANES
        out = []
        for r in range(_C):
            sl = pl.ds(off, _LANES)
            v = e_v[j16 + r, sl] + segbuf_v[sgs[r] + (k >> 3), sl]
            e_v[j16 + r, sl] = v
            out.append(accs[2 * r] + v)
            out.append(accs[2 * r + 1] + v * v)
        return tuple(out)

    accs = lax.fori_loop(0, _D // _LANES, p1, (zero,) * (2 * _C), unroll=1)
    for r in range(_C):
        acc_v[0, pl.ds(r * _LANES, _LANES)] = accs[2 * r]
        acc_v[1, pl.ds(r * _LANES, _LANES)] = accs[2 * r + 1]

    @plsc.parallel_loop(0, _C, unroll=2)
    def stats(r):
        s = jnp.sum(acc_v[0, pl.ds(r * _LANES, _LANES)])
        q = jnp.sum(acc_v[1, pl.ds(r * _LANES, _LANES)])
        u = s * (1.0 / _D)
        t = q * (1.0 / _D) - u * u + _EPS
        y = lax.bitcast_convert_type(
            jnp.int32(0x5F3759DF)
            - (lax.bitcast_convert_type(t, jnp.int32) >> 1), jnp.float32)
        y = y * (1.5 - 0.5 * t * y * y)
        y = y * (1.5 - 0.5 * t * y * y)
        y = y * (1.5 - 0.5 * t * y * y)
        stat_v[0, r] = y
        stat_v[1, r] = u * y

    @plsc.parallel_loop(0, _J)
    def p2(kb):
        gs = [g_v[pl.ds(kb * 128 + j * _LANES, _LANES)] for j in range(8)]
        bs = [b_v[pl.ds(kb * 128 + j * _LANES, _LANES)] for j in range(8)]

        @plsc.parallel_loop(0, _C, unroll=2)
        def p2r(r):
            rst = stat_v[0, r]
            urs = stat_v[1, r]
            erow = kb * _LANES + r
            orow = ((r >> 3) * 64 + (r & 7)) + kb * 8
            for j in range(8):
                sl = pl.ds(j * _LANES, _LANES)
                v = e_v[erow, sl]
                o_v[orow, sl] = (v * rst - urs) * gs[j] + bs[j]
                e_v[erow, sl] = zero


def _emb_body(x_hbm, seg_hbm, tok_hbm, pos_hbm, segtab_hbm,
              gamma_hbm, beta_hbm, out_hbm, tokidx_v, segidx_v, q0, q1,
              oidx_v, posidx_v, e0, e1, o0, o1, segbuf_v, g_v, b_v,
              acc_v, stat_v, semA, semB, semOA, semOB):
    wid = lax.axis_index("s") * _NC + lax.axis_index("c")
    base = wid * _RPW
    l_base = lax.rem(base, _L)

    lane = lax.iota(jnp.int32, _LANES)
    zerov = jnp.zeros((_LANES,), jnp.float32)

    xrow = base >> 7
    pltpu.async_copy(x_hbm.at[pl.ds(xrow, 2)], tokidx_v, semA)
    pltpu.async_copy(seg_hbm.at[pl.ds(xrow, 2)], segidx_v, semA)
    pltpu.async_copy(gamma_hbm, g_v, semA)
    pltpu.async_copy(beta_hbm, b_v, semA)
    pltpu.async_copy(segtab_hbm, segbuf_v, semA)
    pltpu.make_async_copy(x_hbm.at[pl.ds(xrow, 2)], tokidx_v, semA).wait()
    pltpu.make_async_copy(seg_hbm.at[pl.ds(xrow, 2)], segidx_v, semA).wait()
    pltpu.make_async_copy(gamma_hbm, g_v, semA).wait()
    pltpu.make_async_copy(beta_hbm, b_v, semA).wait()
    pltpu.make_async_copy(segtab_hbm, segbuf_v, semA).wait()

    e0f = e0.at[0]
    e1f = e1.at[0]

    @pl.loop(0, 128)
    def _zfill(i):
        for j in range(8):
            e0f[i, pl.ds(j * _LANES, _LANES)] = zerov
            e1f[i, pl.ds(j * _LANES, _LANES)] = zerov

    @pl.loop(0, _NCHUNK)
    def _ofill(c):
        q0_ = (base + c * _C) * _J
        for j in range(8):
            oidx_v[c, pl.ds(j * _LANES, _LANES)] = q0_ + j * _LANES + lane

    @pl.loop(0, 8)
    def _pfill(p):
        posidx_v[pl.ds(p * _LANES, _LANES)] = \
            (l_base >> 4) + ((p * _LANES + lane) >> 3)

    def issue_adds(c, q_v, e_v, sem):
        r0 = c * _C
        tv = tokidx_v[c >> 3, pl.ds((c & 7) * _C, _C)]
        tq = ((tv >> 3) << 6) | (tv & 7)
        pv = l_base + r0 + lane
        pq = ((pv >> 3) << 6) | (pv & 7)
        for j in range(_J):
            q_v[pl.ds(j * _LANES, _LANES)] = tq + j * 8
            q_v[pl.ds(_QIDX + j * _LANES, _LANES)] = pq + j * 8
        pltpu.async_copy(tok_hbm.at[q_v.at[pl.ds(0, _QIDX)]],
                         e_v.at[0], sem, add=True)
        pltpu.async_copy(pos_hbm.at[q_v.at[pl.ds(_QIDX, _QIDX)]],
                         e_v.at[0], sem, add=True)

    def drain_adds(e_v, sem):
        for _ in range(2):
            pltpu.make_async_copy(tok_hbm.at[q0.at[pl.ds(0, _QIDX)]],
                                  e_v.at[0], sem).wait()

    def out_slice(c):
        return out_hbm.at[oidx_v.at[c]]

    def drain_out(c, o_v, sem):
        pltpu.make_async_copy(o_v, out_slice(c), sem).wait()

    issue_adds(0, q0, e0, semA)
    issue_adds(1, q1, e1, semB)

    @pl.loop(0, _NPAIR)
    def _pair(i):
        cA = 2 * i
        cB = 2 * i + 1

        svA = segidx_v[cA >> 3, pl.ds((cA & 7) * _C, _C)] << 3
        sgsA = [svA[t] for t in range(_C)]
        drain_adds(e0, semA)

        @pl.when(i > 0)
        def _():
            drain_out(cA, o0, semOA)

        _ln_chunk(e0, o0, g_v, b_v, segbuf_v, acc_v, stat_v, sgsA)
        pltpu.async_copy(o0, out_slice(cA), semOA)

        @pl.when(i < _NPAIR - 1)
        def _():
            issue_adds(cA + 2, q0, e0, semA)

        svB = segidx_v[cB >> 3, pl.ds((cB & 7) * _C, _C)] << 3
        sgsB = [svB[t] for t in range(_C)]
        drain_adds(e1, semB)

        @pl.when(i > 0)
        def _():
            drain_out(cB, o1, semOB)

        _ln_chunk(e1, o1, g_v, b_v, segbuf_v, acc_v, stat_v, sgsB)
        pltpu.async_copy(o1, out_slice(cB), semOB)

        @pl.when(i < _NPAIR - 1)
        def _():
            issue_adds(cB + 2, q1, e1, semB)

    drain_out(_NCHUNK - 2, o0, semOA)
    drain_out(_NCHUNK - 1, o1, semOB)


@jax.jit
def _emb(x2, seg2, tok_q, pos_q, seg_q, gamma, beta):
    mesh = plsc.VectorSubcoreMesh(core_axis_name="c", subcore_axis_name="s",
                                  num_cores=_NC, num_subcores=_NS)
    run = pl.kernel(
        _emb_body,
        out_type=jax.ShapeDtypeStruct((_N * _J, 128), jnp.float32),
        mesh=mesh,
        scratch_types=[
            pltpu.VMEM((2, 128), jnp.int32),
            pltpu.VMEM((2, 128), jnp.int32),
            pltpu.VMEM((2 * _QIDX,), jnp.int32),
            pltpu.VMEM((2 * _QIDX,), jnp.int32),
            pltpu.VMEM((_NCHUNK, 128), jnp.int32),
            pltpu.VMEM((128,), jnp.int32),
            pltpu.VMEM((1, _QIDX, 128), jnp.float32),
            pltpu.VMEM((1, _QIDX, 128), jnp.float32),
            pltpu.VMEM((_QIDX, 128), jnp.float32),
            pltpu.VMEM((_QIDX, 128), jnp.float32),
            pltpu.VMEM((16, 128), jnp.float32),
            pltpu.VMEM((_D,), jnp.float32),
            pltpu.VMEM((_D,), jnp.float32),
            pltpu.VMEM((2, 16 * _C), jnp.float32),
            pltpu.SMEM((2, _C), jnp.float32),
            pltpu.SemaphoreType.DMA,
            pltpu.SemaphoreType.DMA,
            pltpu.SemaphoreType.DMA,
            pltpu.SemaphoreType.DMA,
        ],
        compiler_params=pltpu.CompilerParams(use_tc_tiling_on_sc=False,
                                             needs_layout_passes=False),
    )
    return run(x2, seg2, tok_q, pos_q, seg_q, gamma, beta)


def _to_q(t):
    r = t.shape[0]
    return (t.reshape(r // 8, 8, 8, 128)
             .transpose(0, 2, 1, 3)
             .reshape(r * 8, 128))


def _from_q(o, B, L, D):
    return (o.reshape(B * L // 8, 8, 8, 128)
             .transpose(0, 2, 1, 3)
             .reshape(B, L, D))


def kernel(x, seg, mixup, shuffle_idx, l, clone_ids, mixup_layer, simple_pad,
           no_grad_clone, tok_table, pos_table, seg_table, gamma, beta):
    B, L = x.shape
    D = tok_table.shape[1]
    out = _emb(x.reshape(-1, 128), seg.reshape(-1, 128),
               _to_q(tok_table), _to_q(pos_table),
               seg_table.reshape(-1, 128), gamma, beta)
    return _from_q(out, B, L, D)

# --- scband reference (transcript-rebuilt; emitter-appended) ---
"""Pipeline reference for scband-embeddings-46196668236298 (READ-ONLY COPY).

The authoritative reference and input builder live on the scoring server;
editing this copy changes nothing except your own understanding.
"""

import jax, jax.numpy as jnp
import numpy as np

V, D, ML, NS = 100000, 1024, 2048, 2
B, L = 4, 2048
EPS = 1e-12


def setup_inputs(seed: int = 0) -> dict:
    key = jax.random.key(seed)
    ks = jax.random.split(key, 8)
    x = jax.random.randint(ks[0], (B, L), 0, V, dtype=jnp.int32)
    seg = jax.random.randint(ks[1], (B, L), 0, NS, dtype=jnp.int32)
    clone_ids = jax.random.randint(ks[2], (B, L), 0, V, dtype=jnp.int32)
    tok_table = jax.random.normal(ks[3], (V, D), dtype=jnp.float32) * 0.02
    pos_table = jax.random.normal(ks[4], (ML, D), dtype=jnp.float32) * 0.02
    seg_table = jax.random.normal(ks[5], (NS, D), dtype=jnp.float32) * 0.02
    gamma = jnp.ones((D,), dtype=jnp.float32)
    beta = jnp.zeros((D,), dtype=jnp.float32)
    return {
        'x': x, 'seg': seg, 'mixup': 0, 'shuffle_idx': 0, 'l': 1,
        'clone_ids': clone_ids, 'mixup_layer': 0, 'simple_pad': 0,
        'no_grad_clone': 0, 'tok_table': tok_table, 'pos_table': pos_table,
        'seg_table': seg_table, 'gamma': gamma, 'beta': beta,
    }


def _layer_norm(e, gamma, beta):
    u = jnp.mean(e, axis=-1, keepdims=True)
    s = jnp.mean((e - u) ** 2, axis=-1, keepdims=True)
    xn = (e - u) / jnp.sqrt(s + EPS)
    return gamma * xn + beta


def reference(x, seg, mixup, shuffle_idx, l, clone_ids, mixup_layer, simple_pad,
              no_grad_clone, tok_table, pos_table, seg_table, gamma, beta):
    # mixup=0 (falsy) -> standard BERT embedding path; dropout p=0.0 -> identity.
    seq_len = x.shape[1]
    pos = jnp.broadcast_to(jnp.arange(seq_len, dtype=x.dtype)[None, :], x.shape)
    token_e = jnp.take(tok_table, x, axis=0)
    pos_e = jnp.take(pos_table, pos, axis=0)
    seg_e = jnp.take(seg_table, seg, axis=0)
    e = token_e + pos_e + seg_e
    h = _layer_norm(e, gamma, beta)
    return h

if __name__ == "__main__":
    import jax
    _d = setup_inputs()
    print(jax.jit(kernel)(*tuple(_d.values())))

</pallas_src>

<mosaic_0001>
#map = affine_map<(d0, d1) -> (0, 0)>
#map1 = affine_map<(d0, d1) -> (0)>
module attributes {stable_mosaic.version = 14 : i64} {
  func.func @_emb_body(%arg0: i32, %arg1: i32, %arg2: memref<64x128xi32, #tpu.memory_space<hbm>>, %arg3: memref<64x128xi32, #tpu.memory_space<hbm>>, %arg4: memref<800000x128xf32, #tpu.memory_space<hbm>>, %arg5: memref<16384x128xf32, #tpu.memory_space<hbm>>, %arg6: memref<16x128xf32, #tpu.memory_space<hbm>>, %arg7: memref<1024xf32, #tpu.memory_space<hbm>>, %arg8: memref<1024xf32, #tpu.memory_space<hbm>>, %arg9: memref<65536x128xf32, #tpu.memory_space<hbm>>, %arg10: memref<2x128xi32, #tpu.memory_space<vmem>>, %arg11: memref<2x128xi32, #tpu.memory_space<vmem>>, %arg12: memref<256xi32, #tpu.memory_space<vmem>>, %arg13: memref<256xi32, #tpu.memory_space<vmem>>, %arg14: memref<16x128xi32, #tpu.memory_space<vmem>>, %arg15: memref<128xi32, #tpu.memory_space<vmem>>, %arg16: memref<1x128x128xf32, #tpu.memory_space<vmem>>, %arg17: memref<1x128x128xf32, #tpu.memory_space<vmem>>, %arg18: memref<128x128xf32, #tpu.memory_space<vmem>>, %arg19: memref<128x128xf32, #tpu.memory_space<vmem>>, %arg20: memref<16x128xf32, #tpu.memory_space<vmem>>, %arg21: memref<1024xf32, #tpu.memory_space<vmem>>, %arg22: memref<1024xf32, #tpu.memory_space<vmem>>, %arg23: memref<2x256xf32, #tpu.memory_space<vmem>>, %arg24: memref<2x16xf32, #tpu.memory_space<smem>>, %arg25: memref<!tpu.dma_semaphore, #tpu.memory_space<semaphore_mem>>, %arg26: memref<!tpu.dma_semaphore, #tpu.memory_space<semaphore_mem>>, %arg27: memref<!tpu.dma_semaphore, #tpu.memory_space<semaphore_mem>>, %arg28: memref<!tpu.dma_semaphore, #tpu.memory_space<semaphore_mem>>) attributes {dimension_semantics = [#tpu.dimension_semantics<core_parallel>, #tpu.dimension_semantics<subcore_parallel>], iteration_bounds = array<i64: 2, 16>, scalar_prefetch = 0 : i64, scratch_operands = 19 : i64, tpu.core_type = #tpu.core_type<sc_vector_subcore>, window_params = [{transform_indices = #map}, {transform_indices = #map}, {transform_indices = #map}, {transform_indices = #map}, {transform_indices = #map}, {transform_indices = #map1}, {transform_indices = #map1}, {transform_indices = #map}]} {
    %mul3A = arith.constant 2 : i32
    %mul3A_0 = arith.muli %arg1, %mul3A : i32
    %add3A = arith.addi %mul3A_0, %arg0 : i32
    %mul3A_1 = arith.constant 256 : i32
    %mul3A_2 = arith.muli %add3A, %mul3A_1 : i32
    %rem3A = arith.constant 2048 : i32
    %rem3A_3 = arith.remsi %mul3A_2, %rem3A : i32
    %iota3A = tpu.iota {dimensions = array<i32: 0>} : vector<16xi32>
    %broadcast_in_dim3A = arith.constant 0.000000e+00 : f32
    %broadcast_in_dim3A_4 = vector.broadcast %broadcast_in_dim3A : f32 to vector<16xf32>
    %shift_right_arithmetic3A = arith.constant 7 : i32
    %shift_right_arithmetic3A_5 = arith.shrsi %mul3A_2, %shift_right_arithmetic3A : i32
    %dma_start3A = arith.constant 0 : i32
    %dma_start3A_6 = tpu.memref_slice %arg2[%shift_right_arithmetic3A_5, %dma_start3A] : memref<64x128xi32, #tpu.memory_space<hbm>> -> memref<2x128xi32, #tpu.memory_space<hbm>>
    %dma_start3A_7 = arith.constant 0 : i32
    %dma_start3A_8 = tpu.memref_slice %arg2[%shift_right_arithmetic3A_5, %dma_start3A_7] : memref<64x128xi32, #tpu.memory_space<hbm>> -> memref<2x128xi32, #tpu.memory_space<hbm>>
    tpu.enqueue_dma source(%dma_start3A_8 : memref<2x128xi32, #tpu.memory_space<hbm>>) target(%arg10 : memref<2x128xi32, #tpu.memory_space<vmem>>) target_semaphore(%arg25 : memref<!tpu.dma_semaphore, #tpu.memory_space<semaphore_mem>>)
    %dma_start3A_9 = arith.constant 0 : i32
    %dma_start3A_10 = tpu.memref_slice %arg3[%shift_right_arithmetic3A_5, %dma_start3A_9] : memref<64x128xi32, #tpu.memory_space<hbm>> -> memref<2x128xi32, #tpu.memory_space<hbm>>
    %dma_start3A_11 = arith.constant 0 : i32
    %dma_start3A_12 = tpu.memref_slice %arg3[%shift_right_arithmetic3A_5, %dma_start3A_11] : memref<64x128xi32, #tpu.memory_space<hbm>> -> memref<2x128xi32, #tpu.memory_space<hbm>>
    tpu.enqueue_dma source(%dma_start3A_12 : memref<2x128xi32, #tpu.memory_space<hbm>>) target(%arg11 : memref<2x128xi32, #tpu.memory_space<vmem>>) target_semaphore(%arg25 : memref<!tpu.dma_semaphore, #tpu.memory_space<semaphore_mem>>)
    tpu.enqueue_dma source(%arg7 : memref<1024xf32, #tpu.memory_space<hbm>>) target(%arg21 : memref<1024xf32, #tpu.memory_space<vmem>>) target_semaphore(%arg25 : memref<!tpu.dma_semaphore, #tpu.memory_space<semaphore_mem>>)
    tpu.enqueue_dma source(%arg8 : memref<1024xf32, #tpu.memory_space<hbm>>) target(%arg22 : memref<1024xf32, #tpu.memory_space<vmem>>) target_semaphore(%arg25 : memref<!tpu.dma_semaphore, #tpu.memory_space<semaphore_mem>>)
    tpu.enqueue_dma source(%arg6 : memref<16x128xf32, #tpu.memory_space<hbm>>) target(%arg20 : memref<16x128xf32, #tpu.memory_space<vmem>>) target_semaphore(%arg25 : memref<!tpu.dma_semaphore, #tpu.memory_space<semaphore_mem>>)
    %dma_wait3A = arith.constant 0 : i32
    %dma_wait3A_13 = tpu.memref_slice %arg2[%shift_right_arithmetic3A_5, %dma_wait3A] : memref<64x128xi32, #tpu.memory_space<hbm>> -> memref<2x128xi32, #tpu.memory_space<hbm>>
    %dma_wait3A_14 = arith.constant 0 : i32
    %dma_wait3A_15 = tpu.memref_slice %arg2[%shift_right_arithmetic3A_5, %dma_wait3A_14] : memref<64x128xi32, #tpu.memory_space<hbm>> -> memref<2x128xi32, #tpu.memory_space<hbm>>
    tpu.wait_dma2 semaphore(%arg25 : memref<!tpu.dma_semaphore, #tpu.memory_space<semaphore_mem>>) src(%dma_wait3A_15 : memref<2x128xi32, #tpu.memory_space<hbm>>) dst(%arg10 : memref<2x128xi32, #tpu.memory_space<vmem>>)
    %dma_wait3A_16 = arith.constant 0 : i32
    %dma_wait3A_17 = tpu.memref_slice %arg3[%shift_right_arithmetic3A_5, %dma_wait3A_16] : memref<64x128xi32, #tpu.memory_space<hbm>> -> memref<2x128xi32, #tpu.memory_space<hbm>>
    %dma_wait3A_18 = arith.constant 0 : i32
    %dma_wait3A_19 = tpu.memref_slice %arg3[%shift_right_arithmetic3A_5, %dma_wait3A_18] : memref<64x128xi32, #tpu.memory_space<hbm>> -> memref<2x128xi32, #tpu.memory_space<hbm>>
    tpu.wait_dma2 semaphore(%arg25 : memref<!tpu.dma_semaphore, #tpu.memory_space<semaphore_mem>>) src(%dma_wait3A_19 : memref<2x128xi32, #tpu.memory_space<hbm>>) dst(%arg11 : memref<2x128xi32, #tpu.memory_space<vmem>>)
    tpu.wait_dma2 semaphore(%arg25 : memref<!tpu.dma_semaphore, #tpu.memory_space<semaphore_mem>>) src(%arg7 : memref<1024xf32, #tpu.memory_space<hbm>>) dst(%arg21 : memref<1024xf32, #tpu.memory_space<vmem>>)
    tpu.wait_dma2 semaphore(%arg25 : memref<!tpu.dma_semaphore, #tpu.memory_space<semaphore_mem>>) src(%arg8 : memref<1024xf32, #tpu.memory_space<hbm>>) dst(%arg22 : memref<1024xf32, #tpu.memory_space<vmem>>)
    tpu.wait_dma2 semaphore(%arg25 : memref<!tpu.dma_semaphore, #tpu.memory_space<semaphore_mem>>) src(%arg6 : memref<16x128xf32, #tpu.memory_space<hbm>>) dst(%arg20 : memref<16x128xf32, #tpu.memory_space<vmem>>)
    %scan3A = arith.constant 0 : i32
    %scan3A_20 = arith.constant 0 : i32
    %scan3A_21 = arith.constant 0 : i32
    %scan3A_22 = arith.constant 128 : i32
    %scan3A_23 = arith.addi %scan3A_21, %scan3A_22 : i32
    %scan3A_24 = arith.constant 1 : i32
    scf.for %scan3A_306 = %scan3A_21 to %scan3A_23 step %scan3A_24  : i32 {
      %mul3A_307 = arith.constant 1 : i32
      %mul3A_308 = arith.muli %scan3A_306, %mul3A_307 : i32
      %add3A_309 = arith.constant 0 : i32
      %add3A_310 = arith.addi %add3A_309, %mul3A_308 : i32
      %swap3A_311 = arith.constant 0 : i32
      %swap3A_312 = arith.constant 0 : i32
      %swap3A_313 = tpu.memref_slice %arg16[%scan3A, %swap3A_311, %swap3A_312] : memref<1x128x128xf32, #tpu.memory_space<vmem>> -> memref<1x128x128xf32, #tpu.memory_space<vmem>>
      %swap3A_314 = tpu.memref_squeeze %swap3A_313 : memref<1x128x128xf32, #tpu.memory_space<vmem>> -> memref<128x128xf32, #tpu.memory_space<vmem>>
      %swap3A_315 = arith.index_cast %add3A_310 : i32 to index
      %swap3A_316 = arith.constant 0 : index
      %swap3A_317 = tpu.vector_load %swap3A_314[%swap3A_315, %swap3A_316] {strides = array<i32>} : memref<128x128xf32, #tpu.memory_space<vmem>>, vector<16xf32>,
      tpu.vector_store %swap3A_314[%swap3A_315, %swap3A_316], %broadcast_in_dim3A_4 {strides = array<i32>} : memref<128x128xf32, #tpu.memory_space<vmem>>, vector<16xf32>,
      %swap3A_318 = arith.constant 0 : i32
      %swap3A_319 = arith.constant 0 : i32
      %swap3A_320 = tpu.memref_slice %arg17[%scan3A_20, %swap3A_318, %swap3A_319] : memref<1x128x128xf32, #tpu.memory_space<vmem>> -> memref<1x128x128xf32, #tpu.memory_space<vmem>>
      %swap3A_321 = tpu.memref_squeeze %swap3A_320 : memref<1x128x128xf32, #tpu.memory_space<vmem>> -> memref<128x128xf32, #tpu.memory_space<vmem>>
      %swap3A_322 = arith.index_cast %add3A_310 : i32 to index
      %swap3A_323 = arith.constant 0 : index
      %swap3A_324 = tpu.vector_load %swap3A_321[%swap3A_322, %swap3A_323] {strides = array<i32>} : memref<128x128xf32, #tpu.memory_space<vmem>>, vector<16xf32>,
      tpu.vector_store %swap3A_321[%swap3A_322, %swap3A_323], %broadcast_in_dim3A_4 {strides = array<i32>} : memref<128x128xf32, #tpu.memory_space<vmem>>, vector<16xf32>,
      %swap3A_325 = arith.constant 0 : i32
      %swap3A_326 = arith.constant 0 : i32
      %swap3A_327 = tpu.memref_slice %arg16[%scan3A, %swap3A_325, %swap3A_326] : memref<1x128x128xf32, #tpu.memory_space<vmem>> -> memref<1x128x128xf32, #tpu.memory_space<vmem>>
      %swap3A_328 = tpu.memref_squeeze %swap3A_327 : memref<1x128x128xf32, #tpu.memory_space<vmem>> -> memref<128x128xf32, #tpu.memory_space<vmem>>
      %swap3A_329 = arith.index_cast %add3A_310 : i32 to index
      %swap3A_330 = arith.constant 16 : index
      %swap3A_331 = tpu.vector_load %swap3A_328[%swap3A_329, %swap3A_330] {strides = array<i32>} : memref<128x128xf32, #tpu.memory_space<vmem>>, vector<16xf32>,
      tpu.vector_store %swap3A_328[%swap3A_329, %swap3A_330], %broadcast_in_dim3A_4 {strides = array<i32>} : memref<128x128xf32, #tpu.memory_space<vmem>>, vector<16xf32>,
      %swap3A_332 = arith.constant 0 : i32
      %swap3A_333 = arith.constant 0 : i32
      %swap3A_334 = tpu.memref_slice %arg17[%scan3A_20, %swap3A_332, %swap3A_333] : memref<1x128x128xf32, #tpu.memory_space<vmem>> -> memref<1x128x128xf32, #tpu.memory_space<vmem>>
      %swap3A_335 = tpu.memref_squeeze %swap3A_334 : memref<1x128x128xf32, #tpu.memory_space<vmem>> -> memref<128x128xf32, #tpu.memory_space<vmem>>
      %swap3A_336 = arith.index_cast %add3A_310 : i32 to index
      %swap3A_337 = arith.constant 16 : index
      %swap3A_338 = tpu.vector_load %swap3A_335[%swap3A_336, %swap3A_337] {strides = array<i32>} : memref<128x128xf32, #tpu.memory_space<vmem>>, vector<16xf32>,
      tpu.vector_store %swap3A_335[%swap3A_336, %swap3A_337], %broadcast_in_dim3A_4 {strides = array<i32>} : memref<128x128xf32, #tpu.memory_space<vmem>>, vector<16xf32>,
      %swap3A_339 = arith.constant 0 : i32
      %swap3A_340 = arith.constant 0 : i32
      %swap3A_341 = tpu.memref_slice %arg16[%scan3A, %swap3A_339, %swap3A_340] : memref<1x128x128xf32, #tpu.memory_space<vmem>> -> memref<1x128x128xf32, #tpu.memory_space<vmem>>
      %swap3A_342 = tpu.memref_squeeze %swap3A_341 : memref<1x128x128xf32, #tpu.memory_space<vmem>> -> memref<128x128xf32, #tpu.memory_space<vmem>>
      %swap3A_343 = arith.index_cast %add3A_310 : i32 to index
      %swap3A_344 = arith.constant 32 : index
      %swap3A_345 = tpu.vector_load %swap3A_342[%swap3A_343, %swap3A_344] {strides = array<i32>} : memref<128x128xf32, #tpu.memory_space<vmem>>, vector<16xf32>,
      tpu.vector_store %swap3A_342[%swap3A_343, %swap3A_344], %broadcast_in_dim3A_4 {strides = array<i32>} : memref<128x128xf32, #tpu.memory_space<vmem>>, vector<16xf32>,
      %swap3A_346 = arith.constant 0 : i32
      %swap3A_347 = arith.constant 0 : i32
      %swap3A_348 = tpu.memref_slice %arg17[%scan3A_20, %swap3A_346, %swap3A_347] : memref<1x128x128xf32, #tpu.memory_space<vmem>> -> memref<1x128x128xf32, #tpu.memory_space<vmem>>
      %swap3A_349 = tpu.memref_squeeze %swap3A_348 : memref<1x128x128xf32, #tpu.memory_space<vmem>> -> memref<128x128xf32, #tpu.memory_space<vmem>>
      %swap3A_350 = arith.index_cast %add3A_310 : i32 to index
      %swap3A_351 = arith.constant 32 : index
      %swap3A_352 = tpu.vector_load %swap3A_349[%swap3A_350, %swap3A_351] {strides = array<i32>} : memref<128x128xf32, #tpu.memory_space<vmem>>, vector<16xf32>,
      tpu.vector_store %swap3A_349[%swap3A_350, %swap3A_351], %broadcast_in_dim3A_4 {strides = array<i32>} : memref<128x128xf32, #tpu.memory_space<vmem>>, vector<16xf32>,
      %swap3A_353 = arith.constant 0 : i32
      %swap3A_354 = arith.constant 0 : i32
      %swap3A_355 = tpu.memref_slice %arg16[%scan3A, %swap3A_353, %swap3A_354] : memref<1x128x128xf32, #tpu.memory_space<vmem>> -> memref<1x128x128xf32, #tpu.memory_space<vmem>>
      %swap3A_356 = tpu.memref_squeeze %swap3A_355 : memref<1x128x128xf32, #tpu.memory_space<vmem>> -> memref<128x128xf32, #tpu.memory_space<vmem>>
      %swap3A_357 = arith.index_cast %add3A_310 : i32 to index
      %swap3A_358 = arith.constant 48 : index
      %swap3A_359 = tpu.vector_load %swap3A_356[%swap3A_357, %swap3A_358] {strides = array<i32>} : memref<128x128xf32, #tpu.memory_space<vmem>>, vector<16xf32>,
      tpu.vector_store %swap3A_356[%swap3A_357, %swap3A_358], %broadcast_in_dim3A_4 {strides = array<i32>} : memref<128x128xf32, #tpu.memory_space<vmem>>, vector<16xf32>,
      %swap3A_360 = arith.constant 0 : i32
      %swap3A_361 = arith.constant 0 : i32
      %swap3A_362 = tpu.memref_slice %arg17[%scan3A_20, %swap3A_360, %swap3A_361] : memref<1x128x128xf32, #tpu.memory_space<vmem>> -> memref<1x128x128xf32, #tpu.memory_space<vmem>>
      %swap3A_363 = tpu.memref_squeeze %swap3A_362 : memref<1x128x128xf32, #tpu.memory_space<vmem>> -> memref<128x128xf32, #tpu.memory_space<vmem>>
      %swap3A_364 = arith.index_cast %add3A_310 : i32 to index
      %swap3A_365 = arith.constant 48 : index
      %swap3A_366 = tpu.vector_load %swap3A_363[%swap3A_364, %swap3A_365] {strides = array<i32>} : memref<128x128xf32, #tpu.memory_space<vmem>>, vector<16xf32>,
      tpu.vector_store %swap3A_363[%swap3A_364, %swap3A_365], %broadcast_in_dim3A_4 {strides = array<i32>} : memref<128x128xf32, #tpu.memory_space<vmem>>, vector<16xf32>,
      %swap3A_367 = arith.constant 0 : i32
      %swap3A_368 = arith.constant 0 : i32
      %swap3A_369 = tpu.memref_slice %arg16[%scan3A, %swap3A_367, %swap3A_368] : memref<1x128x128xf32, #tpu.memory_space<vmem>> -> memref<1x128x128xf32, #tpu.memory_space<vmem>>
      %swap3A_370 = tpu.memref_squeeze %swap3A_369 : memref<1x128x128xf32, #tpu.memory_space<vmem>> -> memref<128x128xf32, #tpu.memory_space<vmem>>
      %swap3A_371 = arith.index_cast %add3A_310 : i32 to index
      %swap3A_372 = arith.constant 64 : index
      %swap3A_373 = tpu.vector_load %swap3A_370[%swap3A_371, %swap3A_372] {strides = array<i32>} : memref<128x128xf32, #tpu.memory_space<vmem>>, vector<16xf32>,
      tpu.vector_store %swap3A_370[%swap3A_371, %swap3A_372], %broadcast_in_dim3A_4 {strides = array<i32>} : memref<128x128xf32, #tpu.memory_space<vmem>>, vector<16xf32>,
      %swap3A_374 = arith.constant 0 : i32
      %swap3A_375 = arith.constant 0 : i32
      %swap3A_376 = tpu.memref_slice %arg17[%scan3A_20, %swap3A_374, %swap3A_375] : memref<1x128x128xf32, #tpu.memory_space<vmem>> -> memref<1x128x128xf32, #tpu.memory_space<vmem>>
      %swap3A_377 = tpu.memref_squeeze %swap3A_376 : memref<1x128x128xf32, #tpu.memory_space<vmem>> -> memref<128x128xf32, #tpu.memory_space<vmem>>
      %swap3A_378 = arith.index_cast %add3A_310 : i32 to index
      %swap3A_379 = arith.constant 64 : index
      %swap3A_380 = tpu.vector_load %swap3A_377[%swap3A_378, %swap3A_379] {strides = array<i32>} : memref<128x128xf32, #tpu.memory_space<vmem>>, vector<16xf32>,
      tpu.vector_store %swap3A_377[%swap3A_378, %swap3A_379], %broadcast_in_dim3A_4 {strides = array<i32>} : memref<128x128xf32, #tpu.memory_space<vmem>>, vector<16xf32>,
      %swap3A_381 = arith.constant 0 : i32
      %swap3A_382 = arith.constant 0 : i32
      %swap3A_383 = tpu.memref_slice %arg16[%scan3A, %swap3A_381, %swap3A_382] : memref<1x128x128xf32, #tpu.memory_space<vmem>> -> memref<1x128x128xf32, #tpu.memory_space<vmem>>
      %swap3A_384 = tpu.memref_squeeze %swap3A_383 : memref<1x128x128xf32, #tpu.memory_space<vmem>> -> memref<128x128xf32, #tpu.memory_space<vmem>>
      %swap3A_385 = arith.index_cast %add3A_310 : i32 to index
      %swap3A_386 = arith.constant 80 : index
      %swap3A_387 = tpu.vector_load %swap3A_384[%swap3A_385, %swap3A_386] {strides = array<i32>} : memref<128x128xf32, #tpu.memory_space<vmem>>, vector<16xf32>,
      tpu.vector_store %swap3A_384[%swap3A_385, %swap3A_386], %broadcast_in_dim3A_4 {strides = array<i32>} : memref<128x128xf32, #tpu.memory_space<vmem>>, vector<16xf32>,
      %swap3A_388 = arith.constant 0 : i32
      %swap3A_389 = arith.constant 0 : i32
      %swap3A_390 = tpu.memref_slice %arg17[%scan3A_20, %swap3A_388, %swap3A_389] : memref<1x128x128xf32, #tpu.memory_space<vmem>> -> memref<1x128x128xf32, #tpu.memory_space<vmem>>
      %swap3A_391 = tpu.memref_squeeze %swap3A_390 : memref<1x128x128xf32, #tpu.memory_space<vmem>> -> memref<128x128xf32, #tpu.memory_space<vmem>>
      %swap3A_392 = arith.index_cast %add3A_310 : i32 to index
      %swap3A_393 = arith.constant 80 : index
      %swap3A_394 = tpu.vector_load %swap3A_391[%swap3A_392, %swap3A_393] {strides = array<i32>} : memref<128x128xf32, #tpu.memory_space<vmem>>, vector<16xf32>,
      tpu.vector_store %swap3A_391[%swap3A_392, %swap3A_393], %broadcast_in_dim3A_4 {strides = array<i32>} : memref<128x128xf32, #tpu.memory_space<vmem>>, vector<16xf32>,
      %swap3A_395 = arith.constant 0 : i32
      %swap3A_396 = arith.constant 0 : i32
      %swap3A_397 = tpu.memref_slice %arg16[%scan3A, %swap3A_395, %swap3A_396] : memref<1x128x128xf32, #tpu.memory_space<vmem>> -> memref<1x128x128xf32, #tpu.memory_space<vmem>>
      %swap3A_398 = tpu.memref_squeeze %swap3A_397 : memref<1x128x128xf32, #tpu.memory_space<vmem>> -> memref<128x128xf32, #tpu.memory_space<vmem>>
      %swap3A_399 = arith.index_cast %add3A_310 : i32 to index
      %swap3A_400 = arith.constant 96 : index
      %swap3A_401 = tpu.vector_load %swap3A_398[%swap3A_399, %swap3A_400] {strides = array<i32>} : memref<128x128xf32, #tpu.memory_space<vmem>>, vector<16xf32>,
      tpu.vector_store %swap3A_398[%swap3A_399, %swap3A_400], %broadcast_in_dim3A_4 {strides = array<i32>} : memref<128x128xf32, #tpu.memory_space<vmem>>, vector<16xf32>,
      %swap3A_402 = arith.constant 0 : i32
      %swap3A_403 = arith.constant 0 : i32
      %swap3A_404 = tpu.memref_slice %arg17[%scan3A_20, %swap3A_402, %swap3A_403] : memref<1x128x128xf32, #tpu.memory_space<vmem>> -> memref<1x128x128xf32, #tpu.memory_space<vmem>>
      %swap3A_405 = tpu.memref_squeeze %swap3A_404 : memref<1x128x128xf32, #tpu.memory_space<vmem>> -> memref<128x128xf32, #tpu.memory_space<vmem>>
      %swap3A_406 = arith.index_cast %add3A_310 : i32 to index
      %swap3A_407 = arith.constant 96 : index
      %swap3A_408 = tpu.vector_load %swap3A_405[%swap3A_406, %swap3A_407] {strides = array<i32>} : memref<128x128xf32, #tpu.memory_space<vmem>>, vector<16xf32>,
      tpu.vector_store %swap3A_405[%swap3A_406, %swap3A_407], %broadcast_in_dim3A_4 {strides = array<i32>} : memref<128x128xf32, #tpu.memory_space<vmem>>, vector<16xf32>,
      %swap3A_409 = arith.constant 0 : i32
      %swap3A_410 = arith.constant 0 : i32
      %swap3A_411 = tpu.memref_slice %arg16[%scan3A, %swap3A_409, %swap3A_410] : memref<1x128x128xf32, #tpu.memory_space<vmem>> -> memref<1x128x128xf32, #tpu.memory_space<vmem>>
      %swap3A_412 = tpu.memref_squeeze %swap3A_411 : memref<1x128x128xf32, #tpu.memory_space<vmem>> -> memref<128x128xf32, #tpu.memory_space<vmem>>
      %swap3A_413 = arith.index_cast %add3A_310 : i32 to index
      %swap3A_414 = arith.constant 112 : index
      %swap3A_415 = tpu.vector_load %swap3A_412[%swap3A_413, %swap3A_414] {strides = array<i32>} : memref<128x128xf32, #tpu.memory_space<vmem>>, vector<16xf32>,
      tpu.vector_store %swap3A_412[%swap3A_413, %swap3A_414], %broadcast_in_dim3A_4 {strides = array<i32>} : memref<128x128xf32, #tpu.memory_space<vmem>>, vector<16xf32>,
      %swap3A_416 = arith.constant 0 : i32
      %swap3A_417 = arith.constant 0 : i32
      %swap3A_418 = tpu.memref_slice %arg17[%scan3A_20, %swap3A_416, %swap3A_417] : memref<1x128x128xf32, #tpu.memory_space<vmem>> -> memref<1x128x128xf32, #tpu.memory_space<vmem>>
      %swap3A_419 = tpu.memref_squeeze %swap3A_418 : memref<1x128x128xf32, #tpu.memory_space<vmem>> -> memref<128x128xf32, #tpu.memory_space<vmem>>
      %swap3A_420 = arith.index_cast %add3A_310 : i32 to index
      %swap3A_421 = arith.constant 112 : index
      %swap3A_422 = tpu.vector_load %swap3A_419[%swap3A_420, %swap3A_421] {strides = array<i32>} : memref<128x128xf32, #tpu.memory_space<vmem>>, vector<16xf32>,
      tpu.vector_store %swap3A_419[%swap3A_420, %swap3A_421], %broadcast_in_dim3A_4 {strides = array<i32>} : memref<128x128xf32, #tpu.memory_space<vmem>>, vector<16xf32>,
    }
    %scan3A_25 = arith.constant 128 : i32
    %scan3A_26 = arith.constant 0 : i32
    %scan3A_27 = arith.constant 16 : i32
    %scan3A_28 = arith.addi %scan3A_26, %scan3A_27 : i32
    %scan3A_29 = arith.constant 1 : i32
    scf.for %scan3A_306 = %scan3A_26 to %scan3A_28 step %scan3A_29  : i32 {
      %mul3A_307 = arith.constant 1 : i32
      %mul3A_308 = arith.muli %scan3A_306, %mul3A_307 : i32
      %add3A_309 = arith.constant 0 : i32
      %add3A_310 = arith.addi %add3A_309, %mul3A_308 : i32
      %mul3A_311 = arith.constant 16 : i32
      %mul3A_312 = arith.muli %add3A_310, %mul3A_311 : i32
      %add3A_313 = arith.addi %mul3A_2, %mul3A_312 : i32
      %mul3A_314 = arith.constant 8 : i32
      %mul3A_315 = arith.muli %add3A_313, %mul3A_314 : i32
      %add3A_316 = arith.constant 0 : i32
      %add3A_317 = arith.addi %mul3A_315, %add3A_316 : i32
      %add3A_318 = vector.broadcast %add3A_317 : i32 to vector<16xi32>
      %add3A_319 = arith.addi %add3A_318, %iota3A : vector<16xi32>
      %swap3A_320 = arith.index_cast %add3A_310 : i32 to index
      %swap3A_321 = arith.constant 0 : index
      %swap3A_322 = tpu.vector_load %arg14[%swap3A_320, %swap3A_321] {strides = array<i32>} : memref<16x128xi32, #tpu.memory_space<vmem>>, vector<16xi32>,
      tpu.vector_store %arg14[%swap3A_320, %swap3A_321], %add3A_319 {strides = array<i32>} : memref<16x128xi32, #tpu.memory_space<vmem>>, vector<16xi32>,
      %add3A_323 = arith.constant 16 : i32
      %add3A_324 = arith.addi %mul3A_315, %add3A_323 : i32
      %add3A_325 = vector.broadcast %add3A_324 : i32 to vector<16xi32>
      %add3A_326 = arith.addi %add3A_325, %iota3A : vector<16xi32>
      %swap3A_327 = arith.index_cast %add3A_310 : i32 to index
      %swap3A_328 = arith.constant 16 : index
      %swap3A_329 = tpu.vector_load %arg14[%swap3A_327, %swap3A_328] {strides = array<i32>} : memref<16x128xi32, #tpu.memory_space<vmem>>, vector<16xi32>,
      tpu.vector_store %arg14[%swap3A_327, %swap3A_328], %add3A_326 {strides = array<i32>} : memref<16x128xi32, #tpu.memory_space<vmem>>, vector<16xi32>,
      %add3A_330 = arith.constant 32 : i32
      %add3A_331 = arith.addi %mul3A_315, %add3A_330 : i32
      %add3A_332 = vector.broadcast %add3A_331 : i32 to vector<16xi32>
      %add3A_333 = arith.addi %add3A_332, %iota3A : vector<16xi32>
      %swap3A_334 = arith.index_cast %add3A_310 : i32 to index
      %swap3A_335 = arith.constant 32 : index
      %swap3A_336 = tpu.vector_load %arg14[%swap3A_334, %swap3A_335] {strides = array<i32>} : memref<16x128xi32, #tpu.memory_space<vmem>>, vector<16xi32>,
      tpu.vector_store %arg14[%swap3A_334, %swap3A_335], %add3A_333 {strides = array<i32>} : memref<16x128xi32, #tpu.memory_space<vmem>>, vector<16xi32>,
      %add3A_337 = arith.constant 48 : i32
      %add3A_338 = arith.addi %mul3A_315, %add3A_337 : i32
      %add3A_339 = vector.broadcast %add3A_338 : i32 to vector<16xi32>
      %add3A_340 = arith.addi %add3A_339, %iota3A : vector<16xi32>
      %swap3A_341 = arith.index_cast %add3A_310 : i32 to index
      %swap3A_342 = arith.constant 48 : index
      %swap3A_343 = tpu.vector_load %arg14[%swap3A_341, %swap3A_342] {strides = array<i32>} : memref<16x128xi32, #tpu.memory_space<vmem>>, vector<16xi32>,
      tpu.vector_store %arg14[%swap3A_341, %swap3A_342], %add3A_340 {strides = array<i32>} : memref<16x128xi32, #tpu.memory_space<vmem>>, vector<16xi32>,
      %add3A_344 = arith.constant 64 : i32
      %add3A_345 = arith.addi %mul3A_315, %add3A_344 : i32
      %add3A_346 = vector.broadcast %add3A_345 : i32 to vector<16xi32>
      %add3A_347 = arith.addi %add3A_346, %iota3A : vector<16xi32>
      %swap3A_348 = arith.index_cast %add3A_310 : i32 to index
      %swap3A_349 = arith.constant 64 : index
      %swap3A_350 = tpu.vector_load %arg14[%swap3A_348, %swap3A_349] {strides = array<i32>} : memref<16x128xi32, #tpu.memory_space<vmem>>, vector<16xi32>,
      tpu.vector_store %arg14[%swap3A_348, %swap3A_349], %add3A_347 {strides = array<i32>} : memref<16x128xi32, #tpu.memory_space<vmem>>, vector<16xi32>,
      %add3A_351 = arith.constant 80 : i32
      %add3A_352 = arith.addi %mul3A_315, %add3A_351 : i32
      %add3A_353 = vector.broadcast %add3A_352 : i32 to vector<16xi32>
      %add3A_354 = arith.addi %add3A_353, %iota3A : vector<16xi32>
      %swap3A_355 = arith.index_cast %add3A_310 : i32 to index
      %swap3A_356 = arith.constant 80 : index
      %swap3A_357 = tpu.vector_load %arg14[%swap3A_355, %swap3A_356] {strides = array<i32>} : memref<16x128xi32, #tpu.memory_space<vmem>>, vector<16xi32>,
      tpu.vector_store %arg14[%swap3A_355, %swap3A_356], %add3A_354 {strides = array<i32>} : memref<16x128xi32, #tpu.memory_space<vmem>>, vector<16xi32>,
      %add3A_358 = arith.constant 96 : i32
      %add3A_359 = arith.addi %mul3A_315, %add3A_358 : i32
      %add3A_360 = vector.broadcast %add3A_359 : i32 to vector<16xi32>
      %add3A_361 = arith.addi %add3A_360, %iota3A : vector<16xi32>
      %swap3A_362 = arith.index_cast %add3A_310 : i32 to index
      %swap3A_363 = arith.constant 96 : index
      %swap3A_364 = tpu.vector_load %arg14[%swap3A_362, %swap3A_363] {strides = array<i32>} : memref<16x128xi32, #tpu.memory_space<vmem>>, vector<16xi32>,
      tpu.vector_store %arg14[%swap3A_362, %swap3A_363], %add3A_361 {strides = array<i32>} : memref<16x128xi32, #tpu.memory_space<vmem>>, vector<16xi32>,
      %add3A_365 = arith.constant 112 : i32
      %add3A_366 = arith.addi %mul3A_315, %add3A_365 : i32
      %add3A_367 = vector.broadcast %add3A_366 : i32 to vector<16xi32>
      %add3A_368 = arith.addi %add3A_367, %iota3A : vector<16xi32>
      %swap3A_369 = arith.index_cast %add3A_310 : i32 to index
      %swap3A_370 = arith.constant 112 : index
      %swap3A_371 = tpu.vector_load %arg14[%swap3A_369, %swap3A_370] {strides = array<i32>} : memref<16x128xi32, #tpu.memory_space<vmem>>, vector<16xi32>,
      tpu.vector_store %arg14[%swap3A_369, %swap3A_370], %add3A_368 {strides = array<i32>} : memref<16x128xi32, #tpu.memory_space<vmem>>, vector<16xi32>,
    }
    %scan3A_30 = arith.constant 16 : i32
    %scan3A_31 = arith.constant 0 : i32
    %scan3A_32 = arith.constant 8 : i32
    %scan3A_33 = arith.addi %scan3A_31, %scan3A_32 : i32
    %scan3A_34 = arith.constant 1 : i32
    scf.for %scan3A_306 = %scan3A_31 to %scan3A_33 step %scan3A_34  : i32 {
      %mul3A_307 = arith.constant 1 : i32
      %mul3A_308 = arith.muli %scan3A_306, %mul3A_307 : i32
      %add3A_309 = arith.constant 0 : i32
      %add3A_310 = arith.addi %add3A_309, %mul3A_308 : i32
      %shift_right_arithmetic3A_311 = arith.constant 4 : i32
      %shift_right_arithmetic3A_312 = arith.shrsi %rem3A_3, %shift_right_arithmetic3A_311 : i32
      %mul3A_313 = arith.constant 16 : i32
      %mul3A_314 = arith.muli %add3A_310, %mul3A_313 : i32
      %add3A_315 = vector.broadcast %mul3A_314 : i32 to vector<16xi32>
      %add3A_316 = arith.addi %add3A_315, %iota3A : vector<16xi32>
      %shift_right_arithmetic3A_317 = arith.constant 3 : i32
      %shift_right_arithmetic3A_318 = vector.broadcast %shift_right_arithmetic3A_317 : i32 to vector<16xi32>
      %shift_right_arithmetic3A_319 = arith.shrsi %add3A_316, %shift_right_arithmetic3A_318 : vector<16xi32>
      %add3A_320 = vector.broadcast %shift_right_arithmetic3A_312 : i32 to vector<16xi32>
      %add3A_321 = arith.addi %add3A_320, %shift_right_arithmetic3A_319 : vector<16xi32>
      %mul3A_322 = arith.constant 16 : i32
      %mul3A_323 = arith.muli %add3A_310, %mul3A_322 : i32
      %swap3A_324 = arith.index_cast %mul3A_323 : i32 to index
      %swap3A_325 = tpu.vector_load %arg15[%swap3A_324] {strides = array<i32>} : memref<128xi32, #tpu.memory_space<vmem>>, vector<16xi32>,
      tpu.vector_store %arg15[%swap3A_324], %add3A_321 {strides = array<i32>} : memref<128xi32, #tpu.memory_space<vmem>>, vector<16xi32>,
    }
    %scan3A_35 = arith.constant 8 : i32
    %get3A = arith.constant 0 : i32
    %get3A_36 = arith.index_cast %get3A : i32 to index
    %get3A_37 = arith.constant 0 : index
    %get3A_38 = tpu.vector_load %arg10[%get3A_36, %get3A_37] {strides = array<i32>} : memref<2x128xi32, #tpu.memory_space<vmem>>, vector<16xi32>,
    %shift_right_arithmetic3A_39 = arith.constant 3 : i32
    %shift_right_arithmetic3A_40 = vector.broadcast %shift_right_arithmetic3A_39 : i32 to vector<16xi32>
    %shift_right_arithmetic3A_41 = arith.shrsi %get3A_38, %shift_right_arithmetic3A_40 : vector<16xi32>
    %shift_left3A = arith.constant 6 : i32
    %shift_left3A_42 = vector.broadcast %shift_left3A : i32 to vector<16xi32>
    %shift_left3A_43 = arith.shli %shift_right_arithmetic3A_41, %shift_left3A_42 : vector<16xi32>
    %and3A = arith.constant 7 : i32
    %and3A_44 = vector.broadcast %and3A : i32 to vector<16xi32>
    %and3A_45 = arith.andi %get3A_38, %and3A_44 : vector<16xi32>
    %or3A = arith.ori %shift_left3A_43, %and3A_45 : vector<16xi32>
    %add3A_46 = arith.constant 0 : i32
    %add3A_47 = arith.addi %rem3A_3, %add3A_46 : i32
    %add3A_48 = vector.broadcast %add3A_47 : i32 to vector<16xi32>
    %add3A_49 = arith.addi %add3A_48, %iota3A : vector<16xi32>
    %shift_right_arithmetic3A_50 = arith.constant 3 : i32
    %shift_right_arithmetic3A_51 = vector.broadcast %shift_right_arithmetic3A_50 : i32 to vector<16xi32>
    %shift_right_arithmetic3A_52 = arith.shrsi %add3A_49, %shift_right_arithmetic3A_51 : vector<16xi32>
    %shift_left3A_53 = arith.constant 6 : i32
    %shift_left3A_54 = vector.broadcast %shift_left3A_53 : i32 to vector<16xi32>
    %shift_left3A_55 = arith.shli %shift_right_arithmetic3A_52, %shift_left3A_54 : vector<16xi32>
    %and3A_56 = arith.constant 7 : i32
    %and3A_57 = vector.broadcast %and3A_56 : i32 to vector<16xi32>
    %and3A_58 = arith.andi %add3A_49, %and3A_57 : vector<16xi32>
    %or3A_59 = arith.ori %shift_left3A_55, %and3A_58 : vector<16xi32>
    %add3A_60 = arith.constant 0 : i32
    %add3A_61 = vector.broadcast %add3A_60 : i32 to vector<16xi32>
    %add3A_62 = arith.addi %or3A, %add3A_61 : vector<16xi32>
    %swap3A = arith.constant 0 : index
    %swap3A_63 = tpu.vector_load %arg12[%swap3A] {strides = array<i32>} : memref<256xi32, #tpu.memory_space<vmem>>, vector<16xi32>,
    tpu.vector_store %arg12[%swap3A], %add3A_62 {strides = array<i32>} : memref<256xi32, #tpu.memory_space<vmem>>, vector<16xi32>,
    %add3A_64 = arith.constant 0 : i32
    %add3A_65 = vector.broadcast %add3A_64 : i32 to vector<16xi32>
    %add3A_66 = arith.addi %or3A_59, %add3A_65 : vector<16xi32>
    %swap3A_67 = arith.constant 128 : index
    %swap3A_68 = tpu.vector_load %arg12[%swap3A_67] {strides = array<i32>} : memref<256xi32, #tpu.memory_space<vmem>>, vector<16xi32>,
    tpu.vector_store %arg12[%swap3A_67], %add3A_66 {strides = array<i32>} : memref<256xi32, #tpu.memory_space<vmem>>, vector<16xi32>,
    %add3A_69 = arith.constant 8 : i32
    %add3A_70 = vector.broadcast %add3A_69 : i32 to vector<16xi32>
    %add3A_71 = arith.addi %or3A, %add3A_70 : vector<16xi32>
    %swap3A_72 = arith.constant 16 : index
    %swap3A_73 = tpu.vector_load %arg12[%swap3A_72] {strides = array<i32>} : memref<256xi32, #tpu.memory_space<vmem>>, vector<16xi32>,
    tpu.vector_store %arg12[%swap3A_72], %add3A_71 {strides = array<i32>} : memref<256xi32, #tpu.memory_space<vmem>>, vector<16xi32>,
    %add3A_74 = arith.constant 8 : i32
    %add3A_75 = vector.broadcast %add3A_74 : i32 to vector<16xi32>
    %add3A_76 = arith.addi %or3A_59, %add3A_75 : vector<16xi32>
    %swap3A_77 = arith.constant 144 : index
    %swap3A_78 = tpu.vector_load %arg12[%swap3A_77] {strides = array<i32>} : memref<256xi32, #tpu.memory_space<vmem>>, vector<16xi32>,
    tpu.vector_store %arg12[%swap3A_77], %add3A_76 {strides = array<i32>} : memref<256xi32, #tpu.memory_space<vmem>>, vector<16xi32>,
    %add3A_79 = arith.constant 16 : i32
    %add3A_80 = vector.broadcast %add3A_79 : i32 to vector<16xi32>
    %add3A_81 = arith.addi %or3A, %add3A_80 : vector<16xi32>
    %swap3A_82 = arith.constant 32 : index
    %swap3A_83 = tpu.vector_load %arg12[%swap3A_82] {strides = array<i32>} : memref<256xi32, #tpu.memory_space<vmem>>, vector<16xi32>,
    tpu.vector_store %arg12[%swap3A_82], %add3A_81 {strides = array<i32>} : memref<256xi32, #tpu.memory_space<vmem>>, vector<16xi32>,
    %add3A_84 = arith.constant 16 : i32
    %add3A_85 = vector.broadcast %add3A_84 : i32 to vector<16xi32>
    %add3A_86 = arith.addi %or3A_59, %add3A_85 : vector<16xi32>
    %swap3A_87 = arith.constant 160 : index
    %swap3A_88 = tpu.vector_load %arg12[%swap3A_87] {strides = array<i32>} : memref<256xi32, #tpu.memory_space<vmem>>, vector<16xi32>,
    tpu.vector_store %arg12[%swap3A_87], %add3A_86 {strides = array<i32>} : memref<256xi32, #tpu.memory_space<vmem>>, vector<16xi32>,
    %add3A_89 = arith.constant 24 : i32
    %add3A_90 = vector.broadcast %add3A_89 : i32 to vector<16xi32>
    %add3A_91 = arith.addi %or3A, %add3A_90 : vector<16xi32>
    %swap3A_92 = arith.constant 48 : index
    %swap3A_93 = tpu.vector_load %arg12[%swap3A_92] {strides = array<i32>} : memref<256xi32, #tpu.memory_space<vmem>>, vector<16xi32>,
    tpu.vector_store %arg12[%swap3A_92], %add3A_91 {strides = array<i32>} : memref<256xi32, #tpu.memory_space<vmem>>, vector<16xi32>,
    %add3A_94 = arith.constant 24 : i32
    %add3A_95 = vector.broadcast %add3A_94 : i32 to vector<16xi32>
    %add3A_96 = arith.addi %or3A_59, %add3A_95 : vector<16xi32>
    %swap3A_97 = arith.constant 176 : index
    %swap3A_98 = tpu.vector_load %arg12[%swap3A_97] {strides = array<i32>} : memref<256xi32, #tpu.memory_space<vmem>>, vector<16xi32>,
    tpu.vector_store %arg12[%swap3A_97], %add3A_96 {strides = array<i32>} : memref<256xi32, #tpu.memory_space<vmem>>, vector<16xi32>,
    %add3A_99 = arith.constant 32 : i32
    %add3A_100 = vector.broadcast %add3A_99 : i32 to vector<16xi32>
    %add3A_101 = arith.addi %or3A, %add3A_100 : vector<16xi32>
    %swap3A_102 = arith.constant 64 : index
    %swap3A_103 = tpu.vector_load %arg12[%swap3A_102] {strides = array<i32>} : memref<256xi32, #tpu.memory_space<vmem>>, vector<16xi32>,
    tpu.vector_store %arg12[%swap3A_102], %add3A_101 {strides = array<i32>} : memref<256xi32, #tpu.memory_space<vmem>>, vector<16xi32>,
    %add3A_104 = arith.constant 32 : i32
    %add3A_105 = vector.broadcast %add3A_104 : i32 to vector<16xi32>
    %add3A_106 = arith.addi %or3A_59, %add3A_105 : vector<16xi32>
    %swap3A_107 = arith.constant 192 : index
    %swap3A_108 = tpu.vector_load %arg12[%swap3A_107] {strides = array<i32>} : memref<256xi32, #tpu.memory_space<vmem>>, vector<16xi32>,
    tpu.vector_store %arg12[%swap3A_107], %add3A_106 {strides = array<i32>} : memref<256xi32, #tpu.memory_space<vmem>>, vector<16xi32>,
    %add3A_109 = arith.constant 40 : i32
    %add3A_110 = vector.broadcast %add3A_109 : i32 to vector<16xi32>
    %add3A_111 = arith.addi %or3A, %add3A_110 : vector<16xi32>
    %swap3A_112 = arith.constant 80 : index
    %swap3A_113 = tpu.vector_load %arg12[%swap3A_112] {strides = array<i32>} : memref<256xi32, #tpu.memory_space<vmem>>, vector<16xi32>,
    tpu.vector_store %arg12[%swap3A_112], %add3A_111 {strides = array<i32>} : memref<256xi32, #tpu.memory_space<vmem>>, vector<16xi32>,
    %add3A_114 = arith.constant 40 : i32
    %add3A_115 = vector.broadcast %add3A_114 : i32 to vector<16xi32>
    %add3A_116 = arith.addi %or3A_59, %add3A_115 : vector<16xi32>
    %swap3A_117 = arith.constant 208 : index
    %swap3A_118 = tpu.vector_load %arg12[%swap3A_117] {strides = array<i32>} : memref<256xi32, #tpu.memory_space<vmem>>, vector<16xi32>,
    tpu.vector_store %arg12[%swap3A_117], %add3A_116 {strides = array<i32>} : memref<256xi32, #tpu.memory_space<vmem>>, vector<16xi32>,
    %add3A_119 = arith.constant 48 : i32
    %add3A_120 = vector.broadcast %add3A_119 : i32 to vector<16xi32>
    %add3A_121 = arith.addi %or3A, %add3A_120 : vector<16xi32>
    %swap3A_122 = arith.constant 96 : index
    %swap3A_123 = tpu.vector_load %arg12[%swap3A_122] {strides = array<i32>} : memref<256xi32, #tpu.memory_space<vmem>>, vector<16xi32>,
    tpu.vector_store %arg12[%swap3A_122], %add3A_121 {strides = array<i32>} : memref<256xi32, #tpu.memory_space<vmem>>, vector<16xi32>,
    %add3A_124 = arith.constant 48 : i32
    %add3A_125 = vector.broadcast %add3A_124 : i32 to vector<16xi32>
    %add3A_126 = arith.addi %or3A_59, %add3A_125 : vector<16xi32>
    %swap3A_127 = arith.constant 224 : index
    %swap3A_128 = tpu.vector_load %arg12[%swap3A_127] {strides = array<i32>} : memref<256xi32, #tpu.memory_space<vmem>>, vector<16xi32>,
    tpu.vector_store %arg12[%swap3A_127], %add3A_126 {strides = array<i32>} : memref<256xi32, #tpu.memory_space<vmem>>, vector<16xi32>,
    %add3A_129 = arith.constant 56 : i32
    %add3A_130 = vector.broadcast %add3A_129 : i32 to vector<16xi32>
    %add3A_131 = arith.addi %or3A, %add3A_130 : vector<16xi32>
    %swap3A_132 = arith.constant 112 : index
    %swap3A_133 = tpu.vector_load %arg12[%swap3A_132] {strides = array<i32>} : memref<256xi32, #tpu.memory_space<vmem>>, vector<16xi32>,
    tpu.vector_store %arg12[%swap3A_132], %add3A_131 {strides = array<i32>} : memref<256xi32, #tpu.memory_space<vmem>>, vector<16xi32>,
    %add3A_134 = arith.constant 56 : i32
    %add3A_135 = vector.broadcast %add3A_134 : i32 to vector<16xi32>
    %add3A_136 = arith.addi %or3A_59, %add3A_135 : vector<16xi32>
    %swap3A_137 = arith.constant 240 : index
    %swap3A_138 = tpu.vector_load %arg12[%swap3A_137] {strides = array<i32>} : memref<256xi32, #tpu.memory_space<vmem>>, vector<16xi32>,
    tpu.vector_store %arg12[%swap3A_137], %add3A_136 {strides = array<i32>} : memref<256xi32, #tpu.memory_space<vmem>>, vector<16xi32>,
    %dma_start3A_139 = arith.constant 0 : i32
    %dma_start3A_140 = arith.constant 0 : i32
    %dma_start3A_141 = arith.constant 0 : i32
    %dma_start3A_142 = tpu.memref_slice %arg16[%dma_start3A_139, %dma_start3A_140, %dma_start3A_141] : memref<1x128x128xf32, #tpu.memory_space<vmem>> -> memref<1x128x128xf32, #tpu.memory_space<vmem>>
    %dma_start3A_143 = tpu.memref_squeeze %dma_start3A_142 : memref<1x128x128xf32, #tpu.memory_space<vmem>> -> memref<128x128xf32, #tpu.memory_space<vmem>>
    %dma_start3A_144 = arith.constant 0 : i32
    %dma_start3A_145 = tpu.memref_slice %arg12[%dma_start3A_144] : memref<256xi32, #tpu.memory_space<vmem>> -> memref<128xi32, #tpu.memory_space<vmem>>
    %dma_start3A_146 = arith.constant 0 : i32
    %dma_start3A_147 = arith.constant 0 : i32
    %dma_start3A_148 = tpu.memref_slice %arg4[%dma_start3A_146, %dma_start3A_147] : memref<800000x128xf32, #tpu.memory_space<hbm>> -> memref<800000x128xf32, #tpu.memory_space<hbm>>
    tpu.enqueue_indirect_dma source(%dma_start3A_148 : memref<800000x128xf32, #tpu.memory_space<hbm>>) target(%dma_start3A_143 : memref<128x128xf32, #tpu.memory_space<vmem>>) offsets(%dma_start3A_145 : memref<128xi32, #tpu.memory_space<vmem>>) semaphore(%arg25 : memref<!tpu.dma_semaphore, #tpu.memory_space<semaphore_mem>>) {add = true}
    %dma_start3A_149 = arith.constant 0 : i32
    %dma_start3A_150 = arith.constant 0 : i32
    %dma_start3A_151 = arith.constant 0 : i32
    %dma_start3A_152 = tpu.memref_slice %arg16[%dma_start3A_149, %dma_start3A_150, %dma_start3A_151] : memref<1x128x128xf32, #tpu.memory_space<vmem>> -> memref<1x128x128xf32, #tpu.memory_space<vmem>>
    %dma_start3A_153 = tpu.memref_squeeze %dma_start3A_152 : memref<1x128x128xf32, #tpu.memory_space<vmem>> -> memref<128x128xf32, #tpu.memory_space<vmem>>
    %dma_start3A_154 = arith.constant 128 : i32
    %dma_start3A_155 = tpu.memref_slice %arg12[%dma_start3A_154] : memref<256xi32, #tpu.memory_space<vmem>> -> memref<128xi32, #tpu.memory_space<vmem>>
    %dma_start3A_156 = arith.constant 0 : i32
    %dma_start3A_157 = arith.constant 0 : i32
    %dma_start3A_158 = tpu.memref_slice %arg5[%dma_start3A_156, %dma_start3A_157] : memref<16384x128xf32, #tpu.memory_space<hbm>> -> memref<16384x128xf32, #tpu.memory_space<hbm>>
    tpu.enqueue_indirect_dma source(%dma_start3A_158 : memref<16384x128xf32, #tpu.memory_space<hbm>>) target(%dma_start3A_153 : memref<128x128xf32, #tpu.memory_space<vmem>>) offsets(%dma_start3A_155 : memref<128xi32, #tpu.memory_space<vmem>>) semaphore(%arg25 : memref<!tpu.dma_semaphore, #tpu.memory_space<semaphore_mem>>) {add = true}
    %get3A_159 = arith.constant 0 : i32
    %get3A_160 = arith.index_cast %get3A_159 : i32 to index
    %get3A_161 = arith.constant 16 : index
    %get3A_162 = tpu.vector_load %arg10[%get3A_160, %get3A_161] {strides = array<i32>} : memref<2x128xi32, #tpu.memory_space<vmem>>, vector<16xi32>,
    %shift_right_arithmetic3A_163 = arith.constant 3 : i32
    %shift_right_arithmetic3A_164 = vector.broadcast %shift_right_arithmetic3A_163 : i32 to vector<16xi32>
    %shift_right_arithmetic3A_165 = arith.shrsi %get3A_162, %shift_right_arithmetic3A_164 : vector<16xi32>
    %shift_left3A_166 = arith.constant 6 : i32
    %shift_left3A_167 = vector.broadcast %shift_left3A_166 : i32 to vector<16xi32>
    %shift_left3A_168 = arith.shli %shift_right_arithmetic3A_165, %shift_left3A_167 : vector<16xi32>
    %and3A_169 = arith.constant 7 : i32
    %and3A_170 = vector.broadcast %and3A_169 : i32 to vector<16xi32>
    %and3A_171 = arith.andi %get3A_162, %and3A_170 : vector<16xi32>
    %or3A_172 = arith.ori %shift_left3A_168, %and3A_171 : vector<16xi32>
    %add3A_173 = arith.constant 16 : i32
    %add3A_174 = arith.addi %rem3A_3, %add3A_173 : i32
    %add3A_175 = vector.broadcast %add3A_174 : i32 to vector<16xi32>
    %add3A_176 = arith.addi %add3A_175, %iota3A : vector<16xi32>
    %shift_right_arithmetic3A_177 = arith.constant 3 : i32
    %shift_right_arithmetic3A_178 = vector.broadcast %shift_right_arithmetic3A_177 : i32 to vector<16xi32>
    %shift_right_arithmetic3A_179 = arith.shrsi %add3A_176, %shift_right_arithmetic3A_178 : vector<16xi32>
    %shift_left3A_180 = arith.constant 6 : i32
    %shift_left3A_181 = vector.broadcast %shift_left3A_180 : i32 to vector<16xi32>
    %shift_left3A_182 = arith.shli %shift_right_arithmetic3A_179, %shift_left3A_181 : vector<16xi32>
    %and3A_183 = arith.constant 7 : i32
    %and3A_184 = vector.broadcast %and3A_183 : i32 to vector<16xi32>
    %and3A_185 = arith.andi %add3A_176, %and3A_184 : vector<16xi32>
    %or3A_186 = arith.ori %shift_left3A_182, %and3A_185 : vector<16xi32>
    %add3A_187 = arith.constant 0 : i32
    %add3A_188 = vector.broadcast %add3A_187 : i32 to vector<16xi32>
    %add3A_189 = arith.addi %or3A_172, %add3A_188 : vector<16xi32>
    %swap3A_190 = arith.constant 0 : index
    %swap3A_191 = tpu.vector_load %arg13[%swap3A_190] {strides = array<i32>} : memref<256xi32, #tpu.memory_space<vmem>>, vector<16xi32>,
    tpu.vector_store %arg13[%swap3A_190], %add3A_189 {strides = array<i32>} : memref<256xi32, #tpu.memory_space<vmem>>, vector<16xi32>,
    %add3A_192 = arith.constant 0 : i32
    %add3A_193 = vector.broadcast %add3A_192 : i32 to vector<16xi32>
    %add3A_194 = arith.addi %or3A_186, %add3A_193 : vector<16xi32>
    %swap3A_195 = arith.constant 128 : index
    %swap3A_196 = tpu.vector_load %arg13[%swap3A_195] {strides = array<i32>} : memref<256xi32, #tpu.memory_space<vmem>>, vector<16xi32>,
    tpu.vector_store %arg13[%swap3A_195], %add3A_194 {strides = array<i32>} : memref<256xi32, #tpu.memory_space<vmem>>, vector<16xi32>,
    %add3A_197 = arith.constant 8 : i32
    %add3A_198 = vector.broadcast %add3A_197 : i32 to vector<16xi32>
    %add3A_199 = arith.addi %or3A_172, %add3A_198 : vector<16xi32>
    %swap3A_200 = arith.constant 16 : index
    %swap3A_201 = tpu.vector_load %arg13[%swap3A_200] {strides = array<i32>} : memref<256xi32, #tpu.memory_space<vmem>>, vector<16xi32>,
    tpu.vector_store %arg13[%swap3A_200], %add3A_199 {strides = array<i32>} : memref<256xi32, #tpu.memory_space<vmem>>, vector<16xi32>,
    %add3A_202 = arith.constant 8 : i32
    %add3A_203 = vector.broadcast %add3A_202 : i32 to vector<16xi32>
    %add3A_204 = arith.addi %or3A_186, %add3A_203 : vector<16xi32>
    %swap3A_205 = arith.constant 144 : index
    %swap3A_206 = tpu.vector_load %arg13[%swap3A_205] {strides = array<i32>} : memref<256xi32, #tpu.memory_space<vmem>>, vector<16xi32>,
    tpu.vector_store %arg13[%swap3A_205], %add3A_204 {strides = array<i32>} : memref<256xi32, #tpu.memory_space<vmem>>, vector<16xi32>,
    %add3A_207 = arith.constant 16 : i32
    %add3A_208 = vector.broadcast %add3A_207 : i32 to vector<16xi32>
    %add3A_209 = arith.addi %or3A_172, %add3A_208 : vector<16xi32>
    %swap3A_210 = arith.constant 32 : index
    %swap3A_211 = tpu.vector_load %arg13[%swap3A_210] {strides = array<i32>} : memref<256xi32, #tpu.memory_space<vmem>>, vector<16xi32>,
    tpu.vector_store %arg13[%swap3A_210], %add3A_209 {strides = array<i32>} : memref<256xi32, #tpu.memory_space<vmem>>, vector<16xi32>,
    %add3A_212 = arith.constant 16 : i32
    %add3A_213 = vector.broadcast %add3A_212 : i32 to vector<16xi32>
    %add3A_214 = arith.addi %or3A_186, %add3A_213 : vector<16xi32>
    %swap3A_215 = arith.constant 160 : index
    %swap3A_216 = tpu.vector_load %arg13[%swap3A_215] {strides = array<i32>} : memref<256xi32, #tpu.memory_space<vmem>>, vector<16xi32>,
    tpu.vector_store %arg13[%swap3A_215], %add3A_214 {strides = array<i32>} : memref<256xi32, #tpu.memory_space<vmem>>, vector<16xi32>,
    %add3A_217 = arith.constant 24 : i32
    %add3A_218 = vector.broadcast %add3A_217 : i32 to vector<16xi32>
    %add3A_219 = arith.addi %or3A_172, %add3A_218 : vector<16xi32>
    %swap3A_220 = arith.constant 48 : index
    %swap3A_221 = tpu.vector_load %arg13[%swap3A_220] {strides = array<i32>} : memref<256xi32, #tpu.memory_space<vmem>>, vector<16xi32>,
    tpu.vector_store %arg13[%swap3A_220], %add3A_219 {strides = array<i32>} : memref<256xi32, #tpu.memory_space<vmem>>, vector<16xi32>,
    %add3A_222 = arith.constant 24 : i32
    %add3A_223 = vector.broadcast %add3A_222 : i32 to vector<16xi32>
    %add3A_224 = arith.addi %or3A_186, %add3A_223 : vector<16xi32>
    %swap3A_225 = arith.constant 176 : index
    %swap3A_226 = tpu.vector_load %arg13[%swap3A_225] {strides = array<i32>} : memref<256xi32, #tpu.memory_space<vmem>>, vector<16xi32>,
    tpu.vector_store %arg13[%swap3A_225], %add3A_224 {strides = array<i32>} : memref<256xi32, #tpu.memory_space<vmem>>, vector<16xi32>,
    %add3A_227 = arith.constant 32 : i32
    %add3A_228 = vector.broadcast %add3A_227 : i32 to vector<16xi32>
    %add3A_229 = arith.addi %or3A_172, %add3A_228 : vector<16xi32>
    %swap3A_230 = arith.constant 64 : index
    %swap3A_231 = tpu.vector_load %arg13[%swap3A_230] {strides = array<i32>} : memref<256xi32, #tpu.memory_space<vmem>>, vector<16xi32>,
    tpu.vector_store %arg13[%swap3A_230], %add3A_229 {strides = array<i32>} : memref<256xi32, #tpu.memory_space<vmem>>, vector<16xi32>,
    %add3A_232 = arith.constant 32 : i32
    %add3A_233 = vector.broadcast %add3A_232 : i32 to vector<16xi32>
    %add3A_234 = arith.addi %or3A_186, %add3A_233 : vector<16xi32>
    %swap3A_235 = arith.constant 192 : index
    %swap3A_236 = tpu.vector_load %arg13[%swap3A_235] {strides = array<i32>} : memref<256xi32, #tpu.memory_space<vmem>>, vector<16xi32>,
    tpu.vector_store %arg13[%swap3A_235], %add3A_234 {strides = array<i32>} : memref<256xi32, #tpu.memory_space<vmem>>, vector<16xi32>,
    %add3A_237 = arith.constant 40 : i32
    %add3A_238 = vector.broadcast %add3A_237 : i32 to vector<16xi32>
    %add3A_239 = arith.addi %or3A_172, %add3A_238 : vector<16xi32>
    %swap3A_240 = arith.constant 80 : index
    %swap3A_241 = tpu.vector_load %arg13[%swap3A_240] {strides = array<i32>} : memref<256xi32, #tpu.memory_space<vmem>>, vector<16xi32>,
    tpu.vector_store %arg13[%swap3A_240], %add3A_239 {strides = array<i32>} : memref<256xi32, #tpu.memory_space<vmem>>, vector<16xi32>,
    %add3A_242 = arith.constant 40 : i32
    %add3A_243 = vector.broadcast %add3A_242 : i32 to vector<16xi32>
    %add3A_244 = arith.addi %or3A_186, %add3A_243 : vector<16xi32>
    %swap3A_245 = arith.constant 208 : index
    %swap3A_246 = tpu.vector_load %arg13[%swap3A_245] {strides = array<i32>} : memref<256xi32, #tpu.memory_space<vmem>>, vector<16xi32>,
    tpu.vector_store %arg13[%swap3A_245], %add3A_244 {strides = array<i32>} : memref<256xi32, #tpu.memory_space<vmem>>, vector<16xi32>,
    %add3A_247 = arith.constant 48 : i32
    %add3A_248 = vector.broadcast %add3A_247 : i32 to vector<16xi32>
    %add3A_249 = arith.addi %or3A_172, %add3A_248 : vector<16xi32>
    %swap3A_250 = arith.constant 96 : index
    %swap3A_251 = tpu.vector_load %arg13[%swap3A_250] {strides = array<i32>} : memref<256xi32, #tpu.memory_space<vmem>>, vector<16xi32>,
    tpu.vector_store %arg13[%swap3A_250], %add3A_249 {strides = array<i32>} : memref<256xi32, #tpu.memory_space<vmem>>, vector<16xi32>,
    %add3A_252 = arith.constant 48 : i32
    %add3A_253 = vector.broadcast %add3A_252 : i32 to vector<16xi32>
    %add3A_254 = arith.addi %or3A_186, %add3A_253 : vector<16xi32>
    %swap3A_255 = arith.constant 224 : index
    %swap3A_256 = tpu.vector_load %arg13[%swap3A_255] {strides = array<i32>} : memref<256xi32, #tpu.memory_space<vmem>>, vector<16xi32>,
    tpu.vector_store %arg13[%swap3A_255], %add3A_254 {strides = array<i32>} : memref<256xi32, #tpu.memory_space<vmem>>, vector<16xi32>,
    %add3A_257 = arith.constant 56 : i32
    %add3A_258 = vector.broadcast %add3A_257 : i32 to vector<16xi32>
    %add3A_259 = arith.addi %or3A_172, %add3A_258 : vector<16xi32>
    %swap3A_260 = arith.constant 112 : index
    %swap3A_261 = tpu.vector_load %arg13[%swap3A_260] {strides = array<i32>} : memref<256xi32, #tpu.memory_space<vmem>>, vector<16xi32>,
    tpu.vector_store %arg13[%swap3A_260], %add3A_259 {strides = array<i32>} : memref<256xi32, #tpu.memory_space<vmem>>, vector<16xi32>,
    %add3A_262 = arith.constant 56 : i32
    %add3A_263 = vector.broadcast %add3A_262 : i32 to vector<16xi32>
    %add3A_264 = arith.addi %or3A_186, %add3A_263 : vector<16xi32>
    %swap3A_265 = arith.constant 240 : index
    %swap3A_266 = tpu.vector_load %arg13[%swap3A_265] {strides = array<i32>} : memref<256xi32, #tpu.memory_space<vmem>>, vector<16xi32>,
    tpu.vector_store %arg13[%swap3A_265], %add3A_264 {strides = array<i32>} : memref<256xi32, #tpu.memory_space<vmem>>, vector<16xi32>,
    %dma_start3A_267 = arith.constant 0 : i32
    %dma_start3A_268 = arith.constant 0 : i32
    %dma_start3A_269 = arith.constant 0 : i32
    %dma_start3A_270 = tpu.memref_slice %arg17[%dma_start3A_267, %dma_start3A_268, %dma_start3A_269] : memref<1x128x128xf32, #tpu.memory_space<vmem>> -> memref<1x128x128xf32, #tpu.memory_space<vmem>>
    %dma_start3A_271 = tpu.memref_squeeze %dma_start3A_270 : memref<1x128x128xf32, #tpu.memory_space<vmem>> -> memref<128x128xf32, #tpu.memory_space<vmem>>
    %dma_start3A_272 = arith.constant 0 : i32
    %dma_start3A_273 = tpu.memref_slice %arg13[%dma_start3A_272] : memref<256xi32, #tpu.memory_space<vmem>> -> memref<128xi32, #tpu.memory_space<vmem>>
    %dma_start3A_274 = arith.constant 0 : i32
    %dma_start3A_275 = arith.constant 0 : i32
    %dma_start3A_276 = tpu.memref_slice %arg4[%dma_start3A_274, %dma_start3A_275] : memref<800000x128xf32, #tpu.memory_space<hbm>> -> memref<800000x128xf32, #tpu.memory_space<hbm>>
    tpu.enqueue_indirect_dma source(%dma_start3A_276 : memref<800000x128xf32, #tpu.memory_space<hbm>>) target(%dma_start3A_271 : memref<128x128xf32, #tpu.memory_space<vmem>>) offsets(%dma_start3A_273 : memref<128xi32, #tpu.memory_space<vmem>>) semaphore(%arg26 : memref<!tpu.dma_semaphore, #tpu.memory_space<semaphore_mem>>) {add = true}
    %dma_start3A_277 = arith.constant 0 : i32
    %dma_start3A_278 = arith.constant 0 : i32
    %dma_start3A_279 = arith.constant 0 : i32
    %dma_start3A_280 = tpu.memref_slice %arg17[%dma_start3A_277, %dma_start3A_278, %dma_start3A_279] : memref<1x128x128xf32, #tpu.memory_space<vmem>> -> memref<1x128x128xf32, #tpu.memory_space<vmem>>
    %dma_start3A_281 = tpu.memref_squeeze %dma_start3A_280 : memref<1x128x128xf32, #tpu.memory_space<vmem>> -> memref<128x128xf32, #tpu.memory_space<vmem>>
    %dma_start3A_282 = arith.constant 128 : i32
    %dma_start3A_283 = tpu.memref_slice %arg13[%dma_start3A_282] : memref<256xi32, #tpu.memory_space<vmem>> -> memref<128xi32, #tpu.memory_space<vmem>>
    %dma_start3A_284 = arith.constant 0 : i32
    %dma_start3A_285 = arith.constant 0 : i32
    %dma_start3A_286 = tpu.memref_slice %arg5[%dma_start3A_284, %dma_start3A_285] : memref<16384x128xf32, #tpu.memory_space<hbm>> -> memref<16384x128xf32, #tpu.memory_space<hbm>>
    tpu.enqueue_indirect_dma source(%dma_start3A_286 : memref<16384x128xf32, #tpu.memory_space<hbm>>) target(%dma_start3A_281 : memref<128x128xf32, #tpu.memory_space<vmem>>) offsets(%dma_start3A_283 : memref<128xi32, #tpu.memory_space<vmem>>) semaphore(%arg26 : memref<!tpu.dma_semaphore, #tpu.memory_space<semaphore_mem>>) {add = true}
    %scan3A_287 = arith.constant 0 : i32
    %scan3A_288 = arith.constant 8 : i32
    %scan3A_289 = arith.addi %scan3A_287, %scan3A_288 : i32
    %scan3A_290 = arith.constant 1 : i32
    scf.for %scan3A_306 = %scan3A_287 to %scan3A_289 step %scan3A_290  : i32 {
      %mul3A_307 = arith.constant 1 : i32
      %mul3A_308 = arith.muli %scan3A_306, %mul3A_307 : i32
      %add3A_309 = arith.constant 0 : i32
      %add3A_310 = arith.addi %add3A_309, %mul3A_308 : i32
      %mul3A_311 = arith.constant 2 : i32
      %mul3A_312 = arith.muli %mul3A_311, %add3A_310 : i32
      %mul3A_313 = arith.constant 2 : i32
      %mul3A_314 = arith.muli %mul3A_313, %add3A_310 : i32
      %add3A_315 = arith.constant 1 : i32
      %add3A_316 = arith.addi %mul3A_314, %add3A_315 : i32
      %shift_right_arithmetic3A_317 = arith.constant 3 : i32
      %shift_right_arithmetic3A_318 = arith.shrsi %mul3A_312, %shift_right_arithmetic3A_317 : i32
      %and3A_319 = arith.constant 7 : i32
      %and3A_320 = arith.andi %mul3A_312, %and3A_319 : i32
      %mul3A_321 = arith.constant 16 : i32
      %mul3A_322 = arith.muli %and3A_320, %mul3A_321 : i32
      %get3A_323 = arith.index_cast %shift_right_arithmetic3A_318 : i32 to index
      %get3A_324 = arith.index_cast %mul3A_322 : i32 to index
      %get3A_325 = tpu.vector_load %arg11[%get3A_323, %get3A_324] {strides = array<i32>} : memref<2x128xi32, #tpu.memory_space<vmem>>, vector<16xi32>,
      %shift_left3A_326 = arith.constant 3 : i32
      %shift_left3A_327 = vector.broadcast %shift_left3A_326 : i32 to vector<16xi32>
      %shift_left3A_328 = arith.shli %get3A_325, %shift_left3A_327 : vector<16xi32>
      %slice3A = vector.extract_strided_slice %shift_left3A_328 {offsets = [0], sizes = [1], strides = [1]} : vector<16xi32> to vector<1xi32>
      %squeeze3A = vector.extract %slice3A[0] : i32 from vector<1xi32>
      %slice3A_329 = vector.extract_strided_slice %shift_left3A_328 {offsets = [1], sizes = [1], strides = [1]} : vector<16xi32> to vector<1xi32>
      %squeeze3A_330 = vector.extract %slice3A_329[0] : i32 from vector<1xi32>
      %slice3A_331 = vector.extract_strided_slice %shift_left3A_328 {offsets = [2], sizes = [1], strides = [1]} : vector<16xi32> to vector<1xi32>
      %squeeze3A_332 = vector.extract %slice3A_331[0] : i32 from vector<1xi32>
      %slice3A_333 = vector.extract_strided_slice %shift_left3A_328 {offsets = [3], sizes = [1], strides = [1]} : vector<16xi32> to vector<1xi32>
      %squeeze3A_334 = vector.extract %slice3A_333[0] : i32 from vector<1xi32>
      %slice3A_335 = vector.extract_strided_slice %shift_left3A_328 {offsets = [4], sizes = [1], strides = [1]} : vector<16xi32> to vector<1xi32>
      %squeeze3A_336 = vector.extract %slice3A_335[0] : i32 from vector<1xi32>
      %slice3A_337 = vector.extract_strided_slice %shift_left3A_328 {offsets = [5], sizes = [1], strides = [1]} : vector<16xi32> to vector<1xi32>
      %squeeze3A_338 = vector.extract %slice3A_337[0] : i32 from vector<1xi32>
      %slice3A_339 = vector.extract_strided_slice %shift_left3A_328 {offsets = [6], sizes = [1], strides = [1]} : vector<16xi32> to vector<1xi32>
      %squeeze3A_340 = vector.extract %slice3A_339[0] : i32 from vector<1xi32>
      %slice3A_341 = vector.extract_strided_slice %shift_left3A_328 {offsets = [7], sizes = [1], strides = [1]} : vector<16xi32> to vector<1xi32>
      %squeeze3A_342 = vector.extract %slice3A_341[0] : i32 from vector<1xi32>
      %slice3A_343 = vector.extract_strided_slice %shift_left3A_328 {offsets = [8], sizes = [1], strides = [1]} : vector<16xi32> to vector<1xi32>
      %squeeze3A_344 = vector.extract %slice3A_343[0] : i32 from vector<1xi32>
      %slice3A_345 = vector.extract_strided_slice %shift_left3A_328 {offsets = [9], sizes = [1], strides = [1]} : vector<16xi32> to vector<1xi32>
      %squeeze3A_346 = vector.extract %slice3A_345[0] : i32 from vector<1xi32>
      %slice3A_347 = vector.extract_strided_slice %shift_left3A_328 {offsets = [10], sizes = [1], strides = [1]} : vector<16xi32> to vector<1xi32>
      %squeeze3A_348 = vector.extract %slice3A_347[0] : i32 from vector<1xi32>
      %slice3A_349 = vector.extract_strided_slice %shift_left3A_328 {offsets = [11], sizes = [1], strides = [1]} : vector<16xi32> to vector<1xi32>
      %squeeze3A_350 = vector.extract %slice3A_349[0] : i32 from vector<1xi32>
      %slice3A_351 = vector.extract_strided_slice %shift_left3A_328 {offsets = [12], sizes = [1], strides = [1]} : vector<16xi32> to vector<1xi32>
      %squeeze3A_352 = vector.extract %slice3A_351[0] : i32 from vector<1xi32>
      %slice3A_353 = vector.extract_strided_slice %shift_left3A_328 {offsets = [13], sizes = [1], strides = [1]} : vector<16xi32> to vector<1xi32>
      %squeeze3A_354 = vector.extract %slice3A_353[0] : i32 from vector<1xi32>
      %slice3A_355 = vector.extract_strided_slice %shift_left3A_328 {offsets = [14], sizes = [1], strides = [1]} : vector<16xi32> to vector<1xi32>
      %squeeze3A_356 = vector.extract %slice3A_355[0] : i32 from vector<1xi32>
      %slice3A_357 = vector.extract_strided_slice %shift_left3A_328 {offsets = [15], sizes = [1], strides = [1]} : vector<16xi32> to vector<1xi32>
      %squeeze3A_358 = vector.extract %slice3A_357[0] : i32 from vector<1xi32>
      %dma_wait3A_359 = arith.constant 0 : i32
      %dma_wait3A_360 = arith.constant 0 : i32
      %dma_wait3A_361 = arith.constant 0 : i32
      %dma_wait3A_362 = tpu.memref_slice %arg16[%dma_wait3A_359, %dma_wait3A_360, %dma_wait3A_361] : memref<1x128x128xf32, #tpu.memory_space<vmem>> -> memref<1x128x128xf32, #tpu.memory_space<vmem>>
      %dma_wait3A_363 = tpu.memref_squeeze %dma_wait3A_362 : memref<1x128x128xf32, #tpu.memory_space<vmem>> -> memref<128x128xf32, #tpu.memory_space<vmem>>
      %dma_wait3A_364 = arith.constant 0 : i32
      %dma_wait3A_365 = tpu.memref_slice %arg12[%dma_wait3A_364] : memref<256xi32, #tpu.memory_space<vmem>> -> memref<128xi32, #tpu.memory_space<vmem>>
      %dma_wait3A_366 = arith.constant 0 : i32
      %dma_wait3A_367 = arith.constant 0 : i32
      %dma_wait3A_368 = tpu.memref_slice %arg4[%dma_wait3A_366, %dma_wait3A_367] : memref<800000x128xf32, #tpu.memory_space<hbm>> -> memref<800000x128xf32, #tpu.memory_space<hbm>>
      tpu.wait_indirect_dma semaphore(%arg25 : memref<!tpu.dma_semaphore, #tpu.memory_space<semaphore_mem>>) src(%dma_wait3A_368 : memref<800000x128xf32, #tpu.memory_space<hbm>>) dst(%dma_wait3A_363 : memref<128x128xf32, #tpu.memory_space<vmem>>)
      %dma_wait3A_369 = arith.constant 0 : i32
      %dma_wait3A_370 = arith.constant 0 : i32
      %dma_wait3A_371 = arith.constant 0 : i32
      %dma_wait3A_372 = tpu.memref_slice %arg16[%dma_wait3A_369, %dma_wait3A_370, %dma_wait3A_371] : memref<1x128x128xf32, #tpu.memory_space<vmem>> -> memref<1x128x128xf32, #tpu.memory_space<vmem>>
      %dma_wait3A_373 = tpu.memref_squeeze %dma_wait3A_372 : memref<1x128x128xf32, #tpu.memory_space<vmem>> -> memref<128x128xf32, #tpu.memory_space<vmem>>
      %dma_wait3A_374 = arith.constant 0 : i32
      %dma_wait3A_375 = tpu.memref_slice %arg12[%dma_wait3A_374] : memref<256xi32, #tpu.memory_space<vmem>> -> memref<128xi32, #tpu.memory_space<vmem>>
      %dma_wait3A_376 = arith.constant 0 : i32
      %dma_wait3A_377 = arith.constant 0 : i32
      %dma_wait3A_378 = tpu.memref_slice %arg4[%dma_wait3A_376, %dma_wait3A_377] : memref<800000x128xf32, #tpu.memory_space<hbm>> -> memref<800000x128xf32, #tpu.memory_space<hbm>>
      tpu.wait_indirect_dma semaphore(%arg25 : memref<!tpu.dma_semaphore, #tpu.memory_space<semaphore_mem>>) src(%dma_wait3A_378 : memref<800000x128xf32, #tpu.memory_space<hbm>>) dst(%dma_wait3A_373 : memref<128x128xf32, #tpu.memory_space<vmem>>)
      %gt3A = arith.constant 0 : i32
      %gt3A_379 = arith.cmpi sgt, %add3A_310, %gt3A : i32
      %convert_element_type3A = arith.extui %gt3A_379 : i1 to i32
      %cond3A = arith.constant 0 : i32
      %cond3A_380 = arith.cmpi ne, %convert_element_type3A, %cond3A : i32
      scf.if %cond3A_380 {
        %dma_wait3A_758 = arith.constant 0 : i32
        %dma_wait3A_759 = tpu.memref_slice %arg14[%mul3A_312, %dma_wait3A_758] : memref<16x128xi32, #tpu.memory_space<vmem>> -> memref<1x128xi32, #tpu.memory_space<vmem>>
        %dma_wait3A_760 = tpu.memref_squeeze %dma_wait3A_759 : memref<1x128xi32, #tpu.memory_space<vmem>> -> memref<128xi32, #tpu.memory_space<vmem>>
        %dma_wait3A_761 = arith.constant 0 : i32
        %dma_wait3A_762 = arith.constant 0 : i32
        %dma_wait3A_763 = tpu.memref_slice %arg9[%dma_wait3A_761, %dma_wait3A_762] : memref<65536x128xf32, #tpu.memory_space<hbm>> -> memref<65536x128xf32, #tpu.memory_space<hbm>>
        tpu.wait_indirect_dma semaphore(%arg27 : memref<!tpu.dma_semaphore, #tpu.memory_space<semaphore_mem>>) src(%arg18 : memref<128x128xf32, #tpu.memory_space<vmem>>) dst(%dma_wait3A_763 : memref<65536x128xf32, #tpu.memory_space<hbm>>)
      } else {
      }
      %broadcast_in_dim3A_381 = arith.constant 0.000000e+00 : f32
      %broadcast_in_dim3A_382 = vector.broadcast %broadcast_in_dim3A_381 : f32 to vector<16xf32>
      %scan3A_383 = arith.constant 0 : i32
      %scan3A_384 = arith.constant 0 : i32
      %scan3A_385 = arith.constant 64 : i32
      %scan3A_386 = arith.addi %scan3A_384, %scan3A_385 : i32
      %scan3A_387 = arith.constant 1 : i32
      %scan3A_388:32 = scf.for %scan3A_758 = %scan3A_384 to %scan3A_386 step %scan3A_387 iter_args(%scan3A_759 = %broadcast_in_dim3A_382, %scan3A_760 = %broadcast_in_dim3A_382, %scan3A_761 = %broadcast_in_dim3A_382, %scan3A_762 = %broadcast_in_dim3A_382, %scan3A_763 = %broadcast_in_dim3A_382, %scan3A_764 = %broadcast_in_dim3A_382, %scan3A_765 = %broadcast_in_dim3A_382, %scan3A_766 = %broadcast_in_dim3A_382, %scan3A_767 = %broadcast_in_dim3A_382, %scan3A_768 = %broadcast_in_dim3A_382, %scan3A_769 = %broadcast_in_dim3A_382, %scan3A_770 = %broadcast_in_dim3A_382, %scan3A_771 = %broadcast_in_dim3A_382, %scan3A_772 = %broadcast_in_dim3A_382, %scan3A_773 = %broadcast_in_dim3A_382, %scan3A_774 = %broadcast_in_dim3A_382, %scan3A_775 = %broadcast_in_dim3A_382, %scan3A_776 = %broadcast_in_dim3A_382, %scan3A_777 = %broadcast_in_dim3A_382, %scan3A_778 = %broadcast_in_dim3A_382, %scan3A_779 = %broadcast_in_dim3A_382, %scan3A_780 = %broadcast_in_dim3A_382, %scan3A_781 = %broadcast_in_dim3A_382, %scan3A_782 = %broadcast_in_dim3A_382, %scan3A_783 = %broadcast_in_dim3A_382, %scan3A_784 = %broadcast_in_dim3A_382, %scan3A_785 = %broadcast_in_dim3A_382, %scan3A_786 = %broadcast_in_dim3A_382, %scan3A_787 = %broadcast_in_dim3A_382, %scan3A_788 = %broadcast_in_dim3A_382, %scan3A_789 = %broadcast_in_dim3A_382, %scan3A_790 = %broadcast_in_dim3A_382) -> (vector<16xf32>, vector<16xf32>, vector<16xf32>, vector<16xf32>, vector<16xf32>, vector<16xf32>, vector<16xf32>, vector<16xf32>, vector<16xf32>, vector<16xf32>, vector<16xf32>, vector<16xf32>, vector<16xf32>, vector<16xf32>, vector<16xf32>, vector<16xf32>, vector<16xf32>, vector<16xf32>, vector<16xf32>, vector<16xf32>, vector<16xf32>, vector<16xf32>, vector<16xf32>, vector<16xf32>, vector<16xf32>, vector<16xf32>, vector<16xf32>, vector<16xf32>, vector<16xf32>, vector<16xf32>, vector<16xf32>, vector<16xf32>)  : i32 {
        %shift_right_arithmetic3A_791 = arith.constant 3 : i32
        %shift_right_arithmetic3A_792 = arith.shrsi %scan3A_758, %shift_right_arithmetic3A_791 : i32
        %mul3A_793 = arith.constant 16 : i32
        %mul3A_794 = arith.muli %shift_right_arithmetic3A_792, %mul3A_793 : i32
        %and3A_795 = arith.constant 7 : i32
        %and3A_796 = arith.andi %scan3A_758, %and3A_795 : i32
        %mul3A_797 = arith.constant 16 : i32
        %mul3A_798 = arith.muli %and3A_796, %mul3A_797 : i32
        %add3A_799 = arith.constant 0 : i32
        %add3A_800 = arith.addi %mul3A_794, %add3A_799 : i32
        %get3A_801 = arith.constant 0 : i32
        %get3A_802 = arith.constant 0 : i32
        %get3A_803 = tpu.memref_slice %arg16[%scan3A_383, %get3A_801, %get3A_802] : memref<1x128x128xf32, #tpu.memory_space<vmem>> -> memref<1x128x128xf32, #tpu.memory_space<vmem>>
        %get3A_804 = tpu.memref_squeeze %get3A_803 : memref<1x128x128xf32, #tpu.memory_space<vmem>> -> memref<128x128xf32, #tpu.memory_space<vmem>>
        %get3A_805 = arith.index_cast %add3A_800 : i32 to index
        %get3A_806 = arith.index_cast %mul3A_798 : i32 to index
        %get3A_807 = tpu.vector_load %get3A_804[%get3A_805, %get3A_806] {strides = array<i32>} : memref<128x128xf32, #tpu.memory_space<vmem>>, vector<16xf32>,
        %shift_right_arithmetic3A_808 = arith.constant 3 : i32
        %shift_right_arithmetic3A_809 = arith.shrsi %scan3A_758, %shift_right_arithmetic3A_808 : i32
        %add3A_810 = arith.addi %squeeze3A, %shift_right_arithmetic3A_809 : i32
        %get3A_811 = arith.index_cast %add3A_810 : i32 to index
        %get3A_812 = arith.index_cast %mul3A_798 : i32 to index
        %get3A_813 = tpu.vector_load %arg20[%get3A_811, %get3A_812] {strides = array<i32>} : memref<16x128xf32, #tpu.memory_space<vmem>>, vector<16xf32>,
        %add3A_814 = arith.addf %get3A_807, %get3A_813 : vector<16xf32>
        %add3A_815 = arith.constant 0 : i32
        %add3A_816 = arith.addi %mul3A_794, %add3A_815 : i32
        %swap3A_817 = arith.constant 0 : i32
        %swap3A_818 = arith.constant 0 : i32
        %swap3A_819 = tpu.memref_slice %arg16[%scan3A_383, %swap3A_817, %swap3A_818] : memref<1x128x128xf32, #tpu.memory_space<vmem>> -> memref<1x128x128xf32, #tpu.memory_space<vmem>>
        %swap3A_820 = tpu.memref_squeeze %swap3A_819 : memref<1x128x128xf32, #tpu.memory_space<vmem>> -> memref<128x128xf32, #tpu.memory_space<vmem>>
        %swap3A_821 = arith.index_cast %add3A_816 : i32 to index
        %swap3A_822 = arith.index_cast %mul3A_798 : i32 to index
        %swap3A_823 = tpu.vector_load %swap3A_820[%swap3A_821, %swap3A_822] {strides = array<i32>} : memref<128x128xf32, #tpu.memory_space<vmem>>, vector<16xf32>,
        tpu.vector_store %swap3A_820[%swap3A_821, %swap3A_822], %add3A_814 {strides = array<i32>} : memref<128x128xf32, #tpu.memory_space<vmem>>, vector<16xf32>,
        %add3A_824 = arith.addf %scan3A_759, %add3A_814 : vector<16xf32>
        %mul3A_825 = arith.mulf %add3A_814, %add3A_814 : vector<16xf32>
        %add3A_826 = arith.addf %scan3A_760, %mul3A_825 : vector<16xf32>
        %add3A_827 = arith.constant 1 : i32
        %add3A_828 = arith.addi %mul3A_794, %add3A_827 : i32
        %get3A_829 = arith.constant 0 : i32
        %get3A_830 = arith.constant 0 : i32
        %get3A_831 = tpu.memref_slice %arg16[%scan3A_383, %get3A_829, %get3A_830] : memref<1x128x128xf32, #tpu.memory_space<vmem>> -> memref<1x128x128xf32, #tpu.memory_space<vmem>>
        %get3A_832 = tpu.memref_squeeze %get3A_831 : memref<1x128x128xf32, #tpu.memory_space<vmem>> -> memref<128x128xf32, #tpu.memory_space<vmem>>
        %get3A_833 = arith.index_cast %add3A_828 : i32 to index
        %get3A_834 = arith.index_cast %mul3A_798 : i32 to index
        %get3A_835 = tpu.vector_load %get3A_832[%get3A_833, %get3A_834] {strides = array<i32>} : memref<128x128xf32, #tpu.memory_space<vmem>>, vector<16xf32>,
        %shift_right_arithmetic3A_836 = arith.constant 3 : i32
        %shift_right_arithmetic3A_837 = arith.shrsi %scan3A_758, %shift_right_arithmetic3A_836 : i32
        %add3A_838 = arith.addi %squeeze3A_330, %shift_right_arithmetic3A_837 : i32
        %get3A_839 = arith.index_cast %add3A_838 : i32 to index
        %get3A_840 = arith.index_cast %mul3A_798 : i32 to index
        %get3A_841 = tpu.vector_load %arg20[%get3A_839, %get3A_840] {strides = array<i32>} : memref<16x128xf32, #tpu.memory_space<vmem>>, vector<16xf32>,
        %add3A_842 = arith.addf %get3A_835, %get3A_841 : vector<16xf32>
        %add3A_843 = arith.constant 1 : i32
        %add3A_844 = arith.addi %mul3A_794, %add3A_843 : i32
        %swap3A_845 = arith.constant 0 : i32
        %swap3A_846 = arith.constant 0 : i32
        %swap3A_847 = tpu.memref_slice %arg16[%scan3A_383, %swap3A_845, %swap3A_846] : memref<1x128x128xf32, #tpu.memory_space<vmem>> -> memref<1x128x128xf32, #tpu.memory_space<vmem>>
        %swap3A_848 = tpu.memref_squeeze %swap3A_847 : memref<1x128x128xf32, #tpu.memory_space<vmem>> -> memref<128x128xf32, #tpu.memory_space<vmem>>
        %swap3A_849 = arith.index_cast %add3A_844 : i32 to index
        %swap3A_850 = arith.index_cast %mul3A_798 : i32 to index
        %swap3A_851 = tpu.vector_load %swap3A_848[%swap3A_849, %swap3A_850] {strides = array<i32>} : memref<128x128xf32, #tpu.memory_space<vmem>>, vector<16xf32>,
        tpu.vector_store %swap3A_848[%swap3A_849, %swap3A_850], %add3A_842 {strides = array<i32>} : memref<128x128xf32, #tpu.memory_space<vmem>>, vector<16xf32>,
        %add3A_852 = arith.addf %scan3A_761, %add3A_842 : vector<16xf32>
        %mul3A_853 = arith.mulf %add3A_842, %add3A_842 : vector<16xf32>
        %add3A_854 = arith.addf %scan3A_762, %mul3A_853 : vector<16xf32>
        %add3A_855 = arith.constant 2 : i32
        %add3A_856 = arith.addi %mul3A_794, %add3A_855 : i32
        %get3A_857 = arith.constant 0 : i32
        %get3A_858 = arith.constant 0 : i32
        %get3A_859 = tpu.memref_slice %arg16[%scan3A_383, %get3A_857, %get3A_858] : memref<1x128x128xf32, #tpu.memory_space<vmem>> -> memref<1x128x128xf32, #tpu.memory_space<vmem>>
        %get3A_860 = tpu.memref_squeeze %get3A_859 : memref<1x128x128xf32, #tpu.memory_space<vmem>> -> memref<128x128xf32, #tpu.memory_space<vmem>>
        %get3A_861 = arith.index_cast %add3A_856 : i32 to index
        %get3A_862 = arith.index_cast %mul3A_798 : i32 to index
        %get3A_863 = tpu.vector_load %get3A_860[%get3A_861, %get3A_862] {strides = array<i32>} : memref<128x128xf32, #tpu.memory_space<vmem>>, vector<16xf32>,
        %shift_right_arithmetic3A_864 = arith.constant 3 : i32
        %shift_right_arithmetic3A_865 = arith.shrsi %scan3A_758, %shift_right_arithmetic3A_864 : i32
        %add3A_866 = arith.addi %squeeze3A_332, %shift_right_arithmetic3A_865 : i32
        %get3A_867 = arith.index_cast %add3A_866 : i32 to index
        %get3A_868 = arith.index_cast %mul3A_798 : i32 to index
        %get3A_869 = tpu.vector_load %arg20[%get3A_867, %get3A_868] {strides = array<i32>} : memref<16x128xf32, #tpu.memory_space<vmem>>, vector<16xf32>,
        %add3A_870 = arith.addf %get3A_863, %get3A_869 : vector<16xf32>
        %add3A_871 = arith.constant 2 : i32
        %add3A_872 = arith.addi %mul3A_794, %add3A_871 : i32
        %swap3A_873 = arith.constant 0 : i32
        %swap3A_874 = arith.constant 0 : i32
        %swap3A_875 = tpu.memref_slice %arg16[%scan3A_383, %swap3A_873, %swap3A_874] : memref<1x128x128xf32, #tpu.memory_space<vmem>> -> memref<1x128x128xf32, #tpu.memory_space<vmem>>
        %swap3A_876 = tpu.memref_squeeze %swap3A_875 : memref<1x128x128xf32, #tpu.memory_space<vmem>> -> memref<128x128xf32, #tpu.memory_space<vmem>>
        %swap3A_877 = arith.index_cast %add3A_872 : i32 to index
        %swap3A_878 = arith.index_cast %mul3A_798 : i32 to index
        %swap3A_879 = tpu.vector_load %swap3A_876[%swap3A_877, %swap3A_878] {strides = array<i32>} : memref<128x128xf32, #tpu.memory_space<vmem>>, vector<16xf32>,
        tpu.vector_store %swap3A_876[%swap3A_877, %swap3A_878], %add3A_870 {strides = array<i32>} : memref<128x128xf32, #tpu.memory_space<vmem>>, vector<16xf32>,
        %add3A_880 = arith.addf %scan3A_763, %add3A_870 : vector<16xf32>
        %mul3A_881 = arith.mulf %add3A_870, %add3A_870 : vector<16xf32>
        %add3A_882 = arith.addf %scan3A_764, %mul3A_881 : vector<16xf32>
        %add3A_883 = arith.constant 3 : i32
        %add3A_884 = arith.addi %mul3A_794, %add3A_883 : i32
        %get3A_885 = arith.constant 0 : i32
        %get3A_886 = arith.constant 0 : i32
        %get3A_887 = tpu.memref_slice %arg16[%scan3A_383, %get3A_885, %get3A_886] : memref<1x128x128xf32, #tpu.memory_space<vmem>> -> memref<1x128x128xf32, #tpu.memory_space<vmem>>
        %get3A_888 = tpu.memref_squeeze %get3A_887 : memref<1x128x128xf32, #tpu.memory_space<vmem>> -> memref<128x128xf32, #tpu.memory_space<vmem>>
        %get3A_889 = arith.index_cast %add3A_884 : i32 to index
        %get3A_890 = arith.index_cast %mul3A_798 : i32 to index
        %get3A_891 = tpu.vector_load %get3A_888[%get3A_889, %get3A_890] {strides = array<i32>} : memref<128x128xf32, #tpu.memory_space<vmem>>, vector<16xf32>,
        %shift_right_arithmetic3A_892 = arith.constant 3 : i32
        %shift_right_arithmetic3A_893 = arith.shrsi %scan3A_758, %shift_right_arithmetic3A_892 : i32
        %add3A_894 = arith.addi %squeeze3A_334, %shift_right_arithmetic3A_893 : i32
        %get3A_895 = arith.index_cast %add3A_894 : i32 to index
        %get3A_896 = arith.index_cast %mul3A_798 : i32 to index
        %get3A_897 = tpu.vector_load %arg20[%get3A_895, %get3A_896] {strides = array<i32>} : memref<16x128xf32, #tpu.memory_space<vmem>>, vector<16xf32>,
        %add3A_898 = arith.addf %get3A_891, %get3A_897 : vector<16xf32>
        %add3A_899 = arith.constant 3 : i32
        %add3A_900 = arith.addi %mul3A_794, %add3A_899 : i32
        %swap3A_901 = arith.constant 0 : i32
        %swap3A_902 = arith.constant 0 : i32
        %swap3A_903 = tpu.memref_slice %arg16[%scan3A_383, %swap3A_901, %swap3A_902] : memref<1x128x128xf32, #tpu.memory_space<vmem>> -> memref<1x128x128xf32, #tpu.memory_space<vmem>>
        %swap3A_904 = tpu.memref_squeeze %swap3A_903 : memref<1x128x128xf32, #tpu.memory_space<vmem>> -> memref<128x128xf32, #tpu.memory_space<vmem>>
        %swap3A_905 = arith.index_cast %add3A_900 : i32 to index
        %swap3A_906 = arith.index_cast %mul3A_798 : i32 to index
        %swap3A_907 = tpu.vector_load %swap3A_904[%swap3A_905, %swap3A_906] {strides = array<i32>} : memref<128x128xf32, #tpu.memory_space<vmem>>, vector<16xf32>,
        tpu.vector_store %swap3A_904[%swap3A_905, %swap3A_906], %add3A_898 {strides = array<i32>} : memref<128x128xf32, #tpu.memory_space<vmem>>, vector<16xf32>,
        %add3A_908 = arith.addf %scan3A_765, %add3A_898 : vector<16xf32>
        %mul3A_909 = arith.mulf %add3A_898, %add3A_898 : vector<16xf32>
        %add3A_910 = arith.addf %scan3A_766, %mul3A_909 : vector<16xf32>
        %add3A_911 = arith.constant 4 : i32
        %add3A_912 = arith.addi %mul3A_794, %add3A_911 : i32
        %get3A_913 = arith.constant 0 : i32
        %get3A_914 = arith.constant 0 : i32
        %get3A_915 = tpu.memref_slice %arg16[%scan3A_383, %get3A_913, %get3A_914] : memref<1x128x128xf32, #tpu.memory_space<vmem>> -> memref<1x128x128xf32, #tpu.memory_space<vmem>>
        %get3A_916 = tpu.memref_squeeze %get3A_915 : memref<1x128x128xf32, #tpu.memory_space<vmem>> -> memref<128x128xf32, #tpu.memory_space<vmem>>
        %get3A_917 = arith.index_cast %add3A_912 : i32 to index
        %get3A_918 = arith.index_cast %mul3A_798 : i32 to index
        %get3A_919 = tpu.vector_load %get3A_916[%get3A_917, %get3A_918] {strides = array<i32>} : memref<128x128xf32, #tpu.memory_space<vmem>>, vector<16xf32>,
        %shift_right_arithmetic3A_920 = arith.constant 3 : i32
        %shift_right_arithmetic3A_921 = arith.shrsi %scan3A_758, %shift_right_arithmetic3A_920 : i32
        %add3A_922 = arith.addi %squeeze3A_336, %shift_right_arithmetic3A_921 : i32
        %get3A_923 = arith.index_cast %add3A_922 : i32 to index
        %get3A_924 = arith.index_cast %mul3A_798 : i32 to index
        %get3A_925 = tpu.vector_load %arg20[%get3A_923, %get3A_924] {strides = array<i32>} : memref<16x128xf32, #tpu.memory_space<vmem>>, vector<16xf32>,
        %add3A_926 = arith.addf %get3A_919, %get3A_925 : vector<16xf32>
        %add3A_927 = arith.constant 4 : i32
        %add3A_928 = arith.addi %mul3A_794, %add3A_927 : i32
        %swap3A_929 = arith.constant 0 : i32
        %swap3A_930 = arith.constant 0 : i32
        %swap3A_931 = tpu.memref_slice %arg16[%scan3A_383, %swap3A_929, %swap3A_930] : memref<1x128x128xf32, #tpu.memory_space<vmem>> -> memref<1x128x128xf32, #tpu.memory_space<vmem>>
        %swap3A_932 = tpu.memref_squeeze %swap3A_931 : memref<1x128x128xf32, #tpu.memory_space<vmem>> -> memref<128x128xf32, #tpu.memory_space<vmem>>
        %swap3A_933 = arith.index_cast %add3A_928 : i32 to index
        %swap3A_934 = arith.index_cast %mul3A_798 : i32 to index
        %swap3A_935 = tpu.vector_load %swap3A_932[%swap3A_933, %swap3A_934] {strides = array<i32>} : memref<128x128xf32, #tpu.memory_space<vmem>>, vector<16xf32>,
        tpu.vector_store %swap3A_932[%swap3A_933, %swap3A_934], %add3A_926 {strides = array<i32>} : memref<128x128xf32, #tpu.memory_space<vmem>>, vector<16xf32>,
        %add3A_936 = arith.addf %scan3A_767, %add3A_926 : vector<16xf32>
        %mul3A_937 = arith.mulf %add3A_926, %add3A_926 : vector<16xf32>
        %add3A_938 = arith.addf %scan3A_768, %mul3A_937 : vector<16xf32>
        %add3A_939 = arith.constant 5 : i32
        %add3A_940 = arith.addi %mul3A_794, %add3A_939 : i32
        %get3A_941 = arith.constant 0 : i32
        %get3A_942 = arith.constant 0 : i32
        %get3A_943 = tpu.memref_slice %arg16[%scan3A_383, %get3A_941, %get3A_942] : memref<1x128x128xf32, #tpu.memory_space<vmem>> -> memref<1x128x128xf32, #tpu.memory_space<vmem>>
        %get3A_944 = tpu.memref_squeeze %get3A_943 : memref<1x128x128xf32, #tpu.memory_space<vmem>> -> memref<128x128xf32, #tpu.memory_space<vmem>>
        %get3A_945 = arith.index_cast %add3A_940 : i32 to index
        %get3A_946 = arith.index_cast %mul3A_798 : i32 to index
        %get3A_947 = tpu.vector_load %get3A_944[%get3A_945, %get3A_946] {strides = array<i32>} : memref<128x128xf32, #tpu.memory_space<vmem>>, vector<16xf32>,
        %shift_right_arithmetic3A_948 = arith.constant 3 : i32
        %shift_right_arithmetic3A_949 = arith.shrsi %scan3A_758, %shift_right_arithmetic3A_948 : i32
        %add3A_950 = arith.addi %squeeze3A_338, %shift_right_arithmetic3A_949 : i32
        %get3A_951 = arith.index_cast %add3A_950 : i32 to index
        %get3A_952 = arith.index_cast %mul3A_798 : i32 to index
        %get3A_953 = tpu.vector_load %arg20[%get3A_951, %get3A_952] {strides = array<i32>} : memref<16x128xf32, #tpu.memory_space<vmem>>, vector<16xf32>,
        %add3A_954 = arith.addf %get3A_947, %get3A_953 : vector<16xf32>
        %add3A_955 = arith.constant 5 : i32
        %add3A_956 = arith.addi %mul3A_794, %add3A_955 : i32
        %swap3A_957 = arith.constant 0 : i32
        %swap3A_958 = arith.constant 0 : i32
        %swap3A_959 = tpu.memref_slice %arg16[%scan3A_383, %swap3A_957, %swap3A_958] : memref<1x128x128xf32, #tpu.memory_space<vmem>> -> memref<1x128x128xf32, #tpu.memory_space<vmem>>
        %swap3A_960 = tpu.memref_squeeze %swap3A_959 : memref<1x128x128xf32, #tpu.memory_space<vmem>> -> memref<128x128xf32, #tpu.memory_space<vmem>>
        %swap3A_961 = arith.index_cast %add3A_956 : i32 to index
        %swap3A_962 = arith.index_cast %mul3A_798 : i32 to index
        %swap3A_963 = tpu.vector_load %swap3A_960[%swap3A_961, %swap3A_962] {strides = array<i32>} : memref<128x128xf32, #tpu.memory_space<vmem>>, vector<16xf32>,
        tpu.vector_store %swap3A_960[%swap3A_961, %swap3A_962], %add3A_954 {strides = array<i32>} : memref<128x128xf32, #tpu.memory_space<vmem>>, vector<16xf32>,
        %add3A_964 = arith.addf %scan3A_769, %add3A_954 : vector<16xf32>
        %mul3A_965 = arith.mulf %add3A_954, %add3A_954 : vector<16xf32>
        %add3A_966 = arith.addf %scan3A_770, %mul3A_965 : vector<16xf32>
        %add3A_967 = arith.constant 6 : i32
        %add3A_968 = arith.addi %mul3A_794, %add3A_967 : i32
        %get3A_969 = arith.constant 0 : i32
        %get3A_970 = arith.constant 0 : i32
        %get3A_971 = tpu.memref_slice %arg16[%scan3A_383, %get3A_969, %get3A_970] : memref<1x128x128xf32, #tpu.memory_space<vmem>> -> memref<1x128x128xf32, #tpu.memory_space<vmem>>
        %get3A_972 = tpu.memref_squeeze %get3A_971 : memref<1x128x128xf32, #tpu.memory_space<vmem>> -> memref<128x128xf32, #tpu.memory_space<vmem>>
        %get3A_973 = arith.index_cast %add3A_968 : i32 to index
        %get3A_974 = arith.index_cast %mul3A_798 : i32 to index
        %get3A_975 = tpu.vector_load %get3A_972[%get3A_973, %get3A_974] {strides = array<i32>} : memref<128x128xf32, #tpu.memory_space<vmem>>, vector<16xf32>,
        %shift_right_arithmetic3A_976 = arith.constant 3 : i32
        %shift_right_arithmetic3A_977 = arith.shrsi %scan3A_758, %shift_right_arithmetic3A_976 : i32
        %add3A_978 = arith.addi %squeeze3A_340, %shift_right_arithmetic3A_977 : i32
        %get3A_979 = arith.index_cast %add3A_978 : i32 to index
        %get3A_980 = arith.index_cast %mul3A_798 : i32 to index
        %get3A_981 = tpu.vector_load %arg20[%get3A_979, %get3A_980] {strides = array<i32>} : memref<16x128xf32, #tpu.memory_space<vmem>>, vector<16xf32>,
        %add3A_982 = arith.addf %get3A_975, %get3A_981 : vector<16xf32>
        %add3A_983 = arith.constant 6 : i32
        %add3A_984 = arith.addi %mul3A_794, %add3A_983 : i32
        %swap3A_985 = arith.constant 0 : i32
        %swap3A_986 = arith.constant 0 : i32
        %swap3A_987 = tpu.memref_slice %arg16[%scan3A_383, %swap3A_985, %swap3A_986] : memref<1x128x128xf32, #tpu.memory_space<vmem>> -> memref<1x128x128xf32, #tpu.memory_space<vmem>>
        %swap3A_988 = tpu.memref_squeeze %swap3A_987 : memref<1x128x128xf32, #tpu.memory_space<vmem>> -> memref<128x128xf32, #tpu.memory_space<vmem>>
        %swap3A_989 = arith.index_cast %add3A_984 : i32 to index
        %swap3A_990 = arith.index_cast %mul3A_798 : i32 to index
        %swap3A_991 = tpu.vector_load %swap3A_988[%swap3A_989, %swap3A_990] {strides = array<i32>} : memref<128x128xf32, #tpu.memory_space<vmem>>, vector<16xf32>,
        tpu.vector_store %swap3A_988[%swap3A_989, %swap3A_990], %add3A_982 {strides = array<i32>} : memref<128x128xf32, #tpu.memory_space<vmem>>, vector<16xf32>,
        %add3A_992 = arith.addf %scan3A_771, %add3A_982 : vector<16xf32>
        %mul3A_993 = arith.mulf %add3A_982, %add3A_982 : vector<16xf32>
        %add3A_994 = arith.addf %scan3A_772, %mul3A_993 : vector<16xf32>
        %add3A_995 = arith.constant 7 : i32
        %add3A_996 = arith.addi %mul3A_794, %add3A_995 : i32
        %get3A_997 = arith.constant 0 : i32
        %get3A_998 = arith.constant 0 : i32
        %get3A_999 = tpu.memref_slice %arg16[%scan3A_383, %get3A_997, %get3A_998] : memref<1x128x128xf32, #tpu.memory_space<vmem>> -> memref<1x128x128xf32, #tpu.memory_space<vmem>>
        %get3A_1000 = tpu.memref_squeeze %get3A_999 : memref<1x128x128xf32, #tpu.memory_space<vmem>> -> memref<128x128xf32, #tpu.memory_space<vmem>>
        %get3A_1001 = arith.index_cast %add3A_996 : i32 to index
        %get3A_1002 = arith.index_cast %mul3A_798 : i32 to index
        %get3A_1003 = tpu.vector_load %get3A_1000[%get3A_1001, %get3A_1002] {strides = array<i32>} : memref<128x128xf32, #tpu.memory_space<vmem>>, vector<16xf32>,
        %shift_right_arithmetic3A_1004 = arith.constant 3 : i32
        %shift_right_arithmetic3A_1005 = arith.shrsi %scan3A_758, %shift_right_arithmetic3A_1004 : i32
        %add3A_1006 = arith.addi %squeeze3A_342, %shift_right_arithmetic3A_1005 : i32
        %get3A_1007 = arith.index_cast %add3A_1006 : i32 to index
        %get3A_1008 = arith.index_cast %mul3A_798 : i32 to index
        %get3A_1009 = tpu.vector_load %arg20[%get3A_1007, %get3A_1008] {strides = array<i32>} : memref<16x128xf32, #tpu.memory_space<vmem>>, vector<16xf32>,
        %add3A_1010 = arith.addf %get3A_1003, %get3A_1009 : vector<16xf32>
        %add3A_1011 = arith.constant 7 : i32
        %add3A_1012 = arith.addi %mul3A_794, %add3A_1011 : i32
        %swap3A_1013 = arith.constant 0 : i32
        %swap3A_1014 = arith.constant 0 : i32
        %swap3A_1015 = tpu.memref_slice %arg16[%scan3A_383, %swap3A_1013, %swap3A_1014] : memref<1x128x128xf32, #tpu.memory_space<vmem>> -> memref<1x128x128xf32, #tpu.memory_space<vmem>>
        %swap3A_1016 = tpu.memref_squeeze %swap3A_1015 : memref<1x128x128xf32, #tpu.memory_space<vmem>> -> memref<128x128xf32, #tpu.memory_space<vmem>>
        %swap3A_1017 = arith.index_cast %add3A_1012 : i32 to index
        %swap3A_1018 = arith.index_cast %mul3A_798 : i32 to index
        %swap3A_1019 = tpu.vector_load %swap3A_1016[%swap3A_1017, %swap3A_1018] {strides = array<i32>} : memref<128x128xf32, #tpu.memory_space<vmem>>, vector<16xf32>,
        tpu.vector_store %swap3A_1016[%swap3A_1017, %swap3A_1018], %add3A_1010 {strides = array<i32>} : memref<128x128xf32, #tpu.memory_space<vmem>>, vector<16xf32>,
        %add3A_1020 = arith.addf %scan3A_773, %add3A_1010 : vector<16xf32>
        %mul3A_1021 = arith.mulf %add3A_1010, %add3A_1010 : vector<16xf32>
        %add3A_1022 = arith.addf %scan3A_774, %mul3A_1021 : vector<16xf32>
        %add3A_1023 = arith.constant 8 : i32
        %add3A_1024 = arith.addi %mul3A_794, %add3A_1023 : i32
        %get3A_1025 = arith.constant 0 : i32
        %get3A_1026 = arith.constant 0 : i32
        %get3A_1027 = tpu.memref_slice %arg16[%scan3A_383, %get3A_1025, %get3A_1026] : memref<1x128x128xf32, #tpu.memory_space<vmem>> -> memref<1x128x128xf32, #tpu.memory_space<vmem>>
        %get3A_1028 = tpu.memref_squeeze %get3A_1027 : memref<1x128x128xf32, #tpu.memory_space<vmem>> -> memref<128x128xf32, #tpu.memory_space<vmem>>
        %get3A_1029 = arith.index_cast %add3A_1024 : i32 to index
        %get3A_1030 = arith.index_cast %mul3A_798 : i32 to index
        %get3A_1031 = tpu.vector_load %get3A_1028[%get3A_1029, %get3A_1030] {strides = array<i32>} : memref<128x128xf32, #tpu.memory_space<vmem>>, vector<16xf32>,
        %shift_right_arithmetic3A_1032 = arith.constant 3 : i32
        %shift_right_arithmetic3A_1033 = arith.shrsi %scan3A_758, %shift_right_arithmetic3A_1032 : i32
        %add3A_1034 = arith.addi %squeeze3A_344, %shift_right_arithmetic3A_1033 : i32
        %get3A_1035 = arith.index_cast %add3A_1034 : i32 to index
        %get3A_1036 = arith.index_cast %mul3A_798 : i32 to index
        %get3A_1037 = tpu.vector_load %arg20[%get3A_1035, %get3A_1036] {strides = array<i32>} : memref<16x128xf32, #tpu.memory_space<vmem>>, vector<16xf32>,
        %add3A_1038 = arith.addf %get3A_1031, %get3A_1037 : vector<16xf32>
        %add3A_1039 = arith.constant 8 : i32
        %add3A_1040 = arith.addi %mul3A_794, %add3A_1039 : i32
        %swap3A_1041 = arith.constant 0 : i32
        %swap3A_1042 = arith.constant 0 : i32
        %swap3A_1043 = tpu.memref_slice %arg16[%scan3A_383, %swap3A_1041, %swap3A_1042] : memref<1x128x128xf32, #tpu.memory_space<vmem>> -> memref<1x128x128xf32, #tpu.memory_space<vmem>>
        %swap3A_1044 = tpu.memref_squeeze %swap3A_1043 : memref<1x128x128xf32, #tpu.memory_space<vmem>> -> memref<128x128xf32, #tpu.memory_space<vmem>>
        %swap3A_1045 = arith.index_cast %add3A_1040 : i32 to index
        %swap3A_1046 = arith.index_cast %mul3A_798 : i32 to index
        %swap3A_1047 = tpu.vector_load %swap3A_1044[%swap3A_1045, %swap3A_1046] {strides = array<i32>} : memref<128x128xf32, #tpu.memory_space<vmem>>, vector<16xf32>,
        tpu.vector_store %swap3A_1044[%swap3A_1045, %swap3A_1046], %add3A_1038 {strides = array<i32>} : memref<128x128xf32, #tpu.memory_space<vmem>>, vector<16xf32>,
        %add3A_1048 = arith.addf %scan3A_775, %add3A_1038 : vector<16xf32>
        %mul3A_1049 = arith.mulf %add3A_1038, %add3A_1038 : vector<16xf32>
        %add3A_1050 = arith.addf %scan3A_776, %mul3A_1049 : vector<16xf32>
        %add3A_1051 = arith.constant 9 : i32
        %add3A_1052 = arith.addi %mul3A_794, %add3A_1051 : i32
        %get3A_1053 = arith.constant 0 : i32
        %get3A_1054 = arith.constant 0 : i32
        %get3A_1055 = tpu.memref_slice %arg16[%scan3A_383, %get3A_1053, %get3A_1054] : memref<1x128x128xf32, #tpu.memory_space<vmem>> -> memref<1x128x128xf32, #tpu.memory_space<vmem>>
        %get3A_1056 = tpu.memref_squeeze %get3A_1055 : memref<1x128x128xf32, #tpu.memory_space<vmem>> -> memref<128x128xf32, #tpu.memory_space<vmem>>
        %get3A_1057 = arith.index_cast %add3A_1052 : i32 to index
        %get3A_1058 = arith.index_cast %mul3A_798 : i32 to index
        %get3A_1059 = tpu.vector_load %get3A_1056[%get3A_1057, %get3A_1058] {strides = array<i32>} : memref<128x128xf32, #tpu.memory_space<vmem>>, vector<16xf32>,
        %shift_right_arithmetic3A_1060 = arith.constant 3 : i32
        %shift_right_arithmetic3A_1061 = arith.shrsi %scan3A_758, %shift_right_arithmetic3A_1060 : i32
        %add3A_1062 = arith.addi %squeeze3A_346, %shift_right_arithmetic3A_1061 : i32
        %get3A_1063 = arith.index_cast %add3A_1062 : i32 to index
        %get3A_1064 = arith.index_cast %mul3A_798 : i32 to index
        %get3A_1065 = tpu.vector_load %arg20[%get3A_1063, %get3A_1064] {strides = array<i32>} : memref<16x128xf32, #tpu.memory_space<vmem>>, vector<16xf32>,
        %add3A_1066 = arith.addf %get3A_1059, %get3A_1065 : vector<16xf32>
        %add3A_1067 = arith.constant 9 : i32
        %add3A_1068 = arith.addi %mul3A_794, %add3A_1067 : i32
        %swap3A_1069 = arith.constant 0 : i32
        %swap3A_1070 = arith.constant 0 : i32
        %swap3A_1071 = tpu.memref_slice %arg16[%scan3A_383, %swap3A_1069, %swap3A_1070] : memref<1x128x128xf32, #tpu.memory_space<vmem>> -> memref<1x128x128xf32, #tpu.memory_space<vmem>>
        %swap3A_1072 = tpu.memref_squeeze %swap3A_1071 : memref<1x128x128xf32, #tpu.memory_space<vmem>> -> memref<128x128xf32, #tpu.memory_space<vmem>>
        %swap3A_1073 = arith.index_cast %add3A_1068 : i32 to index
        %swap3A_1074 = arith.index_cast %mul3A_798 : i32 to index
        %swap3A_1075 = tpu.vector_load %swap3A_1072[%swap3A_1073, %swap3A_1074] {strides = array<i32>} : memref<128x128xf32, #tpu.memory_space<vmem>>, vector<16xf32>,
        tpu.vector_store %swap3A_1072[%swap3A_1073, %swap3A_1074], %add3A_1066 {strides = array<i32>} : memref<128x128xf32, #tpu.memory_space<vmem>>, vector<16xf32>,
        %add3A_1076 = arith.addf %scan3A_777, %add3A_1066 : vector<16xf32>
        %mul3A_1077 = arith.mulf %add3A_1066, %add3A_1066 : vector<16xf32>
        %add3A_1078 = arith.addf %scan3A_778, %mul3A_1077 : vector<16xf32>
        %add3A_1079 = arith.constant 10 : i32
        %add3A_1080 = arith.addi %mul3A_794, %add3A_1079 : i32
        %get3A_1081 = arith.constant 0 : i32
        %get3A_1082 = arith.constant 0 : i32
        %get3A_1083 = tpu.memref_slice %arg16[%scan3A_383, %get3A_1081, %get3A_1082] : memref<1x128x128xf32, #tpu.memory_space<vmem>> -> memref<1x128x128xf32, #tpu.memory_space<vmem>>
        %get3A_1084 = tpu.memref_squeeze %get3A_1083 : memref<1x128x128xf32, #tpu.memory_space<vmem>> -> memref<128x128xf32, #tpu.memory_space<vmem>>
        %get3A_1085 = arith.index_cast %add3A_1080 : i32 to index
        %get3A_1086 = arith.index_cast %mul3A_798 : i32 to index
        %get3A_1087 = tpu.vector_load %get3A_1084[%get3A_1085, %get3A_1086] {strides = array<i32>} : memref<128x128xf32, #tpu.memory_space<vmem>>, vector<16xf32>,
        %shift_right_arithmetic3A_1088 = arith.constant 3 : i32
        %shift_right_arithmetic3A_1089 = arith.shrsi %scan3A_758, %shift_right_arithmetic3A_1088 : i32
        %add3A_1090 = arith.addi %squeeze3A_348, %shift_right_arithmetic3A_1089 : i32
        %get3A_1091 = arith.index_cast %add3A_1090 : i32 to index
        %get3A_1092 = arith.index_cast %mul3A_798 : i32 to index
        %get3A_1093 = tpu.vector_load %arg20[%get3A_1091, %get3A_1092] {strides = array<i32>} : memref<16x128xf32, #tpu.memory_space<vmem>>, vector<16xf32>,
        %add3A_1094 = arith.addf %get3A_1087, %get3A_1093 : vector<16xf32>
        %add3A_1095 = arith.constant 10 : i32
        %add3A_1096 = arith.addi %mul3A_794, %add3A_1095 : i32
        %swap3A_1097 = arith.constant 0 : i32
        %swap3A_1098 = arith.constant 0 : i32
        %swap3A_1099 = tpu.memref_slice %arg16[%scan3A_383, %swap3A_1097, %swap3A_1098] : memref<1x128x128xf32, #tpu.memory_space<vmem>> -> memref<1x128x128xf32, #tpu.memory_space<vmem>>
        %swap3A_1100 = tpu.memref_squeeze %swap3A_1099 : memref<1x128x128xf32, #tpu.memory_space<vmem>> -> memref<128x128xf32, #tpu.memory_space<vmem>>
        %swap3A_1101 = arith.index_cast %add3A_1096 : i32 to index
        %swap3A_1102 = arith.index_cast %mul3A_798 : i32 to index
        %swap3A_1103 = tpu.vector_load %swap3A_1100[%swap3A_1101, %swap3A_1102] {strides = array<i32>} : memref<128x128xf32, #tpu.memory_space<vmem>>, vector<16xf32>,
        tpu.vector_store %swap3A_1100[%swap3A_1101, %swap3A_1102], %add3A_1094 {strides = array<i32>} : memref<128x128xf32, #tpu.memory_space<vmem>>, vector<16xf32>,
        %add3A_1104 = arith.addf %scan3A_779, %add3A_1094 : vector<16xf32>
        %mul3A_1105 = arith.mulf %add3A_1094, %add3A_1094 : vector<16xf32>
        %add3A_1106 = arith.addf %scan3A_780, %mul3A_1105 : vector<16xf32>
        %add3A_1107 = arith.constant 11 : i32
        %add3A_1108 = arith.addi %mul3A_794, %add3A_1107 : i32
        %get3A_1109 = arith.constant 0 : i32
        %get3A_1110 = arith.constant 0 : i32
        %get3A_1111 = tpu.memref_slice %arg16[%scan3A_383, %get3A_1109, %get3A_1110] : memref<1x128x128xf32, #tpu.memory_space<vmem>> -> memref<1x128x128xf32, #tpu.memory_space<vmem>>
        %get3A_1112 = tpu.memref_squeeze %get3A_1111 : memref<1x128x128xf32, #tpu.memory_space<vmem>> -> memref<128x128xf32, #tpu.memory_space<vmem>>
        %get3A_1113 = arith.index_cast %add3A_1108 : i32 to index
        %get3A_1114 = arith.index_cast %mul3A_798 : i32 to index
        %get3A_1115 = tpu.vector_load %get3A_1112[%get3A_1113, %get3A_1114] {strides = array<i32>} : memref<128x128xf32, #tpu.memory_space<vmem>>, vector<16xf32>,
        %shift_right_arithmetic3A_1116 = arith.constant 3 : i32
        %shift_right_arithmetic3A_1117 = arith.shrsi %scan3A_758, %shift_right_arithmetic3A_1116 : i32
        %add3A_1118 = arith.addi %squeeze3A_350, %shift_right_arithmetic3A_1117 : i32
        %get3A_1119 = arith.index_cast %add3A_1118 : i32 to index
        %get3A_1120 = arith.index_cast %mul3A_798 : i32 to index
        %get3A_1121 = tpu.vector_load %arg20[%get3A_1119, %get3A_1120] {strides = array<i32>} : memref<16x128xf32, #tpu.memory_space<vmem>>, vector<16xf32>,
        %add3A_1122 = arith.addf %get3A_1115, %get3A_1121 : vector<16xf32>
        %add3A_1123 = arith.constant 11 : i32
        %add3A_1124 = arith.addi %mul3A_794, %add3A_1123 : i32
        %swap3A_1125 = arith.constant 0 : i32
        %swap3A_1126 = arith.constant 0 : i32
        %swap3A_1127 = tpu.memref_slice %arg16[%scan3A_383, %swap3A_1125, %swap3A_1126] : memref<1x128x128xf32, #tpu.memory_space<vmem>> -> memref<1x128x128xf32, #tpu.memory_space<vmem>>
        %swap3A_1128 = tpu.memref_squeeze %swap3A_1127 : memref<1x128x128xf32, #tpu.memory_space<vmem>> -> memref<128x128xf32, #tpu.memory_space<vmem>>
        %swap3A_1129 = arith.index_cast %add3A_1124 : i32 to index
        %swap3A_1130 = arith.index_cast %mul3A_798 : i32 to index
        %swap3A_1131 = tpu.vector_load %swap3A_1128[%swap3A_1129, %swap3A_1130] {strides = array<i32>} : memref<128x128xf32, #tpu.memory_space<vmem>>, vector<16xf32>,
        tpu.vector_store %swap3A_1128[%swap3A_1129, %swap3A_1130], %add3A_1122 {strides = array<i32>} : memref<128x128xf32, #tpu.memory_space<vmem>>, vector<16xf32>,
        %add3A_1132 = arith.addf %scan3A_781, %add3A_1122 : vector<16xf32>
        %mul3A_1133 = arith.mulf %add3A_1122, %add3A_1122 : vector<16xf32>
        %add3A_1134 = arith.addf %scan3A_782, %mul3A_1133 : vector<16xf32>
        %add3A_1135 = arith.constant 12 : i32
        %add3A_1136 = arith.addi %mul3A_794, %add3A_1135 : i32
        %get3A_1137 = arith.constant 0 : i32
        %get3A_1138 = arith.constant 0 : i32
        %get3A_1139 = tpu.memref_slice %arg16[%scan3A_383, %get3A_1137, %get3A_1138] : memref<1x128x128xf32, #tpu.memory_space<vmem>> -> memref<1x128x128xf32, #tpu.memory_space<vmem>>
        %get3A_1140 = tpu.memref_squeeze %get3A_1139 : memref<1x128x128xf32, #tpu.memory_space<vmem>> -> memref<128x128xf32, #tpu.memory_space<vmem>>
        %get3A_1141 = arith.index_cast %add3A_1136 : i32 to index
        %get3A_1142 = arith.index_cast %mul3A_798 : i32 to index
        %get3A_1143 = tpu.vector_load %get3A_1140[%get3A_1141, %get3A_1142] {strides = array<i32>} : memref<128x128xf32, #tpu.memory_space<vmem>>, vector<16xf32>,
        %shift_right_arithmetic3A_1144 = arith.constant 3 : i32
        %shift_right_arithmetic3A_1145 = arith.shrsi %scan3A_758, %shift_right_arithmetic3A_1144 : i32
        %add3A_1146 = arith.addi %squeeze3A_352, %shift_right_arithmetic3A_1145 : i32
        %get3A_1147 = arith.index_cast %add3A_1146 : i32 to index
        %get3A_1148 = arith.index_cast %mul3A_798 : i32 to index
        %get3A_1149 = tpu.vector_load %arg20[%get3A_1147, %get3A_1148] {strides = array<i32>} : memref<16x128xf32, #tpu.memory_space<vmem>>, vector<16xf32>,
        %add3A_1150 = arith.addf %get3A_1143, %get3A_1149 : vector<16xf32>
        %add3A_1151 = arith.constant 12 : i32
        %add3A_1152 = arith.addi %mul3A_794, %add3A_1151 : i32
        %swap3A_1153 = arith.constant 0 : i32
        %swap3A_1154 = arith.constant 0 : i32
        %swap3A_1155 = tpu.memref_slice %arg16[%scan3A_383, %swap3A_1153, %swap3A_1154] : memref<1x128x128xf32, #tpu.memory_space<vmem>> -> memref<1x128x128xf32, #tpu.memory_space<vmem>>
        %swap3A_1156 = tpu.memref_squeeze %swap3A_1155 : memref<1x128x128xf32, #tpu.memory_space<vmem>> -> memref<128x128xf32, #tpu.memory_space<vmem>>
        %swap3A_1157 = arith.index_cast %add3A_1152 : i32 to index
        %swap3A_1158 = arith.index_cast %mul3A_798 : i32 to index
        %swap3A_1159 = tpu.vector_load %swap3A_1156[%swap3A_1157, %swap3A_1158] {strides = array<i32>} : memref<128x128xf32, #tpu.memory_space<vmem>>, vector<16xf32>,
        tpu.vector_store %swap3A_1156[%swap3A_1157, %swap3A_1158], %add3A_1150 {strides = array<i32>} : memref<128x128xf32, #tpu.memory_space<vmem>>, vector<16xf32>,
        %add3A_1160 = arith.addf %scan3A_783, %add3A_1150 : vector<16xf32>
        %mul3A_1161 = arith.mulf %add3A_1150, %add3A_1150 : vector<16xf32>
        %add3A_1162 = arith.addf %scan3A_784, %mul3A_1161 : vector<16xf32>
        %add3A_1163 = arith.constant 13 : i32
        %add3A_1164 = arith.addi %mul3A_794, %add3A_1163 : i32
        %get3A_1165 = arith.constant 0 : i32
        %get3A_1166 = arith.constant 0 : i32
        %get3A_1167 = tpu.memref_slice %arg16[%scan3A_383, %get3A_1165, %get3A_1166] : memref<1x128x128xf32, #tpu.memory_space<vmem>> -> memref<1x128x128xf32, #tpu.memory_space<vmem>>
        %get3A_1168 = tpu.memref_squeeze %get3A_1167 : memref<1x128x128xf32, #tpu.memory_space<vmem>> -> memref<128x128xf32, #tpu.memory_space<vmem>>
        %get3A_1169 = arith.index_cast %add3A_1164 : i32 to index
        %get3A_1170 = arith.index_cast %mul3A_798 : i32 to index
        %get3A_1171 = tpu.vector_load %get3A_1168[%get3A_1169, %get3A_1170] {strides = array<i32>} : memref<128x128xf32, #tpu.memory_space<vmem>>, vector<16xf32>,
        %shift_right_arithmetic3A_1172 = arith.constant 3 : i32
        %shift_right_arithmetic3A_1173 = arith.shrsi %scan3A_758, %shift_right_arithmetic3A_1172 : i32
        %add3A_1174 = arith.addi %squeeze3A_354, %shift_right_arithmetic3A_1173 : i32
        %get3A_1175 = arith.index_cast %add3A_1174 : i32 to index
        %get3A_1176 = arith.index_cast %mul3A_798 : i32 to index
        %get3A_1177 = tpu.vector_load %arg20[%get3A_1175, %get3A_1176] {strides = array<i32>} : memref<16x128xf32, #tpu.memory_space<vmem>>, vector<16xf32>,
        %add3A_1178 = arith.addf %get3A_1171, %get3A_1177 : vector<16xf32>
        %add3A_1179 = arith.constant 13 : i32
        %add3A_1180 = arith.addi %mul3A_794, %add3A_1179 : i32
        %swap3A_1181 = arith.constant 0 : i32
        %swap3A_1182 = arith.constant 0 : i32
        %swap3A_1183 = tpu.memref_slice %arg16[%scan3A_383, %swap3A_1181, %swap3A_1182] : memref<1x128x128xf32, #tpu.memory_space<vmem>> -> memref<1x128x128xf32, #tpu.memory_space<vmem>>
        %swap3A_1184 = tpu.memref_squeeze %swap3A_1183 : memref<1x128x128xf32, #tpu.memory_space<vmem>> -> memref<128x128xf32, #tpu.memory_space<vmem>>
        %swap3A_1185 = arith.index_cast %add3A_1180 : i32 to index
        %swap3A_1186 = arith.index_cast %mul3A_798 : i32 to index
        %swap3A_1187 = tpu.vector_load %swap3A_1184[%swap3A_1185, %swap3A_1186] {strides = array<i32>} : memref<128x128xf32, #tpu.memory_space<vmem>>, vector<16xf32>,
        tpu.vector_store %swap3A_1184[%swap3A_1185, %swap3A_1186], %add3A_1178 {strides = array<i32>} : memref<128x128xf32, #tpu.memory_space<vmem>>, vector<16xf32>,
        %add3A_1188 = arith.addf %scan3A_785, %add3A_1178 : vector<16xf32>
        %mul3A_1189 = arith.mulf %add3A_1178, %add3A_1178 : vector<16xf32>
        %add3A_1190 = arith.addf %scan3A_786, %mul3A_1189 : vector<16xf32>
        %add3A_1191 = arith.constant 14 : i32
        %add3A_1192 = arith.addi %mul3A_794, %add3A_1191 : i32
        %get3A_1193 = arith.constant 0 : i32
        %get3A_1194 = arith.constant 0 : i32
        %get3A_1195 = tpu.memref_slice %arg16[%scan3A_383, %get3A_1193, %get3A_1194] : memref<1x128x128xf32, #tpu.memory_space<vmem>> -> memref<1x128x128xf32, #tpu.memory_space<vmem>>
        %get3A_1196 = tpu.memref_squeeze %get3A_1195 : memref<1x128x128xf32, #tpu.memory_space<vmem>> -> memref<128x128xf32, #tpu.memory_space<vmem>>
        %get3A_1197 = arith.index_cast %add3A_1192 : i32 to index
        %get3A_1198 = arith.index_cast %mul3A_798 : i32 to index
        %get3A_1199 = tpu.vector_load %get3A_1196[%get3A_1197, %get3A_1198] {strides = array<i32>} : memref<128x128xf32, #tpu.memory_space<vmem>>, vector<16xf32>,
        %shift_right_arithmetic3A_1200 = arith.constant 3 : i32
        %shift_right_arithmetic3A_1201 = arith.shrsi %scan3A_758, %shift_right_arithmetic3A_1200 : i32
        %add3A_1202 = arith.addi %squeeze3A_356, %shift_right_arithmetic3A_1201 : i32
        %get3A_1203 = arith.index_cast %add3A_1202 : i32 to index
        %get3A_1204 = arith.index_cast %mul3A_798 : i32 to index
        %get3A_1205 = tpu.vector_load %arg20[%get3A_1203, %get3A_1204] {strides = array<i32>} : memref<16x128xf32, #tpu.memory_space<vmem>>, vector<16xf32>,
        %add3A_1206 = arith.addf %get3A_1199, %get3A_1205 : vector<16xf32>
        %add3A_1207 = arith.constant 14 : i32
        %add3A_1208 = arith.addi %mul3A_794, %add3A_1207 : i32
        %swap3A_1209 = arith.constant 0 : i32
        %swap3A_1210 = arith.constant 0 : i32
        %swap3A_1211 = tpu.memref_slice %arg16[%scan3A_383, %swap3A_1209, %swap3A_1210] : memref<1x128x128xf32, #tpu.memory_space<vmem>> -> memref<1x128x128xf32, #tpu.memory_space<vmem>>
        %swap3A_1212 = tpu.memref_squeeze %swap3A_1211 : memref<1x128x128xf32, #tpu.memory_space<vmem>> -> memref<128x128xf32, #tpu.memory_space<vmem>>
        %swap3A_1213 = arith.index_cast %add3A_1208 : i32 to index
        %swap3A_1214 = arith.index_cast %mul3A_798 : i32 to index
        %swap3A_1215 = tpu.vector_load %swap3A_1212[%swap3A_1213, %swap3A_1214] {strides = array<i32>} : memref<128x128xf32, #tpu.memory_space<vmem>>, vector<16xf32>,
        tpu.vector_store %swap3A_1212[%swap3A_1213, %swap3A_1214], %add3A_1206 {strides = array<i32>} : memref<128x128xf32, #tpu.memory_space<vmem>>, vector<16xf32>,
        %add3A_1216 = arith.addf %scan3A_787, %add3A_1206 : vector<16xf32>
        %mul3A_1217 = arith.mulf %add3A_1206, %add3A_1206 : vector<16xf32>
        %add3A_1218 = arith.addf %scan3A_788, %mul3A_1217 : vector<16xf32>
        %add3A_1219 = arith.constant 15 : i32
        %add3A_1220 = arith.addi %mul3A_794, %add3A_1219 : i32
        %get3A_1221 = arith.constant 0 : i32
        %get3A_1222 = arith.constant 0 : i32
        %get3A_1223 = tpu.memref_slice %arg16[%scan3A_383, %get3A_1221, %get3A_1222] : memref<1x128x128xf32, #tpu.memory_space<vmem>> -> memref<1x128x128xf32, #tpu.memory_space<vmem>>
        %get3A_1224 = tpu.memref_squeeze %get3A_1223 : memref<1x128x128xf32, #tpu.memory_space<vmem>> -> memref<128x128xf32, #tpu.memory_space<vmem>>
        %get3A_1225 = arith.index_cast %add3A_1220 : i32 to index
        %get3A_1226 = arith.index_cast %mul3A_798 : i32 to index
        %get3A_1227 = tpu.vector_load %get3A_1224[%get3A_1225, %get3A_1226] {strides = array<i32>} : memref<128x128xf32, #tpu.memory_space<vmem>>, vector<16xf32>,
        %shift_right_arithmetic3A_1228 = arith.constant 3 : i32
        %shift_right_arithmetic3A_1229 = arith.shrsi %scan3A_758, %shift_right_arithmetic3A_1228 : i32
        %add3A_1230 = arith.addi %squeeze3A_358, %shift_right_arithmetic3A_1229 : i32
        %get3A_1231 = arith.index_cast %add3A_1230 : i32 to index
        %get3A_1232 = arith.index_cast %mul3A_798 : i32 to index
        %get3A_1233 = tpu.vector_load %arg20[%get3A_1231, %get3A_1232] {strides = array<i32>} : memref<16x128xf32, #tpu.memory_space<vmem>>, vector<16xf32>,
        %add3A_1234 = arith.addf %get3A_1227, %get3A_1233 : vector<16xf32>
        %add3A_1235 = arith.constant 15 : i32
        %add3A_1236 = arith.addi %mul3A_794, %add3A_1235 : i32
        %swap3A_1237 = arith.constant 0 : i32
        %swap3A_1238 = arith.constant 0 : i32
        %swap3A_1239 = tpu.memref_slice %arg16[%scan3A_383, %swap3A_1237, %swap3A_1238] : memref<1x128x128xf32, #tpu.memory_space<vmem>> -> memref<1x128x128xf32, #tpu.memory_space<vmem>>
        %swap3A_1240 = tpu.memref_squeeze %swap3A_1239 : memref<1x128x128xf32, #tpu.memory_space<vmem>> -> memref<128x128xf32, #tpu.memory_space<vmem>>
        %swap3A_1241 = arith.index_cast %add3A_1236 : i32 to index
        %swap3A_1242 = arith.index_cast %mul3A_798 : i32 to index
        %swap3A_1243 = tpu.vector_load %swap3A_1240[%swap3A_1241, %swap3A_1242] {strides = array<i32>} : memref<128x128xf32, #tpu.memory_space<vmem>>, vector<16xf32>,
        tpu.vector_store %swap3A_1240[%swap3A_1241, %swap3A_1242], %add3A_1234 {strides = array<i32>} : memref<128x128xf32, #tpu.memory_space<vmem>>, vector<16xf32>,
        %add3A_1244 = arith.addf %scan3A_789, %add3A_1234 : vector<16xf32>
        %mul3A_1245 = arith.mulf %add3A_1234, %add3A_1234 : vector<16xf32>
        %add3A_1246 = arith.addf %scan3A_790, %mul3A_1245 : vector<16xf32>
        scf.yield %add3A_824, %add3A_826, %add3A_852, %add3A_854, %add3A_880, %add3A_882, %add3A_908, %add3A_910, %add3A_936, %add3A_938, %add3A_964, %add3A_966, %add3A_992, %add3A_994, %add3A_1020, %add3A_1022, %add3A_1048, %add3A_1050, %add3A_1076, %add3A_1078, %add3A_1104, %add3A_1106, %add3A_1132, %add3A_1134, %add3A_1160, %add3A_1162, %add3A_1188, %add3A_1190, %add3A_1216, %add3A_1218, %add3A_1244, %add3A_1246 : vector<16xf32>, vector<16xf32>, vector<16xf32>, vector<16xf32>, vector<16xf32>, vector<16xf32>, vector<16xf32>, vector<16xf32>, vector<16xf32>, vector<16xf32>, vector<16xf32>, vector<16xf32>, vector<16xf32>, vector<16xf32>, vector<16xf32>, vector<16xf32>, vector<16xf32>, vector<16xf32>, vector<16xf32>, vector<16xf32>, vector<16xf32>, vector<16xf32>, vector<16xf32>, vector<16xf32>, vector<16xf32>, vector<16xf32>, vector<16xf32>, vector<16xf32>, vector<16xf32>, vector<16xf32>, vector<16xf32>, vector<16xf32>
      }
      %scan3A_389 = arith.constant 64 : i32
      %swap3A_390 = arith.constant 0 : i32
      %swap3A_391 = arith.index_cast %swap3A_390 : i32 to index
      %swap3A_392 = arith.constant 0 : index
      %swap3A_393 = tpu.vector_load %arg23[%swap3A_391, %swap3A_392] {strides = array<i32>} : memref<2x256xf32, #tpu.memory_space<vmem>>, vector<16xf32>,
      tpu.vector_store %arg23[%swap3A_391, %swap3A_392], %scan3A_388#0 {strides = array<i32>} : memref<2x256xf32, #tpu.memory_space<vmem>>, vector<16xf32>,
      %swap3A_394 = arith.constant 1 : i32
      %swap3A_395 = arith.index_cast %swap3A_394 : i32 to index
      %swap3A_396 = arith.constant 0 : index
      %swap3A_397 = tpu.vector_load %arg23[%swap3A_395, %swap3A_396] {strides = array<i32>} : memref<2x256xf32, #tpu.memory_space<vmem>>, vector<16xf32>,
      tpu.vector_store %arg23[%swap3A_395, %swap3A_396], %scan3A_388#1 {strides = array<i32>} : memref<2x256xf32, #tpu.memory_space<vmem>>, vector<16xf32>,
      %swap3A_398 = arith.constant 0 : i32
      %swap3A_399 = arith.index_cast %swap3A_398 : i32 to index
      %swap3A_400 = arith.constant 16 : index
      %swap3A_401 = tpu.vector_load %arg23[%swap3A_399, %swap3A_400] {strides = array<i32>} : memref<2x256xf32, #tpu.memory_space<vmem>>, vector<16xf32>,
      tpu.vector_store %arg23[%swap3A_399, %swap3A_400], %scan3A_388#2 {strides = array<i32>} : memref<2x256xf32, #tpu.memory_space<vmem>>, vector<16xf32>,
      %swap3A_402 = arith.constant 1 : i32
      %swap3A_403 = arith.index_cast %swap3A_402 : i32 to index
      %swap3A_404 = arith.constant 16 : index
      %swap3A_405 = tpu.vector_load %arg23[%swap3A_403, %swap3A_404] {strides = array<i32>} : memref<2x256xf32, #tpu.memory_space<vmem>>, vector<16xf32>,
      tpu.vector_store %arg23[%swap3A_403, %swap3A_404], %scan3A_388#3 {strides = array<i32>} : memref<2x256xf32, #tpu.memory_space<vmem>>, vector<16xf32>,
      %swap3A_406 = arith.constant 0 : i32
      %swap3A_407 = arith.index_cast %swap3A_406 : i32 to index
      %swap3A_408 = arith.constant 32 : index
      %swap3A_409 = tpu.vector_load %arg23[%swap3A_407, %swap3A_408] {strides = array<i32>} : memref<2x256xf32, #tpu.memory_space<vmem>>, vector<16xf32>,
      tpu.vector_store %arg23[%swap3A_407, %swap3A_408], %scan3A_388#4 {strides = array<i32>} : memref<2x256xf32, #tpu.memory_space<vmem>>, vector<16xf32>,
      %swap3A_410 = arith.constant 1 : i32
      %swap3A_411 = arith.index_cast %swap3A_410 : i32 to index
      %swap3A_412 = arith.constant 32 : index
      %swap3A_413 = tpu.vector_load %arg23[%swap3A_411, %swap3A_412] {strides = array<i32>} : memref<2x256xf32, #tpu.memory_space<vmem>>, vector<16xf32>,
      tpu.vector_store %arg23[%swap3A_411, %swap3A_412], %scan3A_388#5 {strides = array<i32>} : memref<2x256xf32, #tpu.memory_space<vmem>>, vector<16xf32>,
      %swap3A_414 = arith.constant 0 : i32
      %swap3A_415 = arith.index_cast %swap3A_414 : i32 to index
      %swap3A_416 = arith.constant 48 : index
      %swap3A_417 = tpu.vector_load %arg23[%swap3A_415, %swap3A_416] {strides = array<i32>} : memref<2x256xf32, #tpu.memory_space<vmem>>, vector<16xf32>,
      tpu.vector_store %arg23[%swap3A_415, %swap3A_416], %scan3A_388#6 {strides = array<i32>} : memref<2x256xf32, #tpu.memory_space<vmem>>, vector<16xf32>,
      %swap3A_418 = arith.constant 1 : i32
      %swap3A_419 = arith.index_cast %swap3A_418 : i32 to index
      %swap3A_420 = arith.constant 48 : index
      %swap3A_421 = tpu.vector_load %arg23[%swap3A_419, %swap3A_420] {strides = array<i32>} : memref<2x256xf32, #tpu.memory_space<vmem>>, vector<16xf32>,
      tpu.vector_store %arg23[%swap3A_419, %swap3A_420], %scan3A_388#7 {strides = array<i32>} : memref<2x256xf32, #tpu.memory_space<vmem>>, vector<16xf32>,
      %swap3A_422 = arith.constant 0 : i32
      %swap3A_423 = arith.index_cast %swap3A_422 : i32 to index
      %swap3A_424 = arith.constant 64 : index
      %swap3A_425 = tpu.vector_load %arg23[%swap3A_423, %swap3A_424] {strides = array<i32>} : memref<2x256xf32, #tpu.memory_space<vmem>>, vector<16xf32>,
      tpu.vector_store %arg23[%swap3A_423, %swap3A_424], %scan3A_388#8 {strides = array<i32>} : memref<2x256xf32, #tpu.memory_space<vmem>>, vector<16xf32>,
      %swap3A_426 = arith.constant 1 : i32
      %swap3A_427 = arith.index_cast %swap3A_426 : i32 to index
      %swap3A_428 = arith.constant 64 : index
      %swap3A_429 = tpu.vector_load %arg23[%swap3A_427, %swap3A_428] {strides = array<i32>} : memref<2x256xf32, #tpu.memory_space<vmem>>, vector<16xf32>,
      tpu.vector_store %arg23[%swap3A_427, %swap3A_428], %scan3A_388#9 {strides = array<i32>} : memref<2x256xf32, #tpu.memory_space<vmem>>, vector<16xf32>,
      %swap3A_430 = arith.constant 0 : i32
      %swap3A_431 = arith.index_cast %swap3A_430 : i32 to index
      %swap3A_432 = arith.constant 80 : index
      %swap3A_433 = tpu.vector_load %arg23[%swap3A_431, %swap3A_432] {strides = array<i32>} : memref<2x256xf32, #tpu.memory_space<vmem>>, vector<16xf32>,
      tpu.vector_store %arg23[%swap3A_431, %swap3A_432], %scan3A_388#10 {strides = array<i32>} : memref<2x256xf32, #tpu.memory_space<vmem>>, vector<16xf32>,
      %swap3A_434 = arith.constant 1 : i32
      %swap3A_435 = arith.index_cast %swap3A_434 : i32 to index
      %swap3A_436 = arith.constant 80 : index
      %swap3A_437 = tpu.vector_load %arg23[%swap3A_435, %swap3A_436] {strides = array<i32>} : memref<2x256xf32, #tpu.memory_space<vmem>>, vector<16xf32>,
      tpu.vector_store %arg23[%swap3A_435, %swap3A_436], %scan3A_388#11 {strides = array<i32>} : memref<2x256xf32, #tpu.memory_space<vmem>>, vector<16xf32>,
      %swap3A_438 = arith.constant 0 : i32
      %swap3A_439 = arith.index_cast %swap3A_438 : i32 to index
      %swap3A_440 = arith.constant 96 : index
      %swap3A_441 = tpu.vector_load %arg23[%swap3A_439, %swap3A_440] {strides = array<i32>} : memref<2x256xf32, #tpu.memory_space<vmem>>, vector<16xf32>,
      tpu.vector_store %arg23[%swap3A_439, %swap3A_440], %scan3A_388#12 {strides = array<i32>} : memref<2x256xf32, #tpu.memory_space<vmem>>, vector<16xf32>,
      %swap3A_442 = arith.constant 1 : i32
      %swap3A_443 = arith.index_cast %swap3A_442 : i32 to index
      %swap3A_444 = arith.constant 96 : index
      %swap3A_445 = tpu.vector_load %arg23[%swap3A_443, %swap3A_444] {strides = array<i32>} : memref<2x256xf32, #tpu.memory_space<vmem>>, vector<16xf32>,
      tpu.vector_store %arg23[%swap3A_443, %swap3A_444], %scan3A_388#13 {strides = array<i32>} : memref<2x256xf32, #tpu.memory_space<vmem>>, vector<16xf32>,
      %swap3A_446 = arith.constant 0 : i32
      %swap3A_447 = arith.index_cast %swap3A_446 : i32 to index
      %swap3A_448 = arith.constant 112 : index
      %swap3A_449 = tpu.vector_load %arg23[%swap3A_447, %swap3A_448] {strides = array<i32>} : memref<2x256xf32, #tpu.memory_space<vmem>>, vector<16xf32>,
      tpu.vector_store %arg23[%swap3A_447, %swap3A_448], %scan3A_388#14 {strides = array<i32>} : memref<2x256xf32, #tpu.memory_space<vmem>>, vector<16xf32>,
      %swap3A_450 = arith.constant 1 : i32
      %swap3A_451 = arith.index_cast %swap3A_450 : i32 to index
      %swap3A_452 = arith.constant 112 : index
      %swap3A_453 = tpu.vector_load %arg23[%swap3A_451, %swap3A_452] {strides = array<i32>} : memref<2x256xf32, #tpu.memory_space<vmem>>, vector<16xf32>,
      tpu.vector_store %arg23[%swap3A_451, %swap3A_452], %scan3A_388#15 {strides = array<i32>} : memref<2x256xf32, #tpu.memory_space<vmem>>, vector<16xf32>,
      %swap3A_454 = arith.constant 0 : i32
      %swap3A_455 = arith.index_cast %swap3A_454 : i32 to index
      %swap3A_456 = arith.constant 128 : index
      %swap3A_457 = tpu.vector_load %arg23[%swap3A_455, %swap3A_456] {strides = array<i32>} : memref<2x256xf32, #tpu.memory_space<vmem>>, vector<16xf32>,
      tpu.vector_store %arg23[%swap3A_455, %swap3A_456], %scan3A_388#16 {strides = array<i32>} : memref<2x256xf32, #tpu.memory_space<vmem>>, vector<16xf32>,
      %swap3A_458 = arith.constant 1 : i32
      %swap3A_459 = arith.index_cast %swap3A_458 : i32 to index
      %swap3A_460 = arith.constant 128 : index
      %swap3A_461 = tpu.vector_load %arg23[%swap3A_459, %swap3A_460] {strides = array<i32>} : memref<2x256xf32, #tpu.memory_space<vmem>>, vector<16xf32>,
      tpu.vector_store %arg23[%swap3A_459, %swap3A_460], %scan3A_388#17 {strides = array<i32>} : memref<2x256xf32, #tpu.memory_space<vmem>>, vector<16xf32>,
      %swap3A_462 = arith.constant 0 : i32
      %swap3A_463 = arith.index_cast %swap3A_462 : i32 to index
      %swap3A_464 = arith.constant 144 : index
      %swap3A_465 = tpu.vector_load %arg23[%swap3A_463, %swap3A_464] {strides = array<i32>} : memref<2x256xf32, #tpu.memory_space<vmem>>, vector<16xf32>,
      tpu.vector_store %arg23[%swap3A_463, %swap3A_464], %scan3A_388#18 {strides = array<i32>} : memref<2x256xf32, #tpu.memory_space<vmem>>, vector<16xf32>,
      %swap3A_466 = arith.constant 1 : i32
      %swap3A_467 = arith.index_cast %swap3A_466 : i32 to index
      %swap3A_468 = arith.constant 144 : index
      %swap3A_469 = tpu.vector_load %arg23[%swap3A_467, %swap3A_468] {strides = array<i32>} : memref<2x256xf32, #tpu.memory_space<vmem>>, vector<16xf32>,
      tpu.vector_store %arg23[%swap3A_467, %swap3A_468], %scan3A_388#19 {strides = array<i32>} : memref<2x256xf32, #tpu.memory_space<vmem>>, vector<16xf32>,
      %swap3A_470 = arith.constant 0 : i32
      %swap3A_471 = arith.index_cast %swap3A_470 : i32 to index
      %swap3A_472 = arith.constant 160 : index
      %swap3A_473 = tpu.vector_load %arg23[%swap3A_471, %swap3A_472] {strides = array<i32>} : memref<2x256xf32, #tpu.memory_space<vmem>>, vector<16xf32>,
      tpu.vector_store %arg23[%swap3A_471, %swap3A_472], %scan3A_388#20 {strides = array<i32>} : memref<2x256xf32, #tpu.memory_space<vmem>>, vector<16xf32>,
      %swap3A_474 = arith.constant 1 : i32
      %swap3A_475 = arith.index_cast %swap3A_474 : i32 to index
      %swap3A_476 = arith.constant 160 : index
      %swap3A_477 = tpu.vector_load %arg23[%swap3A_475, %swap3A_476] {strides = array<i32>} : memref<2x256xf32, #tpu.memory_space<vmem>>, vector<16xf32>,
      tpu.vector_store %arg23[%swap3A_475, %swap3A_476], %scan3A_388#21 {strides = array<i32>} : memref<2x256xf32, #tpu.memory_space<vmem>>, vector<16xf32>,
      %swap3A_478 = arith.constant 0 : i32
      %swap3A_479 = arith.index_cast %swap3A_478 : i32 to index
      %swap3A_480 = arith.constant 176 : index
      %swap3A_481 = tpu.vector_load %arg23[%swap3A_479, %swap3A_480] {strides = array<i32>} : memref<2x256xf32, #tpu.memory_space<vmem>>, vector<16xf32>,
      tpu.vector_store %arg23[%swap3A_479, %swap3A_480], %scan3A_388#22 {strides = array<i32>} : memref<2x256xf32, #tpu.memory_space<vmem>>, vector<16xf32>,
      %swap3A_482 = arith.constant 1 : i32
      %swap3A_483 = arith.index_cast %swap3A_482 : i32 to index
      %swap3A_484 = arith.constant 176 : index
      %swap3A_485 = tpu.vector_load %arg23[%swap3A_483, %swap3A_484] {strides = array<i32>} : memref<2x256xf32, #tpu.memory_space<vmem>>, vector<16xf32>,
      tpu.vector_store %arg23[%swap3A_483, %swap3A_484], %scan3A_388#23 {strides = array<i32>} : memref<2x256xf32, #tpu.memory_space<vmem>>, vector<16xf32>,
      %swap3A_486 = arith.constant 0 : i32
      %swap3A_487 = arith.index_cast %swap3A_486 : i32 to index
      %swap3A_488 = arith.constant 192 : index
      %swap3A_489 = tpu.vector_load %arg23[%swap3A_487, %swap3A_488] {strides = array<i32>} : memref<2x256xf32, #tpu.memory_space<vmem>>, vector<16xf32>,
      tpu.vector_store %arg23[%swap3A_487, %swap3A_488], %scan3A_388#24 {strides = array<i32>} : memref<2x256xf32, #tpu.memory_space<vmem>>, vector<16xf32>,
      %swap3A_490 = arith.constant 1 : i32
      %swap3A_491 = arith.index_cast %swap3A_490 : i32 to index
      %swap3A_492 = arith.constant 192 : index
      %swap3A_493 = tpu.vector_load %arg23[%swap3A_491, %swap3A_492] {strides = array<i32>} : memref<2x256xf32, #tpu.memory_space<vmem>>, vector<16xf32>,
      tpu.vector_store %arg23[%swap3A_491, %swap3A_492], %scan3A_388#25 {strides = array<i32>} : memref<2x256xf32, #tpu.memory_space<vmem>>, vector<16xf32>,
      %swap3A_494 = arith.constant 0 : i32
      %swap3A_495 = arith.index_cast %swap3A_494 : i32 to index
      %swap3A_496 = arith.constant 208 : index
      %swap3A_497 = tpu.vector_load %arg23[%swap3A_495, %swap3A_496] {strides = array<i32>} : memref<2x256xf32, #tpu.memory_space<vmem>>, vector<16xf32>,
      tpu.vector_store %arg23[%swap3A_495, %swap3A_496], %scan3A_388#26 {strides = array<i32>} : memref<2x256xf32, #tpu.memory_space<vmem>>, vector<16xf32>,
      %swap3A_498 = arith.constant 1 : i32
      %swap3A_499 = arith.index_cast %swap3A_498 : i32 to index
      %swap3A_500 = arith.constant 208 : index
      %swap3A_501 = tpu.vector_load %arg23[%swap3A_499, %swap3A_500] {strides = array<i32>} : memref<2x256xf32, #tpu.memory_space<vmem>>, vector<16xf32>,
      tpu.vector_store %arg23[%swap3A_499, %swap3A_500], %scan3A_388#27 {strides = array<i32>} : memref<2x256xf32, #tpu.memory_space<vmem>>, vector<16xf32>,
      %swap3A_502 = arith.constant 0 : i32
      %swap3A_503 = arith.index_cast %swap3A_502 : i32 to index
      %swap3A_504 = arith.constant 224 : index
      %swap3A_505 = tpu.vector_load %arg23[%swap3A_503, %swap3A_504] {strides = array<i32>} : memref<2x256xf32, #tpu.memory_space<vmem>>, vector<16xf32>,
      tpu.vector_store %arg23[%swap3A_503, %swap3A_504], %scan3A_388#28 {strides = array<i32>} : memref<2x256xf32, #tpu.memory_space<vmem>>, vector<16xf32>,
      %swap3A_506 = arith.constant 1 : i32
      %swap3A_507 = arith.index_cast %swap3A_506 : i32 to index
      %swap3A_508 = arith.constant 224 : index
      %swap3A_509 = tpu.vector_load %arg23[%swap3A_507, %swap3A_508] {strides = array<i32>} : memref<2x256xf32, #tpu.memory_space<vmem>>, vector<16xf32>,
      tpu.vector_store %arg23[%swap3A_507, %swap3A_508], %scan3A_388#29 {strides = array<i32>} : memref<2x256xf32, #tpu.memory_space<vmem>>, vector<16xf32>,
      %swap3A_510 = arith.constant 0 : i32
      %swap3A_511 = arith.index_cast %swap3A_510 : i32 to index
      %swap3A_512 = arith.constant 240 : index
      %swap3A_513 = tpu.vector_load %arg23[%swap3A_511, %swap3A_512] {strides = array<i32>} : memref<2x256xf32, #tpu.memory_space<vmem>>, vector<16xf32>,
      tpu.vector_store %arg23[%swap3A_511, %swap3A_512], %scan3A_388#30 {strides = array<i32>} : memref<2x256xf32, #tpu.memory_space<vmem>>, vector<16xf32>,
      %swap3A_514 = arith.constant 1 : i32
      %swap3A_515 = arith.index_cast %swap3A_514 : i32 to index
      %swap3A_516 = arith.constant 240 : index
      %swap3A_517 = tpu.vector_load %arg23[%swap3A_515, %swap3A_516] {strides = array<i32>} : memref<2x256xf32, #tpu.memory_space<vmem>>, vector<16xf32>,
      tpu.vector_store %arg23[%swap3A_515, %swap3A_516], %scan3A_388#31 {strides = array<i32>} : memref<2x256xf32, #tpu.memory_space<vmem>>, vector<16xf32>,
      %parallel_loop3A = arith.constant 0 : i32
      %parallel_loop3A_518 = arith.constant 16 : i32
      %parallel_loop3A_519 = arith.constant 1 : i32
      scf.for %parallel_loop3A_758 = %parallel_loop3A to %parallel_loop3A_518 step %parallel_loop3A_519  : i32 {
        %parallel_loop3A_759 = arith.constant 16 : i32
        %parallel_loop3A_760 = arith.muli %parallel_loop3A_758, %parallel_loop3A_759 : i32
        %parallel_loop3A_761 = arith.constant 0 : i32
        %parallel_loop3A_762 = arith.index_cast %parallel_loop3A_761 : i32 to index
        %parallel_loop3A_763 = arith.index_cast %parallel_loop3A_760 : i32 to index
        %parallel_loop3A_764 = tpu.vector_load %arg23[%parallel_loop3A_762, %parallel_loop3A_763] {strides = array<i32>} : memref<2x256xf32, #tpu.memory_space<vmem>>, vector<16xf32>,
        %parallel_loop3A_765 = arith.constant true
        %parallel_loop3A_766 = vector.broadcast %parallel_loop3A_765 : i1 to vector<16xi1>
        %parallel_loop3A_767 = tpu.scan <sum>, %parallel_loop3A_764 masked %parallel_loop3A_766 : vector<16xf32>, vector<16xi1> -> vector<16xf32>
        %parallel_loop3A_768 = vector.extract %parallel_loop3A_767[15] : f32 from vector<16xf32>
        %parallel_loop3A_769 = arith.constant 16 : i32
        %parallel_loop3A_770 = arith.muli %parallel_loop3A_758, %parallel_loop3A_769 : i32
        %parallel_loop3A_771 = arith.constant 1 : i32
        %parallel_loop3A_772 = arith.index_cast %parallel_loop3A_771 : i32 to index
        %parallel_loop3A_773 = arith.index_cast %parallel_loop3A_770 : i32 to index
        %parallel_loop3A_774 = tpu.vector_load %arg23[%parallel_loop3A_772, %parallel_loop3A_773] {strides = array<i32>} : memref<2x256xf32, #tpu.memory_space<vmem>>, vector<16xf32>,
        %parallel_loop3A_775 = arith.constant true
        %parallel_loop3A_776 = vector.broadcast %parallel_loop3A_775 : i1 to vector<16xi1>
        %parallel_loop3A_777 = tpu.scan <sum>, %parallel_loop3A_774 masked %parallel_loop3A_776 : vector<16xf32>, vector<16xi1> -> vector<16xf32>
        %parallel_loop3A_778 = vector.extract %parallel_loop3A_777[15] : f32 from vector<16xf32>
        %parallel_loop3A_779 = arith.constant 9.765625E-4 : f32
        %parallel_loop3A_780 = arith.mulf %parallel_loop3A_768, %parallel_loop3A_779 : f32
        %parallel_loop3A_781 = arith.constant 9.765625E-4 : f32
        %parallel_loop3A_782 = arith.mulf %parallel_loop3A_778, %parallel_loop3A_781 : f32
        %parallel_loop3A_783 = arith.mulf %parallel_loop3A_780, %parallel_loop3A_780 : f32
        %parallel_loop3A_784 = arith.subf %parallel_loop3A_782, %parallel_loop3A_783 : f32
        %parallel_loop3A_785 = arith.constant 9.99999996E-13 : f32
        %parallel_loop3A_786 = arith.addf %parallel_loop3A_784, %parallel_loop3A_785 : f32
        %parallel_loop3A_787 = arith.bitcast %parallel_loop3A_786 : f32 to i32
        %parallel_loop3A_788 = arith.constant 1 : i32
        %parallel_loop3A_789 = arith.shrsi %parallel_loop3A_787, %parallel_loop3A_788 : i32
        %parallel_loop3A_790 = arith.constant 1597463007 : i32
        %parallel_loop3A_791 = arith.subi %parallel_loop3A_790, %parallel_loop3A_789 : i32
        %parallel_loop3A_792 = arith.bitcast %parallel_loop3A_791 : i32 to f32
        %parallel_loop3A_793 = arith.constant 5.000000e-01 : f32
        %parallel_loop3A_794 = arith.mulf %parallel_loop3A_793, %parallel_loop3A_786 : f32
        %parallel_loop3A_795 = arith.mulf %parallel_loop3A_794, %parallel_loop3A_792 : f32
        %parallel_loop3A_796 = arith.mulf %parallel_loop3A_795, %parallel_loop3A_792 : f32
        %parallel_loop3A_797 = arith.constant 1.500000e+00 : f32
        %parallel_loop3A_798 = arith.subf %parallel_loop3A_797, %parallel_loop3A_796 : f32
        %parallel_loop3A_799 = arith.mulf %parallel_loop3A_792, %parallel_loop3A_798 : f32
        %parallel_loop3A_800 = arith.constant 5.000000e-01 : f32
        %parallel_loop3A_801 = arith.mulf %parallel_loop3A_800, %parallel_loop3A_786 : f32
        %parallel_loop3A_802 = arith.mulf %parallel_loop3A_801, %parallel_loop3A_799 : f32
        %parallel_loop3A_803 = arith.mulf %parallel_loop3A_802, %parallel_loop3A_799 : f32
        %parallel_loop3A_804 = arith.constant 1.500000e+00 : f32
        %parallel_loop3A_805 = arith.subf %parallel_loop3A_804, %parallel_loop3A_803 : f32
        %parallel_loop3A_806 = arith.mulf %parallel_loop3A_799, %parallel_loop3A_805 : f32
        %parallel_loop3A_807 = arith.constant 5.000000e-01 : f32
        %parallel_loop3A_808 = arith.mulf %parallel_loop3A_807, %parallel_loop3A_786 : f32
        %parallel_loop3A_809 = arith.mulf %parallel_loop3A_808, %parallel_loop3A_806 : f32
        %parallel_loop3A_810 = arith.mulf %parallel_loop3A_809, %parallel_loop3A_806 : f32
        %parallel_loop3A_811 = arith.constant 1.500000e+00 : f32
        %parallel_loop3A_812 = arith.subf %parallel_loop3A_811, %parallel_loop3A_810 : f32
        %parallel_loop3A_813 = arith.mulf %parallel_loop3A_806, %parallel_loop3A_812 : f32
        %parallel_loop3A_814 = arith.constant 0 : i32
        %parallel_loop3A_815 = arith.index_cast %parallel_loop3A_814 : i32 to index
        %parallel_loop3A_816 = arith.index_cast %parallel_loop3A_758 : i32 to index
        %parallel_loop3A_817 = memref.load %arg24[%parallel_loop3A_815, %parallel_loop3A_816] : memref<2x16xf32, #tpu.memory_space<smem>>
        memref.store %parallel_loop3A_813, %arg24[%parallel_loop3A_815, %parallel_loop3A_816] : memref<2x16xf32, #tpu.memory_space<smem>>
        %parallel_loop3A_818 = arith.mulf %parallel_loop3A_780, %parallel_loop3A_813 : f32
        %parallel_loop3A_819 = arith.constant 1 : i32
        %parallel_loop3A_820 = arith.index_cast %parallel_loop3A_819 : i32 to index
        %parallel_loop3A_821 = arith.index_cast %parallel_loop3A_758 : i32 to index
        %parallel_loop3A_822 = memref.load %arg24[%parallel_loop3A_820, %parallel_loop3A_821] : memref<2x16xf32, #tpu.memory_space<smem>>
        memref.store %parallel_loop3A_818, %arg24[%parallel_loop3A_820, %parallel_loop3A_821] : memref<2x16xf32, #tpu.memory_space<smem>>
      } {sc.loop_unroll_factor = 2 : i64, sc.parallel_access}
      %parallel_loop3A_520 = arith.constant 0 : i32
      %parallel_loop3A_521 = arith.constant 8 : i32
      %parallel_loop3A_522 = arith.constant 1 : i32
      %parallel_loop3A_523 = arith.constant 0 : i32
      scf.for %parallel_loop3A_758 = %parallel_loop3A_520 to %parallel_loop3A_521 step %parallel_loop3A_522  : i32 {
        %parallel_loop3A_759 = arith.constant 128 : i32
        %parallel_loop3A_760 = arith.muli %parallel_loop3A_758, %parallel_loop3A_759 : i32
        %parallel_loop3A_761 = arith.constant 0 : i32
        %parallel_loop3A_762 = arith.addi %parallel_loop3A_760, %parallel_loop3A_761 : i32
        %parallel_loop3A_763 = arith.index_cast %parallel_loop3A_762 : i32 to index
        %parallel_loop3A_764 = tpu.vector_load %arg21[%parallel_loop3A_763] {strides = array<i32>} : memref<1024xf32, #tpu.memory_space<vmem>>, vector<16xf32>,
        %parallel_loop3A_765 = arith.constant 128 : i32
        %parallel_loop3A_766 = arith.muli %parallel_loop3A_758, %parallel_loop3A_765 : i32
        %parallel_loop3A_767 = arith.constant 16 : i32
        %parallel_loop3A_768 = arith.addi %parallel_loop3A_766, %parallel_loop3A_767 : i32
        %parallel_loop3A_769 = arith.index_cast %parallel_loop3A_768 : i32 to index
        %parallel_loop3A_770 = tpu.vector_load %arg21[%parallel_loop3A_769] {strides = array<i32>} : memref<1024xf32, #tpu.memory_space<vmem>>, vector<16xf32>,
        %parallel_loop3A_771 = arith.constant 128 : i32
        %parallel_loop3A_772 = arith.muli %parallel_loop3A_758, %parallel_loop3A_771 : i32
        %parallel_loop3A_773 = arith.constant 32 : i32
        %parallel_loop3A_774 = arith.addi %parallel_loop3A_772, %parallel_loop3A_773 : i32
        %parallel_loop3A_775 = arith.index_cast %parallel_loop3A_774 : i32 to index
        %parallel_loop3A_776 = tpu.vector_load %arg21[%parallel_loop3A_775] {strides = array<i32>} : memref<1024xf32, #tpu.memory_space<vmem>>, vector<16xf32>,
        %parallel_loop3A_777 = arith.constant 128 : i32
        %parallel_loop3A_778 = arith.muli %parallel_loop3A_758, %parallel_loop3A_777 : i32
        %parallel_loop3A_779 = arith.constant 48 : i32
        %parallel_loop3A_780 = arith.addi %parallel_loop3A_778, %parallel_loop3A_779 : i32
        %parallel_loop3A_781 = arith.index_cast %parallel_loop3A_780 : i32 to index
        %parallel_loop3A_782 = tpu.vector_load %arg21[%parallel_loop3A_781] {strides = array<i32>} : memref<1024xf32, #tpu.memory_space<vmem>>, vector<16xf32>,
        %parallel_loop3A_783 = arith.constant 128 : i32
        %parallel_loop3A_784 = arith.muli %parallel_loop3A_758, %parallel_loop3A_783 : i32
        %parallel_loop3A_785 = arith.constant 64 : i32
        %parallel_loop3A_786 = arith.addi %parallel_loop3A_784, %parallel_loop3A_785 : i32
        %parallel_loop3A_787 = arith.index_cast %parallel_loop3A_786 : i32 to index
        %parallel_loop3A_788 = tpu.vector_load %arg21[%parallel_loop3A_787] {strides = array<i32>} : memref<1024xf32, #tpu.memory_space<vmem>>, vector<16xf32>,
        %parallel_loop3A_789 = arith.constant 128 : i32
        %parallel_loop3A_790 = arith.muli %parallel_loop3A_758, %parallel_loop3A_789 : i32
        %parallel_loop3A_791 = arith.constant 80 : i32
        %parallel_loop3A_792 = arith.addi %parallel_loop3A_790, %parallel_loop3A_791 : i32
        %parallel_loop3A_793 = arith.index_cast %parallel_loop3A_792 : i32 to index
        %parallel_loop3A_794 = tpu.vector_load %arg21[%parallel_loop3A_793] {strides = array<i32>} : memref<1024xf32, #tpu.memory_space<vmem>>, vector<16xf32>,
        %parallel_loop3A_795 = arith.constant 128 : i32
        %parallel_loop3A_796 = arith.muli %parallel_loop3A_758, %parallel_loop3A_795 : i32
        %parallel_loop3A_797 = arith.constant 96 : i32
        %parallel_loop3A_798 = arith.addi %parallel_loop3A_796, %parallel_loop3A_797 : i32
        %parallel_loop3A_799 = arith.index_cast %parallel_loop3A_798 : i32 to index
        %parallel_loop3A_800 = tpu.vector_load %arg21[%parallel_loop3A_799] {strides = array<i32>} : memref<1024xf32, #tpu.memory_space<vmem>>, vector<16xf32>,
        %parallel_loop3A_801 = arith.constant 128 : i32
        %parallel_loop3A_802 = arith.muli %parallel_loop3A_758, %parallel_loop3A_801 : i32
        %parallel_loop3A_803 = arith.constant 112 : i32
        %parallel_loop3A_804 = arith.addi %parallel_loop3A_802, %parallel_loop3A_803 : i32
        %parallel_loop3A_805 = arith.index_cast %parallel_loop3A_804 : i32 to index
        %parallel_loop3A_806 = tpu.vector_load %arg21[%parallel_loop3A_805] {strides = array<i32>} : memref<1024xf32, #tpu.memory_space<vmem>>, vector<16xf32>,
        %parallel_loop3A_807 = arith.constant 128 : i32
        %parallel_loop3A_808 = arith.muli %parallel_loop3A_758, %parallel_loop3A_807 : i32
        %parallel_loop3A_809 = arith.constant 0 : i32
        %parallel_loop3A_810 = arith.addi %parallel_loop3A_808, %parallel_loop3A_809 : i32
        %parallel_loop3A_811 = arith.index_cast %parallel_loop3A_810 : i32 to index
        %parallel_loop3A_812 = tpu.vector_load %arg22[%parallel_loop3A_811] {strides = array<i32>} : memref<1024xf32, #tpu.memory_space<vmem>>, vector<16xf32>,
        %parallel_loop3A_813 = arith.constant 128 : i32
        %parallel_loop3A_814 = arith.muli %parallel_loop3A_758, %parallel_loop3A_813 : i32
        %parallel_loop3A_815 = arith.constant 16 : i32
        %parallel_loop3A_816 = arith.addi %parallel_loop3A_814, %parallel_loop3A_815 : i32
        %parallel_loop3A_817 = arith.index_cast %parallel_loop3A_816 : i32 to index
        %parallel_loop3A_818 = tpu.vector_load %arg22[%parallel_loop3A_817] {strides = array<i32>} : memref<1024xf32, #tpu.memory_space<vmem>>, vector<16xf32>,
        %parallel_loop3A_819 = arith.constant 128 : i32
        %parallel_loop3A_820 = arith.muli %parallel_loop3A_758, %parallel_loop3A_819 : i32
        %parallel_loop3A_821 = arith.constant 32 : i32
        %parallel_loop3A_822 = arith.addi %parallel_loop3A_820, %parallel_loop3A_821 : i32
        %parallel_loop3A_823 = arith.index_cast %parallel_loop3A_822 : i32 to index
        %parallel_loop3A_824 = tpu.vector_load %arg22[%parallel_loop3A_823] {strides = array<i32>} : memref<1024xf32, #tpu.memory_space<vmem>>, vector<16xf32>,
        %parallel_loop3A_825 = arith.constant 128 : i32
        %parallel_loop3A_826 = arith.muli %parallel_loop3A_758, %parallel_loop3A_825 : i32
        %parallel_loop3A_827 = arith.constant 48 : i32
        %parallel_loop3A_828 = arith.addi %parallel_loop3A_826, %parallel_loop3A_827 : i32
        %parallel_loop3A_829 = arith.index_cast %parallel_loop3A_828 : i32 to index
        %parallel_loop3A_830 = tpu.vector_load %arg22[%parallel_loop3A_829] {strides = array<i32>} : memref<1024xf32, #tpu.memory_space<vmem>>, vector<16xf32>,
        %parallel_loop3A_831 = arith.constant 128 : i32
        %parallel_loop3A_832 = arith.muli %parallel_loop3A_758, %parallel_loop3A_831 : i32
        %parallel_loop3A_833 = arith.constant 64 : i32
        %parallel_loop3A_834 = arith.addi %parallel_loop3A_832, %parallel_loop3A_833 : i32
        %parallel_loop3A_835 = arith.index_cast %parallel_loop3A_834 : i32 to index
        %parallel_loop3A_836 = tpu.vector_load %arg22[%parallel_loop3A_835] {strides = array<i32>} : memref<1024xf32, #tpu.memory_space<vmem>>, vector<16xf32>,
        %parallel_loop3A_837 = arith.constant 128 : i32
        %parallel_loop3A_838 = arith.muli %parallel_loop3A_758, %parallel_loop3A_837 : i32
        %parallel_loop3A_839 = arith.constant 80 : i32
        %parallel_loop3A_840 = arith.addi %parallel_loop3A_838, %parallel_loop3A_839 : i32
        %parallel_loop3A_841 = arith.index_cast %parallel_loop3A_840 : i32 to index
        %parallel_loop3A_842 = tpu.vector_load %arg22[%parallel_loop3A_841] {strides = array<i32>} : memref<1024xf32, #tpu.memory_space<vmem>>, vector<16xf32>,
        %parallel_loop3A_843 = arith.constant 128 : i32
        %parallel_loop3A_844 = arith.muli %parallel_loop3A_758, %parallel_loop3A_843 : i32
        %parallel_loop3A_845 = arith.constant 96 : i32
        %parallel_loop3A_846 = arith.addi %parallel_loop3A_844, %parallel_loop3A_845 : i32
        %parallel_loop3A_847 = arith.index_cast %parallel_loop3A_846 : i32 to index
        %parallel_loop3A_848 = tpu.vector_load %arg22[%parallel_loop3A_847] {strides = array<i32>} : memref<1024xf32, #tpu.memory_space<vmem>>, vector<16xf32>,
        %parallel_loop3A_849 = arith.constant 128 : i32
        %parallel_loop3A_850 = arith.muli %parallel_loop3A_758, %parallel_loop3A_849 : i32
        %parallel_loop3A_851 = arith.constant 112 : i32
        %parallel_loop3A_852 = arith.addi %parallel_loop3A_850, %parallel_loop3A_851 : i32
        %parallel_loop3A_853 = arith.index_cast %parallel_loop3A_852 : i32 to index
        %parallel_loop3A_854 = tpu.vector_load %arg22[%parallel_loop3A_853] {strides = array<i32>} : memref<1024xf32, #tpu.memory_space<vmem>>, vector<16xf32>,
        %parallel_loop3A_855 = arith.constant 0 : i32
        %parallel_loop3A_856 = arith.constant 16 : i32
        %parallel_loop3A_857 = arith.constant 1 : i32
        scf.for %parallel_loop3A_858 = %parallel_loop3A_855 to %parallel_loop3A_856 step %parallel_loop3A_857  : i32 {
          %parallel_loop3A_859 = arith.constant 0 : i32
          %parallel_loop3A_860 = arith.index_cast %parallel_loop3A_859 : i32 to index
          %parallel_loop3A_861 = arith.index_cast %parallel_loop3A_858 : i32 to index
          %parallel_loop3A_862 = memref.load %arg24[%parallel_loop3A_860, %parallel_loop3A_861] : memref<2x16xf32, #tpu.memory_space<smem>>
          %parallel_loop3A_863 = arith.constant 1 : i32
          %parallel_loop3A_864 = arith.index_cast %parallel_loop3A_863 : i32 to index
          %parallel_loop3A_865 = arith.index_cast %parallel_loop3A_858 : i32 to index
          %parallel_loop3A_866 = memref.load %arg24[%parallel_loop3A_864, %parallel_loop3A_865] : memref<2x16xf32, #tpu.memory_space<smem>>
          %parallel_loop3A_867 = arith.constant 16 : i32
          %parallel_loop3A_868 = arith.muli %parallel_loop3A_758, %parallel_loop3A_867 : i32
          %parallel_loop3A_869 = arith.addi %parallel_loop3A_868, %parallel_loop3A_858 : i32
          %parallel_loop3A_870 = arith.constant 3 : i32
          %parallel_loop3A_871 = arith.shrsi %parallel_loop3A_858, %parallel_loop3A_870 : i32
          %parallel_loop3A_872 = arith.constant 64 : i32
          %parallel_loop3A_873 = arith.muli %parallel_loop3A_871, %parallel_loop3A_872 : i32
          %parallel_loop3A_874 = arith.constant 7 : i32
          %parallel_loop3A_875 = arith.andi %parallel_loop3A_858, %parallel_loop3A_874 : i32
          %parallel_loop3A_876 = arith.addi %parallel_loop3A_873, %parallel_loop3A_875 : i32
          %parallel_loop3A_877 = arith.constant 8 : i32
          %parallel_loop3A_878 = arith.muli %parallel_loop3A_758, %parallel_loop3A_877 : i32
          %parallel_loop3A_879 = arith.addi %parallel_loop3A_876, %parallel_loop3A_878 : i32
          %parallel_loop3A_880 = arith.constant 0 : i32
          %parallel_loop3A_881 = arith.constant 0 : i32
          %parallel_loop3A_882 = tpu.memref_slice %arg16[%parallel_loop3A_523, %parallel_loop3A_880, %parallel_loop3A_881] : memref<1x128x128xf32, #tpu.memory_space<vmem>> -> memref<1x128x128xf32, #tpu.memory_space<vmem>>
          %parallel_loop3A_883 = tpu.memref_squeeze %parallel_loop3A_882 : memref<1x128x128xf32, #tpu.memory_space<vmem>> -> memref<128x128xf32, #tpu.memory_space<vmem>>
          %parallel_loop3A_884 = arith.index_cast %parallel_loop3A_869 : i32 to index
          %parallel_loop3A_885 = arith.constant 0 : index
          %parallel_loop3A_886 = tpu.vector_load %parallel_loop3A_883[%parallel_loop3A_884, %parallel_loop3A_885] {strides = array<i32>} : memref<128x128xf32, #tpu.memory_space<vmem>>, vector<16xf32>,
          %parallel_loop3A_887 = vector.broadcast %parallel_loop3A_862 : f32 to vector<16xf32>
          %parallel_loop3A_888 = arith.mulf %parallel_loop3A_886, %parallel_loop3A_887 : vector<16xf32>
          %parallel_loop3A_889 = vector.broadcast %parallel_loop3A_866 : f32 to vector<16xf32>
          %parallel_loop3A_890 = arith.subf %parallel_loop3A_888, %parallel_loop3A_889 : vector<16xf32>
          %parallel_loop3A_891 = arith.mulf %parallel_loop3A_890, %parallel_loop3A_764 : vector<16xf32>
          %parallel_loop3A_892 = arith.addf %parallel_loop3A_891, %parallel_loop3A_812 : vector<16xf32>
          %parallel_loop3A_893 = arith.index_cast %parallel_loop3A_879 : i32 to index
          %parallel_loop3A_894 = arith.constant 0 : index
          %parallel_loop3A_895 = tpu.vector_load %arg18[%parallel_loop3A_893, %parallel_loop3A_894] {strides = array<i32>} : memref<128x128xf32, #tpu.memory_space<vmem>>, vector<16xf32>,
          tpu.vector_store %arg18[%parallel_loop3A_893, %parallel_loop3A_894], %parallel_loop3A_892 {strides = array<i32>} : memref<128x128xf32, #tpu.memory_space<vmem>>, vector<16xf32>,
          %parallel_loop3A_896 = arith.constant 0 : i32
          %parallel_loop3A_897 = arith.constant 0 : i32
          %parallel_loop3A_898 = tpu.memref_slice %arg16[%parallel_loop3A_523, %parallel_loop3A_896, %parallel_loop3A_897] : memref<1x128x128xf32, #tpu.memory_space<vmem>> -> memref<1x128x128xf32, #tpu.memory_space<vmem>>
          %parallel_loop3A_899 = tpu.memref_squeeze %parallel_loop3A_898 : memref<1x128x128xf32, #tpu.memory_space<vmem>> -> memref<128x128xf32, #tpu.memory_space<vmem>>
          %parallel_loop3A_900 = arith.index_cast %parallel_loop3A_869 : i32 to index
          %parallel_loop3A_901 = arith.constant 0 : index
          %parallel_loop3A_902 = tpu.vector_load %parallel_loop3A_899[%parallel_loop3A_900, %parallel_loop3A_901] {strides = array<i32>} : memref<128x128xf32, #tpu.memory_space<vmem>>, vector<16xf32>,
          tpu.vector_store %parallel_loop3A_899[%parallel_loop3A_900, %parallel_loop3A_901], %broadcast_in_dim3A_382 {strides = array<i32>} : memref<128x128xf32, #tpu.memory_space<vmem>>, vector<16xf32>,
          %parallel_loop3A_903 = arith.constant 0 : i32
          %parallel_loop3A_904 = arith.constant 0 : i32
          %parallel_loop3A_905 = tpu.memref_slice %arg16[%parallel_loop3A_523, %parallel_loop3A_903, %parallel_loop3A_904] : memref<1x128x128xf32, #tpu.memory_space<vmem>> -> memref<1x128x128xf32, #tpu.memory_space<vmem>>
          %parallel_loop3A_906 = tpu.memref_squeeze %parallel_loop3A_905 : memref<1x128x128xf32, #tpu.memory_space<vmem>> -> memref<128x128xf32, #tpu.memory_space<vmem>>
          %parallel_loop3A_907 = arith.index_cast %parallel_loop3A_869 : i32 to index
          %parallel_loop3A_908 = arith.constant 16 : index
          %parallel_loop3A_909 = tpu.vector_load %parallel_loop3A_906[%parallel_loop3A_907, %parallel_loop3A_908] {strides = array<i32>} : memref<128x128xf32, #tpu.memory_space<vmem>>, vector<16xf32>,
          %parallel_loop3A_910 = vector.broadcast %parallel_loop3A_862 : f32 to vector<16xf32>
          %parallel_loop3A_911 = arith.mulf %parallel_loop3A_909, %parallel_loop3A_910 : vector<16xf32>
          %parallel_loop3A_912 = vector.broadcast %parallel_loop3A_866 : f32 to vector<16xf32>
          %parallel_loop3A_913 = arith.subf %parallel_loop3A_911, %parallel_loop3A_912 : vector<16xf32>
          %parallel_loop3A_914 = arith.mulf %parallel_loop3A_913, %parallel_loop3A_770 : vector<16xf32>
          %parallel_loop3A_915 = arith.addf %parallel_loop3A_914, %parallel_loop3A_818 : vector<16xf32>
          %parallel_loop3A_916 = arith.index_cast %parallel_loop3A_879 : i32 to index
          %parallel_loop3A_917 = arith.constant 16 : index
          %parallel_loop3A_918 = tpu.vector_load %arg18[%parallel_loop3A_916, %parallel_loop3A_917] {strides = array<i32>} : memref<128x128xf32, #tpu.memory_space<vmem>>, vector<16xf32>,
          tpu.vector_store %arg18[%parallel_loop3A_916, %parallel_loop3A_917], %parallel_loop3A_915 {strides = array<i32>} : memref<128x128xf32, #tpu.memory_space<vmem>>, vector<16xf32>,
          %parallel_loop3A_919 = arith.constant 0 : i32
          %parallel_loop3A_920 = arith.constant 0 : i32
          %parallel_loop3A_921 = tpu.memref_slice %arg16[%parallel_loop3A_523, %parallel_loop3A_919, %parallel_loop3A_920] : memref<1x128x128xf32, #tpu.memory_space<vmem>> -> memref<1x128x128xf32, #tpu.memory_space<vmem>>
          %parallel_loop3A_922 = tpu.memref_squeeze %parallel_loop3A_921 : memref<1x128x128xf32, #tpu.memory_space<vmem>> -> memref<128x128xf32, #tpu.memory_space<vmem>>
          %parallel_loop3A_923 = arith.index_cast %parallel_loop3A_869 : i32 to index
          %parallel_loop3A_924 = arith.constant 16 : index
          %parallel_loop3A_925 = tpu.vector_load %parallel_loop3A_922[%parallel_loop3A_923, %parallel_loop3A_924] {strides = array<i32>} : memref<128x128xf32, #tpu.memory_space<vmem>>, vector<16xf32>,
          tpu.vector_store %parallel_loop3A_922[%parallel_loop3A_923, %parallel_loop3A_924], %broadcast_in_dim3A_382 {strides = array<i32>} : memref<128x128xf32, #tpu.memory_space<vmem>>, vector<16xf32>,
          %parallel_loop3A_926 = arith.constant 0 : i32
          %parallel_loop3A_927 = arith.constant 0 : i32
          %parallel_loop3A_928 = tpu.memref_slice %arg16[%parallel_loop3A_523, %parallel_loop3A_926, %parallel_loop3A_927] : memref<1x128x128xf32, #tpu.memory_space<vmem>> -> memref<1x128x128xf32, #tpu.memory_space<vmem>>
          %parallel_loop3A_929 = tpu.memref_squeeze %parallel_loop3A_928 : memref<1x128x128xf32, #tpu.memory_space<vmem>> -> memref<128x128xf32, #tpu.memory_space<vmem>>
          %parallel_loop3A_930 = arith.index_cast %parallel_loop3A_869 : i32 to index
          %parallel_loop3A_931 = arith.constant 32 : index
          %parallel_loop3A_932 = tpu.vector_load %parallel_loop3A_929[%parallel_loop3A_930, %parallel_loop3A_931] {strides = array<i32>} : memref<128x128xf32, #tpu.memory_space<vmem>>, vector<16xf32>,
          %parallel_loop3A_933 = vector.broadcast %parallel_loop3A_862 : f32 to vector<16xf32>
          %parallel_loop3A_934 = arith.mulf %parallel_loop3A_932, %parallel_loop3A_933 : vector<16xf32>
          %parallel_loop3A_935 = vector.broadcast %parallel_loop3A_866 : f32 to vector<16xf32>
          %parallel_loop3A_936 = arith.subf %parallel_loop3A_934, %parallel_loop3A_935 : vector<16xf32>
          %parallel_loop3A_937 = arith.mulf %parallel_loop3A_936, %parallel_loop3A_776 : vector<16xf32>
          %parallel_loop3A_938 = arith.addf %parallel_loop3A_937, %parallel_loop3A_824 : vector<16xf32>
          %parallel_loop3A_939 = arith.index_cast %parallel_loop3A_879 : i32 to index
          %parallel_loop3A_940 = arith.constant 32 : index
          %parallel_loop3A_941 = tpu.vector_load %arg18[%parallel_loop3A_939, %parallel_loop3A_940] {strides = array<i32>} : memref<128x128xf32, #tpu.memory_space<vmem>>, vector<16xf32>,
          tpu.vector_store %arg18[%parallel_loop3A_939, %parallel_loop3A_940], %parallel_loop3A_938 {strides = array<i32>} : memref<128x128xf32, #tpu.memory_space<vmem>>, vector<16xf32>,
          %parallel_loop3A_942 = arith.constant 0 : i32
          %parallel_loop3A_943 = arith.constant 0 : i32
          %parallel_loop3A_944 = tpu.memref_slice %arg16[%parallel_loop3A_523, %parallel_loop3A_942, %parallel_loop3A_943] : memref<1x128x128xf32, #tpu.memory_space<vmem>> -> memref<1x128x128xf32, #tpu.memory_space<vmem>>
          %parallel_loop3A_945 = tpu.memref_squeeze %parallel_loop3A_944 : memref<1x128x128xf32, #tpu.memory_space<vmem>> -> memref<128x128xf32, #tpu.memory_space<vmem>>
          %parallel_loop3A_946 = arith.index_cast %parallel_loop3A_869 : i32 to index
          %parallel_loop3A_947 = arith.constant 32 : index
          %parallel_loop3A_948 = tpu.vector_load %parallel_loop3A_945[%parallel_loop3A_946, %parallel_loop3A_947] {strides = array<i32>} : memref<128x128xf32, #tpu.memory_space<vmem>>, vector<16xf32>,
          tpu.vector_store %parallel_loop3A_945[%parallel_loop3A_946, %parallel_loop3A_947], %broadcast_in_dim3A_382 {strides = array<i32>} : memref<128x128xf32, #tpu.memory_space<vmem>>, vector<16xf32>,
          %parallel_loop3A_949 = arith.constant 0 : i32
          %parallel_loop3A_950 = arith.constant 0 : i32
          %parallel_loop3A_951 = tpu.memref_slice %arg16[%parallel_loop3A_523, %parallel_loop3A_949, %parallel_loop3A_950] : memref<1x128x128xf32, #tpu.memory_space<vmem>> -> memref<1x128x128xf32, #tpu.memory_space<vmem>>
          %parallel_loop3A_952 = tpu.memref_squeeze %parallel_loop3A_951 : memref<1x128x128xf32, #tpu.memory_space<vmem>> -> memref<128x128xf32, #tpu.memory_space<vmem>>
          %parallel_loop3A_953 = arith.index_cast %parallel_loop3A_869 : i32 to index
          %parallel_loop3A_954 = arith.constant 48 : index
          %parallel_loop3A_955 = tpu.vector_load %parallel_loop3A_952[%parallel_loop3A_953, %parallel_loop3A_954] {strides = array<i32>} : memref<128x128xf32, #tpu.memory_space<vmem>>, vector<16xf32>,
          %parallel_loop3A_956 = vector.broadcast %parallel_loop3A_862 : f32 to vector<16xf32>
          %parallel_loop3A_957 = arith.mulf %parallel_loop3A_955, %parallel_loop3A_956 : vector<16xf32>
          %parallel_loop3A_958 = vector.broadcast %parallel_loop3A_866 : f32 to vector<16xf32>
          %parallel_loop3A_959 = arith.subf %parallel_loop3A_957, %parallel_loop3A_958 : vector<16xf32>
          %parallel_loop3A_960 = arith.mulf %parallel_loop3A_959, %parallel_loop3A_782 : vector<16xf32>
          %parallel_loop3A_961 = arith.addf %parallel_loop3A_960, %parallel_loop3A_830 : vector<16xf32>
          %parallel_loop3A_962 = arith.index_cast %parallel_loop3A_879 : i32 to index
          %parallel_loop3A_963 = arith.constant 48 : index
          %parallel_loop3A_964 = tpu.vector_load %arg18[%parallel_loop3A_962, %parallel_loop3A_963] {strides = array<i32>} : memref<128x128xf32, #tpu.memory_space<vmem>>, vector<16xf32>,
          tpu.vector_store %arg18[%parallel_loop3A_962, %parallel_loop3A_963], %parallel_loop3A_961 {strides = array<i32>} : memref<128x128xf32, #tpu.memory_space<vmem>>, vector<16xf32>,
          %parallel_loop3A_965 = arith.constant 0 : i32
          %parallel_loop3A_966 = arith.constant 0 : i32
          %parallel_loop3A_967 = tpu.memref_slice %arg16[%parallel_loop3A_523, %parallel_loop3A_965, %parallel_loop3A_966] : memref<1x128x128xf32, #tpu.memory_space<vmem>> -> memref<1x128x128xf32, #tpu.memory_space<vmem>>
          %parallel_loop3A_968 = tpu.memref_squeeze %parallel_loop3A_967 : memref<1x128x128xf32, #tpu.memory_space<vmem>> -> memref<128x128xf32, #tpu.memory_space<vmem>>
          %parallel_loop3A_969 = arith.index_cast %parallel_loop3A_869 : i32 to index
          %parallel_loop3A_970 = arith.constant 48 : index
          %parallel_loop3A_971 = tpu.vector_load %parallel_loop3A_968[%parallel_loop3A_969, %parallel_loop3A_970] {strides = array<i32>} : memref<128x128xf32, #tpu.memory_space<vmem>>, vector<16xf32>,
          tpu.vector_store %parallel_loop3A_968[%parallel_loop3A_969, %parallel_loop3A_970], %broadcast_in_dim3A_382 {strides = array<i32>} : memref<128x128xf32, #tpu.memory_space<vmem>>, vector<16xf32>,
          %parallel_loop3A_972 = arith.constant 0 : i32
          %parallel_loop3A_973 = arith.constant 0 : i32
          %parallel_loop3A_974 = tpu.memref_slice %arg16[%parallel_loop3A_523, %parallel_loop3A_972, %parallel_loop3A_973] : memref<1x128x128xf32, #tpu.memory_space<vmem>> -> memref<1x128x128xf32, #tpu.memory_space<vmem>>
          %parallel_loop3A_975 = tpu.memref_squeeze %parallel_loop3A_974 : memref<1x128x128xf32, #tpu.memory_space<vmem>> -> memref<128x128xf32, #tpu.memory_space<vmem>>
          %parallel_loop3A_976 = arith.index_cast %parallel_loop3A_869 : i32 to index
          %parallel_loop3A_977 = arith.constant 64 : index
          %parallel_loop3A_978 = tpu.vector_load %parallel_loop3A_975[%parallel_loop3A_976, %parallel_loop3A_977] {strides = array<i32>} : memref<128x128xf32, #tpu.memory_space<vmem>>, vector<16xf32>,
          %parallel_loop3A_979 = vector.broadcast %parallel_loop3A_862 : f32 to vector<16xf32>
          %parallel_loop3A_980 = arith.mulf %parallel_loop3A_978, %parallel_loop3A_979 : vector<16xf32>
          %parallel_loop3A_981 = vector.broadcast %parallel_loop3A_866 : f32 to vector<16xf32>
          %parallel_loop3A_982 = arith.subf %parallel_loop3A_980, %parallel_loop3A_981 : vector<16xf32>
          %parallel_loop3A_983 = arith.mulf %parallel_loop3A_982, %parallel_loop3A_788 : vector<16xf32>
          %parallel_loop3A_984 = arith.addf %parallel_loop3A_983, %parallel_loop3A_836 : vector<16xf32>
          %parallel_loop3A_985 = arith.index_cast %parallel_loop3A_879 : i32 to index
          %parallel_loop3A_986 = arith.constant 64 : index
          %parallel_loop3A_987 = tpu.vector_load %arg18[%parallel_loop3A_985, %parallel_loop3A_986] {strides = array<i32>} : memref<128x128xf32, #tpu.memory_space<vmem>>, vector<16xf32>,
          tpu.vector_store %arg18[%parallel_loop3A_985, %parallel_loop3A_986], %parallel_loop3A_984 {strides = array<i32>} : memref<128x128xf32, #tpu.memory_space<vmem>>, vector<16xf32>,
          %parallel_loop3A_988 = arith.constant 0 : i32
          %parallel_loop3A_989 = arith.constant 0 : i32
          %parallel_loop3A_990 = tpu.memref_slice %arg16[%parallel_loop3A_523, %parallel_loop3A_988, %parallel_loop3A_989] : memref<1x128x128xf32, #tpu.memory_space<vmem>> -> memref<1x128x128xf32, #tpu.memory_space<vmem>>
          %parallel_loop3A_991 = tpu.memref_squeeze %parallel_loop3A_990 : memref<1x128x128xf32, #tpu.memory_space<vmem>> -> memref<128x128xf32, #tpu.memory_space<vmem>>
          %parallel_loop3A_992 = arith.index_cast %parallel_loop3A_869 : i32 to index
          %parallel_loop3A_993 = arith.constant 64 : index
          %parallel_loop3A_994 = tpu.vector_load %parallel_loop3A_991[%parallel_loop3A_992, %parallel_loop3A_993] {strides = array<i32>} : memref<128x128xf32, #tpu.memory_space<vmem>>, vector<16xf32>,
          tpu.vector_store %parallel_loop3A_991[%parallel_loop3A_992, %parallel_loop3A_993], %broadcast_in_dim3A_382 {strides = array<i32>} : memref<128x128xf32, #tpu.memory_space<vmem>>, vector<16xf32>,
          %parallel_loop3A_995 = arith.constant 0 : i32
          %parallel_loop3A_996 = arith.constant 0 : i32
          %parallel_loop3A_997 = tpu.memref_slice %arg16[%parallel_loop3A_523, %parallel_loop3A_995, %parallel_loop3A_996] : memref<1x128x128xf32, #tpu.memory_space<vmem>> -> memref<1x128x128xf32, #tpu.memory_space<vmem>>
          %parallel_loop3A_998 = tpu.memref_squeeze %parallel_loop3A_997 : memref<1x128x128xf32, #tpu.memory_space<vmem>> -> memref<128x128xf32, #tpu.memory_space<vmem>>
          %parallel_loop3A_999 = arith.index_cast %parallel_loop3A_869 : i32 to index
          %parallel_loop3A_1000 = arith.constant 80 : index
          %parallel_loop3A_1001 = tpu.vector_load %parallel_loop3A_998[%parallel_loop3A_999, %parallel_loop3A_1000] {strides = array<i32>} : memref<128x128xf32, #tpu.memory_space<vmem>>, vector<16xf32>,
          %parallel_loop3A_1002 = vector.broadcast %parallel_loop3A_862 : f32 to vector<16xf32>
          %parallel_loop3A_1003 = arith.mulf %parallel_loop3A_1001, %parallel_loop3A_1002 : vector<16xf32>
          %parallel_loop3A_1004 = vector.broadcast %parallel_loop3A_866 : f32 to vector<16xf32>
          %parallel_loop3A_1005 = arith.subf %parallel_loop3A_1003, %parallel_loop3A_1004 : vector<16xf32>
          %parallel_loop3A_1006 = arith.mulf %parallel_loop3A_1005, %parallel_loop3A_794 : vector<16xf32>
          %parallel_loop3A_1007 = arith.addf %parallel_loop3A_1006, %parallel_loop3A_842 : vector<16xf32>
          %parallel_loop3A_1008 = arith.index_cast %parallel_loop3A_879 : i32 to index
          %parallel_loop3A_1009 = arith.constant 80 : index
          %parallel_loop3A_1010 = tpu.vector_load %arg18[%parallel_loop3A_1008, %parallel_loop3A_1009] {strides = array<i32>} : memref<128x128xf32, #tpu.memory_space<vmem>>, vector<16xf32>,
          tpu.vector_store %arg18[%parallel_loop3A_1008, %parallel_loop3A_1009], %parallel_loop3A_1007 {strides = array<i32>} : memref<128x128xf32, #tpu.memory_space<vmem>>, vector<16xf32>,
          %parallel_loop3A_1011 = arith.constant 0 : i32
          %parallel_loop3A_1012 = arith.constant 0 : i32
          %parallel_loop3A_1013 = tpu.memref_slice %arg16[%parallel_loop3A_523, %parallel_loop3A_1011, %parallel_loop3A_1012] : memref<1x128x128xf32, #tpu.memory_space<vmem>> -> memref<1x128x128xf32, #tpu.memory_space<vmem>>
          %parallel_loop3A_1014 = tpu.memref_squeeze %parallel_loop3A_1013 : memref<1x128x128xf32, #tpu.memory_space<vmem>> -> memref<128x128xf32, #tpu.memory_space<vmem>>
          %parallel_loop3A_1015 = arith.index_cast %parallel_loop3A_869 : i32 to index
          %parallel_loop3A_1016 = arith.constant 80 : index
          %parallel_loop3A_1017 = tpu.vector_load %parallel_loop3A_1014[%parallel_loop3A_1015, %parallel_loop3A_1016] {strides = array<i32>} : memref<128x128xf32, #tpu.memory_space<vmem>>, vector<16xf32>,
          tpu.vector_store %parallel_loop3A_1014[%parallel_loop3A_1015, %parallel_loop3A_1016], %broadcast_in_dim3A_382 {strides = array<i32>} : memref<128x128xf32, #tpu.memory_space<vmem>>, vector<16xf32>,
          %parallel_loop3A_1018 = arith.constant 0 : i32
          %parallel_loop3A_1019 = arith.constant 0 : i32
          %parallel_loop3A_1020 = tpu.memref_slice %arg16[%parallel_loop3A_523, %parallel_loop3A_1018, %parallel_loop3A_1019] : memref<1x128x128xf32, #tpu.memory_space<vmem>> -> memref<1x128x128xf32, #tpu.memory_space<vmem>>
          %parallel_loop3A_1021 = tpu.memref_squeeze %parallel_loop3A_1020 : memref<1x128x128xf32, #tpu.memory_space<vmem>> -> memref<128x128xf32, #tpu.memory_space<vmem>>
          %parallel_loop3A_1022 = arith.index_cast %parallel_loop3A_869 : i32 to index
          %parallel_loop3A_1023 = arith.constant 96 : index
          %parallel_loop3A_1024 = tpu.vector_load %parallel_loop3A_1021[%parallel_loop3A_1022, %parallel_loop3A_1023] {strides = array<i32>} : memref<128x128xf32, #tpu.memory_space<vmem>>, vector<16xf32>,
          %parallel_loop3A_1025 = vector.broadcast %parallel_loop3A_862 : f32 to vector<16xf32>
          %parallel_loop3A_1026 = arith.mulf %parallel_loop3A_1024, %parallel_loop3A_1025 : vector<16xf32>
          %parallel_loop3A_1027 = vector.broadcast %parallel_loop3A_866 : f32 to vector<16xf32>
          %parallel_loop3A_1028 = arith.subf %parallel_loop3A_1026, %parallel_loop3A_1027 : vector<16xf32>
          %parallel_loop3A_1029 = arith.mulf %parallel_loop3A_1028, %parallel_loop3A_800 : vector<16xf32>
          %parallel_loop3A_1030 = arith.addf %parallel_loop3A_1029, %parallel_loop3A_848 : vector<16xf32>
          %parallel_loop3A_1031 = arith.index_cast %parallel_loop3A_879 : i32 to index
          %parallel_loop3A_1032 = arith.constant 96 : index
          %parallel_loop3A_1033 = tpu.vector_load %arg18[%parallel_loop3A_1031, %parallel_loop3A_1032] {strides = array<i32>} : memref<128x128xf32, #tpu.memory_space<vmem>>, vector<16xf32>,
          tpu.vector_store %arg18[%parallel_loop3A_1031, %parallel_loop3A_1032], %parallel_loop3A_1030 {strides = array<i32>} : memref<128x128xf32, #tpu.memory_space<vmem>>, vector<16xf32>,
          %parallel_loop3A_1034 = arith.constant 0 : i32
          %parallel_loop3A_1035 = arith.constant 0 : i32
          %parallel_loop3A_1036 = tpu.memref_slice %arg16[%parallel_loop3A_523, %parallel_loop3A_1034, %parallel_loop3A_1035] : memref<1x128x128xf32, #tpu.memory_space<vmem>> -> memref<1x128x128xf32, #tpu.memory_space<vmem>>
          %parallel_loop3A_1037 = tpu.memref_squeeze %parallel_loop3A_1036 : memref<1x128x128xf32, #tpu.memory_space<vmem>> -> memref<128x128xf32, #tpu.memory_space<vmem>>
          %parallel_loop3A_1038 = arith.index_cast %parallel_loop3A_869 : i32 to index
          %parallel_loop3A_1039 = arith.constant 96 : index
          %parallel_loop3A_1040 = tpu.vector_load %parallel_loop3A_1037[%parallel_loop3A_1038, %parallel_loop3A_1039] {strides = array<i32>} : memref<128x128xf32, #tpu.memory_space<vmem>>, vector<16xf32>,
          tpu.vector_store %parallel_loop3A_1037[%parallel_loop3A_1038, %parallel_loop3A_1039], %broadcast_in_dim3A_382 {strides = array<i32>} : memref<128x128xf32, #tpu.memory_space<vmem>>, vector<16xf32>,
          %parallel_loop3A_1041 = arith.constant 0 : i32
          %parallel_loop3A_1042 = arith.constant 0 : i32
          %parallel_loop3A_1043 = tpu.memref_slice %arg16[%parallel_loop3A_523, %parallel_loop3A_1041, %parallel_loop3A_1042] : memref<1x128x128xf32, #tpu.memory_space<vmem>> -> memref<1x128x128xf32, #tpu.memory_space<vmem>>
          %parallel_loop3A_1044 = tpu.memref_squeeze %parallel_loop3A_1043 : memref<1x128x128xf32, #tpu.memory_space<vmem>> -> memref<128x128xf32, #tpu.memory_space<vmem>>
          %parallel_loop3A_1045 = arith.index_cast %parallel_loop3A_869 : i32 to index
          %parallel_loop3A_1046 = arith.constant 112 : index
          %parallel_loop3A_1047 = tpu.vector_load %parallel_loop3A_1044[%parallel_loop3A_1045, %parallel_loop3A_1046] {strides = array<i32>} : memref<128x128xf32, #tpu.memory_space<vmem>>, vector<16xf32>,
          %parallel_loop3A_1048 = vector.broadcast %parallel_loop3A_862 : f32 to vector<16xf32>
          %parallel_loop3A_1049 = arith.mulf %parallel_loop3A_1047, %parallel_loop3A_1048 : vector<16xf32>
          %parallel_loop3A_1050 = vector.broadcast %parallel_loop3A_866 : f32 to vector<16xf32>
          %parallel_loop3A_1051 = arith.subf %parallel_loop3A_1049, %parallel_loop3A_1050 : vector<16xf32>
          %parallel_loop3A_1052 = arith.mulf %parallel_loop3A_1051, %parallel_loop3A_806 : vector<16xf32>
          %parallel_loop3A_1053 = arith.addf %parallel_loop3A_1052, %parallel_loop3A_854 : vector<16xf32>
          %parallel_loop3A_1054 = arith.index_cast %parallel_loop3A_879 : i32 to index
          %parallel_loop3A_1055 = arith.constant 112 : index
          %parallel_loop3A_1056 = tpu.vector_load %arg18[%parallel_loop3A_1054, %parallel_loop3A_1055] {strides = array<i32>} : memref<128x128xf32, #tpu.memory_space<vmem>>, vector<16xf32>,
          tpu.vector_store %arg18[%parallel_loop3A_1054, %parallel_loop3A_1055], %parallel_loop3A_1053 {strides = array<i32>} : memref<128x128xf32, #tpu.memory_space<vmem>>, vector<16xf32>,
          %parallel_loop3A_1057 = arith.constant 0 : i32
          %parallel_loop3A_1058 = arith.constant 0 : i32
          %parallel_loop3A_1059 = tpu.memref_slice %arg16[%parallel_loop3A_523, %parallel_loop3A_1057, %parallel_loop3A_1058] : memref<1x128x128xf32, #tpu.memory_space<vmem>> -> memref<1x128x128xf32, #tpu.memory_space<vmem>>
          %parallel_loop3A_1060 = tpu.memref_squeeze %parallel_loop3A_1059 : memref<1x128x128xf32, #tpu.memory_space<vmem>> -> memref<128x128xf32, #tpu.memory_space<vmem>>
          %parallel_loop3A_1061 = arith.index_cast %parallel_loop3A_869 : i32 to index
          %parallel_loop3A_1062 = arith.constant 112 : index
          %parallel_loop3A_1063 = tpu.vector_load %parallel_loop3A_1060[%parallel_loop3A_1061, %parallel_loop3A_1062] {strides = array<i32>} : memref<128x128xf32, #tpu.memory_space<vmem>>, vector<16xf32>,
          tpu.vector_store %parallel_loop3A_1060[%parallel_loop3A_1061, %parallel_loop3A_1062], %broadcast_in_dim3A_382 {strides = array<i32>} : memref<128x128xf32, #tpu.memory_space<vmem>>, vector<16xf32>,
        } {sc.loop_unroll_factor = 2 : i64, sc.parallel_access}
      } {sc.loop_unroll_factor = 1 : i64, sc.parallel_access}
      %dma_start3A_524 = arith.constant 0 : i32
      %dma_start3A_525 = tpu.memref_slice %arg14[%mul3A_312, %dma_start3A_524] : memref<16x128xi32, #tpu.memory_space<vmem>> -> memref<1x128xi32, #tpu.memory_space<vmem>>
      %dma_start3A_526 = tpu.memref_squeeze %dma_start3A_525 : memref<1x128xi32, #tpu.memory_space<vmem>> -> memref<128xi32, #tpu.memory_space<vmem>>
      %dma_start3A_527 = arith.constant 0 : i32
      %dma_start3A_528 = arith.constant 0 : i32
      %dma_start3A_529 = tpu.memref_slice %arg9[%dma_start3A_527, %dma_start3A_528] : memref<65536x128xf32, #tpu.memory_space<hbm>> -> memref<65536x128xf32, #tpu.memory_space<hbm>>
      tpu.enqueue_indirect_dma source(%arg18 : memref<128x128xf32, #tpu.memory_space<vmem>>) target(%dma_start3A_529 : memref<65536x128xf32, #tpu.memory_space<hbm>>) offsets(%dma_start3A_526 : memref<128xi32, #tpu.memory_space<vmem>>) semaphore(%arg27 : memref<!tpu.dma_semaphore, #tpu.memory_space<semaphore_mem>>)
      %lt3A = arith.constant 7 : i32
      %lt3A_530 = arith.cmpi slt, %add3A_310, %lt3A : i32
      %convert_element_type3A_531 = arith.extui %lt3A_530 : i1 to i32
      %cond3A_532 = arith.constant 0 : i32
      %cond3A_533 = arith.cmpi ne, %convert_element_type3A_531, %cond3A_532 : i32
      scf.if %cond3A_533 {
        %add3A_758 = arith.constant 2 : i32
        %add3A_759 = arith.addi %mul3A_312, %add3A_758 : i32
        %mul3A_760 = arith.constant 16 : i32
        %mul3A_761 = arith.muli %add3A_759, %mul3A_760 : i32
        %shift_right_arithmetic3A_762 = arith.constant 3 : i32
        %shift_right_arithmetic3A_763 = arith.shrsi %add3A_759, %shift_right_arithmetic3A_762 : i32
        %and3A_764 = arith.constant 7 : i32
        %and3A_765 = arith.andi %add3A_759, %and3A_764 : i32
        %mul3A_766 = arith.constant 16 : i32
        %mul3A_767 = arith.muli %and3A_765, %mul3A_766 : i32
        %get3A_768 = arith.index_cast %shift_right_arithmetic3A_763 : i32 to index
        %get3A_769 = arith.index_cast %mul3A_767 : i32 to index
        %get3A_770 = tpu.vector_load %arg10[%get3A_768, %get3A_769] {strides = array<i32>} : memref<2x128xi32, #tpu.memory_space<vmem>>, vector<16xi32>,
        %shift_right_arithmetic3A_771 = arith.constant 3 : i32
        %shift_right_arithmetic3A_772 = vector.broadcast %shift_right_arithmetic3A_771 : i32 to vector<16xi32>
        %shift_right_arithmetic3A_773 = arith.shrsi %get3A_770, %shift_right_arithmetic3A_772 : vector<16xi32>
        %shift_left3A_774 = arith.constant 6 : i32
        %shift_left3A_775 = vector.broadcast %shift_left3A_774 : i32 to vector<16xi32>
        %shift_left3A_776 = arith.shli %shift_right_arithmetic3A_773, %shift_left3A_775 : vector<16xi32>
        %and3A_777 = arith.constant 7 : i32
        %and3A_778 = vector.broadcast %and3A_777 : i32 to vector<16xi32>
        %and3A_779 = arith.andi %get3A_770, %and3A_778 : vector<16xi32>
        %or3A_780 = arith.ori %shift_left3A_776, %and3A_779 : vector<16xi32>
        %add3A_781 = arith.addi %rem3A_3, %mul3A_761 : i32
        %add3A_782 = vector.broadcast %add3A_781 : i32 to vector<16xi32>
        %add3A_783 = arith.addi %add3A_782, %iota3A : vector<16xi32>
        %shift_right_arithmetic3A_784 = arith.constant 3 : i32
        %shift_right_arithmetic3A_785 = vector.broadcast %shift_right_arithmetic3A_784 : i32 to vector<16xi32>
        %shift_right_arithmetic3A_786 = arith.shrsi %add3A_783, %shift_right_arithmetic3A_785 : vector<16xi32>
        %shift_left3A_787 = arith.constant 6 : i32
        %shift_left3A_788 = vector.broadcast %shift_left3A_787 : i32 to vector<16xi32>
        %shift_left3A_789 = arith.shli %shift_right_arithmetic3A_786, %shift_left3A_788 : vector<16xi32>
        %and3A_790 = arith.constant 7 : i32
        %and3A_791 = vector.broadcast %and3A_790 : i32 to vector<16xi32>
        %and3A_792 = arith.andi %add3A_783, %and3A_791 : vector<16xi32>
        %or3A_793 = arith.ori %shift_left3A_789, %and3A_792 : vector<16xi32>
        %add3A_794 = arith.constant 0 : i32
        %add3A_795 = vector.broadcast %add3A_794 : i32 to vector<16xi32>
        %add3A_796 = arith.addi %or3A_780, %add3A_795 : vector<16xi32>
        %swap3A_797 = arith.constant 0 : index
        %swap3A_798 = tpu.vector_load %arg12[%swap3A_797] {strides = array<i32>} : memref<256xi32, #tpu.memory_space<vmem>>, vector<16xi32>,
        tpu.vector_store %arg12[%swap3A_797], %add3A_796 {strides = array<i32>} : memref<256xi32, #tpu.memory_space<vmem>>, vector<16xi32>,
        %add3A_799 = arith.constant 0 : i32
        %add3A_800 = vector.broadcast %add3A_799 : i32 to vector<16xi32>
        %add3A_801 = arith.addi %or3A_793, %add3A_800 : vector<16xi32>
        %swap3A_802 = arith.constant 128 : index
        %swap3A_803 = tpu.vector_load %arg12[%swap3A_802] {strides = array<i32>} : memref<256xi32, #tpu.memory_space<vmem>>, vector<16xi32>,
        tpu.vector_store %arg12[%swap3A_802], %add3A_801 {strides = array<i32>} : memref<256xi32, #tpu.memory_space<vmem>>, vector<16xi32>,
        %add3A_804 = arith.constant 8 : i32
        %add3A_805 = vector.broadcast %add3A_804 : i32 to vector<16xi32>
        %add3A_806 = arith.addi %or3A_780, %add3A_805 : vector<16xi32>
        %swap3A_807 = arith.constant 16 : index
        %swap3A_808 = tpu.vector_load %arg12[%swap3A_807] {strides = array<i32>} : memref<256xi32, #tpu.memory_space<vmem>>, vector<16xi32>,
        tpu.vector_store %arg12[%swap3A_807], %add3A_806 {strides = array<i32>} : memref<256xi32, #tpu.memory_space<vmem>>, vector<16xi32>,
        %add3A_809 = arith.constant 8 : i32
        %add3A_810 = vector.broadcast %add3A_809 : i32 to vector<16xi32>
        %add3A_811 = arith.addi %or3A_793, %add3A_810 : vector<16xi32>
        %swap3A_812 = arith.constant 144 : index
        %swap3A_813 = tpu.vector_load %arg12[%swap3A_812] {strides = array<i32>} : memref<256xi32, #tpu.memory_space<vmem>>, vector<16xi32>,
        tpu.vector_store %arg12[%swap3A_812], %add3A_811 {strides = array<i32>} : memref<256xi32, #tpu.memory_space<vmem>>, vector<16xi32>,
        %add3A_814 = arith.constant 16 : i32
        %add3A_815 = vector.broadcast %add3A_814 : i32 to vector<16xi32>
        %add3A_816 = arith.addi %or3A_780, %add3A_815 : vector<16xi32>
        %swap3A_817 = arith.constant 32 : index
        %swap3A_818 = tpu.vector_load %arg12[%swap3A_817] {strides = array<i32>} : memref<256xi32, #tpu.memory_space<vmem>>, vector<16xi32>,
        tpu.vector_store %arg12[%swap3A_817], %add3A_816 {strides = array<i32>} : memref<256xi32, #tpu.memory_space<vmem>>, vector<16xi32>,
        %add3A_819 = arith.constant 16 : i32
        %add3A_820 = vector.broadcast %add3A_819 : i32 to vector<16xi32>
        %add3A_821 = arith.addi %or3A_793, %add3A_820 : vector<16xi32>
        %swap3A_822 = arith.constant 160 : index
        %swap3A_823 = tpu.vector_load %arg12[%swap3A_822] {strides = array<i32>} : memref<256xi32, #tpu.memory_space<vmem>>, vector<16xi32>,
        tpu.vector_store %arg12[%swap3A_822], %add3A_821 {strides = array<i32>} : memref<256xi32, #tpu.memory_space<vmem>>, vector<16xi32>,
        %add3A_824 = arith.constant 24 : i32
        %add3A_825 = vector.broadcast %add3A_824 : i32 to vector<16xi32>
        %add3A_826 = arith.addi %or3A_780, %add3A_825 : vector<16xi32>
        %swap3A_827 = arith.constant 48 : index
        %swap3A_828 = tpu.vector_load %arg12[%swap3A_827] {strides = array<i32>} : memref<256xi32, #tpu.memory_space<vmem>>, vector<16xi32>,
        tpu.vector_store %arg12[%swap3A_827], %add3A_826 {strides = array<i32>} : memref<256xi32, #tpu.memory_space<vmem>>, vector<16xi32>,
        %add3A_829 = arith.constant 24 : i32
        %add3A_830 = vector.broadcast %add3A_829 : i32 to vector<16xi32>
        %add3A_831 = arith.addi %or3A_793, %add3A_830 : vector<16xi32>
        %swap3A_832 = arith.constant 176 : index
        %swap3A_833 = tpu.vector_load %arg12[%swap3A_832] {strides = array<i32>} : memref<256xi32, #tpu.memory_space<vmem>>, vector<16xi32>,
        tpu.vector_store %arg12[%swap3A_832], %add3A_831 {strides = array<i32>} : memref<256xi32, #tpu.memory_space<vmem>>, vector<16xi32>,
        %add3A_834 = arith.constant 32 : i32
        %add3A_835 = vector.broadcast %add3A_834 : i32 to vector<16xi32>
        %add3A_836 = arith.addi %or3A_780, %add3A_835 : vector<16xi32>
        %swap3A_837 = arith.constant 64 : index
        %swap3A_838 = tpu.vector_load %arg12[%swap3A_837] {strides = array<i32>} : memref<256xi32, #tpu.memory_space<vmem>>, vector<16xi32>,
        tpu.vector_store %arg12[%swap3A_837], %add3A_836 {strides = array<i32>} : memref<256xi32, #tpu.memory_space<vmem>>, vector<16xi32>,
        %add3A_839 = arith.constant 32 : i32
        %add3A_840 = vector.broadcast %add3A_839 : i32 to vector<16xi32>
        %add3A_841 = arith.addi %or3A_793, %add3A_840 : vector<16xi32>
        %swap3A_842 = arith.constant 192 : index
        %swap3A_843 = tpu.vector_load %arg12[%swap3A_842] {strides = array<i32>} : memref<256xi32, #tpu.memory_space<vmem>>, vector<16xi32>,
        tpu.vector_store %arg12[%swap3A_842], %add3A_841 {strides = array<i32>} : memref<256xi32, #tpu.memory_space<vmem>>, vector<16xi32>,
        %add3A_844 = arith.constant 40 : i32
        %add3A_845 = vector.broadcast %add3A_844 : i32 to vector<16xi32>
        %add3A_846 = arith.addi %or3A_780, %add3A_845 : vector<16xi32>
        %swap3A_847 = arith.constant 80 : index
        %swap3A_848 = tpu.vector_load %arg12[%swap3A_847] {strides = array<i32>} : memref<256xi32, #tpu.memory_space<vmem>>, vector<16xi32>,
        tpu.vector_store %arg12[%swap3A_847], %add3A_846 {strides = array<i32>} : memref<256xi32, #tpu.memory_space<vmem>>, vector<16xi32>,
        %add3A_849 = arith.constant 40 : i32
        %add3A_850 = vector.broadcast %add3A_849 : i32 to vector<16xi32>
        %add3A_851 = arith.addi %or3A_793, %add3A_850 : vector<16xi32>
        %swap3A_852 = arith.constant 208 : index
        %swap3A_853 = tpu.vector_load %arg12[%swap3A_852] {strides = array<i32>} : memref<256xi32, #tpu.memory_space<vmem>>, vector<16xi32>,
        tpu.vector_store %arg12[%swap3A_852], %add3A_851 {strides = array<i32>} : memref<256xi32, #tpu.memory_space<vmem>>, vector<16xi32>,
        %add3A_854 = arith.constant 48 : i32
        %add3A_855 = vector.broadcast %add3A_854 : i32 to vector<16xi32>
        %add3A_856 = arith.addi %or3A_780, %add3A_855 : vector<16xi32>
        %swap3A_857 = arith.constant 96 : index
        %swap3A_858 = tpu.vector_load %arg12[%swap3A_857] {strides = array<i32>} : memref<256xi32, #tpu.memory_space<vmem>>, vector<16xi32>,
        tpu.vector_store %arg12[%swap3A_857], %add3A_856 {strides = array<i32>} : memref<256xi32, #tpu.memory_space<vmem>>, vector<16xi32>,
        %add3A_859 = arith.constant 48 : i32
        %add3A_860 = vector.broadcast %add3A_859 : i32 to vector<16xi32>
        %add3A_861 = arith.addi %or3A_793, %add3A_860 : vector<16xi32>
        %swap3A_862 = arith.constant 224 : index
        %swap3A_863 = tpu.vector_load %arg12[%swap3A_862] {strides = array<i32>} : memref<256xi32, #tpu.memory_space<vmem>>, vector<16xi32>,
        tpu.vector_store %arg12[%swap3A_862], %add3A_861 {strides = array<i32>} : memref<256xi32, #tpu.memory_space<vmem>>, vector<16xi32>,
        %add3A_864 = arith.constant 56 : i32
        %add3A_865 = vector.broadcast %add3A_864 : i32 to vector<16xi32>
        %add3A_866 = arith.addi %or3A_780, %add3A_865 : vector<16xi32>
        %swap3A_867 = arith.constant 112 : index
        %swap3A_868 = tpu.vector_load %arg12[%swap3A_867] {strides = array<i32>} : memref<256xi32, #tpu.memory_space<vmem>>, vector<16xi32>,
        tpu.vector_store %arg12[%swap3A_867], %add3A_866 {strides = array<i32>} : memref<256xi32, #tpu.memory_space<vmem>>, vector<16xi32>,
        %add3A_869 = arith.constant 56 : i32
        %add3A_870 = vector.broadcast %add3A_869 : i32 to vector<16xi32>
        %add3A_871 = arith.addi %or3A_793, %add3A_870 : vector<16xi32>
        %swap3A_872 = arith.constant 240 : index
        %swap3A_873 = tpu.vector_load %arg12[%swap3A_872] {strides = array<i32>} : memref<256xi32, #tpu.memory_space<vmem>>, vector<16xi32>,
        tpu.vector_store %arg12[%swap3A_872], %add3A_871 {strides = array<i32>} : memref<256xi32, #tpu.memory_space<vmem>>, vector<16xi32>,
        %dma_start3A_874 = arith.constant 0 : i32
        %dma_start3A_875 = arith.constant 0 : i32
        %dma_start3A_876 = arith.constant 0 : i32
        %dma_start3A_877 = tpu.memref_slice %arg16[%dma_start3A_874, %dma_start3A_875, %dma_start3A_876] : memref<1x128x128xf32, #tpu.memory_space<vmem>> -> memref<1x128x128xf32, #tpu.memory_space<vmem>>
        %dma_start3A_878 = tpu.memref_squeeze %dma_start3A_877 : memref<1x128x128xf32, #tpu.memory_space<vmem>> -> memref<128x128xf32, #tpu.memory_space<vmem>>
        %dma_start3A_879 = arith.constant 0 : i32
        %dma_start3A_880 = tpu.memref_slice %arg12[%dma_start3A_879] : memref<256xi32, #tpu.memory_space<vmem>> -> memref<128xi32, #tpu.memory_space<vmem>>
        %dma_start3A_881 = arith.constant 0 : i32
        %dma_start3A_882 = arith.constant 0 : i32
        %dma_start3A_883 = tpu.memref_slice %arg4[%dma_start3A_881, %dma_start3A_882] : memref<800000x128xf32, #tpu.memory_space<hbm>> -> memref<800000x128xf32, #tpu.memory_space<hbm>>
        tpu.enqueue_indirect_dma source(%dma_start3A_883 : memref<800000x128xf32, #tpu.memory_space<hbm>>) target(%dma_start3A_878 : memref<128x128xf32, #tpu.memory_space<vmem>>) offsets(%dma_start3A_880 : memref<128xi32, #tpu.memory_space<vmem>>) semaphore(%arg25 : memref<!tpu.dma_semaphore, #tpu.memory_space<semaphore_mem>>) {add = true}
        %dma_start3A_884 = arith.constant 0 : i32
        %dma_start3A_885 = arith.constant 0 : i32
        %dma_start3A_886 = arith.constant 0 : i32
        %dma_start3A_887 = tpu.memref_slice %arg16[%dma_start3A_884, %dma_start3A_885, %dma_start3A_886] : memref<1x128x128xf32, #tpu.memory_space<vmem>> -> memref<1x128x128xf32, #tpu.memory_space<vmem>>
        %dma_start3A_888 = tpu.memref_squeeze %dma_start3A_887 : memref<1x128x128xf32, #tpu.memory_space<vmem>> -> memref<128x128xf32, #tpu.memory_space<vmem>>
        %dma_start3A_889 = arith.constant 128 : i32
        %dma_start3A_890 = tpu.memref_slice %arg12[%dma_start3A_889] : memref<256xi32, #tpu.memory_space<vmem>> -> memref<128xi32, #tpu.memory_space<vmem>>
        %dma_start3A_891 = arith.constant 0 : i32
        %dma_start3A_892 = arith.constant 0 : i32
        %dma_start3A_893 = tpu.memref_slice %arg5[%dma_start3A_891, %dma_start3A_892] : memref<16384x128xf32, #tpu.memory_space<hbm>> -> memref<16384x128xf32, #tpu.memory_space<hbm>>
        tpu.enqueue_indirect_dma source(%dma_start3A_893 : memref<16384x128xf32, #tpu.memory_space<hbm>>) target(%dma_start3A_888 : memref<128x128xf32, #tpu.memory_space<vmem>>) offsets(%dma_start3A_890 : memref<128xi32, #tpu.memory_space<vmem>>) semaphore(%arg25 : memref<!tpu.dma_semaphore, #tpu.memory_space<semaphore_mem>>) {add = true}
      } else {
      }
      %shift_right_arithmetic3A_534 = arith.constant 3 : i32
      %shift_right_arithmetic3A_535 = arith.shrsi %add3A_316, %shift_right_arithmetic3A_534 : i32
      %and3A_536 = arith.constant 7 : i32
      %and3A_537 = arith.andi %add3A_316, %and3A_536 : i32
      %mul3A_538 = arith.constant 16 : i32
      %mul3A_539 = arith.muli %and3A_537, %mul3A_538 : i32
      %get3A_540 = arith.index_cast %shift_right_arithmetic3A_535 : i32 to index
      %get3A_541 = arith.index_cast %mul3A_539 : i32 to index
      %get3A_542 = tpu.vector_load %arg11[%get3A_540, %get3A_541] {strides = array<i32>} : memref<2x128xi32, #tpu.memory_space<vmem>>, vector<16xi32>,
      %shift_left3A_543 = arith.constant 3 : i32
      %shift_left3A_544 = vector.broadcast %shift_left3A_543 : i32 to vector<16xi32>
      %shift_left3A_545 = arith.shli %get3A_542, %shift_left3A_544 : vector<16xi32>
      %slice3A_546 = vector.extract_strided_slice %shift_left3A_545 {offsets = [0], sizes = [1], strides = [1]} : vector<16xi32> to vector<1xi32>
      %squeeze3A_547 = vector.extract %slice3A_546[0] : i32 from vector<1xi32>
      %slice3A_548 = vector.extract_strided_slice %shift_left3A_545 {offsets = [1], sizes = [1], strides = [1]} : vector<16xi32> to vector<1xi32>
      %squeeze3A_549 = vector.extract %slice3A_548[0] : i32 from vector<1xi32>
      %slice3A_550 = vector.extract_strided_slice %shift_left3A_545 {offsets = [2], sizes = [1], strides = [1]} : vector<16xi32> to vector<1xi32>
      %squeeze3A_551 = vector.extract %slice3A_550[0] : i32 from vector<1xi32>
      %slice3A_552 = vector.extract_strided_slice %shift_left3A_545 {offsets = [3], sizes = [1], strides = [1]} : vector<16xi32> to vector<1xi32>
      %squeeze3A_553 = vector.extract %slice3A_552[0] : i32 from vector<1xi32>
      %slice3A_554 = vector.extract_strided_slice %shift_left3A_545 {offsets = [4], sizes = [1], strides = [1]} : vector<16xi32> to vector<1xi32>
      %squeeze3A_555 = vector.extract %slice3A_554[0] : i32 from vector<1xi32>
      %slice3A_556 = vector.extract_strided_slice %shift_left3A_545 {offsets = [5], sizes = [1], strides = [1]} : vector<16xi32> to vector<1xi32>
      %squeeze3A_557 = vector.extract %slice3A_556[0] : i32 from vector<1xi32>
      %slice3A_558 = vector.extract_strided_slice %shift_left3A_545 {offsets = [6], sizes = [1], strides = [1]} : vector<16xi32> to vector<1xi32>
      %squeeze3A_559 = vector.extract %slice3A_558[0] : i32 from vector<1xi32>
      %slice3A_560 = vector.extract_strided_slice %shift_left3A_545 {offsets = [7], sizes = [1], strides = [1]} : vector<16xi32> to vector<1xi32>
      %squeeze3A_561 = vector.extract %slice3A_560[0] : i32 from vector<1xi32>
      %slice3A_562 = vector.extract_strided_slice %shift_left3A_545 {offsets = [8], sizes = [1], strides = [1]} : vector<16xi32> to vector<1xi32>
      %squeeze3A_563 = vector.extract %slice3A_562[0] : i32 from vector<1xi32>
      %slice3A_564 = vector.extract_strided_slice %shift_left3A_545 {offsets = [9], sizes = [1], strides = [1]} : vector<16xi32> to vector<1xi32>
      %squeeze3A_565 = vector.extract %slice3A_564[0] : i32 from vector<1xi32>
      %slice3A_566 = vector.extract_strided_slice %shift_left3A_545 {offsets = [10], sizes = [1], strides = [1]} : vector<16xi32> to vector<1xi32>
      %squeeze3A_567 = vector.extract %slice3A_566[0] : i32 from vector<1xi32>
      %slice3A_568 = vector.extract_strided_slice %shift_left3A_545 {offsets = [11], sizes = [1], strides = [1]} : vector<16xi32> to vector<1xi32>
      %squeeze3A_569 = vector.extract %slice3A_568[0] : i32 from vector<1xi32>
      %slice3A_570 = vector.extract_strided_slice %shift_left3A_545 {offsets = [12], sizes = [1], strides = [1]} : vector<16xi32> to vector<1xi32>
      %squeeze3A_571 = vector.extract %slice3A_570[0] : i32 from vector<1xi32>
      %slice3A_572 = vector.extract_strided_slice %shift_left3A_545 {offsets = [13], sizes = [1], strides = [1]} : vector<16xi32> to vector<1xi32>
      %squeeze3A_573 = vector.extract %slice3A_572[0] : i32 from vector<1xi32>
      %slice3A_574 = vector.extract_strided_slice %shift_left3A_545 {offsets = [14], sizes = [1], strides = [1]} : vector<16xi32> to vector<1xi32>
      %squeeze3A_575 = vector.extract %slice3A_574[0] : i32 from vector<1xi32>
      %slice3A_576 = vector.extract_strided_slice %shift_left3A_545 {offsets = [15], sizes = [1], strides = [1]} : vector<16xi32> to vector<1xi32>
      %squeeze3A_577 = vector.extract %slice3A_576[0] : i32 from vector<1xi32>
      %dma_wait3A_578 = arith.constant 0 : i32
      %dma_wait3A_579 = arith.constant 0 : i32
      %dma_wait3A_580 = arith.constant 0 : i32
      %dma_wait3A_581 = tpu.memref_slice %arg17[%dma_wait3A_578, %dma_wait3A_579, %dma_wait3A_580] : memref<1x128x128xf32, #tpu.memory_space<vmem>> -> memref<1x128x128xf32, #tpu.memory_space<vmem>>
      %dma_wait3A_582 = tpu.memref_squeeze %dma_wait3A_581 : memref<1x128x128xf32, #tpu.memory_space<vmem>> -> memref<128x128xf32, #tpu.memory_space<vmem>>
      %dma_wait3A_583 = arith.constant 0 : i32
      %dma_wait3A_584 = tpu.memref_slice %arg12[%dma_wait3A_583] : memref<256xi32, #tpu.memory_space<vmem>> -> memref<128xi32, #tpu.memory_space<vmem>>
      %dma_wait3A_585 = arith.constant 0 : i32
      %dma_wait3A_586 = arith.constant 0 : i32
      %dma_wait3A_587 = tpu.memref_slice %arg4[%dma_wait3A_585, %dma_wait3A_586] : memref<800000x128xf32, #tpu.memory_space<hbm>> -> memref<800000x128xf32, #tpu.memory_space<hbm>>
      tpu.wait_indirect_dma semaphore(%arg26 : memref<!tpu.dma_semaphore, #tpu.memory_space<semaphore_mem>>) src(%dma_wait3A_587 : memref<800000x128xf32, #tpu.memory_space<hbm>>) dst(%dma_wait3A_582 : memref<128x128xf32, #tpu.memory_space<vmem>>)
      %dma_wait3A_588 = arith.constant 0 : i32
      %dma_wait3A_589 = arith.constant 0 : i32
      %dma_wait3A_590 = arith.constant 0 : i32
      %dma_wait3A_591 = tpu.memref_slice %arg17[%dma_wait3A_588, %dma_wait3A_589, %dma_wait3A_590] : memref<1x128x128xf32, #tpu.memory_space<vmem>> -> memref<1x128x128xf32, #tpu.memory_space<vmem>>
      %dma_wait3A_592 = tpu.memref_squeeze %dma_wait3A_591 : memref<1x128x128xf32, #tpu.memory_space<vmem>> -> memref<128x128xf32, #tpu.memory_space<vmem>>
      %dma_wait3A_593 = arith.constant 0 : i32
      %dma_wait3A_594 = tpu.memref_slice %arg12[%dma_wait3A_593] : memref<256xi32, #tpu.memory_space<vmem>> -> memref<128xi32, #tpu.memory_space<vmem>>
      %dma_wait3A_595 = arith.constant 0 : i32
      %dma_wait3A_596 = arith.constant 0 : i32
      %dma_wait3A_597 = tpu.memref_slice %arg4[%dma_wait3A_595, %dma_wait3A_596] : memref<800000x128xf32, #tpu.memory_space<hbm>> -> memref<800000x128xf32, #tpu.memory_space<hbm>>
      tpu.wait_indirect_dma semaphore(%arg26 : memref<!tpu.dma_semaphore, #tpu.memory_space<semaphore_mem>>) src(%dma_wait3A_597 : memref<800000x128xf32, #tpu.memory_space<hbm>>) dst(%dma_wait3A_592 : memref<128x128xf32, #tpu.memory_space<vmem>>)
      %gt3A_598 = arith.constant 0 : i32
      %gt3A_599 = arith.cmpi sgt, %add3A_310, %gt3A_598 : i32
      %convert_element_type3A_600 = arith.extui %gt3A_599 : i1 to i32
      %cond3A_601 = arith.constant 0 : i32
      %cond3A_602 = arith.cmpi ne, %convert_element_type3A_600, %cond3A_601 : i32
      scf.if %cond3A_602 {
        %dma_wait3A_758 = arith.constant 0 : i32
        %dma_wait3A_759 = tpu.memref_slice %arg14[%add3A_316, %dma_wait3A_758] : memref<16x128xi32, #tpu.memory_space<vmem>> -> memref<1x128xi32, #tpu.memory_space<vmem>>
        %dma_wait3A_760 = tpu.memref_squeeze %dma_wait3A_759 : memref<1x128xi32, #tpu.memory_space<vmem>> -> memref<128xi32, #tpu.memory_space<vmem>>
        %dma_wait3A_761 = arith.constant 0 : i32
        %dma_wait3A_762 = arith.constant 0 : i32
        %dma_wait3A_763 = tpu.memref_slice %arg9[%dma_wait3A_761, %dma_wait3A_762] : memref<65536x128xf32, #tpu.memory_space<hbm>> -> memref<65536x128xf32, #tpu.memory_space<hbm>>
        tpu.wait_indirect_dma semaphore(%arg28 : memref<!tpu.dma_semaphore, #tpu.memory_space<semaphore_mem>>) src(%arg19 : memref<128x128xf32, #tpu.memory_space<vmem>>) dst(%dma_wait3A_763 : memref<65536x128xf32, #tpu.memory_space<hbm>>)
      } else {
      }
      %broadcast_in_dim3A_603 = arith.constant 0.000000e+00 : f32
      %broadcast_in_dim3A_604 = vector.broadcast %broadcast_in_dim3A_603 : f32 to vector<16xf32>
      %scan3A_605 = arith.constant 0 : i32
      %scan3A_606 = arith.constant 0 : i32
      %scan3A_607 = arith.constant 64 : i32
      %scan3A_608 = arith.addi %scan3A_606, %scan3A_607 : i32
      %scan3A_609 = arith.constant 1 : i32
      %scan3A_610:32 = scf.for %scan3A_758 = %scan3A_606 to %scan3A_608 step %scan3A_609 iter_args(%scan3A_759 = %broadcast_in_dim3A_604, %scan3A_760 = %broadcast_in_dim3A_604, %scan3A_761 = %broadcast_in_dim3A_604, %scan3A_762 = %broadcast_in_dim3A_604, %scan3A_763 = %broadcast_in_dim3A_604, %scan3A_764 = %broadcast_in_dim3A_604, %scan3A_765 = %broadcast_in_dim3A_604, %scan3A_766 = %broadcast_in_dim3A_604, %scan3A_767 = %broadcast_in_dim3A_604, %scan3A_768 = %broadcast_in_dim3A_604, %scan3A_769 = %broadcast_in_dim3A_604, %scan3A_770 = %broadcast_in_dim3A_604, %scan3A_771 = %broadcast_in_dim3A_604, %scan3A_772 = %broadcast_in_dim3A_604, %scan3A_773 = %broadcast_in_dim3A_604, %scan3A_774 = %broadcast_in_dim3A_604, %scan3A_775 = %broadcast_in_dim3A_604, %scan3A_776 = %broadcast_in_dim3A_604, %scan3A_777 = %broadcast_in_dim3A_604, %scan3A_778 = %broadcast_in_dim3A_604, %scan3A_779 = %broadcast_in_dim3A_604, %scan3A_780 = %broadcast_in_dim3A_604, %scan3A_781 = %broadcast_in_dim3A_604, %scan3A_782 = %broadcast_in_dim3A_604, %scan3A_783 = %broadcast_in_dim3A_604, %scan3A_784 = %broadcast_in_dim3A_604, %scan3A_785 = %broadcast_in_dim3A_604, %scan3A_786 = %broadcast_in_dim3A_604, %scan3A_787 = %broadcast_in_dim3A_604, %scan3A_788 = %broadcast_in_dim3A_604, %scan3A_789 = %broadcast_in_dim3A_604, %scan3A_790 = %broadcast_in_dim3A_604) -> (vector<16xf32>, vector<16xf32>, vector<16xf32>, vector<16xf32>, vector<16xf32>, vector<16xf32>, vector<16xf32>, vector<16xf32>, vector<16xf32>, vector<16xf32>, vector<16xf32>, vector<16xf32>, vector<16xf32>, vector<16xf32>, vector<16xf32>, vector<16xf32>, vector<16xf32>, vector<16xf32>, vector<16xf32>, vector<16xf32>, vector<16xf32>, vector<16xf32>, vector<16xf32>, vector<16xf32>, vector<16xf32>, vector<16xf32>, vector<16xf32>, vector<16xf32>, vector<16xf32>, vector<16xf32>, vector<16xf32>, vector<16xf32>)  : i32 {
        %shift_right_arithmetic3A_791 = arith.constant 3 : i32
        %shift_right_arithmetic3A_792 = arith.shrsi %scan3A_758, %shift_right_arithmetic3A_791 : i32
        %mul3A_793 = arith.constant 16 : i32
        %mul3A_794 = arith.muli %shift_right_arithmetic3A_792, %mul3A_793 : i32
        %and3A_795 = arith.constant 7 : i32
        %and3A_796 = arith.andi %scan3A_758, %and3A_795 : i32
        %mul3A_797 = arith.constant 16 : i32
        %mul3A_798 = arith.muli %and3A_796, %mul3A_797 : i32
        %add3A_799 = arith.constant 0 : i32
        %add3A_800 = arith.addi %mul3A_794, %add3A_799 : i32
        %get3A_801 = arith.constant 0 : i32
        %get3A_802 = arith.constant 0 : i32
        %get3A_803 = tpu.memref_slice %arg17[%scan3A_605, %get3A_801, %get3A_802] : memref<1x128x128xf32, #tpu.memory_space<vmem>> -> memref<1x128x128xf32, #tpu.memory_space<vmem>>
        %get3A_804 = tpu.memref_squeeze %get3A_803 : memref<1x128x128xf32, #tpu.memory_space<vmem>> -> memref<128x128xf32, #tpu.memory_space<vmem>>
        %get3A_805 = arith.index_cast %add3A_800 : i32 to index
        %get3A_806 = arith.index_cast %mul3A_798 : i32 to index
        %get3A_807 = tpu.vector_load %get3A_804[%get3A_805, %get3A_806] {strides = array<i32>} : memref<128x128xf32, #tpu.memory_space<vmem>>, vector<16xf32>,
        %shift_right_arithmetic3A_808 = arith.constant 3 : i32
        %shift_right_arithmetic3A_809 = arith.shrsi %scan3A_758, %shift_right_arithmetic3A_808 : i32
        %add3A_810 = arith.addi %squeeze3A_547, %shift_right_arithmetic3A_809 : i32
        %get3A_811 = arith.index_cast %add3A_810 : i32 to index
        %get3A_812 = arith.index_cast %mul3A_798 : i32 to index
        %get3A_813 = tpu.vector_load %arg20[%get3A_811, %get3A_812] {strides = array<i32>} : memref<16x128xf32, #tpu.memory_space<vmem>>, vector<16xf32>,
        %add3A_814 = arith.addf %get3A_807, %get3A_813 : vector<16xf32>
        %add3A_815 = arith.constant 0 : i32
        %add3A_816 = arith.addi %mul3A_794, %add3A_815 : i32
        %swap3A_817 = arith.constant 0 : i32
        %swap3A_818 = arith.constant 0 : i32
        %swap3A_819 = tpu.memref_slice %arg17[%scan3A_605, %swap3A_817, %swap3A_818] : memref<1x128x128xf32, #tpu.memory_space<vmem>> -> memref<1x128x128xf32, #tpu.memory_space<vmem>>
        %swap3A_820 = tpu.memref_squeeze %swap3A_819 : memref<1x128x128xf32, #tpu.memory_space<vmem>> -> memref<128x128xf32, #tpu.memory_space<vmem>>
        %swap3A_821 = arith.index_cast %add3A_816 : i32 to index
        %swap3A_822 = arith.index_cast %mul3A_798 : i32 to index
        %swap3A_823 = tpu.vector_load %swap3A_820[%swap3A_821, %swap3A_822] {strides = array<i32>} : memref<128x128xf32, #tpu.memory_space<vmem>>, vector<16xf32>,
        tpu.vector_store %swap3A_820[%swap3A_821, %swap3A_822], %add3A_814 {strides = array<i32>} : memref<128x128xf32, #tpu.memory_space<vmem>>, vector<16xf32>,
        %add3A_824 = arith.addf %scan3A_759, %add3A_814 : vector<16xf32>
        %mul3A_825 = arith.mulf %add3A_814, %add3A_814 : vector<16xf32>
        %add3A_826 = arith.addf %scan3A_760, %mul3A_825 : vector<16xf32>
        %add3A_827 = arith.constant 1 : i32
        %add3A_828 = arith.addi %mul3A_794, %add3A_827 : i32
        %get3A_829 = arith.constant 0 : i32
        %get3A_830 = arith.constant 0 : i32
        %get3A_831 = tpu.memref_slice %arg17[%scan3A_605, %get3A_829, %get3A_830] : memref<1x128x128xf32, #tpu.memory_space<vmem>> -> memref<1x128x128xf32, #tpu.memory_space<vmem>>
        %get3A_832 = tpu.memref_squeeze %get3A_831 : memref<1x128x128xf32, #tpu.memory_space<vmem>> -> memref<128x128xf32, #tpu.memory_space<vmem>>
        %get3A_833 = arith.index_cast %add3A_828 : i32 to index
        %get3A_834 = arith.index_cast %mul3A_798 : i32 to index
        %get3A_835 = tpu.vector_load %get3A_832[%get3A_833, %get3A_834] {strides = array<i32>} : memref<128x128xf32, #tpu.memory_space<vmem>>, vector<16xf32>,
        %shift_right_arithmetic3A_836 = arith.constant 3 : i32
        %shift_right_arithmetic3A_837 = arith.shrsi %scan3A_758, %shift_right_arithmetic3A_836 : i32
        %add3A_838 = arith.addi %squeeze3A_549, %shift_right_arithmetic3A_837 : i32
        %get3A_839 = arith.index_cast %add3A_838 : i32 to index
        %get3A_840 = arith.index_cast %mul3A_798 : i32 to index
        %get3A_841 = tpu.vector_load %arg20[%get3A_839, %get3A_840] {strides = array<i32>} : memref<16x128xf32, #tpu.memory_space<vmem>>, vector<16xf32>,
        %add3A_842 = arith.addf %get3A_835, %get3A_841 : vector<16xf32>
        %add3A_843 = arith.constant 1 : i32
        %add3A_844 = arith.addi %mul3A_794, %add3A_843 : i32
        %swap3A_845 = arith.constant 0 : i32
        %swap3A_846 = arith.constant 0 : i32
        %swap3A_847 = tpu.memref_slice %arg17[%scan3A_605, %swap3A_845, %swap3A_846] : memref<1x128x128xf32, #tpu.memory_space<vmem>> -> memref<1x128x128xf32, #tpu.memory_space<vmem>>
        %swap3A_848 = tpu.memref_squeeze %swap3A_847 : memref<1x128x128xf32, #tpu.memory_space<vmem>> -> memref<128x128xf32, #tpu.memory_space<vmem>>
        %swap3A_849 = arith.index_cast %add3A_844 : i32 to index
        %swap3A_850 = arith.index_cast %mul3A_798 : i32 to index
        %swap3A_851 = tpu.vector_load %swap3A_848[%swap3A_849, %swap3A_850] {strides = array<i32>} : memref<128x128xf32, #tpu.memory_space<vmem>>, vector<16xf32>,
        tpu.vector_store %swap3A_848[%swap3A_849, %swap3A_850], %add3A_842 {strides = array<i32>} : memref<128x128xf32, #tpu.memory_space<vmem>>, vector<16xf32>,
        %add3A_852 = arith.addf %scan3A_761, %add3A_842 : vector<16xf32>
        %mul3A_853 = arith.mulf %add3A_842, %add3A_842 : vector<16xf32>
        %add3A_854 = arith.addf %scan3A_762, %mul3A_853 : vector<16xf32>
        %add3A_855 = arith.constant 2 : i32
        %add3A_856 = arith.addi %mul3A_794, %add3A_855 : i32
        %get3A_857 = arith.constant 0 : i32
        %get3A_858 = arith.constant 0 : i32
        %get3A_859 = tpu.memref_slice %arg17[%scan3A_605, %get3A_857, %get3A_858] : memref<1x128x128xf32, #tpu.memory_space<vmem>> -> memref<1x128x128xf32, #tpu.memory_space<vmem>>
        %get3A_860 = tpu.memref_squeeze %get3A_859 : memref<1x128x128xf32, #tpu.memory_space<vmem>> -> memref<128x128xf32, #tpu.memory_space<vmem>>
        %get3A_861 = arith.index_cast %add3A_856 : i32 to index
        %get3A_862 = arith.index_cast %mul3A_798 : i32 to index
        %get3A_863 = tpu.vector_load %get3A_860[%get3A_861, %get3A_862] {strides = array<i32>} : memref<128x128xf32, #tpu.memory_space<vmem>>, vector<16xf32>,
        %shift_right_arithmetic3A_864 = arith.constant 3 : i32
        %shift_right_arithmetic3A_865 = arith.shrsi %scan3A_758, %shift_right_arithmetic3A_864 : i32
        %add3A_866 = arith.addi %squeeze3A_551, %shift_right_arithmetic3A_865 : i32
        %get3A_867 = arith.index_cast %add3A_866 : i32 to index
        %get3A_868 = arith.index_cast %mul3A_798 : i32 to index
        %get3A_869 = tpu.vector_load %arg20[%get3A_867, %get3A_868] {strides = array<i32>} : memref<16x128xf32, #tpu.memory_space<vmem>>, vector<16xf32>,
        %add3A_870 = arith.addf %get3A_863, %get3A_869 : vector<16xf32>
        %add3A_871 = arith.constant 2 : i32
        %add3A_872 = arith.addi %mul3A_794, %add3A_871 : i32
        %swap3A_873 = arith.constant 0 : i32
        %swap3A_874 = arith.constant 0 : i32
        %swap3A_875 = tpu.memref_slice %arg17[%scan3A_605, %swap3A_873, %swap3A_874] : memref<1x128x128xf32, #tpu.memory_space<vmem>> -> memref<1x128x128xf32, #tpu.memory_space<vmem>>
        %swap3A_876 = tpu.memref_squeeze %swap3A_875 : memref<1x128x128xf32, #tpu.memory_space<vmem>> -> memref<128x128xf32, #tpu.memory_space<vmem>>
        %swap3A_877 = arith.index_cast %add3A_872 : i32 to index
        %swap3A_878 = arith.index_cast %mul3A_798 : i32 to index
        %swap3A_879 = tpu.vector_load %swap3A_876[%swap3A_877, %swap3A_878] {strides = array<i32>} : memref<128x128xf32, #tpu.memory_space<vmem>>, vector<16xf32>,
        tpu.vector_store %swap3A_876[%swap3A_877, %swap3A_878], %add3A_870 {strides = array<i32>} : memref<128x128xf32, #tpu.memory_space<vmem>>, vector<16xf32>,
        %add3A_880 = arith.addf %scan3A_763, %add3A_870 : vector<16xf32>
        %mul3A_881 = arith.mulf %add3A_870, %add3A_870 : vector<16xf32>
        %add3A_882 = arith.addf %scan3A_764, %mul3A_881 : vector<16xf32>
        %add3A_883 = arith.constant 3 : i32
        %add3A_884 = arith.addi %mul3A_794, %add3A_883 : i32
        %get3A_885 = arith.constant 0 : i32
        %get3A_886 = arith.constant 0 : i32
        %get3A_887 = tpu.memref_slice %arg17[%scan3A_605, %get3A_885, %get3A_886] : memref<1x128x128xf32, #tpu.memory_space<vmem>> -> memref<1x128x128xf32, #tpu.memory_space<vmem>>
        %get3A_888 = tpu.memref_squeeze %get3A_887 : memref<1x128x128xf32, #tpu.memory_space<vmem>> -> memref<128x128xf32, #tpu.memory_space<vmem>>
        %get3A_889 = arith.index_cast %add3A_884 : i32 to index
        %get3A_890 = arith.index_cast %mul3A_798 : i32 to index
        %get3A_891 = tpu.vector_load %get3A_888[%get3A_889, %get3A_890] {strides = array<i32>} : memref<128x128xf32, #tpu.memory_space<vmem>>, vector<16xf32>,
        %shift_right_arithmetic3A_892 = arith.constant 3 : i32
        %shift_right_arithmetic3A_893 = arith.shrsi %scan3A_758, %shift_right_arithmetic3A_892 : i32
        %add3A_894 = arith.addi %squeeze3A_553, %shift_right_arithmetic3A_893 : i32
        %get3A_895 = arith.index_cast %add3A_894 : i32 to index
        %get3A_896 = arith.index_cast %mul3A_798 : i32 to index
        %get3A_897 = tpu.vector_load %arg20[%get3A_895, %get3A_896] {strides = array<i32>} : memref<16x128xf32, #tpu.memory_space<vmem>>, vector<16xf32>,
        %add3A_898 = arith.addf %get3A_891, %get3A_897 : vector<16xf32>
        %add3A_899 = arith.constant 3 : i32
        %add3A_900 = arith.addi %mul3A_794, %add3A_899 : i32
        %swap3A_901 = arith.constant 0 : i32
        %swap3A_902 = arith.constant 0 : i32
        %swap3A_903 = tpu.memref_slice %arg17[%scan3A_605, %swap3A_901, %swap3A_902] : memref<1x128x128xf32, #tpu.memory_space<vmem>> -> memref<1x128x128xf32, #tpu.memory_space<vmem>>
        %swap3A_904 = tpu.memref_squeeze %swap3A_903 : memref<1x128x128xf32, #tpu.memory_space<vmem>> -> memref<128x128xf32, #tpu.memory_space<vmem>>
        %swap3A_905 = arith.index_cast %add3A_900 : i32 to index
        %swap3A_906 = arith.index_cast %mul3A_798 : i32 to index
        %swap3A_907 = tpu.vector_load %swap3A_904[%swap3A_905, %swap3A_906] {strides = array<i32>} : memref<128x128xf32, #tpu.memory_space<vmem>>, vector<16xf32>,
        tpu.vector_store %swap3A_904[%swap3A_905, %swap3A_906], %add3A_898 {strides = array<i32>} : memref<128x128xf32, #tpu.memory_space<vmem>>, vector<16xf32>,
        %add3A_908 = arith.addf %scan3A_765, %add3A_898 : vector<16xf32>
        %mul3A_909 = arith.mulf %add3A_898, %add3A_898 : vector<16xf32>
        %add3A_910 = arith.addf %scan3A_766, %mul3A_909 : vector<16xf32>
        %add3A_911 = arith.constant 4 : i32
        %add3A_912 = arith.addi %mul3A_794, %add3A_911 : i32
        %get3A_913 = arith.constant 0 : i32
        %get3A_914 = arith.constant 0 : i32
        %get3A_915 = tpu.memref_slice %arg17[%scan3A_605, %get3A_913, %get3A_914] : memref<1x128x128xf32, #tpu.memory_space<vmem>> -> memref<1x128x128xf32, #tpu.memory_space<vmem>>
        %get3A_916 = tpu.memref_squeeze %get3A_915 : memref<1x128x128xf32, #tpu.memory_space<vmem>> -> memref<128x128xf32, #tpu.memory_space<vmem>>
        %get3A_917 = arith.index_cast %add3A_912 : i32 to index
        %get3A_918 = arith.index_cast %mul3A_798 : i32 to index
        %get3A_919 = tpu.vector_load %get3A_916[%get3A_917, %get3A_918] {strides = array<i32>} : memref<128x128xf32, #tpu.memory_space<vmem>>, vector<16xf32>,
        %shift_right_arithmetic3A_920 = arith.constant 3 : i32
        %shift_right_arithmetic3A_921 = arith.shrsi %scan3A_758, %shift_right_arithmetic3A_920 : i32
        %add3A_922 = arith.addi %squeeze3A_555, %shift_right_arithmetic3A_921 : i32
        %get3A_923 = arith.index_cast %add3A_922 : i32 to index
        %get3A_924 = arith.index_cast %mul3A_798 : i32 to index
        %get3A_925 = tpu.vector_load %arg20[%get3A_923, %get3A_924] {strides = array<i32>} : memref<16x128xf32, #tpu.memory_space<vmem>>, vector<16xf32>,
        %add3A_926 = arith.addf %get3A_919, %get3A_925 : vector<16xf32>
        %add3A_927 = arith.constant 4 : i32
        %add3A_928 = arith.addi %mul3A_794, %add3A_927 : i32
        %swap3A_929 = arith.constant 0 : i32
        %swap3A_930 = arith.constant 0 : i32
        %swap3A_931 = tpu.memref_slice %arg17[%scan3A_605, %swap3A_929, %swap3A_930] : memref<1x128x128xf32, #tpu.memory_space<vmem>> -> memref<1x128x128xf32, #tpu.memory_space<vmem>>
        %swap3A_932 = tpu.memref_squeeze %swap3A_931 : memref<1x128x128xf32, #tpu.memory_space<vmem>> -> memref<128x128xf32, #tpu.memory_space<vmem>>
        %swap3A_933 = arith.index_cast %add3A_928 : i32 to index
        %swap3A_934 = arith.index_cast %mul3A_798 : i32 to index
        %swap3A_935 = tpu.vector_load %swap3A_932[%swap3A_933, %swap3A_934] {strides = array<i32>} : memref<128x128xf32, #tpu.memory_space<vmem>>, vector<16xf32>,
        tpu.vector_store %swap3A_932[%swap3A_933, %swap3A_934], %add3A_926 {strides = array<i32>} : memref<128x128xf32, #tpu.memory_space<vmem>>, vector<16xf32>,
        %add3A_936 = arith.addf %scan3A_767, %add3A_926 : vector<16xf32>
        %mul3A_937 = arith.mulf %add3A_926, %add3A_926 : vector<16xf32>
        %add3A_938 = arith.addf %scan3A_768, %mul3A_937 : vector<16xf32>
        %add3A_939 = arith.constant 5 : i32
        %add3A_940 = arith.addi %mul3A_794, %add3A_939 : i32
        %get3A_941 = arith.constant 0 : i32
        %get3A_942 = arith.constant 0 : i32
        %get3A_943 = tpu.memref_slice %arg17[%scan3A_605, %get3A_941, %get3A_942] : memref<1x128x128xf32, #tpu.memory_space<vmem>> -> memref<1x128x128xf32, #tpu.memory_space<vmem>>
        %get3A_944 = tpu.memref_squeeze %get3A_943 : memref<1x128x128xf32, #tpu.memory_space<vmem>> -> memref<128x128xf32, #tpu.memory_space<vmem>>
        %get3A_945 = arith.index_cast %add3A_940 : i32 to index
        %get3A_946 = arith.index_cast %mul3A_798 : i32 to index
        %get3A_947 = tpu.vector_load %get3A_944[%get3A_945, %get3A_946] {strides = array<i32>} : memref<128x128xf32, #tpu.memory_space<vmem>>, vector<16xf32>,
        %shift_right_arithmetic3A_948 = arith.constant 3 : i32
        %shift_right_arithmetic3A_949 = arith.shrsi %scan3A_758, %shift_right_arithmetic3A_948 : i32
        %add3A_950 = arith.addi %squeeze3A_557, %shift_right_arithmetic3A_949 : i32
        %get3A_951 = arith.index_cast %add3A_950 : i32 to index
        %get3A_952 = arith.index_cast %mul3A_798 : i32 to index
        %get3A_953 = tpu.vector_load %arg20[%get3A_951, %get3A_952] {strides = array<i32>} : memref<16x128xf32, #tpu.memory_space<vmem>>, vector<16xf32>,
        %add3A_954 = arith.addf %get3A_947, %get3A_953 : vector<16xf32>
        %add3A_955 = arith.constant 5 : i32
        %add3A_956 = arith.addi %mul3A_794, %add3A_955 : i32
        %swap3A_957 = arith.constant 0 : i32
        %swap3A_958 = arith.constant 0 : i32
        %swap3A_959 = tpu.memref_slice %arg17[%scan3A_605, %swap3A_957, %swap3A_958] : memref<1x128x128xf32, #tpu.memory_space<vmem>> -> memref<1x128x128xf32, #tpu.memory_space<vmem>>
        %swap3A_960 = tpu.memref_squeeze %swap3A_959 : memref<1x128x128xf32, #tpu.memory_space<vmem>> -> memref<128x128xf32, #tpu.memory_space<vmem>>
        %swap3A_961 = arith.index_cast %add3A_956 : i32 to index
        %swap3A_962 = arith.index_cast %mul3A_798 : i32 to index
        %swap3A_963 = tpu.vector_load %swap3A_960[%swap3A_961, %swap3A_962] {strides = array<i32>} : memref<128x128xf32, #tpu.memory_space<vmem>>, vector<16xf32>,
        tpu.vector_store %swap3A_960[%swap3A_961, %swap3A_962], %add3A_954 {strides = array<i32>} : memref<128x128xf32, #tpu.memory_space<vmem>>, vector<16xf32>,
        %add3A_964 = arith.addf %scan3A_769, %add3A_954 : vector<16xf32>
        %mul3A_965 = arith.mulf %add3A_954, %add3A_954 : vector<16xf32>
        %add3A_966 = arith.addf %scan3A_770, %mul3A_965 : vector<16xf32>
        %add3A_967 = arith.constant 6 : i32
        %add3A_968 = arith.addi %mul3A_794, %add3A_967 : i32
        %get3A_969 = arith.constant 0 : i32
        %get3A_970 = arith.constant 0 : i32
        %get3A_971 = tpu.memref_slice %arg17[%scan3A_605, %get3A_969, %get3A_970] : memref<1x128x128xf32, #tpu.memory_space<vmem>> -> memref<1x128x128xf32, #tpu.memory_space<vmem>>
        %get3A_972 = tpu.memref_squeeze %get3A_971 : memref<1x128x128xf32, #tpu.memory_space<vmem>> -> memref<128x128xf32, #tpu.memory_space<vmem>>
        %get3A_973 = arith.index_cast %add3A_968 : i32 to index
        %get3A_974 = arith.index_cast %mul3A_798 : i32 to index
        %get3A_975 = tpu.vector_load %get3A_972[%get3A_973, %get3A_974] {strides = array<i32>} : memref<128x128xf32, #tpu.memory_space<vmem>>, vector<16xf32>,
        %shift_right_arithmetic3A_976 = arith.constant 3 : i32
        %shift_right_arithmetic3A_977 = arith.shrsi %scan3A_758, %shift_right_arithmetic3A_976 : i32
        %add3A_978 = arith.addi %squeeze3A_559, %shift_right_arithmetic3A_977 : i32
        %get3A_979 = arith.index_cast %add3A_978 : i32 to index
        %get3A_980 = arith.index_cast %mul3A_798 : i32 to index
        %get3A_981 = tpu.vector_load %arg20[%get3A_979, %get3A_980] {strides = array<i32>} : memref<16x128xf32, #tpu.memory_space<vmem>>, vector<16xf32>,
        %add3A_982 = arith.addf %get3A_975, %get3A_981 : vector<16xf32>
        %add3A_983 = arith.constant 6 : i32
        %add3A_984 = arith.addi %mul3A_794, %add3A_983 : i32
        %swap3A_985 = arith.constant 0 : i32
        %swap3A_986 = arith.constant 0 : i32
        %swap3A_987 = tpu.memref_slice %arg17[%scan3A_605, %swap3A_985, %swap3A_986] : memref<1x128x128xf32, #tpu.memory_space<vmem>> -> memref<1x128x128xf32, #tpu.memory_space<vmem>>
        %swap3A_988 = tpu.memref_squeeze %swap3A_987 : memref<1x128x128xf32, #tpu.memory_space<vmem>> -> memref<128x128xf32, #tpu.memory_space<vmem>>
        %swap3A_989 = arith.index_cast %add3A_984 : i32 to index
        %swap3A_990 = arith.index_cast %mul3A_798 : i32 to index
        %swap3A_991 = tpu.vector_load %swap3A_988[%swap3A_989, %swap3A_990] {strides = array<i32>} : memref<128x128xf32, #tpu.memory_space<vmem>>, vector<16xf32>,
        tpu.vector_store %swap3A_988[%swap3A_989, %swap3A_990], %add3A_982 {strides = array<i32>} : memref<128x128xf32, #tpu.memory_space<vmem>>, vector<16xf32>,
        %add3A_992 = arith.addf %scan3A_771, %add3A_982 : vector<16xf32>
        %mul3A_993 = arith.mulf %add3A_982, %add3A_982 : vector<16xf32>
        %add3A_994 = arith.addf %scan3A_772, %mul3A_993 : vector<16xf32>
        %add3A_995 = arith.constant 7 : i32
        %add3A_996 = arith.addi %mul3A_794, %add3A_995 : i32
        %get3A_997 = arith.constant 0 : i32
        %get3A_998 = arith.constant 0 : i32
        %get3A_999 = tpu.memref_slice %arg17[%scan3A_605, %get3A_997, %get3A_998] : memref<1x128x128xf32, #tpu.memory_space<vmem>> -> memref<1x128x128xf32, #tpu.memory_space<vmem>>
        %get3A_1000 = tpu.memref_squeeze %get3A_999 : memref<1x128x128xf32, #tpu.memory_space<vmem>> -> memref<128x128xf32, #tpu.memory_space<vmem>>
        %get3A_1001 = arith.index_cast %add3A_996 : i32 to index
        %get3A_1002 = arith.index_cast %mul3A_798 : i32 to index
        %get3A_1003 = tpu.vector_load %get3A_1000[%get3A_1001, %get3A_1002] {strides = array<i32>} : memref<128x128xf32, #tpu.memory_space<vmem>>, vector<16xf32>,
        %shift_right_arithmetic3A_1004 = arith.constant 3 : i32
        %shift_right_arithmetic3A_1005 = arith.shrsi %scan3A_758, %shift_right_arithmetic3A_1004 : i32
        %add3A_1006 = arith.addi %squeeze3A_561, %shift_right_arithmetic3A_1005 : i32
        %get3A_1007 = arith.index_cast %add3A_1006 : i32 to index
        %get3A_1008 = arith.index_cast %mul3A_798 : i32 to index
        %get3A_1009 = tpu.vector_load %arg20[%get3A_1007, %get3A_1008] {strides = array<i32>} : memref<16x128xf32, #tpu.memory_space<vmem>>, vector<16xf32>,
        %add3A_1010 = arith.addf %get3A_1003, %get3A_1009 : vector<16xf32>
        %add3A_1011 = arith.constant 7 : i32
        %add3A_1012 = arith.addi %mul3A_794, %add3A_1011 : i32
        %swap3A_1013 = arith.constant 0 : i32
        %swap3A_1014 = arith.constant 0 : i32
        %swap3A_1015 = tpu.memref_slice %arg17[%scan3A_605, %swap3A_1013, %swap3A_1014] : memref<1x128x128xf32, #tpu.memory_space<vmem>> -> memref<1x128x128xf32, #tpu.memory_space<vmem>>
        %swap3A_1016 = tpu.memref_squeeze %swap3A_1015 : memref<1x128x128xf32, #tpu.memory_space<vmem>> -> memref<128x128xf32, #tpu.memory_space<vmem>>
        %swap3A_1017 = arith.index_cast %add3A_1012 : i32 to index
        %swap3A_1018 = arith.index_cast %mul3A_798 : i32 to index
        %swap3A_1019 = tpu.vector_load %swap3A_1016[%swap3A_1017, %swap3A_1018] {strides = array<i32>} : memref<128x128xf32, #tpu.memory_space<vmem>>, vector<16xf32>,
        tpu.vector_store %swap3A_1016[%swap3A_1017, %swap3A_1018], %add3A_1010 {strides = array<i32>} : memref<128x128xf32, #tpu.memory_space<vmem>>, vector<16xf32>,
        %add3A_1020 = arith.addf %scan3A_773, %add3A_1010 : vector<16xf32>
        %mul3A_1021 = arith.mulf %add3A_1010, %add3A_1010 : vector<16xf32>
        %add3A_1022 = arith.addf %scan3A_774, %mul3A_1021 : vector<16xf32>
        %add3A_1023 = arith.constant 8 : i32
        %add3A_1024 = arith.addi %mul3A_794, %add3A_1023 : i32
        %get3A_1025 = arith.constant 0 : i32
        %get3A_1026 = arith.constant 0 : i32
        %get3A_1027 = tpu.memref_slice %arg17[%scan3A_605, %get3A_1025, %get3A_1026] : memref<1x128x128xf32, #tpu.memory_space<vmem>> -> memref<1x128x128xf32, #tpu.memory_space<vmem>>
        %get3A_1028 = tpu.memref_squeeze %get3A_1027 : memref<1x128x128xf32, #tpu.memory_space<vmem>> -> memref<128x128xf32, #tpu.memory_space<vmem>>
        %get3A_1029 = arith.index_cast %add3A_1024 : i32 to index
        %get3A_1030 = arith.index_cast %mul3A_798 : i32 to index
        %get3A_1031 = tpu.vector_load %get3A_1028[%get3A_1029, %get3A_1030] {strides = array<i32>} : memref<128x128xf32, #tpu.memory_space<vmem>>, vector<16xf32>,
        %shift_right_arithmetic3A_1032 = arith.constant 3 : i32
        %shift_right_arithmetic3A_1033 = arith.shrsi %scan3A_758, %shift_right_arithmetic3A_1032 : i32
        %add3A_1034 = arith.addi %squeeze3A_563, %shift_right_arithmetic3A_1033 : i32
        %get3A_1035 = arith.index_cast %add3A_1034 : i32 to index
        %get3A_1036 = arith.index_cast %mul3A_798 : i32 to index
        %get3A_1037 = tpu.vector_load %arg20[%get3A_1035, %get3A_1036] {strides = array<i32>} : memref<16x128xf32, #tpu.memory_space<vmem>>, vector<16xf32>,
        %add3A_1038 = arith.addf %get3A_1031, %get3A_1037 : vector<16xf32>
        %add3A_1039 = arith.constant 8 : i32
        %add3A_1040 = arith.addi %mul3A_794, %add3A_1039 : i32
        %swap3A_1041 = arith.constant 0 : i32
        %swap3A_1042 = arith.constant 0 : i32
        %swap3A_1043 = tpu.memref_slice %arg17[%scan3A_605, %swap3A_1041, %swap3A_1042] : memref<1x128x128xf32, #tpu.memory_space<vmem>> -> memref<1x128x128xf32, #tpu.memory_space<vmem>>
        %swap3A_1044 = tpu.memref_squeeze %swap3A_1043 : memref<1x128x128xf32, #tpu.memory_space<vmem>> -> memref<128x128xf32, #tpu.memory_space<vmem>>
        %swap3A_1045 = arith.index_cast %add3A_1040 : i32 to index
        %swap3A_1046 = arith.index_cast %mul3A_798 : i32 to index
        %swap3A_1047 = tpu.vector_load %swap3A_1044[%swap3A_1045, %swap3A_1046] {strides = array<i32>} : memref<128x128xf32, #tpu.memory_space<vmem>>, vector<16xf32>,
        tpu.vector_store %swap3A_1044[%swap3A_1045, %swap3A_1046], %add3A_1038 {strides = array<i32>} : memref<128x128xf32, #tpu.memory_space<vmem>>, vector<16xf32>,
        %add3A_1048 = arith.addf %scan3A_775, %add3A_1038 : vector<16xf32>
        %mul3A_1049 = arith.mulf %add3A_1038, %add3A_1038 : vector<16xf32>
        %add3A_1050 = arith.addf %scan3A_776, %mul3A_1049 : vector<16xf32>
        %add3A_1051 = arith.constant 9 : i32
        %add3A_1052 = arith.addi %mul3A_794, %add3A_1051 : i32
        %get3A_1053 = arith.constant 0 : i32
        %get3A_1054 = arith.constant 0 : i32
        %get3A_1055 = tpu.memref_slice %arg17[%scan3A_605, %get3A_1053, %get3A_1054] : memref<1x128x128xf32, #tpu.memory_space<vmem>> -> memref<1x128x128xf32, #tpu.memory_space<vmem>>
        %get3A_1056 = tpu.memref_squeeze %get3A_1055 : memref<1x128x128xf32, #tpu.memory_space<vmem>> -> memref<128x128xf32, #tpu.memory_space<vmem>>
        %get3A_1057 = arith.index_cast %add3A_1052 : i32 to index
        %get3A_1058 = arith.index_cast %mul3A_798 : i32 to index
        %get3A_1059 = tpu.vector_load %get3A_1056[%get3A_1057, %get3A_1058] {strides = array<i32>} : memref<128x128xf32, #tpu.memory_space<vmem>>, vector<16xf32>,
        %shift_right_arithmetic3A_1060 = arith.constant 3 : i32
        %shift_right_arithmetic3A_1061 = arith.shrsi %scan3A_758, %shift_right_arithmetic3A_1060 : i32
        %add3A_1062 = arith.addi %squeeze3A_565, %shift_right_arithmetic3A_1061 : i32
        %get3A_1063 = arith.index_cast %add3A_1062 : i32 to index
        %get3A_1064 = arith.index_cast %mul3A_798 : i32 to index
        %get3A_1065 = tpu.vector_load %arg20[%get3A_1063, %get3A_1064] {strides = array<i32>} : memref<16x128xf32, #tpu.memory_space<vmem>>, vector<16xf32>,
        %add3A_1066 = arith.addf %get3A_1059, %get3A_1065 : vector<16xf32>
        %add3A_1067 = arith.constant 9 : i32
        %add3A_1068 = arith.addi %mul3A_794, %add3A_1067 : i32
        %swap3A_1069 = arith.constant 0 : i32
        %swap3A_1070 = arith.constant 0 : i32
        %swap3A_1071 = tpu.memref_slice %arg17[%scan3A_605, %swap3A_1069, %swap3A_1070] : memref<1x128x128xf32, #tpu.memory_space<vmem>> -> memref<1x128x128xf32, #tpu.memory_space<vmem>>
        %swap3A_1072 = tpu.memref_squeeze %swap3A_1071 : memref<1x128x128xf32, #tpu.memory_space<vmem>> -> memref<128x128xf32, #tpu.memory_space<vmem>>
        %swap3A_1073 = arith.index_cast %add3A_1068 : i32 to index
        %swap3A_1074 = arith.index_cast %mul3A_798 : i32 to index
        %swap3A_1075 = tpu.vector_load %swap3A_1072[%swap3A_1073, %swap3A_1074] {strides = array<i32>} : memref<128x128xf32, #tpu.memory_space<vmem>>, vector<16xf32>,
        tpu.vector_store %swap3A_1072[%swap3A_1073, %swap3A_1074], %add3A_1066 {strides = array<i32>} : memref<128x128xf32, #tpu.memory_space<vmem>>, vector<16xf32>,
        %add3A_1076 = arith.addf %scan3A_777, %add3A_1066 : vector<16xf32>
        %mul3A_1077 = arith.mulf %add3A_1066, %add3A_1066 : vector<16xf32>
        %add3A_1078 = arith.addf %scan3A_778, %mul3A_1077 : vector<16xf32>
        %add3A_1079 = arith.constant 10 : i32
        %add3A_1080 = arith.addi %mul3A_794, %add3A_1079 : i32
        %get3A_1081 = arith.constant 0 : i32
        %get3A_1082 = arith.constant 0 : i32
        %get3A_1083 = tpu.memref_slice %arg17[%scan3A_605, %get3A_1081, %get3A_1082] : memref<1x128x128xf32, #tpu.memory_space<vmem>> -> memref<1x128x128xf32, #tpu.memory_space<vmem>>
        %get3A_1084 = tpu.memref_squeeze %get3A_1083 : memref<1x128x128xf32, #tpu.memory_space<vmem>> -> memref<128x128xf32, #tpu.memory_space<vmem>>
        %get3A_1085 = arith.index_cast %add3A_1080 : i32 to index
        %get3A_1086 = arith.index_cast %mul3A_798 : i32 to index
        %get3A_1087 = tpu.vector_load %get3A_1084[%get3A_1085, %get3A_1086] {strides = array<i32>} : memref<128x128xf32, #tpu.memory_space<vmem>>, vector<16xf32>,
        %shift_right_arithmetic3A_1088 = arith.constant 3 : i32
        %shift_right_arithmetic3A_1089 = arith.shrsi %scan3A_758, %shift_right_arithmetic3A_1088 : i32
        %add3A_1090 = arith.addi %squeeze3A_567, %shift_right_arithmetic3A_1089 : i32
        %get3A_1091 = arith.index_cast %add3A_1090 : i32 to index
        %get3A_1092 = arith.index_cast %mul3A_798 : i32 to index
        %get3A_1093 = tpu.vector_load %arg20[%get3A_1091, %get3A_1092] {strides = array<i32>} : memref<16x128xf32, #tpu.memory_space<vmem>>, vector<16xf32>,
        %add3A_1094 = arith.addf %get3A_1087, %get3A_1093 : vector<16xf32>
        %add3A_1095 = arith.constant 10 : i32
        %add3A_1096 = arith.addi %mul3A_794, %add3A_1095 : i32
        %swap3A_1097 = arith.constant 0 : i32
        %swap3A_1098 = arith.constant 0 : i32
        %swap3A_1099 = tpu.memref_slice %arg17[%scan3A_605, %swap3A_1097, %swap3A_1098] : memref<1x128x128xf32, #tpu.memory_space<vmem>> -> memref<1x128x128xf32, #tpu.memory_space<vmem>>
        %swap3A_1100 = tpu.memref_squeeze %swap3A_1099 : memref<1x128x128xf32, #tpu.memory_space<vmem>> -> memref<128x128xf32, #tpu.memory_space<vmem>>
        %swap3A_1101 = arith.index_cast %add3A_1096 : i32 to index
        %swap3A_1102 = arith.index_cast %mul3A_798 : i32 to index
        %swap3A_1103 = tpu.vector_load %swap3A_1100[%swap3A_1101, %swap3A_1102] {strides = array<i32>} : memref<128x128xf32, #tpu.memory_space<vmem>>, vector<16xf32>,
        tpu.vector_store %swap3A_1100[%swap3A_1101, %swap3A_1102], %add3A_1094 {strides = array<i32>} : memref<128x128xf32, #tpu.memory_space<vmem>>, vector<16xf32>,
        %add3A_1104 = arith.addf %scan3A_779, %add3A_1094 : vector<16xf32>
        %mul3A_1105 = arith.mulf %add3A_1094, %add3A_1094 : vector<16xf32>
        %add3A_1106 = arith.addf %scan3A_780, %mul3A_1105 : vector<16xf32>
        %add3A_1107 = arith.constant 11 : i32
        %add3A_1108 = arith.addi %mul3A_794, %add3A_1107 : i32
        %get3A_1109 = arith.constant 0 : i32
        %get3A_1110 = arith.constant 0 : i32
        %get3A_1111 = tpu.memref_slice %arg17[%scan3A_605, %get3A_1109, %get3A_1110] : memref<1x128x128xf32, #tpu.memory_space<vmem>> -> memref<1x128x128xf32, #tpu.memory_space<vmem>>
        %get3A_1112 = tpu.memref_squeeze %get3A_1111 : memref<1x128x128xf32, #tpu.memory_space<vmem>> -> memref<128x128xf32, #tpu.memory_space<vmem>>
        %get3A_1113 = arith.index_cast %add3A_1108 : i32 to index
        %get3A_1114 = arith.index_cast %mul3A_798 : i32 to index
        %get3A_1115 = tpu.vector_load %get3A_1112[%get3A_1113, %get3A_1114] {strides = array<i32>} : memref<128x128xf32, #tpu.memory_space<vmem>>, vector<16xf32>,
        %shift_right_arithmetic3A_1116 = arith.constant 3 : i32
        %shift_right_arithmetic3A_1117 = arith.shrsi %scan3A_758, %shift_right_arithmetic3A_1116 : i32
        %add3A_1118 = arith.addi %squeeze3A_569, %shift_right_arithmetic3A_1117 : i32
        %get3A_1119 = arith.index_cast %add3A_1118 : i32 to index
        %get3A_1120 = arith.index_cast %mul3A_798 : i32 to index
        %get3A_1121 = tpu.vector_load %arg20[%get3A_1119, %get3A_1120] {strides = array<i32>} : memref<16x128xf32, #tpu.memory_space<vmem>>, vector<16xf32>,
        %add3A_1122 = arith.addf %get3A_1115, %get3A_1121 : vector<16xf32>
        %add3A_1123 = arith.constant 11 : i32
        %add3A_1124 = arith.addi %mul3A_794, %add3A_1123 : i32
        %swap3A_1125 = arith.constant 0 : i32
        %swap3A_1126 = arith.constant 0 : i32
        %swap3A_1127 = tpu.memref_slice %arg17[%scan3A_605, %swap3A_1125, %swap3A_1126] : memref<1x128x128xf32, #tpu.memory_space<vmem>> -> memref<1x128x128xf32, #tpu.memory_space<vmem>>
        %swap3A_1128 = tpu.memref_squeeze %swap3A_1127 : memref<1x128x128xf32, #tpu.memory_space<vmem>> -> memref<128x128xf32, #tpu.memory_space<vmem>>
        %swap3A_1129 = arith.index_cast %add3A_1124 : i32 to index
        %swap3A_1130 = arith.index_cast %mul3A_798 : i32 to index
        %swap3A_1131 = tpu.vector_load %swap3A_1128[%swap3A_1129, %swap3A_1130] {strides = array<i32>} : memref<128x128xf32, #tpu.memory_space<vmem>>, vector<16xf32>,
        tpu.vector_store %swap3A_1128[%swap3A_1129, %swap3A_1130], %add3A_1122 {strides = array<i32>} : memref<128x128xf32, #tpu.memory_space<vmem>>, vector<16xf32>,
        %add3A_1132 = arith.addf %scan3A_781, %add3A_1122 : vector<16xf32>
        %mul3A_1133 = arith.mulf %add3A_1122, %add3A_1122 : vector<16xf32>
        %add3A_1134 = arith.addf %scan3A_782, %mul3A_1133 : vector<16xf32>
        %add3A_1135 = arith.constant 12 : i32
        %add3A_1136 = arith.addi %mul3A_794, %add3A_1135 : i32
        %get3A_1137 = arith.constant 0 : i32
        %get3A_1138 = arith.constant 0 : i32
        %get3A_1139 = tpu.memref_slice %arg17[%scan3A_605, %get3A_1137, %get3A_1138] : memref<1x128x128xf32, #tpu.memory_space<vmem>> -> memref<1x128x128xf32, #tpu.memory_space<vmem>>
        %get3A_1140 = tpu.memref_squeeze %get3A_1139 : memref<1x128x128xf32, #tpu.memory_space<vmem>> -> memref<128x128xf32, #tpu.memory_space<vmem>>
        %get3A_1141 = arith.index_cast %add3A_1136 : i32 to index
        %get3A_1142 = arith.index_cast %mul3A_798 : i32 to index
        %get3A_1143 = tpu.vector_load %get3A_1140[%get3A_1141, %get3A_1142] {strides = array<i32>} : memref<128x128xf32, #tpu.memory_space<vmem>>, vector<16xf32>,
        %shift_right_arithmetic3A_1144 = arith.constant 3 : i32
        %shift_right_arithmetic3A_1145 = arith.shrsi %scan3A_758, %shift_right_arithmetic3A_1144 : i32
        %add3A_1146 = arith.addi %squeeze3A_571, %shift_right_arithmetic3A_1145 : i32
        %get3A_1147 = arith.index_cast %add3A_1146 : i32 to index
        %get3A_1148 = arith.index_cast %mul3A_798 : i32 to index
        %get3A_1149 = tpu.vector_load %arg20[%get3A_1147, %get3A_1148] {strides = array<i32>} : memref<16x128xf32, #tpu.memory_space<vmem>>, vector<16xf32>,
        %add3A_1150 = arith.addf %get3A_1143, %get3A_1149 : vector<16xf32>
        %add3A_1151 = arith.constant 12 : i32
        %add3A_1152 = arith.addi %mul3A_794, %add3A_1151 : i32
        %swap3A_1153 = arith.constant 0 : i32
        %swap3A_1154 = arith.constant 0 : i32
        %swap3A_1155 = tpu.memref_slice %arg17[%scan3A_605, %swap3A_1153, %swap3A_1154] : memref<1x128x128xf32, #tpu.memory_space<vmem>> -> memref<1x128x128xf32, #tpu.memory_space<vmem>>
        %swap3A_1156 = tpu.memref_squeeze %swap3A_1155 : memref<1x128x128xf32, #tpu.memory_space<vmem>> -> memref<128x128xf32, #tpu.memory_space<vmem>>
        %swap3A_1157 = arith.index_cast %add3A_1152 : i32 to index
        %swap3A_1158 = arith.index_cast %mul3A_798 : i32 to index
        %swap3A_1159 = tpu.vector_load %swap3A_1156[%swap3A_1157, %swap3A_1158] {strides = array<i32>} : memref<128x128xf32, #tpu.memory_space<vmem>>, vector<16xf32>,
        tpu.vector_store %swap3A_1156[%swap3A_1157, %swap3A_1158], %add3A_1150 {strides = array<i32>} : memref<128x128xf32, #tpu.memory_space<vmem>>, vector<16xf32>,
        %add3A_1160 = arith.addf %scan3A_783, %add3A_1150 : vector<16xf32>
        %mul3A_1161 = arith.mulf %add3A_1150, %add3A_1150 : vector<16xf32>
        %add3A_1162 = arith.addf %scan3A_784, %mul3A_1161 : vector<16xf32>
        %add3A_1163 = arith.constant 13 : i32
        %add3A_1164 = arith.addi %mul3A_794, %add3A_1163 : i32
        %get3A_1165 = arith.constant 0 : i32
        %get3A_1166 = arith.constant 0 : i32
        %get3A_1167 = tpu.memref_slice %arg17[%scan3A_605, %get3A_1165, %get3A_1166] : memref<1x128x128xf32, #tpu.memory_space<vmem>> -> memref<1x128x128xf32, #tpu.memory_space<vmem>>
        %get3A_1168 = tpu.memref_squeeze %get3A_1167 : memref<1x128x128xf32, #tpu.memory_space<vmem>> -> memref<128x128xf32, #tpu.memory_space<vmem>>
        %get3A_1169 = arith.index_cast %add3A_1164 : i32 to index
        %get3A_1170 = arith.index_cast %mul3A_798 : i32 to index
        %get3A_1171 = tpu.vector_load %get3A_1168[%get3A_1169, %get3A_1170] {strides = array<i32>} : memref<128x128xf32, #tpu.memory_space<vmem>>, vector<16xf32>,
        %shift_right_arithmetic3A_1172 = arith.constant 3 : i32
        %shift_right_arithmetic3A_1173 = arith.shrsi %scan3A_758, %shift_right_arithmetic3A_1172 : i32
        %add3A_1174 = arith.addi %squeeze3A_573, %shift_right_arithmetic3A_1173 : i32
        %get3A_1175 = arith.index_cast %add3A_1174 : i32 to index
        %get3A_1176 = arith.index_cast %mul3A_798 : i32 to index
        %get3A_1177 = tpu.vector_load %arg20[%get3A_1175, %get3A_1176] {strides = array<i32>} : memref<16x128xf32, #tpu.memory_space<vmem>>, vector<16xf32>,
        %add3A_1178 = arith.addf %get3A_1171, %get3A_1177 : vector<16xf32>
        %add3A_1179 = arith.constant 13 : i32
        %add3A_1180 = arith.addi %mul3A_794, %add3A_1179 : i32
        %swap3A_1181 = arith.constant 0 : i32
        %swap3A_1182 = arith.constant 0 : i32
        %swap3A_1183 = tpu.memref_slice %arg17[%scan3A_605, %swap3A_1181, %swap3A_1182] : memref<1x128x128xf32, #tpu.memory_space<vmem>> -> memref<1x128x128xf32, #tpu.memory_space<vmem>>
        %swap3A_1184 = tpu.memref_squeeze %swap3A_1183 : memref<1x128x128xf32, #tpu.memory_space<vmem>> -> memref<128x128xf32, #tpu.memory_space<vmem>>
        %swap3A_1185 = arith.index_cast %add3A_1180 : i32 to index
        %swap3A_1186 = arith.index_cast %mul3A_798 : i32 to index
        %swap3A_1187 = tpu.vector_load %swap3A_1184[%swap3A_1185, %swap3A_1186] {strides = array<i32>} : memref<128x128xf32, #tpu.memory_space<vmem>>, vector<16xf32>,
        tpu.vector_store %swap3A_1184[%swap3A_1185, %swap3A_1186], %add3A_1178 {strides = array<i32>} : memref<128x128xf32, #tpu.memory_space<vmem>>, vector<16xf32>,
        %add3A_1188 = arith.addf %scan3A_785, %add3A_1178 : vector<16xf32>
        %mul3A_1189 = arith.mulf %add3A_1178, %add3A_1178 : vector<16xf32>
        %add3A_1190 = arith.addf %scan3A_786, %mul3A_1189 : vector<16xf32>
        %add3A_1191 = arith.constant 14 : i32
        %add3A_1192 = arith.addi %mul3A_794, %add3A_1191 : i32
        %get3A_1193 = arith.constant 0 : i32
        %get3A_1194 = arith.constant 0 : i32
        %get3A_1195 = tpu.memref_slice %arg17[%scan3A_605, %get3A_1193, %get3A_1194] : memref<1x128x128xf32, #tpu.memory_space<vmem>> -> memref<1x128x128xf32, #tpu.memory_space<vmem>>
        %get3A_1196 = tpu.memref_squeeze %get3A_1195 : memref<1x128x128xf32, #tpu.memory_space<vmem>> -> memref<128x128xf32, #tpu.memory_space<vmem>>
        %get3A_1197 = arith.index_cast %add3A_1192 : i32 to index
        %get3A_1198 = arith.index_cast %mul3A_798 : i32 to index
        %get3A_1199 = tpu.vector_load %get3A_1196[%get3A_1197, %get3A_1198] {strides = array<i32>} : memref<128x128xf32, #tpu.memory_space<vmem>>, vector<16xf32>,
        %shift_right_arithmetic3A_1200 = arith.constant 3 : i32
        %shift_right_arithmetic3A_1201 = arith.shrsi %scan3A_758, %shift_right_arithmetic3A_1200 : i32
        %add3A_1202 = arith.addi %squeeze3A_575, %shift_right_arithmetic3A_1201 : i32
        %get3A_1203 = arith.index_cast %add3A_1202 : i32 to index
        %get3A_1204 = arith.index_cast %mul3A_798 : i32 to index
        %get3A_1205 = tpu.vector_load %arg20[%get3A_1203, %get3A_1204] {strides = array<i32>} : memref<16x128xf32, #tpu.memory_space<vmem>>, vector<16xf32>,
        %add3A_1206 = arith.addf %get3A_1199, %get3A_1205 : vector<16xf32>
        %add3A_1207 = arith.constant 14 : i32
        %add3A_1208 = arith.addi %mul3A_794, %add3A_1207 : i32
        %swap3A_1209 = arith.constant 0 : i32
        %swap3A_1210 = arith.constant 0 : i32
        %swap3A_1211 = tpu.memref_slice %arg17[%scan3A_605, %swap3A_1209, %swap3A_1210] : memref<1x128x128xf32, #tpu.memory_space<vmem>> -> memref<1x128x128xf32, #tpu.memory_space<vmem>>
        %swap3A_1212 = tpu.memref_squeeze %swap3A_1211 : memref<1x128x128xf32, #tpu.memory_space<vmem>> -> memref<128x128xf32, #tpu.memory_space<vmem>>
        %swap3A_1213 = arith.index_cast %add3A_1208 : i32 to index
        %swap3A_1214 = arith.index_cast %mul3A_798 : i32 to index
        %swap3A_1215 = tpu.vector_load %swap3A_1212[%swap3A_1213, %swap3A_1214] {strides = array<i32>} : memref<128x128xf32, #tpu.memory_space<vmem>>, vector<16xf32>,
        tpu.vector_store %swap3A_1212[%swap3A_1213, %swap3A_1214], %add3A_1206 {strides = array<i32>} : memref<128x128xf32, #tpu.memory_space<vmem>>, vector<16xf32>,
        %add3A_1216 = arith.addf %scan3A_787, %add3A_1206 : vector<16xf32>
        %mul3A_1217 = arith.mulf %add3A_1206, %add3A_1206 : vector<16xf32>
        %add3A_1218 = arith.addf %scan3A_788, %mul3A_1217 : vector<16xf32>
        %add3A_1219 = arith.constant 15 : i32
        %add3A_1220 = arith.addi %mul3A_794, %add3A_1219 : i32
        %get3A_1221 = arith.constant 0 : i32
        %get3A_1222 = arith.constant 0 : i32
        %get3A_1223 = tpu.memref_slice %arg17[%scan3A_605, %get3A_1221, %get3A_1222] : memref<1x128x128xf32, #tpu.memory_space<vmem>> -> memref<1x128x128xf32, #tpu.memory_space<vmem>>
        %get3A_1224 = tpu.memref_squeeze %get3A_1223 : memref<1x128x128xf32, #tpu.memory_space<vmem>> -> memref<128x128xf32, #tpu.memory_space<vmem>>
        %get3A_1225 = arith.index_cast %add3A_1220 : i32 to index
        %get3A_1226 = arith.index_cast %mul3A_798 : i32 to index
        %get3A_1227 = tpu.vector_load %get3A_1224[%get3A_1225, %get3A_1226] {strides = array<i32>} : memref<128x128xf32, #tpu.memory_space<vmem>>, vector<16xf32>,
        %shift_right_arithmetic3A_1228 = arith.constant 3 : i32
        %shift_right_arithmetic3A_1229 = arith.shrsi %scan3A_758, %shift_right_arithmetic3A_1228 : i32
        %add3A_1230 = arith.addi %squeeze3A_577, %shift_right_arithmetic3A_1229 : i32
        %get3A_1231 = arith.index_cast %add3A_1230 : i32 to index
        %get3A_1232 = arith.index_cast %mul3A_798 : i32 to index
        %get3A_1233 = tpu.vector_load %arg20[%get3A_1231, %get3A_1232] {strides = array<i32>} : memref<16x128xf32, #tpu.memory_space<vmem>>, vector<16xf32>,
        %add3A_1234 = arith.addf %get3A_1227, %get3A_1233 : vector<16xf32>
        %add3A_1235 = arith.constant 15 : i32
        %add3A_1236 = arith.addi %mul3A_794, %add3A_1235 : i32
        %swap3A_1237 = arith.constant 0 : i32
        %swap3A_1238 = arith.constant 0 : i32
        %swap3A_1239 = tpu.memref_slice %arg17[%scan3A_605, %swap3A_1237, %swap3A_1238] : memref<1x128x128xf32, #tpu.memory_space<vmem>> -> memref<1x128x128xf32, #tpu.memory_space<vmem>>
        %swap3A_1240 = tpu.memref_squeeze %swap3A_1239 : memref<1x128x128xf32, #tpu.memory_space<vmem>> -> memref<128x128xf32, #tpu.memory_space<vmem>>
        %swap3A_1241 = arith.index_cast %add3A_1236 : i32 to index
        %swap3A_1242 = arith.index_cast %mul3A_798 : i32 to index
        %swap3A_1243 = tpu.vector_load %swap3A_1240[%swap3A_1241, %swap3A_1242] {strides = array<i32>} : memref<128x128xf32, #tpu.memory_space<vmem>>, vector<16xf32>,
        tpu.vector_store %swap3A_1240[%swap3A_1241, %swap3A_1242], %add3A_1234 {strides = array<i32>} : memref<128x128xf32, #tpu.memory_space<vmem>>, vector<16xf32>,
        %add3A_1244 = arith.addf %scan3A_789, %add3A_1234 : vector<16xf32>
        %mul3A_1245 = arith.mulf %add3A_1234, %add3A_1234 : vector<16xf32>
        %add3A_1246 = arith.addf %scan3A_790, %mul3A_1245 : vector<16xf32>
        scf.yield %add3A_824, %add3A_826, %add3A_852, %add3A_854, %add3A_880, %add3A_882, %add3A_908, %add3A_910, %add3A_936, %add3A_938, %add3A_964, %add3A_966, %add3A_992, %add3A_994, %add3A_1020, %add3A_1022, %add3A_1048, %add3A_1050, %add3A_1076, %add3A_1078, %add3A_1104, %add3A_1106, %add3A_1132, %add3A_1134, %add3A_1160, %add3A_1162, %add3A_1188, %add3A_1190, %add3A_1216, %add3A_1218, %add3A_1244, %add3A_1246 : vector<16xf32>, vector<16xf32>, vector<16xf32>, vector<16xf32>, vector<16xf32>, vector<16xf32>, vector<16xf32>, vector<16xf32>, vector<16xf32>, vector<16xf32>, vector<16xf32>, vector<16xf32>, vector<16xf32>, vector<16xf32>, vector<16xf32>, vector<16xf32>, vector<16xf32>, vector<16xf32>, vector<16xf32>, vector<16xf32>, vector<16xf32>, vector<16xf32>, vector<16xf32>, vector<16xf32>, vector<16xf32>, vector<16xf32>, vector<16xf32>, vector<16xf32>, vector<16xf32>, vector<16xf32>, vector<16xf32>, vector<16xf32>
      }
      %scan3A_611 = arith.constant 64 : i32
      %swap3A_612 = arith.constant 0 : i32
      %swap3A_613 = arith.index_cast %swap3A_612 : i32 to index
      %swap3A_614 = arith.constant 0 : index
      %swap3A_615 = tpu.vector_load %arg23[%swap3A_613, %swap3A_614] {strides = array<i32>} : memref<2x256xf32, #tpu.memory_space<vmem>>, vector<16xf32>,
      tpu.vector_store %arg23[%swap3A_613, %swap3A_614], %scan3A_610#0 {strides = array<i32>} : memref<2x256xf32, #tpu.memory_space<vmem>>, vector<16xf32>,
      %swap3A_616 = arith.constant 1 : i32
      %swap3A_617 = arith.index_cast %swap3A_616 : i32 to index
      %swap3A_618 = arith.constant 0 : index
      %swap3A_619 = tpu.vector_load %arg23[%swap3A_617, %swap3A_618] {strides = array<i32>} : memref<2x256xf32, #tpu.memory_space<vmem>>, vector<16xf32>,
      tpu.vector_store %arg23[%swap3A_617, %swap3A_618], %scan3A_610#1 {strides = array<i32>} : memref<2x256xf32, #tpu.memory_space<vmem>>, vector<16xf32>,
      %swap3A_620 = arith.constant 0 : i32
      %swap3A_621 = arith.index_cast %swap3A_620 : i32 to index
      %swap3A_622 = arith.constant 16 : index
      %swap3A_623 = tpu.vector_load %arg23[%swap3A_621, %swap3A_622] {strides = array<i32>} : memref<2x256xf32, #tpu.memory_space<vmem>>, vector<16xf32>,
      tpu.vector_store %arg23[%swap3A_621, %swap3A_622], %scan3A_610#2 {strides = array<i32>} : memref<2x256xf32, #tpu.memory_space<vmem>>, vector<16xf32>,
      %swap3A_624 = arith.constant 1 : i32
      %swap3A_625 = arith.index_cast %swap3A_624 : i32 to index
      %swap3A_626 = arith.constant 16 : index
      %swap3A_627 = tpu.vector_load %arg23[%swap3A_625, %swap3A_626] {strides = array<i32>} : memref<2x256xf32, #tpu.memory_space<vmem>>, vector<16xf32>,
      tpu.vector_store %arg23[%swap3A_625, %swap3A_626], %scan3A_610#3 {strides = array<i32>} : memref<2x256xf32, #tpu.memory_space<vmem>>, vector<16xf32>,
      %swap3A_628 = arith.constant 0 : i32
      %swap3A_629 = arith.index_cast %swap3A_628 : i32 to index
      %swap3A_630 = arith.constant 32 : index
      %swap3A_631 = tpu.vector_load %arg23[%swap3A_629, %swap3A_630] {strides = array<i32>} : memref<2x256xf32, #tpu.memory_space<vmem>>, vector<16xf32>,
      tpu.vector_store %arg23[%swap3A_629, %swap3A_630], %scan3A_610#4 {strides = array<i32>} : memref<2x256xf32, #tpu.memory_space<vmem>>, vector<16xf32>,
      %swap3A_632 = arith.constant 1 : i32
      %swap3A_633 = arith.index_cast %swap3A_632 : i32 to index
      %swap3A_634 = arith.constant 32 : index
      %swap3A_635 = tpu.vector_load %arg23[%swap3A_633, %swap3A_634] {strides = array<i32>} : memref<2x256xf32, #tpu.memory_space<vmem>>, vector<16xf32>,
      tpu.vector_store %arg23[%swap3A_633, %swap3A_634], %scan3A_610#5 {strides = array<i32>} : memref<2x256xf32, #tpu.memory_space<vmem>>, vector<16xf32>,
      %swap3A_636 = arith.constant 0 : i32
      %swap3A_637 = arith.index_cast %swap3A_636 : i32 to index
      %swap3A_638 = arith.constant 48 : index
      %swap3A_639 = tpu.vector_load %arg23[%swap3A_637, %swap3A_638] {strides = array<i32>} : memref<2x256xf32, #tpu.memory_space<vmem>>, vector<16xf32>,
      tpu.vector_store %arg23[%swap3A_637, %swap3A_638], %scan3A_610#6 {strides = array<i32>} : memref<2x256xf32, #tpu.memory_space<vmem>>, vector<16xf32>,
      %swap3A_640 = arith.constant 1 : i32
      %swap3A_641 = arith.index_cast %swap3A_640 : i32 to index
      %swap3A_642 = arith.constant 48 : index
      %swap3A_643 = tpu.vector_load %arg23[%swap3A_641, %swap3A_642] {strides = array<i32>} : memref<2x256xf32, #tpu.memory_space<vmem>>, vector<16xf32>,
      tpu.vector_store %arg23[%swap3A_641, %swap3A_642], %scan3A_610#7 {strides = array<i32>} : memref<2x256xf32, #tpu.memory_space<vmem>>, vector<16xf32>,
      %swap3A_644 = arith.constant 0 : i32
      %swap3A_645 = arith.index_cast %swap3A_644 : i32 to index
      %swap3A_646 = arith.constant 64 : index
      %swap3A_647 = tpu.vector_load %arg23[%swap3A_645, %swap3A_646] {strides = array<i32>} : memref<2x256xf32, #tpu.memory_space<vmem>>, vector<16xf32>,
      tpu.vector_store %arg23[%swap3A_645, %swap3A_646], %scan3A_610#8 {strides = array<i32>} : memref<2x256xf32, #tpu.memory_space<vmem>>, vector<16xf32>,
      %swap3A_648 = arith.constant 1 : i32
      %swap3A_649 = arith.index_cast %swap3A_648 : i32 to index
      %swap3A_650 = arith.constant 64 : index
      %swap3A_651 = tpu.vector_load %arg23[%swap3A_649, %swap3A_650] {strides = array<i32>} : memref<2x256xf32, #tpu.memory_space<vmem>>, vector<16xf32>,
      tpu.vector_store %arg23[%swap3A_649, %swap3A_650], %scan3A_610#9 {strides = array<i32>} : memref<2x256xf32, #tpu.memory_space<vmem>>, vector<16xf32>,
      %swap3A_652 = arith.constant 0 : i32
      %swap3A_653 = arith.index_cast %swap3A_652 : i32 to index
      %swap3A_654 = arith.constant 80 : index
      %swap3A_655 = tpu.vector_load %arg23[%swap3A_653, %swap3A_654] {strides = array<i32>} : memref<2x256xf32, #tpu.memory_space<vmem>>, vector<16xf32>,
      tpu.vector_store %arg23[%swap3A_653, %swap3A_654], %scan3A_610#10 {strides = array<i32>} : memref<2x256xf32, #tpu.memory_space<vmem>>, vector<16xf32>,
      %swap3A_656 = arith.constant 1 : i32
      %swap3A_657 = arith.index_cast %swap3A_656 : i32 to index
      %swap3A_658 = arith.constant 80 : index
      %swap3A_659 = tpu.vector_load %arg23[%swap3A_657, %swap3A_658] {strides = array<i32>} : memref<2x256xf32, #tpu.memory_space<vmem>>, vector<16xf32>,
      tpu.vector_store %arg23[%swap3A_657, %swap3A_658], %scan3A_610#11 {strides = array<i32>} : memref<2x256xf32, #tpu.memory_space<vmem>>, vector<16xf32>,
      %swap3A_660 = arith.constant 0 : i32
      %swap3A_661 = arith.index_cast %swap3A_660 : i32 to index
      %swap3A_662 = arith.constant 96 : index
      %swap3A_663 = tpu.vector_load %arg23[%swap3A_661, %swap3A_662] {strides = array<i32>} : memref<2x256xf32, #tpu.memory_space<vmem>>, vector<16xf32>,
      tpu.vector_store %arg23[%swap3A_661, %swap3A_662], %scan3A_610#12 {strides = array<i32>} : memref<2x256xf32, #tpu.memory_space<vmem>>, vector<16xf32>,
      %swap3A_664 = arith.constant 1 : i32
      %swap3A_665 = arith.index_cast %swap3A_664 : i32 to index
      %swap3A_666 = arith.constant 96 : index
      %swap3A_667 = tpu.vector_load %arg23[%swap3A_665, %swap3A_666] {strides = array<i32>} : memref<2x256xf32, #tpu.memory_space<vmem>>, vector<16xf32>,
      tpu.vector_store %arg23[%swap3A_665, %swap3A_666], %scan3A_610#13 {strides = array<i32>} : memref<2x256xf32, #tpu.memory_space<vmem>>, vector<16xf32>,
      %swap3A_668 = arith.constant 0 : i32
      %swap3A_669 = arith.index_cast %swap3A_668 : i32 to index
      %swap3A_670 = arith.constant 112 : index
      %swap3A_671 = tpu.vector_load %arg23[%swap3A_669, %swap3A_670] {strides = array<i32>} : memref<2x256xf32, #tpu.memory_space<vmem>>, vector<16xf32>,
      tpu.vector_store %arg23[%swap3A_669, %swap3A_670], %scan3A_610#14 {strides = array<i32>} : memref<2x256xf32, #tpu.memory_space<vmem>>, vector<16xf32>,
      %swap3A_672 = arith.constant 1 : i32
      %swap3A_673 = arith.index_cast %swap3A_672 : i32 to index
      %swap3A_674 = arith.constant 112 : index
      %swap3A_675 = tpu.vector_load %arg23[%swap3A_673, %swap3A_674] {strides = array<i32>} : memref<2x256xf32, #tpu.memory_space<vmem>>, vector<16xf32>,
      tpu.vector_store %arg23[%swap3A_673, %swap3A_674], %scan3A_610#15 {strides = array<i32>} : memref<2x256xf32, #tpu.memory_space<vmem>>, vector<16xf32>,
      %swap3A_676 = arith.constant 0 : i32
      %swap3A_677 = arith.index_cast %swap3A_676 : i32 to index
      %swap3A_678 = arith.constant 128 : index
      %swap3A_679 = tpu.vector_load %arg23[%swap3A_677, %swap3A_678] {strides = array<i32>} : memref<2x256xf32, #tpu.memory_space<vmem>>, vector<16xf32>,
      tpu.vector_store %arg23[%swap3A_677, %swap3A_678], %scan3A_610#16 {strides = array<i32>} : memref<2x256xf32, #tpu.memory_space<vmem>>, vector<16xf32>,
      %swap3A_680 = arith.constant 1 : i32
      %swap3A_681 = arith.index_cast %swap3A_680 : i32 to index
      %swap3A_682 = arith.constant 128 : index
      %swap3A_683 = tpu.vector_load %arg23[%swap3A_681, %swap3A_682] {strides = array<i32>} : memref<2x256xf32, #tpu.memory_space<vmem>>, vector<16xf32>,
      tpu.vector_store %arg23[%swap3A_681, %swap3A_682], %scan3A_610#17 {strides = array<i32>} : memref<2x256xf32, #tpu.memory_space<vmem>>, vector<16xf32>,
      %swap3A_684 = arith.constant 0 : i32
      %swap3A_685 = arith.index_cast %swap3A_684 : i32 to index
      %swap3A_686 = arith.constant 144 : index
      %swap3A_687 = tpu.vector_load %arg23[%swap3A_685, %swap3A_686] {strides = array<i32>} : memref<2x256xf32, #tpu.memory_space<vmem>>, vector<16xf32>,
      tpu.vector_store %arg23[%swap3A_685, %swap3A_686], %scan3A_610#18 {strides = array<i32>} : memref<2x256xf32, #tpu.memory_space<vmem>>, vector<16xf32>,
      %swap3A_688 = arith.constant 1 : i32
      %swap3A_689 = arith.index_cast %swap3A_688 : i32 to index
      %swap3A_690 = arith.constant 144 : index
      %swap3A_691 = tpu.vector_load %arg23[%swap3A_689, %swap3A_690] {strides = array<i32>} : memref<2x256xf32, #tpu.memory_space<vmem>>, vector<16xf32>,
      tpu.vector_store %arg23[%swap3A_689, %swap3A_690], %scan3A_610#19 {strides = array<i32>} : memref<2x256xf32, #tpu.memory_space<vmem>>, vector<16xf32>,
      %swap3A_692 = arith.constant 0 : i32
      %swap3A_693 = arith.index_cast %swap3A_692 : i32 to index
      %swap3A_694 = arith.constant 160 : index
      %swap3A_695 = tpu.vector_load %arg23[%swap3A_693, %swap3A_694] {strides = array<i32>} : memref<2x256xf32, #tpu.memory_space<vmem>>, vector<16xf32>,
      tpu.vector_store %arg23[%swap3A_693, %swap3A_694], %scan3A_610#20 {strides = array<i32>} : memref<2x256xf32, #tpu.memory_space<vmem>>, vector<16xf32>,
      %swap3A_696 = arith.constant 1 : i32
      %swap3A_697 = arith.index_cast %swap3A_696 : i32 to index
      %swap3A_698 = arith.constant 160 : index
      %swap3A_699 = tpu.vector_load %arg23[%swap3A_697, %swap3A_698] {strides = array<i32>} : memref<2x256xf32, #tpu.memory_space<vmem>>, vector<16xf32>,
      tpu.vector_store %arg23[%swap3A_697, %swap3A_698], %scan3A_610#21 {strides = array<i32>} : memref<2x256xf32, #tpu.memory_space<vmem>>, vector<16xf32>,
      %swap3A_700 = arith.constant 0 : i32
      %swap3A_701 = arith.index_cast %swap3A_700 : i32 to index
      %swap3A_702 = arith.constant 176 : index
      %swap3A_703 = tpu.vector_load %arg23[%swap3A_701, %swap3A_702] {strides = array<i32>} : memref<2x256xf32, #tpu.memory_space<vmem>>, vector<16xf32>,
      tpu.vector_store %arg23[%swap3A_701, %swap3A_702], %scan3A_610#22 {strides = array<i32>} : memref<2x256xf32, #tpu.memory_space<vmem>>, vector<16xf32>,
      %swap3A_704 = arith.constant 1 : i32
      %swap3A_705 = arith.index_cast %swap3A_704 : i32 to index
      %swap3A_706 = arith.constant 176 : index
      %swap3A_707 = tpu.vector_load %arg23[%swap3A_705, %swap3A_706] {strides = array<i32>} : memref<2x256xf32, #tpu.memory_space<vmem>>, vector<16xf32>,
      tpu.vector_store %arg23[%swap3A_705, %swap3A_706], %scan3A_610#23 {strides = array<i32>} : memref<2x256xf32, #tpu.memory_space<vmem>>, vector<16xf32>,
      %swap3A_708 = arith.constant 0 : i32
      %swap3A_709 = arith.index_cast %swap3A_708 : i32 to index
      %swap3A_710 = arith.constant 192 : index
      %swap3A_711 = tpu.vector_load %arg23[%swap3A_709, %swap3A_710] {strides = array<i32>} : memref<2x256xf32, #tpu.memory_space<vmem>>, vector<16xf32>,
      tpu.vector_store %arg23[%swap3A_709, %swap3A_710], %scan3A_610#24 {strides = array<i32>} : memref<2x256xf32, #tpu.memory_space<vmem>>, vector<16xf32>,
      %swap3A_712 = arith.constant 1 : i32
      %swap3A_713 = arith.index_cast %swap3A_712 : i32 to index
      %swap3A_714 = arith.constant 192 : index
      %swap3A_715 = tpu.vector_load %arg23[%swap3A_713, %swap3A_714] {strides = array<i32>} : memref<2x256xf32, #tpu.memory_space<vmem>>, vector<16xf32>,
      tpu.vector_store %arg23[%swap3A_713, %swap3A_714], %scan3A_610#25 {strides = array<i32>} : memref<2x256xf32, #tpu.memory_space<vmem>>, vector<16xf32>,
      %swap3A_716 = arith.constant 0 : i32
      %swap3A_717 = arith.index_cast %swap3A_716 : i32 to index
      %swap3A_718 = arith.constant 208 : index
      %swap3A_719 = tpu.vector_load %arg23[%swap3A_717, %swap3A_718] {strides = array<i32>} : memref<2x256xf32, #tpu.memory_space<vmem>>, vector<16xf32>,
      tpu.vector_store %arg23[%swap3A_717, %swap3A_718], %scan3A_610#26 {strides = array<i32>} : memref<2x256xf32, #tpu.memory_space<vmem>>, vector<16xf32>,
      %swap3A_720 = arith.constant 1 : i32
      %swap3A_721 = arith.index_cast %swap3A_720 : i32 to index
      %swap3A_722 = arith.constant 208 : index
      %swap3A_723 = tpu.vector_load %arg23[%swap3A_721, %swap3A_722] {strides = array<i32>} : memref<2x256xf32, #tpu.memory_space<vmem>>, vector<16xf32>,
      tpu.vector_store %arg23[%swap3A_721, %swap3A_722], %scan3A_610#27 {strides = array<i32>} : memref<2x256xf32, #tpu.memory_space<vmem>>, vector<16xf32>,
      %swap3A_724 = arith.constant 0 : i32
      %swap3A_725 = arith.index_cast %swap3A_724 : i32 to index
      %swap3A_726 = arith.constant 224 : index
      %swap3A_727 = tpu.vector_load %arg23[%swap3A_725, %swap3A_726] {strides = array<i32>} : memref<2x256xf32, #tpu.memory_space<vmem>>, vector<16xf32>,
      tpu.vector_store %arg23[%swap3A_725, %swap3A_726], %scan3A_610#28 {strides = array<i32>} : memref<2x256xf32, #tpu.memory_space<vmem>>, vector<16xf32>,
      %swap3A_728 = arith.constant 1 : i32
      %swap3A_729 = arith.index_cast %swap3A_728 : i32 to index
      %swap3A_730 = arith.constant 224 : index
      %swap3A_731 = tpu.vector_load %arg23[%swap3A_729, %swap3A_730] {strides = array<i32>} : memref<2x256xf32, #tpu.memory_space<vmem>>, vector<16xf32>,
      tpu.vector_store %arg23[%swap3A_729, %swap3A_730], %scan3A_610#29 {strides = array<i32>} : memref<2x256xf32, #tpu.memory_space<vmem>>, vector<16xf32>,
      %swap3A_732 = arith.constant 0 : i32
      %swap3A_733 = arith.index_cast %swap3A_732 : i32 to index
      %swap3A_734 = arith.constant 240 : index
      %swap3A_735 = tpu.vector_load %arg23[%swap3A_733, %swap3A_734] {strides = array<i32>} : memref<2x256xf32, #tpu.memory_space<vmem>>, vector<16xf32>,
      tpu.vector_store %arg23[%swap3A_733, %swap3A_734], %scan3A_610#30 {strides = array<i32>} : memref<2x256xf32, #tpu.memory_space<vmem>>, vector<16xf32>,
      %swap3A_736 = arith.constant 1 : i32
      %swap3A_737 = arith.index_cast %swap3A_736 : i32 to index
      %swap3A_738 = arith.constant 240 : index
      %swap3A_739 = tpu.vector_load %arg23[%swap3A_737, %swap3A_738] {strides = array<i32>} : memref<2x256xf32, #tpu.memory_space<vmem>>, vector<16xf32>,
      tpu.vector_store %arg23[%swap3A_737, %swap3A_738], %scan3A_610#31 {strides = array<i32>} : memref<2x256xf32, #tpu.memory_space<vmem>>, vector<16xf32>,
      %parallel_loop3A_740 = arith.constant 0 : i32
      %parallel_loop3A_741 = arith.constant 16 : i32
      %parallel_loop3A_742 = arith.constant 1 : i32
      scf.for %parallel_loop3A_758 = %parallel_loop3A_740 to %parallel_loop3A_741 step %parallel_loop3A_742  : i32 {
        %parallel_loop3A_759 = arith.constant 16 : i32
        %parallel_loop3A_760 = arith.muli %parallel_loop3A_758, %parallel_loop3A_759 : i32
        %parallel_loop3A_761 = arith.constant 0 : i32
        %parallel_loop3A_762 = arith.index_cast %parallel_loop3A_761 : i32 to index
        %parallel_loop3A_763 = arith.index_cast %parallel_loop3A_760 : i32 to index
        %parallel_loop3A_764 = tpu.vector_load %arg23[%parallel_loop3A_762, %parallel_loop3A_763] {strides = array<i32>} : memref<2x256xf32, #tpu.memory_space<vmem>>, vector<16xf32>,
        %parallel_loop3A_765 = arith.constant true
        %parallel_loop3A_766 = vector.broadcast %parallel_loop3A_765 : i1 to vector<16xi1>
        %parallel_loop3A_767 = tpu.scan <sum>, %parallel_loop3A_764 masked %parallel_loop3A_766 : vector<16xf32>, vector<16xi1> -> vector<16xf32>
        %parallel_loop3A_768 = vector.extract %parallel_loop3A_767[15] : f32 from vector<16xf32>
        %parallel_loop3A_769 = arith.constant 16 : i32
        %parallel_loop3A_770 = arith.muli %parallel_loop3A_758, %parallel_loop3A_769 : i32
        %parallel_loop3A_771 = arith.constant 1 : i32
        %parallel_loop3A_772 = arith.index_cast %parallel_loop3A_771 : i32 to index
        %parallel_loop3A_773 = arith.index_cast %parallel_loop3A_770 : i32 to index
        %parallel_loop3A_774 = tpu.vector_load %arg23[%parallel_loop3A_772, %parallel_loop3A_773] {strides = array<i32>} : memref<2x256xf32, #tpu.memory_space<vmem>>, vector<16xf32>,
        %parallel_loop3A_775 = arith.constant true
        %parallel_loop3A_776 = vector.broadcast %parallel_loop3A_775 : i1 to vector<16xi1>
        %parallel_loop3A_777 = tpu.scan <sum>, %parallel_loop3A_774 masked %parallel_loop3A_776 : vector<16xf32>, vector<16xi1> -> vector<16xf32>
        %parallel_loop3A_778 = vector.extract %parallel_loop3A_777[15] : f32 from vector<16xf32>
        %parallel_loop3A_779 = arith.constant 9.765625E-4 : f32
        %parallel_loop3A_780 = arith.mulf %parallel_loop3A_768, %parallel_loop3A_779 : f32
        %parallel_loop3A_781 = arith.constant 9.765625E-4 : f32
        %parallel_loop3A_782 = arith.mulf %parallel_loop3A_778, %parallel_loop3A_781 : f32
        %parallel_loop3A_783 = arith.mulf %parallel_loop3A_780, %parallel_loop3A_780 : f32
        %parallel_loop3A_784 = arith.subf %parallel_loop3A_782, %parallel_loop3A_783 : f32
        %parallel_loop3A_785 = arith.constant 9.99999996E-13 : f32
        %parallel_loop3A_786 = arith.addf %parallel_loop3A_784, %parallel_loop3A_785 : f32
        %parallel_loop3A_787 = arith.bitcast %parallel_loop3A_786 : f32 to i32
        %parallel_loop3A_788 = arith.constant 1 : i32
        %parallel_loop3A_789 = arith.shrsi %parallel_loop3A_787, %parallel_loop3A_788 : i32
        %parallel_loop3A_790 = arith.constant 1597463007 : i32
        %parallel_loop3A_791 = arith.subi %parallel_loop3A_790, %parallel_loop3A_789 : i32
        %parallel_loop3A_792 = arith.bitcast %parallel_loop3A_791 : i32 to f32
        %parallel_loop3A_793 = arith.constant 5.000000e-01 : f32
        %parallel_loop3A_794 = arith.mulf %parallel_loop3A_793, %parallel_loop3A_786 : f32
        %parallel_loop3A_795 = arith.mulf %parallel_loop3A_794, %parallel_loop3A_792 : f32
        %parallel_loop3A_796 = arith.mulf %parallel_loop3A_795, %parallel_loop3A_792 : f32
        %parallel_loop3A_797 = arith.constant 1.500000e+00 : f32
        %parallel_loop3A_798 = arith.subf %parallel_loop3A_797, %parallel_loop3A_796 : f32
        %parallel_loop3A_799 = arith.mulf %parallel_loop3A_792, %parallel_loop3A_798 : f32
        %parallel_loop3A_800 = arith.constant 5.000000e-01 : f32
        %parallel_loop3A_801 = arith.mulf %parallel_loop3A_800, %parallel_loop3A_786 : f32
        %parallel_loop3A_802 = arith.mulf %parallel_loop3A_801, %parallel_loop3A_799 : f32
        %parallel_loop3A_803 = arith.mulf %parallel_loop3A_802, %parallel_loop3A_799 : f32
        %parallel_loop3A_804 = arith.constant 1.500000e+00 : f32
        %parallel_loop3A_805 = arith.subf %parallel_loop3A_804, %parallel_loop3A_803 : f32
        %parallel_loop3A_806 = arith.mulf %parallel_loop3A_799, %parallel_loop3A_805 : f32
        %parallel_loop3A_807 = arith.constant 5.000000e-01 : f32
        %parallel_loop3A_808 = arith.mulf %parallel_loop3A_807, %parallel_loop3A_786 : f32
        %parallel_loop3A_809 = arith.mulf %parallel_loop3A_808, %parallel_loop3A_806 : f32
        %parallel_loop3A_810 = arith.mulf %parallel_loop3A_809, %parallel_loop3A_806 : f32
        %parallel_loop3A_811 = arith.constant 1.500000e+00 : f32
        %parallel_loop3A_812 = arith.subf %parallel_loop3A_811, %parallel_loop3A_810 : f32
        %parallel_loop3A_813 = arith.mulf %parallel_loop3A_806, %parallel_loop3A_812 : f32
        %parallel_loop3A_814 = arith.constant 0 : i32
        %parallel_loop3A_815 = arith.index_cast %parallel_loop3A_814 : i32 to index
        %parallel_loop3A_816 = arith.index_cast %parallel_loop3A_758 : i32 to index
        %parallel_loop3A_817 = memref.load %arg24[%parallel_loop3A_815, %parallel_loop3A_816] : memref<2x16xf32, #tpu.memory_space<smem>>
        memref.store %parallel_loop3A_813, %arg24[%parallel_loop3A_815, %parallel_loop3A_816] : memref<2x16xf32, #tpu.memory_space<smem>>
        %parallel_loop3A_818 = arith.mulf %parallel_loop3A_780, %parallel_loop3A_813 : f32
        %parallel_loop3A_819 = arith.constant 1 : i32
        %parallel_loop3A_820 = arith.index_cast %parallel_loop3A_819 : i32 to index
        %parallel_loop3A_821 = arith.index_cast %parallel_loop3A_758 : i32 to index
        %parallel_loop3A_822 = memref.load %arg24[%parallel_loop3A_820, %parallel_loop3A_821] : memref<2x16xf32, #tpu.memory_space<smem>>
        memref.store %parallel_loop3A_818, %arg24[%parallel_loop3A_820, %parallel_loop3A_821] : memref<2x16xf32, #tpu.memory_space<smem>>
      } {sc.loop_unroll_factor = 2 : i64, sc.parallel_access}
      %parallel_loop3A_743 = arith.constant 0 : i32
      %parallel_loop3A_744 = arith.constant 8 : i32
      %parallel_loop3A_745 = arith.constant 1 : i32
      %parallel_loop3A_746 = arith.constant 0 : i32
      scf.for %parallel_loop3A_758 = %parallel_loop3A_743 to %parallel_loop3A_744 step %parallel_loop3A_745  : i32 {
        %parallel_loop3A_759 = arith.constant 128 : i32
        %parallel_loop3A_760 = arith.muli %parallel_loop3A_758, %parallel_loop3A_759 : i32
        %parallel_loop3A_761 = arith.constant 0 : i32
        %parallel_loop3A_762 = arith.addi %parallel_loop3A_760, %parallel_loop3A_761 : i32
        %parallel_loop3A_763 = arith.index_cast %parallel_loop3A_762 : i32 to index
        %parallel_loop3A_764 = tpu.vector_load %arg21[%parallel_loop3A_763] {strides = array<i32>} : memref<1024xf32, #tpu.memory_space<vmem>>, vector<16xf32>,
        %parallel_loop3A_765 = arith.constant 128 : i32
        %parallel_loop3A_766 = arith.muli %parallel_loop3A_758, %parallel_loop3A_765 : i32
        %parallel_loop3A_767 = arith.constant 16 : i32
        %parallel_loop3A_768 = arith.addi %parallel_loop3A_766, %parallel_loop3A_767 : i32
        %parallel_loop3A_769 = arith.index_cast %parallel_loop3A_768 : i32 to index
        %parallel_loop3A_770 = tpu.vector_load %arg21[%parallel_loop3A_769] {strides = array<i32>} : memref<1024xf32, #tpu.memory_space<vmem>>, vector<16xf32>,
        %parallel_loop3A_771 = arith.constant 128 : i32
        %parallel_loop3A_772 = arith.muli %parallel_loop3A_758, %parallel_loop3A_771 : i32
        %parallel_loop3A_773 = arith.constant 32 : i32
        %parallel_loop3A_774 = arith.addi %parallel_loop3A_772, %parallel_loop3A_773 : i32
        %parallel_loop3A_775 = arith.index_cast %parallel_loop3A_774 : i32 to index
        %parallel_loop3A_776 = tpu.vector_load %arg21[%parallel_loop3A_775] {strides = array<i32>} : memref<1024xf32, #tpu.memory_space<vmem>>, vector<16xf32>,
        %parallel_loop3A_777 = arith.constant 128 : i32
        %parallel_loop3A_778 = arith.muli %parallel_loop3A_758, %parallel_loop3A_777 : i32
        %parallel_loop3A_779 = arith.constant 48 : i32
        %parallel_loop3A_780 = arith.addi %parallel_loop3A_778, %parallel_loop3A_779 : i32
        %parallel_loop3A_781 = arith.index_cast %parallel_loop3A_780 : i32 to index
        %parallel_loop3A_782 = tpu.vector_load %arg21[%parallel_loop3A_781] {strides = array<i32>} : memref<1024xf32, #tpu.memory_space<vmem>>, vector<16xf32>,
        %parallel_loop3A_783 = arith.constant 128 : i32
        %parallel_loop3A_784 = arith.muli %parallel_loop3A_758, %parallel_loop3A_783 : i32
        %parallel_loop3A_785 = arith.constant 64 : i32
        %parallel_loop3A_786 = arith.addi %parallel_loop3A_784, %parallel_loop3A_785 : i32
        %parallel_loop3A_787 = arith.index_cast %parallel_loop3A_786 : i32 to index
        %parallel_loop3A_788 = tpu.vector_load %arg21[%parallel_loop3A_787] {strides = array<i32>} : memref<1024xf32, #tpu.memory_space<vmem>>, vector<16xf32>,
        %parallel_loop3A_789 = arith.constant 128 : i32
        %parallel_loop3A_790 = arith.muli %parallel_loop3A_758, %parallel_loop3A_789 : i32
        %parallel_loop3A_791 = arith.constant 80 : i32
        %parallel_loop3A_792 = arith.addi %parallel_loop3A_790, %parallel_loop3A_791 : i32
        %parallel_loop3A_793 = arith.index_cast %parallel_loop3A_792 : i32 to index
        %parallel_loop3A_794 = tpu.vector_load %arg21[%parallel_loop3A_793] {strides = array<i32>} : memref<1024xf32, #tpu.memory_space<vmem>>, vector<16xf32>,
        %parallel_loop3A_795 = arith.constant 128 : i32
        %parallel_loop3A_796 = arith.muli %parallel_loop3A_758, %parallel_loop3A_795 : i32
        %parallel_loop3A_797 = arith.constant 96 : i32
        %parallel_loop3A_798 = arith.addi %parallel_loop3A_796, %parallel_loop3A_797 : i32
        %parallel_loop3A_799 = arith.index_cast %parallel_loop3A_798 : i32 to index
        %parallel_loop3A_800 = tpu.vector_load %arg21[%parallel_loop3A_799] {strides = array<i32>} : memref<1024xf32, #tpu.memory_space<vmem>>, vector<16xf32>,
        %parallel_loop3A_801 = arith.constant 128 : i32
        %parallel_loop3A_802 = arith.muli %parallel_loop3A_758, %parallel_loop3A_801 : i32
        %parallel_loop3A_803 = arith.constant 112 : i32
        %parallel_loop3A_804 = arith.addi %parallel_loop3A_802, %parallel_loop3A_803 : i32
        %parallel_loop3A_805 = arith.index_cast %parallel_loop3A_804 : i32 to index
        %parallel_loop3A_806 = tpu.vector_load %arg21[%parallel_loop3A_805] {strides = array<i32>} : memref<1024xf32, #tpu.memory_space<vmem>>, vector<16xf32>,
        %parallel_loop3A_807 = arith.constant 128 : i32
        %parallel_loop3A_808 = arith.muli %parallel_loop3A_758, %parallel_loop3A_807 : i32
        %parallel_loop3A_809 = arith.constant 0 : i32
        %parallel_loop3A_810 = arith.addi %parallel_loop3A_808, %parallel_loop3A_809 : i32
        %parallel_loop3A_811 = arith.index_cast %parallel_loop3A_810 : i32 to index
        %parallel_loop3A_812 = tpu.vector_load %arg22[%parallel_loop3A_811] {strides = array<i32>} : memref<1024xf32, #tpu.memory_space<vmem>>, vector<16xf32>,
        %parallel_loop3A_813 = arith.constant 128 : i32
        %parallel_loop3A_814 = arith.muli %parallel_loop3A_758, %parallel_loop3A_813 : i32
        %parallel_loop3A_815 = arith.constant 16 : i32
        %parallel_loop3A_816 = arith.addi %parallel_loop3A_814, %parallel_loop3A_815 : i32
        %parallel_loop3A_817 = arith.index_cast %parallel_loop3A_816 : i32 to index
        %parallel_loop3A_818 = tpu.vector_load %arg22[%parallel_loop3A_817] {strides = array<i32>} : memref<1024xf32, #tpu.memory_space<vmem>>, vector<16xf32>,
        %parallel_loop3A_819 = arith.constant 128 : i32
        %parallel_loop3A_820 = arith.muli %parallel_loop3A_758, %parallel_loop3A_819 : i32
        %parallel_loop3A_821 = arith.constant 32 : i32
        %parallel_loop3A_822 = arith.addi %parallel_loop3A_820, %parallel_loop3A_821 : i32
        %parallel_loop3A_823 = arith.index_cast %parallel_loop3A_822 : i32 to index
        %parallel_loop3A_824 = tpu.vector_load %arg22[%parallel_loop3A_823] {strides = array<i32>} : memref<1024xf32, #tpu.memory_space<vmem>>, vector<16xf32>,
        %parallel_loop3A_825 = arith.constant 128 : i32
        %parallel_loop3A_826 = arith.muli %parallel_loop3A_758, %parallel_loop3A_825 : i32
        %parallel_loop3A_827 = arith.constant 48 : i32
        %parallel_loop3A_828 = arith.addi %parallel_loop3A_826, %parallel_loop3A_827 : i32
        %parallel_loop3A_829 = arith.index_cast %parallel_loop3A_828 : i32 to index
        %parallel_loop3A_830 = tpu.vector_load %arg22[%parallel_loop3A_829] {strides = array<i32>} : memref<1024xf32, #tpu.memory_space<vmem>>, vector<16xf32>,
        %parallel_loop3A_831 = arith.constant 128 : i32
        %parallel_loop3A_832 = arith.muli %parallel_loop3A_758, %parallel_loop3A_831 : i32
        %parallel_loop3A_833 = arith.constant 64 : i32
        %parallel_loop3A_834 = arith.addi %parallel_loop3A_832, %parallel_loop3A_833 : i32
        %parallel_loop3A_835 = arith.index_cast %parallel_loop3A_834 : i32 to index
        %parallel_loop3A_836 = tpu.vector_load %arg22[%parallel_loop3A_835] {strides = array<i32>} : memref<1024xf32, #tpu.memory_space<vmem>>, vector<16xf32>,
        %parallel_loop3A_837 = arith.constant 128 : i32
        %parallel_loop3A_838 = arith.muli %parallel_loop3A_758, %parallel_loop3A_837 : i32
        %parallel_loop3A_839 = arith.constant 80 : i32
        %parallel_loop3A_840 = arith.addi %parallel_loop3A_838, %parallel_loop3A_839 : i32
        %parallel_loop3A_841 = arith.index_cast %parallel_loop3A_840 : i32 to index
        %parallel_loop3A_842 = tpu.vector_load %arg22[%parallel_loop3A_841] {strides = array<i32>} : memref<1024xf32, #tpu.memory_space<vmem>>, vector<16xf32>,
        %parallel_loop3A_843 = arith.constant 128 : i32
        %parallel_loop3A_844 = arith.muli %parallel_loop3A_758, %parallel_loop3A_843 : i32
        %parallel_loop3A_845 = arith.constant 96 : i32
        %parallel_loop3A_846 = arith.addi %parallel_loop3A_844, %parallel_loop3A_845 : i32
        %parallel_loop3A_847 = arith.index_cast %parallel_loop3A_846 : i32 to index
        %parallel_loop3A_848 = tpu.vector_load %arg22[%parallel_loop3A_847] {strides = array<i32>} : memref<1024xf32, #tpu.memory_space<vmem>>, vector<16xf32>,
        %parallel_loop3A_849 = arith.constant 128 : i32
        %parallel_loop3A_850 = arith.muli %parallel_loop3A_758, %parallel_loop3A_849 : i32
        %parallel_loop3A_851 = arith.constant 112 : i32
        %parallel_loop3A_852 = arith.addi %parallel_loop3A_850, %parallel_loop3A_851 : i32
        %parallel_loop3A_853 = arith.index_cast %parallel_loop3A_852 : i32 to index
        %parallel_loop3A_854 = tpu.vector_load %arg22[%parallel_loop3A_853] {strides = array<i32>} : memref<1024xf32, #tpu.memory_space<vmem>>, vector<16xf32>,
        %parallel_loop3A_855 = arith.constant 0 : i32
        %parallel_loop3A_856 = arith.constant 16 : i32
        %parallel_loop3A_857 = arith.constant 1 : i32
        scf.for %parallel_loop3A_858 = %parallel_loop3A_855 to %parallel_loop3A_856 step %parallel_loop3A_857  : i32 {
          %parallel_loop3A_859 = arith.constant 0 : i32
          %parallel_loop3A_860 = arith.index_cast %parallel_loop3A_859 : i32 to index
          %parallel_loop3A_861 = arith.index_cast %parallel_loop3A_858 : i32 to index
          %parallel_loop3A_862 = memref.load %arg24[%parallel_loop3A_860, %parallel_loop3A_861] : memref<2x16xf32, #tpu.memory_space<smem>>
          %parallel_loop3A_863 = arith.constant 1 : i32
          %parallel_loop3A_864 = arith.index_cast %parallel_loop3A_863 : i32 to index
          %parallel_loop3A_865 = arith.index_cast %parallel_loop3A_858 : i32 to index
          %parallel_loop3A_866 = memref.load %arg24[%parallel_loop3A_864, %parallel_loop3A_865] : memref<2x16xf32, #tpu.memory_space<smem>>
          %parallel_loop3A_867 = arith.constant 16 : i32
          %parallel_loop3A_868 = arith.muli %parallel_loop3A_758, %parallel_loop3A_867 : i32
          %parallel_loop3A_869 = arith.addi %parallel_loop3A_868, %parallel_loop3A_858 : i32
          %parallel_loop3A_870 = arith.constant 3 : i32
          %parallel_loop3A_871 = arith.shrsi %parallel_loop3A_858, %parallel_loop3A_870 : i32
          %parallel_loop3A_872 = arith.constant 64 : i32
          %parallel_loop3A_873 = arith.muli %parallel_loop3A_871, %parallel_loop3A_872 : i32
          %parallel_loop3A_874 = arith.constant 7 : i32
          %parallel_loop3A_875 = arith.andi %parallel_loop3A_858, %parallel_loop3A_874 : i32
          %parallel_loop3A_876 = arith.addi %parallel_loop3A_873, %parallel_loop3A_875 : i32
          %parallel_loop3A_877 = arith.constant 8 : i32
          %parallel_loop3A_878 = arith.muli %parallel_loop3A_758, %parallel_loop3A_877 : i32
          %parallel_loop3A_879 = arith.addi %parallel_loop3A_876, %parallel_loop3A_878 : i32
          %parallel_loop3A_880 = arith.constant 0 : i32
          %parallel_loop3A_881 = arith.constant 0 : i32
          %parallel_loop3A_882 = tpu.memref_slice %arg17[%parallel_loop3A_746, %parallel_loop3A_880, %parallel_loop3A_881] : memref<1x128x128xf32, #tpu.memory_space<vmem>> -> memref<1x128x128xf32, #tpu.memory_space<vmem>>
          %parallel_loop3A_883 = tpu.memref_squeeze %parallel_loop3A_882 : memref<1x128x128xf32, #tpu.memory_space<vmem>> -> memref<128x128xf32, #tpu.memory_space<vmem>>
          %parallel_loop3A_884 = arith.index_cast %parallel_loop3A_869 : i32 to index
          %parallel_loop3A_885 = arith.constant 0 : index
          %parallel_loop3A_886 = tpu.vector_load %parallel_loop3A_883[%parallel_loop3A_884, %parallel_loop3A_885] {strides = array<i32>} : memref<128x128xf32, #tpu.memory_space<vmem>>, vector<16xf32>,
          %parallel_loop3A_887 = vector.broadcast %parallel_loop3A_862 : f32 to vector<16xf32>
          %parallel_loop3A_888 = arith.mulf %parallel_loop3A_886, %parallel_loop3A_887 : vector<16xf32>
          %parallel_loop3A_889 = vector.broadcast %parallel_loop3A_866 : f32 to vector<16xf32>
          %parallel_loop3A_890 = arith.subf %parallel_loop3A_888, %parallel_loop3A_889 : vector<16xf32>
          %parallel_loop3A_891 = arith.mulf %parallel_loop3A_890, %parallel_loop3A_764 : vector<16xf32>
          %parallel_loop3A_892 = arith.addf %parallel_loop3A_891, %parallel_loop3A_812 : vector<16xf32>
          %parallel_loop3A_893 = arith.index_cast %parallel_loop3A_879 : i32 to index
          %parallel_loop3A_894 = arith.constant 0 : index
          %parallel_loop3A_895 = tpu.vector_load %arg19[%parallel_loop3A_893, %parallel_loop3A_894] {strides = array<i32>} : memref<128x128xf32, #tpu.memory_space<vmem>>, vector<16xf32>,
          tpu.vector_store %arg19[%parallel_loop3A_893, %parallel_loop3A_894], %parallel_loop3A_892 {strides = array<i32>} : memref<128x128xf32, #tpu.memory_space<vmem>>, vector<16xf32>,
          %parallel_loop3A_896 = arith.constant 0 : i32
          %parallel_loop3A_897 = arith.constant 0 : i32
          %parallel_loop3A_898 = tpu.memref_slice %arg17[%parallel_loop3A_746, %parallel_loop3A_896, %parallel_loop3A_897] : memref<1x128x128xf32, #tpu.memory_space<vmem>> -> memref<1x128x128xf32, #tpu.memory_space<vmem>>
          %parallel_loop3A_899 = tpu.memref_squeeze %parallel_loop3A_898 : memref<1x128x128xf32, #tpu.memory_space<vmem>> -> memref<128x128xf32, #tpu.memory_space<vmem>>
          %parallel_loop3A_900 = arith.index_cast %parallel_loop3A_869 : i32 to index
          %parallel_loop3A_901 = arith.constant 0 : index
          %parallel_loop3A_902 = tpu.vector_load %parallel_loop3A_899[%parallel_loop3A_900, %parallel_loop3A_901] {strides = array<i32>} : memref<128x128xf32, #tpu.memory_space<vmem>>, vector<16xf32>,
          tpu.vector_store %parallel_loop3A_899[%parallel_loop3A_900, %parallel_loop3A_901], %broadcast_in_dim3A_604 {strides = array<i32>} : memref<128x128xf32, #tpu.memory_space<vmem>>, vector<16xf32>,
          %parallel_loop3A_903 = arith.constant 0 : i32
          %parallel_loop3A_904 = arith.constant 0 : i32
          %parallel_loop3A_905 = tpu.memref_slice %arg17[%parallel_loop3A_746, %parallel_loop3A_903, %parallel_loop3A_904] : memref<1x128x128xf32, #tpu.memory_space<vmem>> -> memref<1x128x128xf32, #tpu.memory_space<vmem>>
          %parallel_loop3A_906 = tpu.memref_squeeze %parallel_loop3A_905 : memref<1x128x128xf32, #tpu.memory_space<vmem>> -> memref<128x128xf32, #tpu.memory_space<vmem>>
          %parallel_loop3A_907 = arith.index_cast %parallel_loop3A_869 : i32 to index
          %parallel_loop3A_908 = arith.constant 16 : index
          %parallel_loop3A_909 = tpu.vector_load %parallel_loop3A_906[%parallel_loop3A_907, %parallel_loop3A_908] {strides = array<i32>} : memref<128x128xf32, #tpu.memory_space<vmem>>, vector<16xf32>,
          %parallel_loop3A_910 = vector.broadcast %parallel_loop3A_862 : f32 to vector<16xf32>
          %parallel_loop3A_911 = arith.mulf %parallel_loop3A_909, %parallel_loop3A_910 : vector<16xf32>
          %parallel_loop3A_912 = vector.broadcast %parallel_loop3A_866 : f32 to vector<16xf32>
          %parallel_loop3A_913 = arith.subf %parallel_loop3A_911, %parallel_loop3A_912 : vector<16xf32>
          %parallel_loop3A_914 = arith.mulf %parallel_loop3A_913, %parallel_loop3A_770 : vector<16xf32>
          %parallel_loop3A_915 = arith.addf %parallel_loop3A_914, %parallel_loop3A_818 : vector<16xf32>
          %parallel_loop3A_916 = arith.index_cast %parallel_loop3A_879 : i32 to index
          %parallel_loop3A_917 = arith.constant 16 : index
          %parallel_loop3A_918 = tpu.vector_load %arg19[%parallel_loop3A_916, %parallel_loop3A_917] {strides = array<i32>} : memref<128x128xf32, #tpu.memory_space<vmem>>, vector<16xf32>,
          tpu.vector_store %arg19[%parallel_loop3A_916, %parallel_loop3A_917], %parallel_loop3A_915 {strides = array<i32>} : memref<128x128xf32, #tpu.memory_space<vmem>>, vector<16xf32>,
          %parallel_loop3A_919 = arith.constant 0 : i32
          %parallel_loop3A_920 = arith.constant 0 : i32
          %parallel_loop3A_921 = tpu.memref_slice %arg17[%parallel_loop3A_746, %parallel_loop3A_919, %parallel_loop3A_920] : memref<1x128x128xf32, #tpu.memory_space<vmem>> -> memref<1x128x128xf32, #tpu.memory_space<vmem>>
          %parallel_loop3A_922 = tpu.memref_squeeze %parallel_loop3A_921 : memref<1x128x128xf32, #tpu.memory_space<vmem>> -> memref<128x128xf32, #tpu.memory_space<vmem>>
          %parallel_loop3A_923 = arith.index_cast %parallel_loop3A_869 : i32 to index
          %parallel_loop3A_924 = arith.constant 16 : index
          %parallel_loop3A_925 = tpu.vector_load %parallel_loop3A_922[%parallel_loop3A_923, %parallel_loop3A_924] {strides = array<i32>} : memref<128x128xf32, #tpu.memory_space<vmem>>, vector<16xf32>,
          tpu.vector_store %parallel_loop3A_922[%parallel_loop3A_923, %parallel_loop3A_924], %broadcast_in_dim3A_604 {strides = array<i32>} : memref<128x128xf32, #tpu.memory_space<vmem>>, vector<16xf32>,
          %parallel_loop3A_926 = arith.constant 0 : i32
          %parallel_loop3A_927 = arith.constant 0 : i32
          %parallel_loop3A_928 = tpu.memref_slice %arg17[%parallel_loop3A_746, %parallel_loop3A_926, %parallel_loop3A_927] : memref<1x128x128xf32, #tpu.memory_space<vmem>> -> memref<1x128x128xf32, #tpu.memory_space<vmem>>
          %parallel_loop3A_929 = tpu.memref_squeeze %parallel_loop3A_928 : memref<1x128x128xf32, #tpu.memory_space<vmem>> -> memref<128x128xf32, #tpu.memory_space<vmem>>
          %parallel_loop3A_930 = arith.index_cast %parallel_loop3A_869 : i32 to index
          %parallel_loop3A_931 = arith.constant 32 : index
          %parallel_loop3A_932 = tpu.vector_load %parallel_loop3A_929[%parallel_loop3A_930, %parallel_loop3A_931] {strides = array<i32>} : memref<128x128xf32, #tpu.memory_space<vmem>>, vector<16xf32>,
          %parallel_loop3A_933 = vector.broadcast %parallel_loop3A_862 : f32 to vector<16xf32>
          %parallel_loop3A_934 = arith.mulf %parallel_loop3A_932, %parallel_loop3A_933 : vector<16xf32>
          %parallel_loop3A_935 = vector.broadcast %parallel_loop3A_866 : f32 to vector<16xf32>
          %parallel_loop3A_936 = arith.subf %parallel_loop3A_934, %parallel_loop3A_935 : vector<16xf32>
          %parallel_loop3A_937 = arith.mulf %parallel_loop3A_936, %parallel_loop3A_776 : vector<16xf32>
          %parallel_loop3A_938 = arith.addf %parallel_loop3A_937, %parallel_loop3A_824 : vector<16xf32>
          %parallel_loop3A_939 = arith.index_cast %parallel_loop3A_879 : i32 to index
          %parallel_loop3A_940 = arith.constant 32 : index
          %parallel_loop3A_941 = tpu.vector_load %arg19[%parallel_loop3A_939, %parallel_loop3A_940] {strides = array<i32>} : memref<128x128xf32, #tpu.memory_space<vmem>>, vector<16xf32>,
          tpu.vector_store %arg19[%parallel_loop3A_939, %parallel_loop3A_940], %parallel_loop3A_938 {strides = array<i32>} : memref<128x128xf32, #tpu.memory_space<vmem>>, vector<16xf32>,
          %parallel_loop3A_942 = arith.constant 0 : i32
          %parallel_loop3A_943 = arith.constant 0 : i32
          %parallel_loop3A_944 = tpu.memref_slice %arg17[%parallel_loop3A_746, %parallel_loop3A_942, %parallel_loop3A_943] : memref<1x128x128xf32, #tpu.memory_space<vmem>> -> memref<1x128x128xf32, #tpu.memory_space<vmem>>
          %parallel_loop3A_945 = tpu.memref_squeeze %parallel_loop3A_944 : memref<1x128x128xf32, #tpu.memory_space<vmem>> -> memref<128x128xf32, #tpu.memory_space<vmem>>
          %parallel_loop3A_946 = arith.index_cast %parallel_loop3A_869 : i32 to index
          %parallel_loop3A_947 = arith.constant 32 : index
          %parallel_loop3A_948 = tpu.vector_load %parallel_loop3A_945[%parallel_loop3A_946, %parallel_loop3A_947] {strides = array<i32>} : memref<128x128xf32, #tpu.memory_space<vmem>>, vector<16xf32>,
          tpu.vector_store %parallel_loop3A_945[%parallel_loop3A_946, %parallel_loop3A_947], %broadcast_in_dim3A_604 {strides = array<i32>} : memref<128x128xf32, #tpu.memory_space<vmem>>, vector<16xf32>,
          %parallel_loop3A_949 = arith.constant 0 : i32
          %parallel_loop3A_950 = arith.constant 0 : i32
          %parallel_loop3A_951 = tpu.memref_slice %arg17[%parallel_loop3A_746, %parallel_loop3A_949, %parallel_loop3A_950] : memref<1x128x128xf32, #tpu.memory_space<vmem>> -> memref<1x128x128xf32, #tpu.memory_space<vmem>>
          %parallel_loop3A_952 = tpu.memref_squeeze %parallel_loop3A_951 : memref<1x128x128xf32, #tpu.memory_space<vmem>> -> memref<128x128xf32, #tpu.memory_space<vmem>>
          %parallel_loop3A_953 = arith.index_cast %parallel_loop3A_869 : i32 to index
          %parallel_loop3A_954 = arith.constant 48 : index
          %parallel_loop3A_955 = tpu.vector_load %parallel_loop3A_952[%parallel_loop3A_953, %parallel_loop3A_954] {strides = array<i32>} : memref<128x128xf32, #tpu.memory_space<vmem>>, vector<16xf32>,
          %parallel_loop3A_956 = vector.broadcast %parallel_loop3A_862 : f32 to vector<16xf32>
          %parallel_loop3A_957 = arith.mulf %parallel_loop3A_955, %parallel_loop3A_956 : vector<16xf32>
          %parallel_loop3A_958 = vector.broadcast %parallel_loop3A_866 : f32 to vector<16xf32>
          %parallel_loop3A_959 = arith.subf %parallel_loop3A_957, %parallel_loop3A_958 : vector<16xf32>
          %parallel_loop3A_960 = arith.mulf %parallel_loop3A_959, %parallel_loop3A_782 : vector<16xf32>
          %parallel_loop3A_961 = arith.addf %parallel_loop3A_960, %parallel_loop3A_830 : vector<16xf32>
          %parallel_loop3A_962 = arith.index_cast %parallel_loop3A_879 : i32 to index
          %parallel_loop3A_963 = arith.constant 48 : index
          %parallel_loop3A_964 = tpu.vector_load %arg19[%parallel_loop3A_962, %parallel_loop3A_963] {strides = array<i32>} : memref<128x128xf32, #tpu.memory_space<vmem>>, vector<16xf32>,
          tpu.vector_store %arg19[%parallel_loop3A_962, %parallel_loop3A_963], %parallel_loop3A_961 {strides = array<i32>} : memref<128x128xf32, #tpu.memory_space<vmem>>, vector<16xf32>,
          %parallel_loop3A_965 = arith.constant 0 : i32
          %parallel_loop3A_966 = arith.constant 0 : i32
          %parallel_loop3A_967 = tpu.memref_slice %arg17[%parallel_loop3A_746, %parallel_loop3A_965, %parallel_loop3A_966] : memref<1x128x128xf32, #tpu.memory_space<vmem>> -> memref<1x128x128xf32, #tpu.memory_space<vmem>>
          %parallel_loop3A_968 = tpu.memref_squeeze %parallel_loop3A_967 : memref<1x128x128xf32, #tpu.memory_space<vmem>> -> memref<128x128xf32, #tpu.memory_space<vmem>>
          %parallel_loop3A_969 = arith.index_cast %parallel_loop3A_869 : i32 to index
          %parallel_loop3A_970 = arith.constant 48 : index
          %parallel_loop3A_971 = tpu.vector_load %parallel_loop3A_968[%parallel_loop3A_969, %parallel_loop3A_970] {strides = array<i32>} : memref<128x128xf32, #tpu.memory_space<vmem>>, vector<16xf32>,
          tpu.vector_store %parallel_loop3A_968[%parallel_loop3A_969, %parallel_loop3A_970], %broadcast_in_dim3A_604 {strides = array<i32>} : memref<128x128xf32, #tpu.memory_space<vmem>>, vector<16xf32>,
          %parallel_loop3A_972 = arith.constant 0 : i32
          %parallel_loop3A_973 = arith.constant 0 : i32
          %parallel_loop3A_974 = tpu.memref_slice %arg17[%parallel_loop3A_746, %parallel_loop3A_972, %parallel_loop3A_973] : memref<1x128x128xf32, #tpu.memory_space<vmem>> -> memref<1x128x128xf32, #tpu.memory_space<vmem>>
          %parallel_loop3A_975 = tpu.memref_squeeze %parallel_loop3A_974 : memref<1x128x128xf32, #tpu.memory_space<vmem>> -> memref<128x128xf32, #tpu.memory_space<vmem>>
          %parallel_loop3A_976 = arith.index_cast %parallel_loop3A_869 : i32 to index
          %parallel_loop3A_977 = arith.constant 64 : index
          %parallel_loop3A_978 = tpu.vector_load %parallel_loop3A_975[%parallel_loop3A_976, %parallel_loop3A_977] {strides = array<i32>} : memref<128x128xf32, #tpu.memory_space<vmem>>, vector<16xf32>,
          %parallel_loop3A_979 = vector.broadcast %parallel_loop3A_862 : f32 to vector<16xf32>
          %parallel_loop3A_980 = arith.mulf %parallel_loop3A_978, %parallel_loop3A_979 : vector<16xf32>
          %parallel_loop3A_981 = vector.broadcast %parallel_loop3A_866 : f32 to vector<16xf32>
          %parallel_loop3A_982 = arith.subf %parallel_loop3A_980, %parallel_loop3A_981 : vector<16xf32>
          %parallel_loop3A_983 = arith.mulf %parallel_loop3A_982, %parallel_loop3A_788 : vector<16xf32>
          %parallel_loop3A_984 = arith.addf %parallel_loop3A_983, %parallel_loop3A_836 : vector<16xf32>
          %parallel_loop3A_985 = arith.index_cast %parallel_loop3A_879 : i32 to index
          %parallel_loop3A_986 = arith.constant 64 : index
          %parallel_loop3A_987 = tpu.vector_load %arg19[%parallel_loop3A_985, %parallel_loop3A_986] {strides = array<i32>} : memref<128x128xf32, #tpu.memory_space<vmem>>, vector<16xf32>,
          tpu.vector_store %arg19[%parallel_loop3A_985, %parallel_loop3A_986], %parallel_loop3A_984 {strides = array<i32>} : memref<128x128xf32, #tpu.memory_space<vmem>>, vector<16xf32>,
          %parallel_loop3A_988 = arith.constant 0 : i32
          %parallel_loop3A_989 = arith.constant 0 : i32
          %parallel_loop3A_990 = tpu.memref_slice %arg17[%parallel_loop3A_746, %parallel_loop3A_988, %parallel_loop3A_989] : memref<1x128x128xf32, #tpu.memory_space<vmem>> -> memref<1x128x128xf32, #tpu.memory_space<vmem>>
          %parallel_loop3A_991 = tpu.memref_squeeze %parallel_loop3A_990 : memref<1x128x128xf32, #tpu.memory_space<vmem>> -> memref<128x128xf32, #tpu.memory_space<vmem>>
          %parallel_loop3A_992 = arith.index_cast %parallel_loop3A_869 : i32 to index
          %parallel_loop3A_993 = arith.constant 64 : index
          %parallel_loop3A_994 = tpu.vector_load %parallel_loop3A_991[%parallel_loop3A_992, %parallel_loop3A_993] {strides = array<i32>} : memref<128x128xf32, #tpu.memory_space<vmem>>, vector<16xf32>,
          tpu.vector_store %parallel_loop3A_991[%parallel_loop3A_992, %parallel_loop3A_993], %broadcast_in_dim3A_604 {strides = array<i32>} : memref<128x128xf32, #tpu.memory_space<vmem>>, vector<16xf32>,
          %parallel_loop3A_995 = arith.constant 0 : i32
          %parallel_loop3A_996 = arith.constant 0 : i32
          %parallel_loop3A_997 = tpu.memref_slice %arg17[%parallel_loop3A_746, %parallel_loop3A_995, %parallel_loop3A_996] : memref<1x128x128xf32, #tpu.memory_space<vmem>> -> memref<1x128x128xf32, #tpu.memory_space<vmem>>
          %parallel_loop3A_998 = tpu.memref_squeeze %parallel_loop3A_997 : memref<1x128x128xf32, #tpu.memory_space<vmem>> -> memref<128x128xf32, #tpu.memory_space<vmem>>
          %parallel_loop3A_999 = arith.index_cast %parallel_loop3A_869 : i32 to index
          %parallel_loop3A_1000 = arith.constant 80 : index
          %parallel_loop3A_1001 = tpu.vector_load %parallel_loop3A_998[%parallel_loop3A_999, %parallel_loop3A_1000] {strides = array<i32>} : memref<128x128xf32, #tpu.memory_space<vmem>>, vector<16xf32>,
          %parallel_loop3A_1002 = vector.broadcast %parallel_loop3A_862 : f32 to vector<16xf32>
          %parallel_loop3A_1003 = arith.mulf %parallel_loop3A_1001, %parallel_loop3A_1002 : vector<16xf32>
          %parallel_loop3A_1004 = vector.broadcast %parallel_loop3A_866 : f32 to vector<16xf32>
          %parallel_loop3A_1005 = arith.subf %parallel_loop3A_1003, %parallel_loop3A_1004 : vector<16xf32>
          %parallel_loop3A_1006 = arith.mulf %parallel_loop3A_1005, %parallel_loop3A_794 : vector<16xf32>
          %parallel_loop3A_1007 = arith.addf %parallel_loop3A_1006, %parallel_loop3A_842 : vector<16xf32>
          %parallel_loop3A_1008 = arith.index_cast %parallel_loop3A_879 : i32 to index
          %parallel_loop3A_1009 = arith.constant 80 : index
          %parallel_loop3A_1010 = tpu.vector_load %arg19[%parallel_loop3A_1008, %parallel_loop3A_1009] {strides = array<i32>} : memref<128x128xf32, #tpu.memory_space<vmem>>, vector<16xf32>,
          tpu.vector_store %arg19[%parallel_loop3A_1008, %parallel_loop3A_1009], %parallel_loop3A_1007 {strides = array<i32>} : memref<128x128xf32, #tpu.memory_space<vmem>>, vector<16xf32>,
          %parallel_loop3A_1011 = arith.constant 0 : i32
          %parallel_loop3A_1012 = arith.constant 0 : i32
          %parallel_loop3A_1013 = tpu.memref_slice %arg17[%parallel_loop3A_746, %parallel_loop3A_1011, %parallel_loop3A_1012] : memref<1x128x128xf32, #tpu.memory_space<vmem>> -> memref<1x128x128xf32, #tpu.memory_space<vmem>>
          %parallel_loop3A_1014 = tpu.memref_squeeze %parallel_loop3A_1013 : memref<1x128x128xf32, #tpu.memory_space<vmem>> -> memref<128x128xf32, #tpu.memory_space<vmem>>
          %parallel_loop3A_1015 = arith.index_cast %parallel_loop3A_869 : i32 to index
          %parallel_loop3A_1016 = arith.constant 80 : index
          %parallel_loop3A_1017 = tpu.vector_load %parallel_loop3A_1014[%parallel_loop3A_1015, %parallel_loop3A_1016] {strides = array<i32>} : memref<128x128xf32, #tpu.memory_space<vmem>>, vector<16xf32>,
          tpu.vector_store %parallel_loop3A_1014[%parallel_loop3A_1015, %parallel_loop3A_1016], %broadcast_in_dim3A_604 {strides = array<i32>} : memref<128x128xf32, #tpu.memory_space<vmem>>, vector<16xf32>,
          %parallel_loop3A_1018 = arith.constant 0 : i32
          %parallel_loop3A_1019 = arith.constant 0 : i32
          %parallel_loop3A_1020 = tpu.memref_slice %arg17[%parallel_loop3A_746, %parallel_loop3A_1018, %parallel_loop3A_1019] : memref<1x128x128xf32, #tpu.memory_space<vmem>> -> memref<1x128x128xf32, #tpu.memory_space<vmem>>
          %parallel_loop3A_1021 = tpu.memref_squeeze %parallel_loop3A_1020 : memref<1x128x128xf32, #tpu.memory_space<vmem>> -> memref<128x128xf32, #tpu.memory_space<vmem>>
          %parallel_loop3A_1022 = arith.index_cast %parallel_loop3A_869 : i32 to index
          %parallel_loop3A_1023 = arith.constant 96 : index
          %parallel_loop3A_1024 = tpu.vector_load %parallel_loop3A_1021[%parallel_loop3A_1022, %parallel_loop3A_1023] {strides = array<i32>} : memref<128x128xf32, #tpu.memory_space<vmem>>, vector<16xf32>,
          %parallel_loop3A_1025 = vector.broadcast %parallel_loop3A_862 : f32 to vector<16xf32>
          %parallel_loop3A_1026 = arith.mulf %parallel_loop3A_1024, %parallel_loop3A_1025 : vector<16xf32>
          %parallel_loop3A_1027 = vector.broadcast %parallel_loop3A_866 : f32 to vector<16xf32>
          %parallel_loop3A_1028 = arith.subf %parallel_loop3A_1026, %parallel_loop3A_1027 : vector<16xf32>
          %parallel_loop3A_1029 = arith.mulf %parallel_loop3A_1028, %parallel_loop3A_800 : vector<16xf32>
          %parallel_loop3A_1030 = arith.addf %parallel_loop3A_1029, %parallel_loop3A_848 : vector<16xf32>
          %parallel_loop3A_1031 = arith.index_cast %parallel_loop3A_879 : i32 to index
          %parallel_loop3A_1032 = arith.constant 96 : index
          %parallel_loop3A_1033 = tpu.vector_load %arg19[%parallel_loop3A_1031, %parallel_loop3A_1032] {strides = array<i32>} : memref<128x128xf32, #tpu.memory_space<vmem>>, vector<16xf32>,
          tpu.vector_store %arg19[%parallel_loop3A_1031, %parallel_loop3A_1032], %parallel_loop3A_1030 {strides = array<i32>} : memref<128x128xf32, #tpu.memory_space<vmem>>, vector<16xf32>,
          %parallel_loop3A_1034 = arith.constant 0 : i32
          %parallel_loop3A_1035 = arith.constant 0 : i32
          %parallel_loop3A_1036 = tpu.memref_slice %arg17[%parallel_loop3A_746, %parallel_loop3A_1034, %parallel_loop3A_1035] : memref<1x128x128xf32, #tpu.memory_space<vmem>> -> memref<1x128x128xf32, #tpu.memory_space<vmem>>
          %parallel_loop3A_1037 = tpu.memref_squeeze %parallel_loop3A_1036 : memref<1x128x128xf32, #tpu.memory_space<vmem>> -> memref<128x128xf32, #tpu.memory_space<vmem>>
          %parallel_loop3A_1038 = arith.index_cast %parallel_loop3A_869 : i32 to index
          %parallel_loop3A_1039 = arith.constant 96 : index
          %parallel_loop3A_1040 = tpu.vector_load %parallel_loop3A_1037[%parallel_loop3A_1038, %parallel_loop3A_1039] {strides = array<i32>} : memref<128x128xf32, #tpu.memory_space<vmem>>, vector<16xf32>,
          tpu.vector_store %parallel_loop3A_1037[%parallel_loop3A_1038, %parallel_loop3A_1039], %broadcast_in_dim3A_604 {strides = array<i32>} : memref<128x128xf32, #tpu.memory_space<vmem>>, vector<16xf32>,
          %parallel_loop3A_1041 = arith.constant 0 : i32
          %parallel_loop3A_1042 = arith.constant 0 : i32
          %parallel_loop3A_1043 = tpu.memref_slice %arg17[%parallel_loop3A_746, %parallel_loop3A_1041, %parallel_loop3A_1042] : memref<1x128x128xf32, #tpu.memory_space<vmem>> -> memref<1x128x128xf32, #tpu.memory_space<vmem>>
          %parallel_loop3A_1044 = tpu.memref_squeeze %parallel_loop3A_1043 : memref<1x128x128xf32, #tpu.memory_space<vmem>> -> memref<128x128xf32, #tpu.memory_space<vmem>>
          %parallel_loop3A_1045 = arith.index_cast %parallel_loop3A_869 : i32 to index
          %parallel_loop3A_1046 = arith.constant 112 : index
          %parallel_loop3A_1047 = tpu.vector_load %parallel_loop3A_1044[%parallel_loop3A_1045, %parallel_loop3A_1046] {strides = array<i32>} : memref<128x128xf32, #tpu.memory_space<vmem>>, vector<16xf32>,
          %parallel_loop3A_1048 = vector.broadcast %parallel_loop3A_862 : f32 to vector<16xf32>
          %parallel_loop3A_1049 = arith.mulf %parallel_loop3A_1047, %parallel_loop3A_1048 : vector<16xf32>
          %parallel_loop3A_1050 = vector.broadcast %parallel_loop3A_866 : f32 to vector<16xf32>
          %parallel_loop3A_1051 = arith.subf %parallel_loop3A_1049, %parallel_loop3A_1050 : vector<16xf32>
          %parallel_loop3A_1052 = arith.mulf %parallel_loop3A_1051, %parallel_loop3A_806 : vector<16xf32>
          %parallel_loop3A_1053 = arith.addf %parallel_loop3A_1052, %parallel_loop3A_854 : vector<16xf32>
          %parallel_loop3A_1054 = arith.index_cast %parallel_loop3A_879 : i32 to index
          %parallel_loop3A_1055 = arith.constant 112 : index
          %parallel_loop3A_1056 = tpu.vector_load %arg19[%parallel_loop3A_1054, %parallel_loop3A_1055] {strides = array<i32>} : memref<128x128xf32, #tpu.memory_space<vmem>>, vector<16xf32>,
          tpu.vector_store %arg19[%parallel_loop3A_1054, %parallel_loop3A_1055], %parallel_loop3A_1053 {strides = array<i32>} : memref<128x128xf32, #tpu.memory_space<vmem>>, vector<16xf32>,
          %parallel_loop3A_1057 = arith.constant 0 : i32
          %parallel_loop3A_1058 = arith.constant 0 : i32
          %parallel_loop3A_1059 = tpu.memref_slice %arg17[%parallel_loop3A_746, %parallel_loop3A_1057, %parallel_loop3A_1058] : memref<1x128x128xf32, #tpu.memory_space<vmem>> -> memref<1x128x128xf32, #tpu.memory_space<vmem>>
          %parallel_loop3A_1060 = tpu.memref_squeeze %parallel_loop3A_1059 : memref<1x128x128xf32, #tpu.memory_space<vmem>> -> memref<128x128xf32, #tpu.memory_space<vmem>>
          %parallel_loop3A_1061 = arith.index_cast %parallel_loop3A_869 : i32 to index
          %parallel_loop3A_1062 = arith.constant 112 : index
          %parallel_loop3A_1063 = tpu.vector_load %parallel_loop3A_1060[%parallel_loop3A_1061, %parallel_loop3A_1062] {strides = array<i32>} : memref<128x128xf32, #tpu.memory_space<vmem>>, vector<16xf32>,
          tpu.vector_store %parallel_loop3A_1060[%parallel_loop3A_1061, %parallel_loop3A_1062], %broadcast_in_dim3A_604 {strides = array<i32>} : memref<128x128xf32, #tpu.memory_space<vmem>>, vector<16xf32>,
        } {sc.loop_unroll_factor = 2 : i64, sc.parallel_access}
      } {sc.loop_unroll_factor = 1 : i64, sc.parallel_access}
      %dma_start3A_747 = arith.constant 0 : i32
      %dma_start3A_748 = tpu.memref_slice %arg14[%add3A_316, %dma_start3A_747] : memref<16x128xi32, #tpu.memory_space<vmem>> -> memref<1x128xi32, #tpu.memory_space<vmem>>
      %dma_start3A_749 = tpu.memref_squeeze %dma_start3A_748 : memref<1x128xi32, #tpu.memory_space<vmem>> -> memref<128xi32, #tpu.memory_space<vmem>>
      %dma_start3A_750 = arith.constant 0 : i32
      %dma_start3A_751 = arith.constant 0 : i32
      %dma_start3A_752 = tpu.memref_slice %arg9[%dma_start3A_750, %dma_start3A_751] : memref<65536x128xf32, #tpu.memory_space<hbm>> -> memref<65536x128xf32, #tpu.memory_space<hbm>>
      tpu.enqueue_indirect_dma source(%arg19 : memref<128x128xf32, #tpu.memory_space<vmem>>) target(%dma_start3A_752 : memref<65536x128xf32, #tpu.memory_space<hbm>>) offsets(%dma_start3A_749 : memref<128xi32, #tpu.memory_space<vmem>>) semaphore(%arg28 : memref<!tpu.dma_semaphore, #tpu.memory_space<semaphore_mem>>)
      %lt3A_753 = arith.constant 7 : i32
      %lt3A_754 = arith.cmpi slt, %add3A_310, %lt3A_753 : i32
      %convert_element_type3A_755 = arith.extui %lt3A_754 : i1 to i32
      %cond3A_756 = arith.constant 0 : i32
      %cond3A_757 = arith.cmpi ne, %convert_element_type3A_755, %cond3A_756 : i32
      scf.if %cond3A_757 {
        %add3A_758 = arith.constant 2 : i32
        %add3A_759 = arith.addi %add3A_316, %add3A_758 : i32
        %mul3A_760 = arith.constant 16 : i32
        %mul3A_761 = arith.muli %add3A_759, %mul3A_760 : i32
        %shift_right_arithmetic3A_762 = arith.constant 3 : i32
        %shift_right_arithmetic3A_763 = arith.shrsi %add3A_759, %shift_right_arithmetic3A_762 : i32
        %and3A_764 = arith.constant 7 : i32
        %and3A_765 = arith.andi %add3A_759, %and3A_764 : i32
        %mul3A_766 = arith.constant 16 : i32
        %mul3A_767 = arith.muli %and3A_765, %mul3A_766 : i32
        %get3A_768 = arith.index_cast %shift_right_arithmetic3A_763 : i32 to index
        %get3A_769 = arith.index_cast %mul3A_767 : i32 to index
        %get3A_770 = tpu.vector_load %arg10[%get3A_768, %get3A_769] {strides = array<i32>} : memref<2x128xi32, #tpu.memory_space<vmem>>, vector<16xi32>,
        %shift_right_arithmetic3A_771 = arith.constant 3 : i32
        %shift_right_arithmetic3A_772 = vector.broadcast %shift_right_arithmetic3A_771 : i32 to vector<16xi32>
        %shift_right_arithmetic3A_773 = arith.shrsi %get3A_770, %shift_right_arithmetic3A_772 : vector<16xi32>
        %shift_left3A_774 = arith.constant 6 : i32
        %shift_left3A_775 = vector.broadcast %shift_left3A_774 : i32 to vector<16xi32>
        %shift_left3A_776 = arith.shli %shift_right_arithmetic3A_773, %shift_left3A_775 : vector<16xi32>
        %and3A_777 = arith.constant 7 : i32
        %and3A_778 = vector.broadcast %and3A_777 : i32 to vector<16xi32>
        %and3A_779 = arith.andi %get3A_770, %and3A_778 : vector<16xi32>
        %or3A_780 = arith.ori %shift_left3A_776, %and3A_779 : vector<16xi32>
        %add3A_781 = arith.addi %rem3A_3, %mul3A_761 : i32
        %add3A_782 = vector.broadcast %add3A_781 : i32 to vector<16xi32>
        %add3A_783 = arith.addi %add3A_782, %iota3A : vector<16xi32>
        %shift_right_arithmetic3A_784 = arith.constant 3 : i32
        %shift_right_arithmetic3A_785 = vector.broadcast %shift_right_arithmetic3A_784 : i32 to vector<16xi32>
        %shift_right_arithmetic3A_786 = arith.shrsi %add3A_783, %shift_right_arithmetic3A_785 : vector<16xi32>
        %shift_left3A_787 = arith.constant 6 : i32
        %shift_left3A_788 = vector.broadcast %shift_left3A_787 : i32 to vector<16xi32>
        %shift_left3A_789 = arith.shli %shift_right_arithmetic3A_786, %shift_left3A_788 : vector<16xi32>
        %and3A_790 = arith.constant 7 : i32
        %and3A_791 = vector.broadcast %and3A_790 : i32 to vector<16xi32>
        %and3A_792 = arith.andi %add3A_783, %and3A_791 : vector<16xi32>
        %or3A_793 = arith.ori %shift_left3A_789, %and3A_792 : vector<16xi32>
        %add3A_794 = arith.constant 0 : i32
        %add3A_795 = vector.broadcast %add3A_794 : i32 to vector<16xi32>
        %add3A_796 = arith.addi %or3A_780, %add3A_795 : vector<16xi32>
        %swap3A_797 = arith.constant 0 : index
        %swap3A_798 = tpu.vector_load %arg13[%swap3A_797] {strides = array<i32>} : memref<256xi32, #tpu.memory_space<vmem>>, vector<16xi32>,
        tpu.vector_store %arg13[%swap3A_797], %add3A_796 {strides = array<i32>} : memref<256xi32, #tpu.memory_space<vmem>>, vector<16xi32>,
        %add3A_799 = arith.constant 0 : i32
        %add3A_800 = vector.broadcast %add3A_799 : i32 to vector<16xi32>
        %add3A_801 = arith.addi %or3A_793, %add3A_800 : vector<16xi32>
        %swap3A_802 = arith.constant 128 : index
        %swap3A_803 = tpu.vector_load %arg13[%swap3A_802] {strides = array<i32>} : memref<256xi32, #tpu.memory_space<vmem>>, vector<16xi32>,
        tpu.vector_store %arg13[%swap3A_802], %add3A_801 {strides = array<i32>} : memref<256xi32, #tpu.memory_space<vmem>>, vector<16xi32>,
        %add3A_804 = arith.constant 8 : i32
        %add3A_805 = vector.broadcast %add3A_804 : i32 to vector<16xi32>
        %add3A_806 = arith.addi %or3A_780, %add3A_805 : vector<16xi32>
        %swap3A_807 = arith.constant 16 : index
        %swap3A_808 = tpu.vector_load %arg13[%swap3A_807] {strides = array<i32>} : memref<256xi32, #tpu.memory_space<vmem>>, vector<16xi32>,
        tpu.vector_store %arg13[%swap3A_807], %add3A_806 {strides = array<i32>} : memref<256xi32, #tpu.memory_space<vmem>>, vector<16xi32>,
        %add3A_809 = arith.constant 8 : i32
        %add3A_810 = vector.broadcast %add3A_809 : i32 to vector<16xi32>
        %add3A_811 = arith.addi %or3A_793, %add3A_810 : vector<16xi32>
        %swap3A_812 = arith.constant 144 : index
        %swap3A_813 = tpu.vector_load %arg13[%swap3A_812] {strides = array<i32>} : memref<256xi32, #tpu.memory_space<vmem>>, vector<16xi32>,
        tpu.vector_store %arg13[%swap3A_812], %add3A_811 {strides = array<i32>} : memref<256xi32, #tpu.memory_space<vmem>>, vector<16xi32>,
        %add3A_814 = arith.constant 16 : i32
        %add3A_815 = vector.broadcast %add3A_814 : i32 to vector<16xi32>
        %add3A_816 = arith.addi %or3A_780, %add3A_815 : vector<16xi32>
        %swap3A_817 = arith.constant 32 : index
        %swap3A_818 = tpu.vector_load %arg13[%swap3A_817] {strides = array<i32>} : memref<256xi32, #tpu.memory_space<vmem>>, vector<16xi32>,
        tpu.vector_store %arg13[%swap3A_817], %add3A_816 {strides = array<i32>} : memref<256xi32, #tpu.memory_space<vmem>>, vector<16xi32>,
        %add3A_819 = arith.constant 16 : i32
        %add3A_820 = vector.broadcast %add3A_819 : i32 to vector<16xi32>
        %add3A_821 = arith.addi %or3A_793, %add3A_820 : vector<16xi32>
        %swap3A_822 = arith.constant 160 : index
        %swap3A_823 = tpu.vector_load %arg13[%swap3A_822] {strides = array<i32>} : memref<256xi32, #tpu.memory_space<vmem>>, vector<16xi32>,
        tpu.vector_store %arg13[%swap3A_822], %add3A_821 {strides = array<i32>} : memref<256xi32, #tpu.memory_space<vmem>>, vector<16xi32>,
        %add3A_824 = arith.constant 24 : i32
        %add3A_825 = vector.broadcast %add3A_824 : i32 to vector<16xi32>
        %add3A_826 = arith.addi %or3A_780, %add3A_825 : vector<16xi32>
        %swap3A_827 = arith.constant 48 : index
        %swap3A_828 = tpu.vector_load %arg13[%swap3A_827] {strides = array<i32>} : memref<256xi32, #tpu.memory_space<vmem>>, vector<16xi32>,
        tpu.vector_store %arg13[%swap3A_827], %add3A_826 {strides = array<i32>} : memref<256xi32, #tpu.memory_space<vmem>>, vector<16xi32>,
        %add3A_829 = arith.constant 24 : i32
        %add3A_830 = vector.broadcast %add3A_829 : i32 to vector<16xi32>
        %add3A_831 = arith.addi %or3A_793, %add3A_830 : vector<16xi32>
        %swap3A_832 = arith.constant 176 : index
        %swap3A_833 = tpu.vector_load %arg13[%swap3A_832] {strides = array<i32>} : memref<256xi32, #tpu.memory_space<vmem>>, vector<16xi32>,
        tpu.vector_store %arg13[%swap3A_832], %add3A_831 {strides = array<i32>} : memref<256xi32, #tpu.memory_space<vmem>>, vector<16xi32>,
        %add3A_834 = arith.constant 32 : i32
        %add3A_835 = vector.broadcast %add3A_834 : i32 to vector<16xi32>
        %add3A_836 = arith.addi %or3A_780, %add3A_835 : vector<16xi32>
        %swap3A_837 = arith.constant 64 : index
        %swap3A_838 = tpu.vector_load %arg13[%swap3A_837] {strides = array<i32>} : memref<256xi32, #tpu.memory_space<vmem>>, vector<16xi32>,
        tpu.vector_store %arg13[%swap3A_837], %add3A_836 {strides = array<i32>} : memref<256xi32, #tpu.memory_space<vmem>>, vector<16xi32>,
        %add3A_839 = arith.constant 32 : i32
        %add3A_840 = vector.broadcast %add3A_839 : i32 to vector<16xi32>
        %add3A_841 = arith.addi %or3A_793, %add3A_840 : vector<16xi32>
        %swap3A_842 = arith.constant 192 : index
        %swap3A_843 = tpu.vector_load %arg13[%swap3A_842] {strides = array<i32>} : memref<256xi32, #tpu.memory_space<vmem>>, vector<16xi32>,
        tpu.vector_store %arg13[%swap3A_842], %add3A_841 {strides = array<i32>} : memref<256xi32, #tpu.memory_space<vmem>>, vector<16xi32>,
        %add3A_844 = arith.constant 40 : i32
        %add3A_845 = vector.broadcast %add3A_844 : i32 to vector<16xi32>
        %add3A_846 = arith.addi %or3A_780, %add3A_845 : vector<16xi32>
        %swap3A_847 = arith.constant 80 : index
        %swap3A_848 = tpu.vector_load %arg13[%swap3A_847] {strides = array<i32>} : memref<256xi32, #tpu.memory_space<vmem>>, vector<16xi32>,
        tpu.vector_store %arg13[%swap3A_847], %add3A_846 {strides = array<i32>} : memref<256xi32, #tpu.memory_space<vmem>>, vector<16xi32>,
        %add3A_849 = arith.constant 40 : i32
        %add3A_850 = vector.broadcast %add3A_849 : i32 to vector<16xi32>
        %add3A_851 = arith.addi %or3A_793, %add3A_850 : vector<16xi32>
        %swap3A_852 = arith.constant 208 : index
        %swap3A_853 = tpu.vector_load %arg13[%swap3A_852] {strides = array<i32>} : memref<256xi32, #tpu.memory_space<vmem>>, vector<16xi32>,
        tpu.vector_store %arg13[%swap3A_852], %add3A_851 {strides = array<i32>} : memref<256xi32, #tpu.memory_space<vmem>>, vector<16xi32>,
        %add3A_854 = arith.constant 48 : i32
        %add3A_855 = vector.broadcast %add3A_854 : i32 to vector<16xi32>
        %add3A_856 = arith.addi %or3A_780, %add3A_855 : vector<16xi32>
        %swap3A_857 = arith.constant 96 : index
        %swap3A_858 = tpu.vector_load %arg13[%swap3A_857] {strides = array<i32>} : memref<256xi32, #tpu.memory_space<vmem>>, vector<16xi32>,
        tpu.vector_store %arg13[%swap3A_857], %add3A_856 {strides = array<i32>} : memref<256xi32, #tpu.memory_space<vmem>>, vector<16xi32>,
        %add3A_859 = arith.constant 48 : i32
        %add3A_860 = vector.broadcast %add3A_859 : i32 to vector<16xi32>
        %add3A_861 = arith.addi %or3A_793, %add3A_860 : vector<16xi32>
        %swap3A_862 = arith.constant 224 : index
        %swap3A_863 = tpu.vector_load %arg13[%swap3A_862] {strides = array<i32>} : memref<256xi32, #tpu.memory_space<vmem>>, vector<16xi32>,
        tpu.vector_store %arg13[%swap3A_862], %add3A_861 {strides = array<i32>} : memref<256xi32, #tpu.memory_space<vmem>>, vector<16xi32>,
        %add3A_864 = arith.constant 56 : i32
        %add3A_865 = vector.broadcast %add3A_864 : i32 to vector<16xi32>
        %add3A_866 = arith.addi %or3A_780, %add3A_865 : vector<16xi32>
        %swap3A_867 = arith.constant 112 : index
        %swap3A_868 = tpu.vector_load %arg13[%swap3A_867] {strides = array<i32>} : memref<256xi32, #tpu.memory_space<vmem>>, vector<16xi32>,
        tpu.vector_store %arg13[%swap3A_867], %add3A_866 {strides = array<i32>} : memref<256xi32, #tpu.memory_space<vmem>>, vector<16xi32>,
        %add3A_869 = arith.constant 56 : i32
        %add3A_870 = vector.broadcast %add3A_869 : i32 to vector<16xi32>
        %add3A_871 = arith.addi %or3A_793, %add3A_870 : vector<16xi32>
        %swap3A_872 = arith.constant 240 : index
        %swap3A_873 = tpu.vector_load %arg13[%swap3A_872] {strides = array<i32>} : memref<256xi32, #tpu.memory_space<vmem>>, vector<16xi32>,
        tpu.vector_store %arg13[%swap3A_872], %add3A_871 {strides = array<i32>} : memref<256xi32, #tpu.memory_space<vmem>>, vector<16xi32>,
        %dma_start3A_874 = arith.constant 0 : i32
        %dma_start3A_875 = arith.constant 0 : i32
        %dma_start3A_876 = arith.constant 0 : i32
        %dma_start3A_877 = tpu.memref_slice %arg17[%dma_start3A_874, %dma_start3A_875, %dma_start3A_876] : memref<1x128x128xf32, #tpu.memory_space<vmem>> -> memref<1x128x128xf32, #tpu.memory_space<vmem>>
        %dma_start3A_878 = tpu.memref_squeeze %dma_start3A_877 : memref<1x128x128xf32, #tpu.memory_space<vmem>> -> memref<128x128xf32, #tpu.memory_space<vmem>>
        %dma_start3A_879 = arith.constant 0 : i32
        %dma_start3A_880 = tpu.memref_slice %arg13[%dma_start3A_879] : memref<256xi32, #tpu.memory_space<vmem>> -> memref<128xi32, #tpu.memory_space<vmem>>
        %dma_start3A_881 = arith.constant 0 : i32
        %dma_start3A_882 = arith.constant 0 : i32
        %dma_start3A_883 = tpu.memref_slice %arg4[%dma_start3A_881, %dma_start3A_882] : memref<800000x128xf32, #tpu.memory_space<hbm>> -> memref<800000x128xf32, #tpu.memory_space<hbm>>
        tpu.enqueue_indirect_dma source(%dma_start3A_883 : memref<800000x128xf32, #tpu.memory_space<hbm>>) target(%dma_start3A_878 : memref<128x128xf32, #tpu.memory_space<vmem>>) offsets(%dma_start3A_880 : memref<128xi32, #tpu.memory_space<vmem>>) semaphore(%arg26 : memref<!tpu.dma_semaphore, #tpu.memory_space<semaphore_mem>>) {add = true}
        %dma_start3A_884 = arith.constant 0 : i32
        %dma_start3A_885 = arith.constant 0 : i32
        %dma_start3A_886 = arith.constant 0 : i32
        %dma_start3A_887 = tpu.memref_slice %arg17[%dma_start3A_884, %dma_start3A_885, %dma_start3A_886] : memref<1x128x128xf32, #tpu.memory_space<vmem>> -> memref<1x128x128xf32, #tpu.memory_space<vmem>>
        %dma_start3A_888 = tpu.memref_squeeze %dma_start3A_887 : memref<1x128x128xf32, #tpu.memory_space<vmem>> -> memref<128x128xf32, #tpu.memory_space<vmem>>
        %dma_start3A_889 = arith.constant 128 : i32
        %dma_start3A_890 = tpu.memref_slice %arg13[%dma_start3A_889] : memref<256xi32, #tpu.memory_space<vmem>> -> memref<128xi32, #tpu.memory_space<vmem>>
        %dma_start3A_891 = arith.constant 0 : i32
        %dma_start3A_892 = arith.constant 0 : i32
        %dma_start3A_893 = tpu.memref_slice %arg5[%dma_start3A_891, %dma_start3A_892] : memref<16384x128xf32, #tpu.memory_space<hbm>> -> memref<16384x128xf32, #tpu.memory_space<hbm>>
        tpu.enqueue_indirect_dma source(%dma_start3A_893 : memref<16384x128xf32, #tpu.memory_space<hbm>>) target(%dma_start3A_888 : memref<128x128xf32, #tpu.memory_space<vmem>>) offsets(%dma_start3A_890 : memref<128xi32, #tpu.memory_space<vmem>>) semaphore(%arg26 : memref<!tpu.dma_semaphore, #tpu.memory_space<semaphore_mem>>) {add = true}
      } else {
      }
    }
    %scan3A_291 = arith.constant 8 : i32
    %dma_wait3A_292 = arith.constant 14 : i32
    %dma_wait3A_293 = arith.constant 0 : i32
    %dma_wait3A_294 = tpu.memref_slice %arg14[%dma_wait3A_292, %dma_wait3A_293] : memref<16x128xi32, #tpu.memory_space<vmem>> -> memref<1x128xi32, #tpu.memory_space<vmem>>
    %dma_wait3A_295 = tpu.memref_squeeze %dma_wait3A_294 : memref<1x128xi32, #tpu.memory_space<vmem>> -> memref<128xi32, #tpu.memory_space<vmem>>
    %dma_wait3A_296 = arith.constant 0 : i32
    %dma_wait3A_297 = arith.constant 0 : i32
    %dma_wait3A_298 = tpu.memref_slice %arg9[%dma_wait3A_296, %dma_wait3A_297] : memref<65536x128xf32, #tpu.memory_space<hbm>> -> memref<65536x128xf32, #tpu.memory_space<hbm>>
    tpu.wait_indirect_dma semaphore(%arg27 : memref<!tpu.dma_semaphore, #tpu.memory_space<semaphore_mem>>) src(%arg18 : memref<128x128xf32, #tpu.memory_space<vmem>>) dst(%dma_wait3A_298 : memref<65536x128xf32, #tpu.memory_space<hbm>>)
    %dma_wait3A_299 = arith.constant 15 : i32
    %dma_wait3A_300 = arith.constant 0 : i32
    %dma_wait3A_301 = tpu.memref_slice %arg14[%dma_wait3A_299, %dma_wait3A_300] : memref<16x128xi32, #tpu.memory_space<vmem>> -> memref<1x128xi32, #tpu.memory_space<vmem>>
    %dma_wait3A_302 = tpu.memref_squeeze %dma_wait3A_301 : memref<1x128xi32, #tpu.memory_space<vmem>> -> memref<128xi32, #tpu.memory_space<vmem>>
    %dma_wait3A_303 = arith.constant 0 : i32
    %dma_wait3A_304 = arith.constant 0 : i32
    %dma_wait3A_305 = tpu.memref_slice %arg9[%dma_wait3A_303, %dma_wait3A_304] : memref<65536x128xf32, #tpu.memory_space<hbm>> -> memref<65536x128xf32, #tpu.memory_space<hbm>>
    tpu.wait_indirect_dma semaphore(%arg28 : memref<!tpu.dma_semaphore, #tpu.memory_space<semaphore_mem>>) src(%arg19 : memref<128x128xf32, #tpu.memory_space<vmem>>) dst(%dma_wait3A_305 : memref<65536x128xf32, #tpu.memory_space<hbm>>)
    return
  }
}

</mosaic_0001>

<sc_bundles>
// kernel: _emb.3.cloned.1.call-start
scs
__scs_entry_jumppad:
0x0: {  	(pc) =	sbr.rel $0x88, $3  }
0x1: {  	(tag) =	ssettag $0x0;
	lr =	simm.s32 $0x1  }
0x2: {  	[smem:$0x3F9A] =	sst lr;
	_ =	strace $0xD0000000  }
0x3: {  	_ = 	snop  }
0x4: {  	_ = 	snop  }
0x5: {  	_ = 	snop  }
0x6: {  	_ = 	snop  }
0x7: {  	_ = 	snop  }
__scs_overlays_trampoline_lowered:
0x8: {  	[smem:$0x3FA9] =	sst s0  }
0x9: {  	[smem:$0x3FAA] =	sst s1  }
0xa: {  	[smem:$0x3FAB] =	sst s2  }
0xb: {  	[smem:$0x3FAC] =	sst s3  }
0xc: {  	[smem:$0x3FAD] =	sst s4  }
0xd: {  	[smem:$0x3FAE] =	sst s5  }
0xe: {  	[smem:$0x3FAF] =	sst s6  }
0xf: {  	[smem:$0x3FB0] =	sst s7  }
0x10: {  	[smem:$0x3FB1] =	sst s8  }
0x11: {  	[smem:$0x3FB2] =	sst s9;
	s0 =	simm.s32 @!p0 $0x0  }
0x12: {  	s1 =	sld [smem:$0x3F98];
	s0 =	simm.s32 @p0 $0x1  }
0x13: {  	[smem:$0x3FB3] =	sst s0;
	s0 =	simm.s32 @!p1 $0x0  }
0x14: {  	s2 =	sld [smem:$0x3F97];
	s0 =	simm.s32 @p1 $0x1  }
0x15: {  	[smem:$0x3FB4] =	sst s0;
	s0 =	simm.s32 @!p2 $0x0  }
0x16: {  	s3 =	sld [smem:$0x3FDB];
	s0 =	simm.s32 @p2 $0x1  }
0x17: {  	s4 =	simm.s32 $0x1BF5;
	[smem:$0x3FB6] =	sst s0  }
0x18: {  	s0 =	sld [smem:$0x3F99];
	_ =	swait.ge [sflag:s4], $0x0  }
0x19: {  	s7 =	sld [smem:$0x3F9A]  }
0x1a: {  	s8 =	sadd.s32 $0xFFFFE003, lr  }
0x1b: {  	s9 =	sadd.s32 $0xFFFFFEF7, lr;
	s5 =	simm.s32 $0xFFFFFFFF;
	p2 =	slt.u32 s8, $0xFFFFF086  }
0x1c: {  	p1 =	slt.u32 s9, $0xF7A;
	s5 =	simm.s32 @!p2 $0x0  }
0x1d: {  	s5 =	simm.s32 @p1 $0x1;
	p0 =	seq.s32 s7, s2  }
0x1e: {  	s7 =	smul.u32 @!p0 $0xF7A, s2;
	p2 =	seq.s32 @!p0 s5, $0x0  }
0x1f: {  	s9 =	smul.u32 $0xF7A, s1;
	s8 =	simm.s32 @!p0 $0x1BF5;
	p2 =	por !p2, p0  }
0x20: {  	[sflag:s8] =	ssyncset.s32 @!p0 $0xFFFFF086;
	s6 =	sadd.s32 @!p0 s3, s7;
	s7 =	simm.s32 @!p0 $0x108  }
0x21: {  	s3 =	sadd.s32 s3, s9;
	s6 =	sadd.s32 @!p0 $0x88, s6;
	s7 =	simm.s32 @p2 $0x1082  }
0x22: {  	[simem:s7], [sflag:s8] =	dma.local @!p0 [hbm:s6], $0xF7A  }
0x23: {  	s9 =	sor.u32 $0xD0000000, s2;
	s6 =	simm.s32 $0x108;
	_ =	swait.ge @!p0 [sflag:s8], $0x0  }
0x24: {  	s3 =	sadd.s32 $0x88, s3;
	s6 =	simm.s32 @!p1 $0x1082;
	[sflag:s4] =	ssyncset.s32 $0xFFFFF086  }
0x25: {  	[simem:s6], [sflag:s4] =	dma.local [hbm:s3], $0xF7A  }
0x26: {  	[smem:$0x3F9A] =	sst s1;
	(tag) =	ssettag s2;
	_ =	strace s9  }
0x27: {  	s1 =	sld [smem:$0x3FAA]  }
0x28: {  	s2 =	sld [smem:$0x3FAB]  }
0x29: {  	s4 =	sld [smem:$0x3FAD]  }
0x2a: {  	p0 =	seq.s32 s5, $0x0;
	s5 =	sld [smem:$0x3FAE]  }
0x2b: {  	s6 =	sld [smem:$0x3FAF]  }
0x2c: {  	s7 =	sld [smem:$0x3FB0]  }
0x2d: {  	s3 =	simm.s32 $0x108;
	s8 =	sld [smem:$0x3FB1]  }
0x2e: {  	s3 =	simm.s32 @!p0 $0x1082;
	s9 =	sld [smem:$0x3FB2]  }
0x2f: {  	lr =	sadd.s32 s0, s3;
	s0 =	sld [smem:$0x3FA9]  }
0x30: {  	s3 =	sld [smem:$0x3FAC]  }
0x31: {  	[smem:$0x3FB5] =	sst s10  }
0x32: {  	s10 =	sld [smem:$0x3FB3];
	_ =	sdelay $0x3  }
0x33: {  	p0 =	seq.s32 s10, $0x1;
	s10 =	sld [smem:$0x3FB5];
	_ =	sdelay $0x3  }
0x34: {  	[smem:$0x3FB5] =	sst s10  }
0x35: {  	s10 =	sld [smem:$0x3FB4];
	_ =	sdelay $0x3  }
0x36: {  	p1 =	seq.s32 s10, $0x1;
	s10 =	sld [smem:$0x3FB5];
	_ =	sdelay $0x3  }
0x37: {  	[smem:$0x3FB5] =	sst s10  }
0x38: {  	s10 =	sld [smem:$0x3FB6]  }
0x39: {  	_ = 	snop;
	(pc) =	sbr.ind lr, $3  }
0x3a: {  	_ = 	snop  }
0x3b: {  	_ = 	snop  }
0x3c: {  	p2 =	seq.s32 s10, $0x1;
	s10 =	sld [smem:$0x3FB5]  }
0x3d: {  	_ =	shalt  }
0x3e: {  	_ =	shalt  }
0x3f: {  	_ =	shalt  }
0x40: {  	_ =	shalt  }
0x41: {  	_ =	shalt  }
0x42: {  	_ =	shalt  }
0x43: {  	_ =	shalt  }
0x44: {  	_ =	shalt  }
0x45: {  	_ =	shalt  }
0x46: {  	_ =	shalt  }
0x47: {  	_ =	shalt  }
0x48: {  	_ =	shalt  }
0x49: {  	_ =	shalt  }
0x4a: {  	_ =	shalt  }
0x4b: {  	_ =	shalt  }
0x4c: {  	_ =	shalt  }
0x4d: {  	_ =	shalt  }
0x4e: {  	_ =	shalt  }
0x4f: {  	_ =	shalt  }
0x50: {  	_ =	shalt  }
0x51: {  	_ =	shalt  }
0x52: {  	_ =	shalt  }
0x53: {  	_ =	shalt  }
0x54: {  	_ =	shalt  }
0x55: {  	_ =	shalt  }
0x56: {  	_ =	shalt  }
0x57: {  	_ =	shalt  }
0x58: {  	_ =	shalt  }
0x59: {  	_ =	shalt  }
0x5a: {  	_ =	shalt  }
0x5b: {  	_ =	shalt  }
0x5c: {  	_ =	shalt  }
0x5d: {  	_ =	shalt  }
0x5e: {  	_ =	shalt  }
0x5f: {  	_ =	shalt  }
0x60: {  	_ =	shalt  }
0x61: {  	_ =	shalt  }
0x62: {  	_ =	shalt  }
0x63: {  	_ =	shalt  }
0x64: {  	_ =	shalt  }
0x65: {  	_ =	shalt  }
0x66: {  	_ =	shalt  }
0x67: {  	_ =	shalt  }
0x68: {  	_ =	shalt  }
0x69: {  	_ =	shalt  }
0x6a: {  	_ =	shalt  }
0x6b: {  	_ =	shalt  }
0x6c: {  	_ =	shalt  }
0x6d: {  	_ =	shalt  }
0x6e: {  	_ =	shalt  }
0x6f: {  	_ =	shalt  }
0x70: {  	_ =	shalt  }
0x71: {  	_ =	shalt  }
0x72: {  	_ =	shalt  }
0x73: {  	_ =	shalt  }
0x74: {  	_ =	shalt  }
0x75: {  	_ =	shalt  }
0x76: {  	_ =	shalt  }
0x77: {  	_ =	shalt  }
0x78: {  	_ =	shalt  }
0x79: {  	_ =	shalt  }
0x7a: {  	_ =	shalt  }
0x7b: {  	_ =	shalt  }
0x7c: {  	_ =	shalt  }
0x7d: {  	_ =	shalt  }
0x7e: {  	_ =	shalt  }
0x7f: {  	_ =	shalt  }
0x80: {  	_ =	shalt  }
0x81: {  	_ =	shalt  }
0x82: {  	_ =	shalt  }
0x83: {  	_ =	shalt  }
0x84: {  	_ =	shalt  }
0x85: {  	_ =	shalt  }
0x86: {  	_ =	shalt  }
0x87: {  	_ =	shalt  }
.Lfunc_end0:
.L_simem_size_0:
called_computation_lowered:
.L_overlay_start_0:
0x88: {  	s2 =	sld [smem:$0x3FD9]  }
0x89: {  	s3 =	sld [smem:$0x3FFE];
	_ =	sdelay $0x1  }
0x8a: {  	s1 =	srdreg.scid  }
0x8b: {  	s0 =	sand.u32 $0x1, s1  }
0x8c: {  	s18 =	sshll.u32 s0, $0xA;
	s2 =	sadd.s32 s3, s2  }
0x8d: {  	s2 =	sadd.s32 s2, s18  }
0x8e: {  	[smem:$0x3FC1] =	sst s2  }
0x8f: {  	_ = 	snop  }
0x90: {  	s2 =	sld [smem:$0x3FC9]  }
0x91: {  	s19 =	sld [smem:$0x3FC8]  }
0x92: {  	s4 =	sld [smem:$0x3FC7]  }
0x93: {  	s5 =	sld [smem:$0x3FC6]  }
0x94: {  	s6 =	sld [smem:$0x3FC5]  }
0x95: {  	s7 =	sld [smem:$0x3FC4]  }
0x96: {  	s8 =	sld [smem:$0x3FC3]  }
0x97: {  	s9 =	sld [smem:$0x3FD0];
	(tm) =	ssettm $0x1  }
0x98: {  	s10 =	sld [smem:$0x3FFB];
	_ =	sdelay $0x3  }
0x99: {  	_ =	strace s10  }
0x9a: {  	s10 =	sld [smem:$0x3FFC];
	_ =	sdelay $0x3  }
0x9b: {  	_ =	strace s10  }
0x9c: {  	s10 =	sld [smem:$0x3FFD];
	_ =	sdelay $0x3  }
0x9d: {  	_ =	strace s10  }
0x9e: {  	_ =	strace $0x8FFFFFFF  }
0x9f: {  	s20 =	sld [smem:$0x3FDB];
	_ =	sdelay $0x1  }
0xa0: {  	s11 =	simm.s32 $_scs_section_size  }
0xa1: {  	s12 =	simm.s32 $_size__tile_overlayer_lowered;
	s13 =	simm.s32 $_tile_overlayer_lowered  }
0xa2: {  	s23 =	simm.s32 $0x1BFF;
	s22 =	sshll.u32 s13, $0x1;
	s10 =	sadd.s32 s11, s20  }
0xa3: {  	s14 =	simm.s32 $0x0;
	s21 =	sshll.u32 s12, $0x1;
	s12 =	sadd.s32 s22, s10  }
0xa4: {  	[timem:s14], [sflag:s23] =	dma.local [hbm:s12], s21  }
0xa5: {  	_ =	swait.ge [sflag:s23], s21  }
0xa6: {  	s11 =	ssub.s32 $0x0, s21;
	[sflag:s23] =	ssyncset.done $0x0  }
0xa7: {  	[sflag:s23] =	ssyncadd.s32 s11;
	_ =	sdelay $0x1  }
0xa8: {  	s24 =	simm.s32 $0x1B8B  }
0xa9: {  	_ =	swait.ge [sflag:s24], $0x1  }
0xaa: {  	[sflag:s24] =	ssyncset.done $0x0  }
0xab: {  	s25 =	simm.s32 $0x1B8E;
	[sflag:s24] =	ssyncadd.s32 $0xFFFFFFFF  }
0xac: {  	s26 =	simm.s32 $execute0_lowered;
	[smem:$0x3FD2] =	sst s25  }
0xad: {  	s11 =	sshll.u32 s26, $0x1;
	_ =	strace $0x80000046;
	[dreg:$0x1] =	wrdreg $0xFFFFFFFF  }
0xae: {  	s28 =	simm.s32 $_size_execute0_lowered;
	s10 =	sadd.s32 s10, s11;
	[dreg:$0x0] =	wrdreg $0x0  }
0xaf: {  	s11 =	sshll.u32 s28, $0x1;
	[dreg:$0x2] =	wrdreg s10  }
0xb0: {  	[dreg:$0x3] =	wrdreg s11  }
0xb1: {  	[dreg:$0x4] =	wrdreg $0xC0  }
0xb2: {  	_ =	task [dreg:s14], $0x5FFFF  }
0xb3: {  	[dreg:$0x1] =	wrdreg $0xFFFFFFFF  }
0xb4: {  	[dreg:$0x0] =	wrdreg $0x60  }
0xb5: {  	[dreg:$0x2] =	wrdreg s2  }
0xb6: {  	[dreg:$0x3] =	wrdreg s19  }
0xb7: {  	[dreg:$0x4] =	wrdreg s4  }
0xb8: {  	[dreg:$0x5] =	wrdreg s5  }
0xb9: {  	[dreg:$0x6] =	wrdreg s6  }
0xba: {  	[dreg:$0x7] =	wrdreg s7  }
0xbb: {  	[dreg:$0x8] =	wrdreg s8  }
0xbc: {  	[dreg:$0x9] =	wrdreg s9  }
0xbd: {  	[dreg:$0xa] =	wrdreg $0x9  }
0xbe: {  	_ =	task.clear_ibuf [dreg:s14], $0xBFFFF;
	_ =	strace $0x90000046  }
0xbf: {  	s29 =	simm.s32 $0x9;
	_ =	strace $0x80000048  }
0xc0: {  	_ =	swait.ge [sflag:s29], $0x1  }
0xc1: {  	[sflag:s29] =	ssyncadd.s32 $0xFFFFFFFF  }
0xc2: {  	_ =	strace $0x90000048  }
0xc3: {  	_ =	sfence  }
0xc4: {  	s30 =	sld [smem:$0x0];
	_ =	sdelay $0x2  }
0xc5: {  	s31 =	sshll.u32 s1, $0xD;
	s1 =	sshrl.u32 s1, $0x2  }
0xc6: {  	s3 =	sand.u32 $0x4000, s31;
	s1 =	sadd.s32 s1, s30  }
0xc7: {  	s0 =	sor.u32 s3, s0;
	s1 =	sshll.u32 s1, $0x11  }
0xc8: {  	s0 =	sor.u32 s1, s0  }
0xc9: {  	s0 =	sadd.s32 $0x8F2B, s0  }
0xca: {  	[sflag:s0] =	ssyncadd.remote.s32 $0x1  }
0xcb: {  	_ =	sfence.sel $0xFFFF  }
0xcc: {  	[dreg:$0x0] =	wrdreg $0xFFFFFFFF;
	(pc) =	sbr.abs _section_cstart, $3  }
0xcd: {  	[dreg:$0x1] =	wrdreg $0xFFFFFFFF  }
0xce: {  	_ =	task.clear_ibuf [dreg:s14], $0x2FFFF;
	_ =	strace $0x9FFFFFFF  }
0xcf: {  	(tm) =	ssettm $0x7FFFFFFF  }
tec
execute0_lowered:
.L_overlay_start_1:
0x0: {  	(tag) =	ssettag $0x1  }
0x1: {  	s0 =	srdreg.scid  }
0x2: {  	s6 =	stileid.u32;
	s0 =	sand.u32 $0x1, s0  }
0x3: {  	s1 =	sshll.u32 s6, $0x9;
	s2 =	sshll.u32 s0, $0x8  }
0x4: {  	s1 =	sor.u32 s2, s1  }
0x5: {  	v0 =	vlaneseq.u32;
	s7 =	sand.u32 $0x700, s1  }
0x6: {  	v1 =	vmul.u32 $0x8, v0;
	v2 =	vmov s7  }
0x7: {  	v2 =	vshll.u32 v2, $0x3  }
0x8: {  	v3 =	vor.u32 v1, v2  }
0x9: {  	v2 =	vand.u32 $0x7, v0;
	v5 =	vand.u32 $0x3840, v3  }
0xa: {  	v4 =	vor.u32 v2, v5  }
0xb: {  	[tilespmem:$0x1FEA0] =	vst v4;
	v4 =	vor.u32 $0x8, v2  }
0xc: {  	v6 =	vor.u32 v4, v5  }
0xd: {  	[tilespmem:$0x1FEB0] =	vst v6;
	v6 =	vor.u32 $0x10, v2  }
0xe: {  	v7 =	vor.u32 $0x18, v2;
	v8 =	vor.u32 v6, v5  }
0xf: {  	v10 =	vor.u32 $0x20, v2;
	[tilespmem:$0x1FEC0] =	vst v8;
	v8 =	vor.u32 v7, v5  }
0x10: {  	s4 =	sor.u32 $0x10, s7;
	v12 =	vor.u32 $0x28, v2;
	[tilespmem:$0x1FED0] =	vst v8;
	v8 =	vor.u32 v10, v5  }
0x11: {  	v14 =	vor.u32 $0x30, v2;
	v9 =	vor.u32 v12, v5;
	[tilespmem:$0x1FEE0] =	vst v8;
	v8 =	vmov s4  }
0x12: {  	s25 =	rddreg [dreg:$0x0];
	s5 =	simm.s32 $0x0;
	v16 =	vor.u32 $0x38, v0;
	[tilespmem:$0x1FEF0] =	vst v9;
	v5 =	vor.u32 v14, v5;
	v8 =	vshll.u32 v8, $0x3  }
0x13: {  	[smem:$0x7FF] =	sst s5;
	v3 =	vor.u32 v16, v3;
	[tilespmem:$0x1FF00] =	vst v5;
	v5 =	vor.u32 v1, v8  }
0x14: {  	s3 =	rddreg [dreg:$0x1];
	_ =	strace $0x80000047;
	[tilespmem:$0x1FF10] =	vst v3;
	v3 =	vand.u32 $0x38C0, v5  }
0x15: {  	v8 =	vor.u32 v2, v3  }
0x16: {  	v5 =	vshrl.u32 v0, $0x3;
	[tilespmem:$0x1FF20] =	vst v8;
	v8 =	vor.u32 v4, v3  }
0x17: {  	s29 =	sshrl.u32 s7, $0x4;
	v9 =	vor.u32 v6, v3;
	[tilespmem:$0x1FF30] =	vst v8;
	v8 =	vor.u32 $0x2, v5  }
0x18: {  	[tilespmem:$0x1FF40] =	vst v9;
	v8 =	vor.u32 s29, v8  }
0x19: {  	v9 =	vor.u32 s29, v5;
	[tilespmem:$0x1FF60] =	vst v8;
	v8 =	vor.u32 $0x4, v5  }
0x1a: {  	[tilespmem:$0x1FF50] =	vst v9;
	v9 =	vor.u32 $0x6, v5;
	v8 =	vor.u32 s29, v8  }
0x1b: {  	v11 =	vor.u32 $0x8, v5;
	[tilespmem:$0x1FF70] =	vst v8;
	v8 =	vor.u32 s29, v9  }
0x1c: {  	[tilespmem:$0x1FF80] =	vst v8;
	v8 =	vor.u32 s29, v11  }
0x1d: {  	[tilespmem:$0x1FF90] =	vst v8;
	v8 =	vor.u32 $0xA, v5  }
0x1e: {  	s1 =	sshrl.u32 s1, $0x3;
	v9 =	vor.u32 $0xC, v5;
	v5 =	vor.u32 $0xE, v5;
	v8 =	vor.u32 s29, v8  }
0x1f: {  	s30 =	sshll.u32 s6, $0xC;
	s26 =	ssub.s32 $0x2, s0;
	s2 =	sadd.s32 s25, s1;
	v5 =	vor.u32 s29, v5;
	[tilespmem:$0x1FFA0] =	vst v8  }
.Ltmp0:
0x20: {  	s0 =	sshll.u32 s0, $0xB;
	[smem:$0x7F9] =	sst s2;
	v8 =	vor.u32 s29, v9;
	[tilespmem:$0x1FFC0] =	vst v5;
	(pc) =	sbr.rel .LBB2_1-.Ltmp0, $4  }
0x21: {  	s28 =	sshrl.u32 s26, $0x1;
	s1 =	sadd.s32 s3, s1;
	[smem:$0x7FA] =	sst s7;
	v5 =	vor.u32 v7, v3;
	[tilespmem:$0x1FFB0] =	vst v8  }
0x22: {  	s6 =	sor.u32 s0, s30;
	s4 =	ssub.s32 s26, s28;
	[smem:$0x7FB] =	sst s1;
	[tilespmem:$0x1FFD0] =	vst v5;
	v5 =	vor.u32 v10, v3  }
0x23: {  	s31 =	smax.u32 s4, $0x1;
	[smem:$0x7FD] =	sst s6;
	[tilespmem:$0x1FFE0] =	vst v5;
	v5 =	vor.u32 v12, v3  }
0x24: {  	v34 =	vimm.f32 $0.0e+00;
	s7 =	simm.s32 $0x80;
	s2 =	simm.s32 $0x0;
	[smem:$0x7FC] =	sst s31;
	v32 =	vor.u32 v14, v3;
	v33 =	vor.u32 v16, v3;
	[tilespmem:$0x1FFF0] =	vst v5  }
.LBB2_24:
0x25: {  	s0 =	simm.s32 $0x3  }
0x26: {  	_ =	swait.ge [sflag:s0], $0x4000  }
0x27: {  	[sflag:s0] =	ssyncset.done $0x0  }
0x28: {  	s1 =	simm.s32 $0x4;
	[sflag:s0] =	ssyncadd.s32 $0xFFFFC000  }
0x29: {  	_ =	swait.ge [sflag:s1], $0x4000  }
0x2a: {  	s2 =	sld [smem:$0x7F8]  }
0x2b: {  	s31 =	sld [smem:$0x7FC];
	_ =	sdelay $0x1  }
0x2c: {  	s2 =	sadd.s32 $0x1, s2  }
0x2d: {  	p0 =	sne.s32 s2, s31  }
.Ltmp1:
0x2e: {  	_ = 	snop;
	(pc) =	sbr.rel @!p0 .LBB2_25-.Ltmp1, $3  }
0x2f: {  	_ =	sdelay $0x1  }
0x30: {  	[sflag:s1] =	ssyncset.done $0x0  }
0x31: {  	s6 =	sld [smem:$0x7FD];
	[sflag:s1] =	ssyncadd.s32 $0xFFFFC000  }
.LBB2_1:
0x32: {  	s0 =	sld [smem:$0x7F9];
	_ =	sdelay $0x1  }
0x33: {  	s1 =	simm.s32 $0x0;
	s22 =	sld [smem:$0x7FB]  }
0x34: {  	[tilespmem:s1], [sflag:$0x1] =	stream.linear.gather [hbm4b:s0+s1], $0x100, $0x38;
	[tilespmem:$0x11E80] =	vst v63  }
0x35: {  	[smem:$0x7F8] =	sst s2;
	s23 =	simm.s32 $0x100  }
0x36: {  	[tilespmem:s23], [sflag:$0x1] =	stream.linear.gather [hbm4b:s22+s1], $0x100, $0x38;
	[tilespmem:$0x11E80] =	vst v63  }
0x37: {  	s24 =	rddreg [dreg:$0x5];
	s25 =	simm.s32 $0x11480  }
0x38: {  	[tilespmem:s25], [sflag:$0x1] =	stream.linear.gather [hbm4b:s24+s1], $0x400, $0x38;
	[tilespmem:$0x11E80] =	vst v63  }
0x39: {  	s26 =	rddreg [dreg:$0x6];
	s28 =	simm.s32 $0x11880  }
0x3a: {  	[tilespmem:s28], [sflag:$0x1] =	stream.linear.gather [hbm4b:s26+s1], $0x400, $0x38;
	[tilespmem:$0x11E80] =	vst v63  }
0x3b: {  	s29 =	rddreg [dreg:$0x4];
	s30 =	simm.s32 $0x10C80;
	s31 =	simm.s32 $0x1  }
0x3c: {  	[tilespmem:s30], [sflag:$0x1] =	stream.linear.gather [hbm4b:s29+s1], $0x800, $0x38;
	[tilespmem:$0x11E80] =	vst v63  }
0x3d: {  	_ =	swait.ge [sflag:s31], $0x100  }
0x3e: {  	[sflag:s31] =	ssyncset.done $0x0  }
0x3f: {  	[sflag:s31] =	ssyncadd.s32 $0xFFFFFF00  }
0x40: {  	_ =	swait.ge [sflag:s31], $0x100  }
0x41: {  	[sflag:s31] =	ssyncset.done $0x0  }
0x42: {  	[sflag:s31] =	ssyncadd.s32 $0xFFFFFF00  }
0x43: {  	_ =	swait.ge [sflag:s31], $0x400  }
0x44: {  	[sflag:s31] =	ssyncset.done $0x0  }
0x45: {  	[sflag:s31] =	ssyncadd.s32 $0xFFFFFC00  }
0x46: {  	_ =	swait.ge [sflag:s31], $0x400  }
0x47: {  	[sflag:s31] =	ssyncset.done $0x0  }
0x48: {  	[sflag:s31] =	ssyncadd.s32 $0xFFFFFC00  }
0x49: {  	_ =	swait.ge [sflag:s31], $0x800  }
0x4a: {  	[sflag:s31] =	ssyncset.done $0x0  }
0x4b: {  	s0 =	simm.s32 $0x0;
	s1 =	simm.s32 $0x200;
	[sflag:s31] =	ssyncadd.s32 $0xFFFFF800  }
.LBB2_2:
0x4c: {  	p0 =	sne.s32 s1, $0xFE00;
	[tilespmem:s0+$0x4CF0] =	vst v34  }
0x4d: {  	[tilespmem:s0+$0xC80] =	vst v34  }
0x4e: {  	[tilespmem:s0+$0x4C80] =	vst v34  }
0x4f: {  	[tilespmem:s0+$0xC90] =	vst v34  }
0x50: {  	[tilespmem:s0+$0x4C90] =	vst v34  }
0x51: {  	[tilespmem:s0+$0xCA0] =	vst v34  }
0x52: {  	[tilespmem:s0+$0x4CA0] =	vst v34  }
0x53: {  	[tilespmem:s0+$0xCB0] =	vst v34  }
0x54: {  	[tilespmem:s0+$0x4CB0] =	vst v34  }
0x55: {  	[tilespmem:s0+$0xCC0] =	vst v34  }
0x56: {  	[tilespmem:s0+$0x4CC0] =	vst v34  }
.Ltmp2:
0x57: {  	[tilespmem:s0+$0xCD0] =	vst v34;
	(pc) =	sbr.rel @p0 .LBB2_2-.Ltmp2, $4  }
0x58: {  	[tilespmem:s0+$0x4CD0] =	vst v34  }
0x59: {  	[tilespmem:s0+$0xCE0] =	vst v34  }
0x5a: {  	[tilespmem:s0+$0x4CE0] =	vst v34  }
0x5b: {  	[tilespmem:s0+$0xCF0] =	vst v34;
	s0 =	sshra.s32 s1, $0x2;
	s1 =	sadd.s32 $0x200, s1  }
0x5c: {  	[tilespmem:s0+$0x4CF0] =	vst v34  }
0x5d: {  	[tilespmem:s0+$0xC80] =	vst v34  }
0x5e: {  	[tilespmem:s0+$0x4C80] =	vst v34  }
0x5f: {  	[tilespmem:s0+$0xC90] =	vst v34  }
0x60: {  	[tilespmem:s0+$0x4C90] =	vst v34  }
0x61: {  	[tilespmem:s0+$0xCA0] =	vst v34  }
0x62: {  	[tilespmem:s0+$0x4CA0] =	vst v34  }
0x63: {  	[tilespmem:s0+$0xCB0] =	vst v34  }
0x64: {  	[tilespmem:s0+$0x4CB0] =	vst v34  }
0x65: {  	[tilespmem:s0+$0xCC0] =	vst v34  }
0x66: {  	[tilespmem:s0+$0x4CC0] =	vst v34  }
0x67: {  	[tilespmem:s0+$0xCD0] =	vst v34  }
0x68: {  	[tilespmem:s0+$0x4CD0] =	vst v34  }
0x69: {  	[tilespmem:s0+$0xCE0] =	vst v34;
	s1 =	sadd.s32 $0x0, s6  }
0x6a: {  	[tilespmem:s0+$0x4CE0] =	vst v34;
	s2 =	sadd.s32 $0x70, s1  }
0x6b: {  	[tilespmem:s0+$0xCF0] =	vst v34;
	s0 =	simm.s32 $0x440;
	s3 =	sadd.s32 $0x10, s1;
	v3 =	vor.u32 s2, v0  }
0x6c: {  	s30 =	sadd.s32 $0x50, s1;
	v5 =	vor.u32 s3, v0;
	[tilespmem:s0+$0x30] =	vst v3  }
0x6d: {  	s26 =	sadd.s32 $0x20, s1;
	v8 =	vor.u32 s30, v0;
	[tilespmem:s0+$0xFFFFFFD0] =	vst v5  }
0x6e: {  	s28 =	sadd.s32 $0x30, s1;
	v3 =	vor.u32 s26, v0;
	[tilespmem:s0+$0x10] =	vst v8  }
0x6f: {  	s29 =	sadd.s32 $0x40, s1;
	v5 =	vor.u32 s28, v0;
	[tilespmem:s0+$0xFFFFFFE0] =	vst v3  }
0x70: {  	s31 =	sadd.s32 $0x60, s1;
	v3 =	vor.u32 s29, v0;
	[tilespmem:s0+$0xFFFFFFF0] =	vst v5  }
0x71: {  	s2 =	simm.s32 $0x100;
	v5 =	vor.u32 s31, v0;
	[tilespmem:s0+$0x0] =	vst v3;
	v3 =	vor.u32 s1, v0;
	s1 =	sadd.s32 $0x80, s6  }
.LBB2_4:
0x72: {  	p0 =	sne.s32 s2, $0x780;
	v8 =	vor.u32 s1, v0;
	s3 =	sadd.s32 $0x10, s1;
	s4 =	sadd.s32 $0x70, s1;
	[tilespmem:s0+$0x20] =	vst v5  }
0x73: {  	s5 =	sadd.s32 $0x30, s1;
	v5 =	vor.u32 s3, v0;
	s3 =	sadd.s32 $0x20, s1;
	v9 =	vor.u32 s4, v0;
	[tilespmem:s0+$0xFFFFFFC0] =	vst v3;
	s0 =	sadd.s32 $0x80, s0;
	v3 =	vmov v8  }
0x74: {  	v11 =	vor.u32 s5, v0;
	s4 =	sadd.s32 $0x50, s1;
	v8 =	vor.u32 s3, v0;
	s3 =	sadd.s32 $0x40, s1;
	s1 =	sadd.s32 $0x60, s1;
	[tilespmem:s0+$0x30] =	vst v9  }
.Ltmp3:
0x75: {  	v13 =	vor.u32 s4, v0;
	[tilespmem:s0+$0xFFFFFFD0] =	vst v5;
	v9 =	vor.u32 s3, v0;
	v5 =	vor.u32 s1, v0;
	(pc) =	sbr.rel @p0 .LBB2_4-.Ltmp3, $4  }
0x76: {  	[tilespmem:s0+$0xFFFFFFE0] =	vst v8  }
0x77: {  	[tilespmem:s0+$0xFFFFFFF0] =	vst v11  }
0x78: {  	[tilespmem:s0+$0x0] =	vst v9  }
0x79: {  	s1 =	sadd.s32 s2, s6;
	s2 =	sadd.s32 $0x80, s2;
	[tilespmem:s0+$0x10] =	vst v13  }
0x7a: {  	s2 =	sadd.s32 $0x70, s1;
	[tilespmem:s0+$0x20] =	vst v5  }
0x7b: {  	[tilespmem:s0+$0xFFFFFFC0] =	vst v3;
	s17 =	sadd.s32 $0x80, s0;
	s18 =	sadd.s32 $0x20, s1;
	v5 =	vor.u32 s2, v0  }
0x7c: {  	s20 =	sadd.s32 $0x40, s1;
	[tilespmem:s17+$0x30] =	vst v5;
	v5 =	vor.u32 s18, v0  }
0x7d: {  	s22 =	sadd.s32 $0x60, s1;
	[tilespmem:s17+$0xFFFFFFE0] =	vst v5;
	v5 =	vor.u32 s20, v0  }
0x7e: {  	s3 =	sadd.s32 $0x10, s1;
	[tilespmem:s17+$0x0] =	vst v5;
	v5 =	vor.u32 s22, v0  }
0x7f: {  	s19 =	sadd.s32 $0x30, s1;
	v3 =	vor.u32 s3, v0;
	[tilespmem:s17+$0x20] =	vst v5;
	v5 =	vld [tilespmem:$0x1FF60]  }
0x80: {  	s21 =	sadd.s32 $0x50, s1;
	[tilespmem:s17+$0xFFFFFFD0] =	vst v3;
	v3 =	vor.u32 s19, v0  }
0x81: {  	[tilespmem:s17+$0xFFFFFFF0] =	vst v3;
	v3 =	vor.u32 s21, v0  }
0x82: {  	[tilespmem:s17+$0x10] =	vst v3;
	v3 =	vor.u32 s1, v0  }
0x83: {  	[tilespmem:s17+$0xFFFFFFC0] =	vst v3  }
0x84: {  	[tilespmem:$0xC10] =	vst v5;
	v5 =	vld [tilespmem:$0x1FF70];
	_ =	sdelay $0x4  }
0x85: {  	[tilespmem:$0xC20] =	vst v5;
	v5 =	vld [tilespmem:$0x1FF80];
	_ =	sdelay $0x3  }
0x86: {  	v3 =	vld [tilespmem:$0x1FF50]  }
0x87: {  	[tilespmem:$0xC30] =	vst v5;
	v5 =	vld [tilespmem:$0x1FF90];
	_ =	sdelay $0x3  }
0x88: {  	[tilespmem:$0xC00] =	vst v3;
	v3 =	vld [tilespmem:$0x0]  }
0x89: {  	[tilespmem:$0xC40] =	vst v5;
	v5 =	vld [tilespmem:$0x1FFA0];
	_ =	sdelay $0x4  }
0x8a: {  	[tilespmem:$0xC50] =	vst v5;
	v5 =	vshll.u32 v3, $0x3  }
0x8b: {  	v3 =	vand.u32 $0x7, v3;
	v5 =	vand.u32 $0xFFFFFFC0, v5  }
0x8c: {  	v3 =	vor.u32 v3, v5;
	v5 =	vld [tilespmem:$0x1FEA0];
	_ =	sdelay $0x4  }
0x8d: {  	[tilespmem:$0x280] =	vst v5;
	v5 =	vor.u32 $0x8, v3  }
0x8e: {  	[tilespmem:$0x210] =	vst v5;
	v5 =	vld [tilespmem:$0x1FEB0];
	_ =	sdelay $0x4  }
0x8f: {  	[tilespmem:$0x290] =	vst v5;
	v5 =	vor.u32 $0x10, v3  }
0x90: {  	[tilespmem:$0x220] =	vst v5;
	v5 =	vld [tilespmem:$0x1FEC0];
	_ =	sdelay $0x4  }
0x91: {  	[tilespmem:$0x2A0] =	vst v5;
	v5 =	vor.u32 $0x18, v3  }
0x92: {  	[tilespmem:$0x230] =	vst v5;
	v5 =	vld [tilespmem:$0x1FED0];
	_ =	sdelay $0x4  }
0x93: {  	[tilespmem:$0x2B0] =	vst v5;
	v5 =	vor.u32 $0x20, v3  }
0x94: {  	[tilespmem:$0x240] =	vst v5;
	v5 =	vld [tilespmem:$0x1FEE0];
	_ =	sdelay $0x3  }
0x95: {  	v8 =	vld [tilespmem:$0x1FFB0]  }
0x96: {  	[tilespmem:$0x2C0] =	vst v5;
	v5 =	vor.u32 $0x28, v3  }
0x97: {  	[tilespmem:$0x250] =	vst v5;
	v5 =	vld [tilespmem:$0x1FEF0];
	_ =	sdelay $0x2  }
0x98: {  	[tilespmem:$0xC60] =	vst v8  }
0x99: {  	[tilespmem:$0x200] =	vst v3  }
0x9a: {  	v8 =	vld [tilespmem:$0x1FFC0];
	[tilespmem:$0x2D0] =	vst v5;
	v5 =	vor.u32 $0x30, v3  }
0x9b: {  	v3 =	vor.u32 $0x38, v3;
	[tilespmem:$0x260] =	vst v5;
	v5 =	vld [tilespmem:$0x1FF00]  }
0x9c: {  	[tilespmem:$0x270] =	vst v3;
	v3 =	vld [tilespmem:$0x1FF10];
	_ =	sdelay $0x2  }
0x9d: {  	[tilespmem:$0xC70] =	vst v8  }
0x9e: {  	[tilespmem:$0x2E0] =	vst v5  }
0x9f: {  	s23 =	rddreg [dreg:$0x2];
	s24 =	simm.s32 $0x200;
	s25 =	simm.s32 $0xC80;
	[tilespmem:$0x2F0] =	vst v3  }
0xa0: {  	[tilespmem:s25], [sflag:$0x1] =	stream.indirect.gather.add.f32 [hbm:s23], $0x80, s24, s7, $0xb8;
	[tilespmem:$0x11E80] =	vst v63  }
0xa1: {  	s26 =	rddreg [dreg:$0x3];
	s28 =	simm.s32 $0x280  }
0xa2: {  	[tilespmem:s25], [sflag:$0x1] =	stream.indirect.gather.add.f32 [hbm:s26], $0x80, s28, s7, $0xb8;
	[tilespmem:$0x11E80] =	vst v63  }
0xa3: {  	v3 =	vld [tilespmem:$0x10];
	_ =	sdelay $0x4  }
0xa4: {  	v5 =	vshll.u32 v3, $0x3  }
0xa5: {  	v3 =	vand.u32 $0x7, v3;
	v5 =	vand.u32 $0xFFFFFFC0, v5  }
0xa6: {  	v3 =	vor.u32 v3, v5;
	v5 =	vld [tilespmem:$0x1FF20];
	_ =	sdelay $0x4  }
0xa7: {  	[tilespmem:$0x380] =	vst v5;
	v5 =	vor.u32 $0x8, v3  }
0xa8: {  	[tilespmem:$0x310] =	vst v5;
	v5 =	vld [tilespmem:$0x1FF30];
	_ =	sdelay $0x4  }
0xa9: {  	[tilespmem:$0x390] =	vst v5;
	v5 =	vor.u32 $0x10, v3  }
0xaa: {  	[tilespmem:$0x320] =	vst v5;
	v5 =	vld [tilespmem:$0x1FF40];
	_ =	sdelay $0x4  }
0xab: {  	[tilespmem:$0x3A0] =	vst v5;
	v5 =	vor.u32 $0x18, v3  }
0xac: {  	[tilespmem:$0x330] =	vst v5;
	v5 =	vld [tilespmem:$0x1FFD0];
	_ =	sdelay $0x4  }
0xad: {  	[tilespmem:$0x3B0] =	vst v5;
	v5 =	vor.u32 $0x20, v3  }
0xae: {  	[tilespmem:$0x340] =	vst v5;
	v5 =	vld [tilespmem:$0x1FFE0];
	_ =	sdelay $0x4  }
0xaf: {  	[tilespmem:$0x3C0] =	vst v5;
	v5 =	vor.u32 $0x28, v3  }
0xb0: {  	[tilespmem:$0x350] =	vst v5;
	v5 =	vld [tilespmem:$0x1FFF0];
	_ =	sdelay $0x1  }
0xb1: {  	[tilespmem:$0x3E0] =	vst v32  }
0xb2: {  	[tilespmem:$0x3F0] =	vst v33  }
0xb3: {  	[tilespmem:$0x300] =	vst v3  }
0xb4: {  	[tilespmem:$0x3D0] =	vst v5;
	v5 =	vor.u32 $0x30, v3  }
0xb5: {  	v3 =	vor.u32 $0x38, v3;
	[tilespmem:$0x360] =	vst v5  }
0xb6: {  	s29 =	simm.s32 $0x300;
	s30 =	simm.s32 $0x4C80;
	[tilespmem:$0x370] =	vst v3  }
0xb7: {  	[tilespmem:s30], [sflag:$0x2] =	stream.indirect.gather.add.f32 [hbm:s23], $0x80, s29, s7, $0xb8;
	[tilespmem:$0x11E80] =	vst v63  }
0xb8: {  	s31 =	simm.s32 $0x380;
	s4 =	simm.s32 $0x0  }
0xb9: {  	[tilespmem:s30], [sflag:$0x2] =	stream.indirect.gather.add.f32 [hbm:s26], $0x80, s31, s7, $0xb8;
	[tilespmem:$0x11E80] =	vst v63  }
.LBB2_6:
0xba: {  	s1 =	sshll.u32 s4, $0x5  }
0xbb: {  	s0 =	sand.u32 $0x80, s1  }
0xbc: {  	[smem:$0x7F4] =	sst s1;
	s1 =	sand.u32 $0x60, s1;
	s0 =	sor.u32 $0x100, s0  }
0xbd: {  	[smem:$0x7F5] =	sst s0;
	s0 =	sor.u32 s1, s0  }
0xbe: {  	v3 =	vld [tilespmem:s0+$0x0];
	_ =	sdelay $0x4  }
0xbf: {  	v3 =	vshll.u32 v3, $0x3  }
0xc0: {  	(v2sf) =	vpush v3, $0x0  }
0xc1: {  	(v2sf) =	vpush v3, $0x1  }
0xc2: {  	(v2sf) =	vpush v3, $0x2  }
0xc3: {  	(v2sf) =	vpush v3, $0x3  }
0xc4: {  	(v2sf) =	vpush v3, $0x4  }
0xc5: {  	(v2sf) =	vpush v3, $0x5  }
0xc6: {  	(v2sf) =	vpush v3, $0x6  }
0xc7: {  	(v2sf) =	vpush v3, $0x7  }
0xc8: {  	(v2sf) =	vpush v3, $0x8  }
0xc9: {  	(v2sf) =	vpush v3, $0x9  }
0xca: {  	(v2sf) =	vpush v3, $0xA  }
0xcb: {  	(v2sf) =	vpush v3, $0xB  }
0xcc: {  	(v2sf) =	vpush v3, $0xC  }
0xcd: {  	(v2sf) =	vpush v3, $0xD  }
0xce: {  	(v2sf) =	vpush v3, $0xE  }
0xcf: {  	s22 =	spop (v2sf);
	(v2sf) =	vpush v3, $0xF  }
0xd0: {  	s23 =	spop (v2sf);
	[dreg:$0x9] =	wrdreg s22  }
0xd1: {  	s24 =	spop (v2sf);
	[dreg:$0xa] =	wrdreg s23  }
0xd2: {  	s25 =	spop (v2sf);
	[dreg:$0xb] =	wrdreg s24  }
0xd3: {  	s26 =	spop (v2sf);
	[dreg:$0xc] =	wrdreg s25  }
0xd4: {  	s28 =	spop (v2sf);
	[dreg:$0xd] =	wrdreg s26  }
0xd5: {  	s29 =	spop (v2sf);
	[dreg:$0xe] =	wrdreg s28  }
0xd6: {  	s30 =	spop (v2sf);
	[dreg:$0xf] =	wrdreg s29  }
0xd7: {  	s31 =	spop (v2sf);
	[dreg:$0x10] =	wrdreg s30  }
0xd8: {  	s2 =	spop (v2sf);
	[dreg:$0x11] =	wrdreg s31  }
0xd9: {  	s3 =	spop (v2sf);
	[dreg:$0x12] =	wrdreg s2  }
0xda: {  	s5 =	spop (v2sf);
	[dreg:$0x13] =	wrdreg s3  }
0xdb: {  	s6 =	spop (v2sf);
	[dreg:$0x14] =	wrdreg s5  }
0xdc: {  	s7 =	spop (v2sf);
	[dreg:$0x15] =	wrdreg s6  }
0xdd: {  	s8 =	spop (v2sf);
	[dreg:$0x16] =	wrdreg s7  }
0xde: {  	[dreg:$0x17] =	wrdreg s8;
	s9 =	spop (v2sf)  }
0xdf: {  	s10 =	simm.s32 $0x1;
	[dreg:$0x18] =	wrdreg s9  }
0xe0: {  	_ =	swait.ge [sflag:s10], $0x4000  }
0xe1: {  	[sflag:s10] =	ssyncset.done $0x0  }
0xe2: {  	[sflag:s10] =	ssyncadd.s32 $0xFFFFC000  }
0xe3: {  	_ =	swait.ge [sflag:s10], $0x4000  }
0xe4: {  	p0 =	seq.s32 s4, $0x0;
	[sflag:s10] =	ssyncset.done $0x0  }
0xe5: {  	s0 =	simm.s32 @!p0 $0x3;
	[sflag:s10] =	ssyncadd.s32 $0xFFFFC000  }
0xe6: {  	_ =	swait.ge @!p0 [sflag:s0], $0x4000  }
0xe7: {  	s12 =	simm.s32 $0x0;
	s11 =	rddreg [dreg:$0x9]  }
0xe8: {  	s1 =	sand.u32 $0x70, s12;
	s2 =	simm.s32 $0x0;
	s3 =	sadd.s32 $0x0, s11  }
0xe9: {  	s2 =	sand.u32 $0x3FFFF800, s2;
	[sflag:s0] =	ssyncset.done @!p0 $0x0;
	s3 =	sshll.u32 s3, $0x9  }
0xea: {  	[sflag:s0] =	ssyncadd.s32 @!p0 $0xFFFFC000;
	s0 =	sor.u32 s1, s2;
	s13 =	sshra.s32 s3, $0x2  }
0xeb: {  	v3 =	vld [tilespmem:s0+$0xC80];
	s2 =	sor.u32 s1, s13  }
0xec: {  	v5 =	vld [tilespmem:s2+$0x10C80];
	_ =	sdelay $0x2  }
0xed: {  	s14 =	rddreg [dreg:$0xa]  }
0xee: {  	s2 =	sadd.s32 $0x0, s14  }
0xef: {  	s2 =	sshll.u32 s2, $0x9;
	v3 =	vadd.f32 v5, v3  }
0xf0: {  	s2 =	sshra.s32 s2, $0x2  }
0xf1: {  	s2 =	sor.u32 s1, s2;
	v5 =	vld [tilespmem:s0+$0xD00];
	[tilespmem:s0+$0xC80] =	vst v3  }
0xf2: {  	v8 =	vld [tilespmem:s2+$0x10C80];
	_ =	sdelay $0x2  }
0xf3: {  	s15 =	rddreg [dreg:$0xb]  }
0xf4: {  	s2 =	sadd.s32 $0x0, s15  }
0xf5: {  	s2 =	sshll.u32 s2, $0x9;
	v5 =	vadd.f32 v8, v5  }
0xf6: {  	s2 =	sshra.s32 s2, $0x2  }
0xf7: {  	s2 =	sor.u32 s1, s2;
	v8 =	vld [tilespmem:s0+$0xD80];
	[tilespmem:s0+$0xD00] =	vst v5  }
0xf8: {  	v9 =	vld [tilespmem:s2+$0x10C80];
	_ =	sdelay $0x2  }
0xf9: {  	s16 =	rddreg [dreg:$0xc]  }
0xfa: {  	s2 =	sadd.s32 $0x0, s16  }
0xfb: {  	s2 =	sshll.u32 s2, $0x9;
	v9 =	vadd.f32 v9, v8  }
0xfc: {  	s2 =	sshra.s32 s2, $0x2  }
0xfd: {  	s2 =	sor.u32 s1, s2;
	v8 =	vld [tilespmem:s0+$0xE00];
	[tilespmem:s0+$0xD80] =	vst v9  }
0xfe: {  	v11 =	vld [tilespmem:s2+$0x10C80];
	_ =	sdelay $0x2  }
0xff: {  	s17 =	rddreg [dreg:$0xd]  }
0x100: {  	s2 =	sadd.s32 $0x0, s17  }
0x101: {  	s2 =	sshll.u32 s2, $0x9;
	v11 =	vadd.f32 v11, v8  }
0x102: {  	s2 =	sshra.s32 s2, $0x2  }
0x103: {  	s2 =	sor.u32 s1, s2;
	v8 =	vld [tilespmem:s0+$0xE80];
	[tilespmem:s0+$0xE00] =	vst v11  }
0x104: {  	v13 =	vld [tilespmem:s2+$0x10C80];
	_ =	sdelay $0x2  }
0x105: {  	s18 =	rddreg [dreg:$0xe]  }
0x106: {  	s2 =	sadd.s32 $0x0, s18  }
0x107: {  	s2 =	sshll.u32 s2, $0x9;
	v13 =	vadd.f32 v13, v8  }
0x108: {  	s2 =	sshra.s32 s2, $0x2  }
0x109: {  	s2 =	sor.u32 s1, s2;
	v8 =	vld [tilespmem:s0+$0xF00];
	[tilespmem:s0+$0xE80] =	vst v13  }
0x10a: {  	v15 =	vld [tilespmem:s2+$0x10C80];
	_ =	sdelay $0x2  }
0x10b: {  	s19 =	rddreg [dreg:$0xf]  }
0x10c: {  	s2 =	sadd.s32 $0x0, s19  }
0x10d: {  	s2 =	sshll.u32 s2, $0x9;
	v15 =	vadd.f32 v15, v8  }
0x10e: {  	s2 =	sshra.s32 s2, $0x2  }
0x10f: {  	s2 =	sor.u32 s1, s2;
	v8 =	vld [tilespmem:s0+$0xF80];
	[tilespmem:s0+$0xF00] =	vst v15  }
0x110: {  	v35 =	vld [tilespmem:s2+$0x10C80];
	_ =	sdelay $0x2  }
0x111: {  	s20 =	rddreg [dreg:$0x10]  }
0x112: {  	s2 =	sadd.s32 $0x0, s20  }
0x113: {  	s2 =	sshll.u32 s2, $0x9;
	v36 =	vadd.f32 v35, v8  }
0x114: {  	s2 =	sshra.s32 s2, $0x2  }
0x115: {  	s2 =	sor.u32 s1, s2;
	v8 =	vld [tilespmem:s0+$0x1000];
	[tilespmem:s0+$0xF80] =	vst v36  }
0x116: {  	v25 =	vld [tilespmem:s2+$0x10C80];
	_ =	sdelay $0x2  }
0x117: {  	s21 =	rddreg [dreg:$0x11]  }
0x118: {  	s2 =	sadd.s32 $0x0, s21  }
0x119: {  	s2 =	sshll.u32 s2, $0x9;
	v37 =	vadd.f32 v25, v8  }
0x11a: {  	s2 =	sshra.s32 s2, $0x2  }
0x11b: {  	s2 =	sor.u32 s1, s2;
	v8 =	vld [tilespmem:s0+$0x1080];
	[tilespmem:s0+$0x1000] =	vst v37  }
0x11c: {  	v26 =	vld [tilespmem:s2+$0x10C80];
	_ =	sdelay $0x2  }
0x11d: {  	s22 =	rddreg [dreg:$0x12]  }
0x11e: {  	s2 =	sadd.s32 $0x0, s22  }
0x11f: {  	s2 =	sshll.u32 s2, $0x9;
	v38 =	vadd.f32 v26, v8  }
0x120: {  	s2 =	sshra.s32 s2, $0x2  }
0x121: {  	s2 =	sor.u32 s1, s2;
	v8 =	vld [tilespmem:s0+$0x1100];
	[tilespmem:s0+$0x1080] =	vst v38  }
0x122: {  	v27 =	vld [tilespmem:s2+$0x10C80];
	_ =	sdelay $0x2  }
0x123: {  	s23 =	rddreg [dreg:$0x13]  }
0x124: {  	s2 =	sadd.s32 $0x0, s23  }
0x125: {  	s2 =	sshll.u32 s2, $0x9;
	v39 =	vadd.f32 v27, v8  }
0x126: {  	s2 =	sshra.s32 s2, $0x2  }
0x127: {  	s2 =	sor.u32 s1, s2;
	v8 =	vld [tilespmem:s0+$0x1180];
	[tilespmem:s0+$0x1100] =	vst v39  }
0x128: {  	v28 =	vld [tilespmem:s2+$0x10C80];
	_ =	sdelay $0x2  }
0x129: {  	s24 =	rddreg [dreg:$0x14]  }
0x12a: {  	s2 =	sadd.s32 $0x0, s24  }
0x12b: {  	s2 =	sshll.u32 s2, $0x9;
	v40 =	vadd.f32 v28, v8  }
0x12c: {  	s2 =	sshra.s32 s2, $0x2  }
0x12d: {  	s2 =	sor.u32 s1, s2;
	v8 =	vld [tilespmem:s0+$0x1200];
	[tilespmem:s0+$0x1180] =	vst v40  }
0x12e: {  	v29 =	vld [tilespmem:s2+$0x10C80];
	_ =	sdelay $0x2  }
0x12f: {  	s25 =	rddreg [dreg:$0x15]  }
0x130: {  	s2 =	sadd.s32 $0x0, s25  }
0x131: {  	s2 =	sshll.u32 s2, $0x9;
	v41 =	vadd.f32 v29, v8  }
0x132: {  	s2 =	sshra.s32 s2, $0x2  }
0x133: {  	s2 =	sor.u32 s1, s2;
	v8 =	vld [tilespmem:s0+$0x1280];
	[tilespmem:s0+$0x1200] =	vst v41  }
0x134: {  	v30 =	vld [tilespmem:s2+$0x10C80];
	_ =	sdelay $0x2  }
0x135: {  	s26 =	rddreg [dreg:$0x16]  }
0x136: {  	s2 =	sadd.s32 $0x0, s26  }
0x137: {  	s2 =	sshll.u32 s2, $0x9;
	v42 =	vadd.f32 v30, v8  }
0x138: {  	s2 =	sshra.s32 s2, $0x2  }
0x139: {  	v43 =	vld [tilespmem:s0+$0x1300];
	v46 =	vmul.f32 v9, v9;
	v35 =	vimm.f32 $0.0e+00;
	s2 =	sor.u32 s1, s2;
	[tilespmem:s0+$0x1280] =	vst v42  }
0x13a: {  	v63 =	vadd.f32 v3, v35;
	v61 =	vadd.f32 v9, v35;
	v9 =	vmul.f32 v11, v11;
	v45 =	vld [tilespmem:s2+$0x10C80]  }
0x13b: {  	v62 =	vadd.f32 v46, v35;
	v57 =	vadd.f32 v11, v35;
	v11 =	vmul.f32 v13, v13  }
0x13c: {  	v49 =	vadd.f32 v13, v35;
	v58 =	vadd.f32 v9, v35;
	v9 =	vmul.f32 v15, v15  }
0x13d: {  	s28 =	rddreg [dreg:$0x17];
	v59 =	vadd.f32 v15, v35;
	v52 =	vadd.f32 v11, v35;
	v11 =	vmul.f32 v36, v36  }
0x13e: {  	v54 =	vadd.f32 v36, v35;
	v53 =	vadd.f32 v9, v35;
	v9 =	vmul.f32 v37, v37;
	s2 =	sadd.s32 $0x0, s28  }
0x13f: {  	v50 =	vadd.f32 v11, v35;
	v11 =	vmul.f32 v38, v38;
	s2 =	sshll.u32 s2, $0x9;
	v13 =	vadd.f32 v45, v43  }
0x140: {  	v60 =	vadd.f32 v37, v35;
	v55 =	vadd.f32 v9, v35;
	s2 =	sshra.s32 s2, $0x2  }
0x141: {  	v44 =	vmul.f32 v5, v5;
	v15 =	vld [tilespmem:s0+$0x1380];
	v56 =	vadd.f32 v38, v35;
	v51 =	vadd.f32 v11, v35;
	s2 =	sor.u32 s1, s2;
	[tilespmem:s0+$0x1300] =	vst v13  }
0x142: {  	v9 =	vmul.f32 v39, v39;
	v48 =	vadd.f32 v39, v35;
	v11 =	vmul.f32 v40, v40;
	v31 =	vld [tilespmem:s2+$0x10C80]  }
0x143: {  	v46 =	vadd.f32 v40, v35;
	v8 =	vmul.f32 v3, v3;
	v3 =	vadd.f32 v5, v35  }
0x144: {  	v5 =	vadd.f32 v44, v35;
	v45 =	vadd.f32 v9, v35;
	v9 =	vmul.f32 v41, v41  }
0x145: {  	v47 =	vimm.f32 $0.0e+00;
	s29 =	rddreg [dreg:$0x18];
	v44 =	vadd.f32 v11, v35;
	v8 =	vadd.f32 v8, v35  }
0x146: {  	v38 =	vadd.f32 v42, v35;
	v40 =	vadd.f32 v9, v35;
	v9 =	vmul.f32 v42, v42;
	s2 =	sadd.s32 $0x0, s29  }
0x147: {  	s30 =	sshllo.u32 s4, $0x1;
	[smem:$0x7F6] =	sst s4;
	v41 =	vadd.f32 v41, v35;
	v11 =	vmul.f32 v13, v13;
	s2 =	sshll.u32 s2, $0x9;
	v15 =	vadd.f32 v31, v15  }
0x148: {  	[smem:$0x7F7] =	sst s30;
	s3 =	simm.s32 $0x1;
	v43 =	vimm.f32 $0.0e+00;
	v37 =	vadd.f32 v13, v35;
	v42 =	vadd.f32 v9, v35;
	s31 =	sshra.s32 s2, $0x2  }
0x149: {  	v39 =	vadd.f32 v11, v35;
	v11 =	vld [tilespmem:s0+$0x1400];
	s2 =	simm.s32 $0x2;
	s4 =	sor.u32 s1, s31;
	s1 =	simm.s32 $0x0;
	v36 =	vadd.f32 v15, v35;
	[tilespmem:s0+$0x1380] =	vst v15;
	v9 =	vmul.f32 v15, v15  }
.LBB2_7:
0x14a: {  	v13 =	vld [tilespmem:s4+$0x10C80];
	_ =	sdelay $0x2  }
0x14b: {  	s14 =	rddreg [dreg:$0x9];
	s8 =	sshrl.u32 s3, $0x3  }
0x14c: {  	s15 =	sshll.u32 s3, $0x8;
	s1 =	sadd.s32 $0x10, s1;
	s4 =	sadd.s32 s14, s8  }
0x14d: {  	v35 =	vadd.f32 v9, v35;
	s7 =	sand.u32 $0x70, s1;
	s3 =	sand.u32 $0x3FFFF800, s15;
	s4 =	sshll.u32 s4, $0x9;
	v9 =	vadd.f32 v13, v11  }
0x14e: {  	s5 =	sor.u32 s7, s3;
	s4 =	sshra.s32 s4, $0x2  }
0x14f: {  	s4 =	sor.u32 s7, s4;
	v11 =	vld [tilespmem:s5+$0xC80];
	[tilespmem:s0+$0x1400] =	vst v9  }
0x150: {  	v13 =	vld [tilespmem:s4+$0x10C80];
	_ =	sdelay $0x2  }
0x151: {  	s16 =	rddreg [dreg:$0xa];
	v47 =	vadd.f32 v9, v47;
	v9 =	vmul.f32 v9, v9  }
0x152: {  	s4 =	sadd.s32 s16, s8  }
0x153: {  	v43 =	vadd.f32 v9, v43;
	s4 =	sshll.u32 s4, $0x9;
	v9 =	vadd.f32 v13, v11  }
0x154: {  	s0 =	smov.u32 s5;
	s4 =	sshra.s32 s4, $0x2  }
0x155: {  	s4 =	sor.u32 s7, s4;
	v11 =	vld [tilespmem:s0+$0xD00];
	[tilespmem:s0+$0xC80] =	vst v9  }
0x156: {  	v13 =	vld [tilespmem:s4+$0x10C80];
	_ =	sdelay $0x2  }
0x157: {  	s17 =	rddreg [dreg:$0xb];
	v63 =	vadd.f32 v9, v63;
	v9 =	vmul.f32 v9, v9  }
0x158: {  	s4 =	sadd.s32 s17, s8  }
0x159: {  	v8 =	vadd.f32 v9, v8;
	s4 =	sshll.u32 s4, $0x9;
	v9 =	vadd.f32 v13, v11  }
0x15a: {  	s4 =	sshra.s32 s4, $0x2  }
0x15b: {  	s4 =	sor.u32 s7, s4;
	v11 =	vld [tilespmem:s0+$0xD80];
	[tilespmem:s0+$0xD00] =	vst v9  }
0x15c: {  	v13 =	vld [tilespmem:s4+$0x10C80];
	_ =	sdelay $0x2  }
0x15d: {  	s18 =	rddreg [dreg:$0xc];
	v3 =	vadd.f32 v9, v3;
	v9 =	vmul.f32 v9, v9  }
0x15e: {  	s4 =	sadd.s32 s18, s8  }
0x15f: {  	v5 =	vadd.f32 v9, v5;
	s4 =	sshll.u32 s4, $0x9;
	v9 =	vadd.f32 v13, v11  }
0x160: {  	s4 =	sshra.s32 s4, $0x2  }
0x161: {  	s4 =	sor.u32 s7, s4;
	v11 =	vld [tilespmem:s0+$0xE00];
	[tilespmem:s0+$0xD80] =	vst v9  }
0x162: {  	v13 =	vld [tilespmem:s4+$0x10C80];
	_ =	sdelay $0x2  }
0x163: {  	s19 =	rddreg [dreg:$0xd];
	v61 =	vadd.f32 v9, v61;
	v9 =	vmul.f32 v9, v9  }
0x164: {  	s4 =	sadd.s32 s19, s8  }
0x165: {  	v62 =	vadd.f32 v9, v62;
	s4 =	sshll.u32 s4, $0x9;
	v9 =	vadd.f32 v13, v11  }
0x166: {  	s4 =	sshra.s32 s4, $0x2  }
0x167: {  	s4 =	sor.u32 s7, s4;
	v11 =	vld [tilespmem:s0+$0xE80];
	[tilespmem:s0+$0xE00] =	vst v9  }
0x168: {  	v13 =	vld [tilespmem:s4+$0x10C80];
	_ =	sdelay $0x2  }
0x169: {  	s20 =	rddreg [dreg:$0xe];
	v57 =	vadd.f32 v9, v57;
	v9 =	vmul.f32 v9, v9  }
0x16a: {  	s4 =	sadd.s32 s20, s8  }
0x16b: {  	v58 =	vadd.f32 v9, v58;
	s4 =	sshll.u32 s4, $0x9;
	v9 =	vadd.f32 v13, v11  }
0x16c: {  	s4 =	sshra.s32 s4, $0x2  }
0x16d: {  	s4 =	sor.u32 s7, s4;
	v11 =	vld [tilespmem:s0+$0xF00];
	[tilespmem:s0+$0xE80] =	vst v9  }
0x16e: {  	v13 =	vld [tilespmem:s4+$0x10C80];
	_ =	sdelay $0x2  }
0x16f: {  	s21 =	rddreg [dreg:$0xf];
	v49 =	vadd.f32 v9, v49;
	v9 =	vmul.f32 v9, v9  }
0x170: {  	s4 =	sadd.s32 s21, s8  }
0x171: {  	v52 =	vadd.f32 v9, v52;
	s4 =	sshll.u32 s4, $0x9;
	v9 =	vadd.f32 v13, v11  }
0x172: {  	s4 =	sshra.s32 s4, $0x2  }
0x173: {  	s4 =	sor.u32 s7, s4;
	v11 =	vld [tilespmem:s0+$0xF80];
	[tilespmem:s0+$0xF00] =	vst v9  }
0x174: {  	v13 =	vld [tilespmem:s4+$0x10C80];
	_ =	sdelay $0x2  }
0x175: {  	s22 =	rddreg [dreg:$0x10];
	v59 =	vadd.f32 v9, v59;
	v9 =	vmul.f32 v9, v9  }
0x176: {  	s4 =	sadd.s32 s22, s8  }
0x177: {  	v53 =	vadd.f32 v9, v53;
	s4 =	sshll.u32 s4, $0x9;
	v9 =	vadd.f32 v13, v11  }
0x178: {  	s4 =	sshra.s32 s4, $0x2  }
0x179: {  	s4 =	sor.u32 s7, s4;
	v11 =	vld [tilespmem:s0+$0x1000];
	[tilespmem:s0+$0xF80] =	vst v9  }
0x17a: {  	v13 =	vld [tilespmem:s4+$0x10C80];
	_ =	sdelay $0x2  }
0x17b: {  	s23 =	rddreg [dreg:$0x11];
	v54 =	vadd.f32 v9, v54;
	v9 =	vmul.f32 v9, v9  }
0x17c: {  	s4 =	sadd.s32 s23, s8  }
0x17d: {  	v50 =	vadd.f32 v9, v50;
	s4 =	sshll.u32 s4, $0x9;
	v9 =	vadd.f32 v13, v11  }
0x17e: {  	s4 =	sshra.s32 s4, $0x2  }
0x17f: {  	s4 =	sor.u32 s7, s4;
	v11 =	vld [tilespmem:s0+$0x1080];
	[tilespmem:s0+$0x1000] =	vst v9  }
0x180: {  	v13 =	vld [tilespmem:s4+$0x10C80];
	_ =	sdelay $0x2  }
0x181: {  	s24 =	rddreg [dreg:$0x12];
	v60 =	vadd.f32 v9, v60;
	v9 =	vmul.f32 v9, v9  }
0x182: {  	s4 =	sadd.s32 s24, s8  }
0x183: {  	v55 =	vadd.f32 v9, v55;
	s4 =	sshll.u32 s4, $0x9;
	v9 =	vadd.f32 v13, v11  }
0x184: {  	s4 =	sshra.s32 s4, $0x2  }
0x185: {  	s4 =	sor.u32 s7, s4;
	v11 =	vld [tilespmem:s0+$0x1100];
	[tilespmem:s0+$0x1080] =	vst v9  }
0x186: {  	v13 =	vld [tilespmem:s4+$0x10C80];
	_ =	sdelay $0x2  }
0x187: {  	s25 =	rddreg [dreg:$0x13];
	v56 =	vadd.f32 v9, v56;
	v9 =	vmul.f32 v9, v9  }
0x188: {  	s4 =	sadd.s32 s25, s8  }
0x189: {  	v51 =	vadd.f32 v9, v51;
	s4 =	sshll.u32 s4, $0x9;
	v9 =	vadd.f32 v13, v11  }
0x18a: {  	s4 =	sshra.s32 s4, $0x2  }
0x18b: {  	s4 =	sor.u32 s7, s4;
	v11 =	vld [tilespmem:s0+$0x1180];
	[tilespmem:s0+$0x1100] =	vst v9  }
0x18c: {  	v13 =	vld [tilespmem:s4+$0x10C80];
	_ =	sdelay $0x2  }
0x18d: {  	s26 =	rddreg [dreg:$0x14];
	v48 =	vadd.f32 v9, v48;
	v9 =	vmul.f32 v9, v9  }
0x18e: {  	s4 =	sadd.s32 s26, s8  }
0x18f: {  	v45 =	vadd.f32 v9, v45;
	s4 =	sshll.u32 s4, $0x9;
	v9 =	vadd.f32 v13, v11  }
0x190: {  	s4 =	sshra.s32 s4, $0x2  }
0x191: {  	s4 =	sor.u32 s7, s4;
	v11 =	vld [tilespmem:s0+$0x1200];
	[tilespmem:s0+$0x1180] =	vst v9  }
0x192: {  	v13 =	vld [tilespmem:s4+$0x10C80];
	_ =	sdelay $0x2  }
0x193: {  	s28 =	rddreg [dreg:$0x15];
	v46 =	vadd.f32 v9, v46;
	v9 =	vmul.f32 v9, v9  }
0x194: {  	s4 =	sadd.s32 s28, s8  }
0x195: {  	v44 =	vadd.f32 v9, v44;
	s4 =	sshll.u32 s4, $0x9;
	v9 =	vadd.f32 v13, v11  }
0x196: {  	s4 =	sshra.s32 s4, $0x2  }
0x197: {  	s4 =	sor.u32 s7, s4;
	v11 =	vld [tilespmem:s0+$0x1280];
	[tilespmem:s0+$0x1200] =	vst v9  }
0x198: {  	v13 =	vld [tilespmem:s4+$0x10C80];
	_ =	sdelay $0x2  }
0x199: {  	s29 =	rddreg [dreg:$0x16];
	v41 =	vadd.f32 v9, v41;
	v9 =	vmul.f32 v9, v9  }
0x19a: {  	s4 =	sadd.s32 s29, s8  }
0x19b: {  	v40 =	vadd.f32 v9, v40;
	s4 =	sshll.u32 s4, $0x9;
	v9 =	vadd.f32 v13, v11  }
0x19c: {  	s4 =	sshra.s32 s4, $0x2  }
0x19d: {  	s4 =	sor.u32 s7, s4;
	v11 =	vld [tilespmem:s0+$0x1300];
	[tilespmem:s0+$0x1280] =	vst v9  }
0x19e: {  	v13 =	vld [tilespmem:s4+$0x10C80];
	_ =	sdelay $0x2  }
0x19f: {  	s30 =	rddreg [dreg:$0x17];
	v38 =	vadd.f32 v9, v38;
	v9 =	vmul.f32 v9, v9  }
0x1a0: {  	s4 =	sadd.s32 s30, s8  }
0x1a1: {  	v42 =	vadd.f32 v9, v42;
	s4 =	sshll.u32 s4, $0x9;
	v9 =	vadd.f32 v13, v11  }
0x1a2: {  	s4 =	sshra.s32 s4, $0x2  }
0x1a3: {  	s4 =	sor.u32 s7, s4;
	v11 =	vld [tilespmem:s0+$0x1380];
	[tilespmem:s0+$0x1300] =	vst v9  }
0x1a4: {  	v13 =	vld [tilespmem:s4+$0x10C80];
	_ =	sdelay $0x1  }
0x1a5: {  	p1 =	sne.s32 s2, $0x3F  }
.Ltmp4:
0x1a6: {  	s31 =	rddreg [dreg:$0x18];
	v37 =	vadd.f32 v9, v37;
	v9 =	vmul.f32 v9, v9;
	(pc) =	sbr.rel @p1 .LBB2_7-.Ltmp4, $4  }
0x1a7: {  	s4 =	sadd.s32 s31, s8  }
0x1a8: {  	v39 =	vadd.f32 v9, v39;
	s4 =	sshll.u32 s4, $0x9;
	v9 =	vadd.f32 v13, v11  }
0x1a9: {  	s4 =	sshra.s32 s4, $0x2  }
0x1aa: {  	s3 =	smov.u32 s2;
	s2 =	sadd.s32 $0x1, s2;
	s4 =	sor.u32 s7, s4;
	v11 =	vld [tilespmem:s0+$0x1400];
	[tilespmem:s0+$0x1380] =	vst v9;
	v36 =	vadd.f32 v9, v36;
	v9 =	vmul.f32 v9, v9  }
0x1ab: {  	v13 =	vld [tilespmem:s4+$0x10C80];
	_ =	sdelay $0x2  }
0x1ac: {  	s2 =	rddreg [dreg:$0x9];
	s5 =	sshrl.u32 s3, $0x3  }
0x1ad: {  	s7 =	sshll.u32 s3, $0x8;
	s1 =	sadd.s32 $0x10, s1;
	s8 =	sadd.s32 s2, s5  }
0x1ae: {  	s9 =	sand.u32 $0x70, s1;
	s10 =	sand.u32 $0x3FFFF800, s7;
	s11 =	sshll.u32 s8, $0x9;
	v11 =	vadd.f32 v13, v11  }
0x1af: {  	s1 =	sor.u32 s9, s10;
	s3 =	sshra.s32 s11, $0x2  }
0x1b0: {  	s3 =	sor.u32 s9, s3;
	v13 =	vld [tilespmem:s1+$0xC80];
	[tilespmem:s0+$0x1400] =	vst v11  }
0x1b1: {  	v15 =	vld [tilespmem:s3+$0x10C80];
	_ =	sdelay $0x2  }
0x1b2: {  	s12 =	rddreg [dreg:$0xa]  }
0x1b3: {  	s0 =	sadd.s32 s12, s5  }
0x1b4: {  	s0 =	sshll.u32 s0, $0x9;
	v13 =	vadd.f32 v15, v13  }
0x1b5: {  	s0 =	sshra.s32 s0, $0x2  }
0x1b6: {  	s0 =	sor.u32 s9, s0;
	v15 =	vld [tilespmem:s1+$0xD00];
	[tilespmem:s1+$0xC80] =	vst v13  }
0x1b7: {  	v17 =	vld [tilespmem:s0+$0x10C80];
	_ =	sdelay $0x2  }
0x1b8: {  	s13 =	rddreg [dreg:$0xb]  }
0x1b9: {  	s0 =	sadd.s32 s13, s5  }
0x1ba: {  	s0 =	sshll.u32 s0, $0x9;
	v15 =	vadd.f32 v17, v15  }
0x1bb: {  	s0 =	sshra.s32 s0, $0x2  }
0x1bc: {  	s0 =	sor.u32 s9, s0;
	v17 =	vld [tilespmem:s1+$0xD80];
	[tilespmem:s1+$0xD00] =	vst v15  }
0x1bd: {  	v18 =	vld [tilespmem:s0+$0x10C80];
	_ =	sdelay $0x2  }
0x1be: {  	s14 =	rddreg [dreg:$0xc]  }
0x1bf: {  	s0 =	sadd.s32 s14, s5  }
0x1c0: {  	s0 =	sshll.u32 s0, $0x9;
	v17 =	vadd.f32 v18, v17  }
0x1c1: {  	s0 =	sshra.s32 s0, $0x2  }
0x1c2: {  	s0 =	sor.u32 s9, s0;
	v18 =	vld [tilespmem:s1+$0xE00];
	[tilespmem:s1+$0xD80] =	vst v17  }
0x1c3: {  	v19 =	vld [tilespmem:s0+$0x10C80];
	_ =	sdelay $0x2  }
0x1c4: {  	s15 =	rddreg [dreg:$0xd]  }
0x1c5: {  	s0 =	sadd.s32 s15, s5  }
0x1c6: {  	s0 =	sshll.u32 s0, $0x9;
	v18 =	vadd.f32 v19, v18  }
0x1c7: {  	s0 =	sshra.s32 s0, $0x2  }
0x1c8: {  	s0 =	sor.u32 s9, s0;
	v19 =	vld [tilespmem:s1+$0xE80];
	[tilespmem:s1+$0xE00] =	vst v18  }
0x1c9: {  	v20 =	vld [tilespmem:s0+$0x10C80];
	_ =	sdelay $0x2  }
0x1ca: {  	s16 =	rddreg [dreg:$0xe]  }
0x1cb: {  	s0 =	sadd.s32 s16, s5  }
0x1cc: {  	s0 =	sshll.u32 s0, $0x9;
	v19 =	vadd.f32 v20, v19  }
0x1cd: {  	s0 =	sshra.s32 s0, $0x2  }
0x1ce: {  	v25 =	vld [tilespmem:s1+$0xF00];
	s0 =	sor.u32 s9, s0;
	[tilespmem:s1+$0xE80] =	vst v19  }
0x1cf: {  	v21 =	vld [tilespmem:s0+$0x10C80];
	_ =	sdelay $0x2  }
0x1d0: {  	s17 =	rddreg [dreg:$0xf]  }
0x1d1: {  	s0 =	sadd.s32 s17, s5  }
0x1d2: {  	s0 =	sshll.u32 s0, $0x9;
	v20 =	vadd.f32 v21, v25  }
0x1d3: {  	s0 =	sshra.s32 s0, $0x2  }
0x1d4: {  	v26 =	vld [tilespmem:s1+$0xF80];
	s0 =	sor.u32 s9, s0;
	[tilespmem:s1+$0xF00] =	vst v20  }
0x1d5: {  	v22 =	vld [tilespmem:s0+$0x10C80];
	_ =	sdelay $0x2  }
0x1d6: {  	s18 =	rddreg [dreg:$0x10]  }
0x1d7: {  	s0 =	sadd.s32 s18, s5  }
0x1d8: {  	s0 =	sshll.u32 s0, $0x9;
	v21 =	vadd.f32 v22, v26  }
0x1d9: {  	s0 =	sshra.s32 s0, $0x2  }
0x1da: {  	v27 =	vld [tilespmem:s1+$0x1000];
	s0 =	sor.u32 s9, s0;
	[tilespmem:s1+$0xF80] =	vst v21  }
0x1db: {  	v23 =	vld [tilespmem:s0+$0x10C80];
	_ =	sdelay $0x2  }
0x1dc: {  	s19 =	rddreg [dreg:$0x11]  }
0x1dd: {  	s0 =	sadd.s32 s19, s5  }
0x1de: {  	s0 =	sshll.u32 s0, $0x9;
	v22 =	vadd.f32 v23, v27  }
0x1df: {  	s0 =	sshra.s32 s0, $0x2  }
0x1e0: {  	v28 =	vld [tilespmem:s1+$0x1080];
	s0 =	sor.u32 s9, s0;
	[tilespmem:s1+$0x1000] =	vst v22  }
0x1e1: {  	v24 =	vld [tilespmem:s0+$0x10C80];
	_ =	sdelay $0x2  }
0x1e2: {  	s20 =	rddreg [dreg:$0x12]  }
0x1e3: {  	s0 =	sadd.s32 s20, s5  }
0x1e4: {  	s0 =	sshll.u32 s0, $0x9;
	v23 =	vadd.f32 v24, v28  }
0x1e5: {  	s0 =	sshra.s32 s0, $0x2  }
0x1e6: {  	v29 =	vld [tilespmem:s1+$0x1100];
	s0 =	sor.u32 s9, s0;
	[tilespmem:s1+$0x1080] =	vst v23  }
0x1e7: {  	v25 =	vld [tilespmem:s0+$0x10C80];
	_ =	sdelay $0x2  }
0x1e8: {  	s21 =	rddreg [dreg:$0x13]  }
0x1e9: {  	s0 =	sadd.s32 s21, s5  }
0x1ea: {  	s0 =	sshll.u32 s0, $0x9;
	v24 =	vadd.f32 v25, v29  }
0x1eb: {  	s0 =	sshra.s32 s0, $0x2  }
0x1ec: {  	v30 =	vld [tilespmem:s1+$0x1180];
	s0 =	sor.u32 s9, s0;
	[tilespmem:s1+$0x1100] =	vst v24  }
0x1ed: {  	v26 =	vld [tilespmem:s0+$0x10C80];
	_ =	sdelay $0x2  }
0x1ee: {  	s22 =	rddreg [dreg:$0x14]  }
0x1ef: {  	s0 =	sadd.s32 s22, s5  }
0x1f0: {  	s0 =	sshll.u32 s0, $0x9;
	v25 =	vadd.f32 v26, v30  }
0x1f1: {  	s0 =	sshra.s32 s0, $0x2  }
0x1f2: {  	v31 =	vld [tilespmem:s1+$0x1200];
	s0 =	sor.u32 s9, s0;
	[tilespmem:s1+$0x1180] =	vst v25  }
0x1f3: {  	v27 =	vld [tilespmem:s0+$0x10C80];
	_ =	sdelay $0x2  }
0x1f4: {  	s23 =	rddreg [dreg:$0x15]  }
0x1f5: {  	s0 =	sadd.s32 s23, s5  }
0x1f6: {  	s0 =	sshll.u32 s0, $0x9;
	v26 =	vadd.f32 v27, v31  }
0x1f7: {  	s0 =	sshra.s32 s0, $0x2  }
0x1f8: {  	s0 =	sor.u32 s9, s0;
	v27 =	vld [tilespmem:s1+$0x1280];
	[tilespmem:s1+$0x1200] =	vst v26  }
0x1f9: {  	v28 =	vld [tilespmem:s0+$0x10C80];
	_ =	sdelay $0x2  }
0x1fa: {  	s24 =	rddreg [dreg:$0x16]  }
0x1fb: {  	s0 =	sadd.s32 s24, s5  }
0x1fc: {  	s0 =	sshll.u32 s0, $0x9;
	v27 =	vadd.f32 v28, v27  }
0x1fd: {  	s0 =	sshra.s32 s0, $0x2  }
0x1fe: {  	s0 =	sor.u32 s9, s0;
	v28 =	vld [tilespmem:s1+$0x1300];
	[tilespmem:s1+$0x1280] =	vst v27  }
0x1ff: {  	v29 =	vld [tilespmem:s0+$0x10C80];
	_ =	sdelay $0x2  }
0x200: {  	s25 =	rddreg [dreg:$0x17]  }
0x201: {  	s0 =	sadd.s32 s25, s5  }
0x202: {  	s0 =	sshll.u32 s0, $0x9;
	v28 =	vadd.f32 v29, v28  }
0x203: {  	s0 =	sshra.s32 s0, $0x2  }
0x204: {  	s0 =	sor.u32 s9, s0;
	v29 =	vld [tilespmem:s1+$0x1380];
	[tilespmem:s1+$0x1300] =	vst v28  }
0x205: {  	v30 =	vld [tilespmem:s0+$0x10C80];
	_ =	sdelay $0x2  }
0x206: {  	s26 =	rddreg [dreg:$0x18]  }
0x207: {  	s0 =	sadd.s32 s26, s5  }
0x208: {  	s0 =	sshll.u32 s0, $0x9;
	v29 =	vadd.f32 v30, v29  }
0x209: {  	s0 =	sshra.s32 s0, $0x2  }
0x20a: {  	s0 =	sor.u32 s9, s0;
	v30 =	vld [tilespmem:s1+$0x1400];
	[tilespmem:s1+$0x1380] =	vst v29  }
0x20b: {  	v31 =	vld [tilespmem:s0+$0x10C80];
	_ =	sdelay $0x4  }
0x20c: {  	v30 =	vadd.f32 v31, v30;
	v31 =	vmul.f32 v13, v13  }
0x20d: {  	v13 =	vadd.f32 v13, v63  }
0x20e: {  	v63 =	vmul.f32 v15, v15;
	v8 =	vadd.f32 v31, v8;
	[tilespmem:s1+$0x1400] =	vst v30  }
0x20f: {  	v3 =	vadd.f32 v15, v3;
	[tilespmem:$0x11C80] =	vst v13  }
0x210: {  	v5 =	vadd.f32 v63, v5;
	[tilespmem:$0x11D80] =	vst v8;
	v8 =	vmul.f32 v17, v17  }
0x211: {  	v13 =	vadd.f32 v17, v61;
	[tilespmem:$0x11C90] =	vst v3  }
0x212: {  	[tilespmem:$0x11D90] =	vst v5;
	v5 =	vmul.f32 v18, v18;
	v3 =	vadd.f32 v8, v62  }
0x213: {  	[tilespmem:$0x11CA0] =	vst v13;
	v8 =	vadd.f32 v18, v57  }
0x214: {  	v5 =	vadd.f32 v5, v58;
	[tilespmem:$0x11DA0] =	vst v3  }
0x215: {  	v13 =	vadd.f32 v19, v49;
	v3 =	vmul.f32 v19, v19;
	[tilespmem:$0x11CB0] =	vst v8  }
0x216: {  	[tilespmem:$0x11DB0] =	vst v5;
	v5 =	vmul.f32 v20, v20;
	v8 =	vadd.f32 v20, v59  }
0x217: {  	[tilespmem:$0x11CC0] =	vst v13;
	v3 =	vadd.f32 v3, v52  }
0x218: {  	v5 =	vadd.f32 v5, v53;
	[tilespmem:$0x11CD0] =	vst v8  }
0x219: {  	v13 =	vadd.f32 v21, v54;
	v8 =	vmul.f32 v22, v22;
	[tilespmem:$0x11DC0] =	vst v3  }
0x21a: {  	v3 =	vmul.f32 v21, v21;
	[tilespmem:$0x11DD0] =	vst v5;
	v5 =	vadd.f32 v22, v60  }
0x21b: {  	[tilespmem:$0x11CE0] =	vst v13;
	v13 =	vmul.f32 v23, v23;
	v8 =	vadd.f32 v8, v55  }
0x21c: {  	v3 =	vadd.f32 v3, v50;
	[tilespmem:$0x11CF0] =	vst v5  }
0x21d: {  	v5 =	vadd.f32 v13, v51;
	[tilespmem:$0x11DF0] =	vst v8  }
0x21e: {  	v13 =	vmul.f32 v24, v24;
	[tilespmem:$0x11DE0] =	vst v3;
	v3 =	vadd.f32 v23, v56  }
0x21f: {  	v8 =	vadd.f32 v24, v48;
	[tilespmem:$0x11E00] =	vst v5  }
0x220: {  	v5 =	vadd.f32 v25, v46;
	[tilespmem:$0x11D00] =	vst v3;
	v3 =	vadd.f32 v13, v45;
	v13 =	vmul.f32 v25, v25  }
0x221: {  	[tilespmem:$0x11D10] =	vst v8  }
0x222: {  	[tilespmem:$0x11D20] =	vst v5;
	v8 =	vadd.f32 v13, v44;
	v13 =	vmul.f32 v26, v26  }
0x223: {  	[tilespmem:$0x11E10] =	vst v3;
	v3 =	vadd.f32 v26, v41  }
0x224: {  	v5 =	vadd.f32 v13, v40;
	v13 =	vmul.f32 v27, v27;
	[tilespmem:$0x11E20] =	vst v8  }
0x225: {  	v8 =	vadd.f32 v27, v38;
	[tilespmem:$0x11D30] =	vst v3  }
0x226: {  	v3 =	vadd.f32 v13, v42;
	v13 =	vmul.f32 v28, v28;
	[tilespmem:$0x11E30] =	vst v5  }
0x227: {  	v5 =	vadd.f32 v9, v35;
	v9 =	vadd.f32 v28, v37;
	[tilespmem:$0x11D40] =	vst v8  }
0x228: {  	v15 =	vmul.f32 v29, v29;
	v8 =	vmul.f32 v11, v11;
	v13 =	vadd.f32 v13, v39;
	[tilespmem:$0x11E40] =	vst v3  }
0x229: {  	v3 =	vadd.f32 v11, v47;
	v11 =	vadd.f32 v29, v36;
	[tilespmem:$0x11D50] =	vst v9  }
0x22a: {  	v8 =	vadd.f32 v8, v43;
	v5 =	vadd.f32 v15, v5;
	v9 =	vmul.f32 v30, v30;
	[tilespmem:$0x11E50] =	vst v13  }
0x22b: {  	v3 =	vadd.f32 v30, v3;
	[tilespmem:$0x11D60] =	vst v11  }
0x22c: {  	v8 =	vadd.f32 v9, v8;
	[tilespmem:$0x11E60] =	vst v5  }
0x22d: {  	[tilespmem:$0x11D70] =	vst v3  }
0x22e: {  	s3 =	simm.s32 $0x11D90;
	[tilespmem:$0x11E70] =	vst v8  }
0x22f: {  	v3 =	vld [tilespmem:s3+$0xFFFFFEF0]  }
0x230: {  	v5 =	vld [tilespmem:s3+$0xFFFFFFF0];
	_ =	sdelay $0x3  }
0x231: {  	(xrf2) =	vadd.scan.msk.f32 $0xffff, v3;
	v3 =	vld [tilespmem:s3+$0xFFFFFF00]  }
0x232: {  	v8 =	vld [tilespmem:s3+$0x0];
	(xrf2) =	vadd.scan.msk.f32 $0xffff, v5;
	_ =	sdelay $0x3  }
0x233: {  	(xrf2) =	vadd.scan.msk.f32 $0xffff, v3  }
0x234: {  	(xrf2) =	vadd.scan.msk.f32 $0xffff, v8;
	_ =	sdelay $0x3  }
0x235: {  	v3, _, _ =	vpop (xrf2)  }
0x236: {  	(v2sf) =	vpush v3, $0xF;
	v3, _, _ =	vpop (xrf2)  }
0x237: {  	s4 =	simm.s32 $0x11DB0;
	(v2sf) =	vpush v3, $0xF  }
0x238: {  	v3 =	vld [tilespmem:s4+$0xFFFFFEF0];
	_ =	sdelay $0x1  }
0x239: {  	v5, _, _ =	vpop (xrf2)  }
0x23a: {  	(v2sf) =	vpush v5, $0xF;
	v5, _, _ =	vpop (xrf2)  }
0x23b: {  	(v2sf) =	vpush v5, $0xF  }
0x23c: {  	v5 =	vld [tilespmem:s4+$0xFFFFFFF0];
	(xrf2) =	vadd.scan.msk.f32 $0xffff, v3  }
0x23d: {  	v3 =	vld [tilespmem:s4+$0xFFFFFF00];
	_ =	sdelay $0x1  }
0x23e: {  	v8 =	vld [tilespmem:s4+$0x0];
	_ =	sdelay $0x1  }
0x23f: {  	(xrf2) =	vadd.scan.msk.f32 $0xffff, v5  }
0x240: {  	(xrf2) =	vadd.scan.msk.f32 $0xffff, v3;
	_ =	sdelay $0x1  }
0x241: {  	(xrf2) =	vadd.scan.msk.f32 $0xffff, v8;
	s5 =	spop (v2sf)  }
0x242: {  	s30 =	smul.f32 $9.765625000e-04, s5;
	s6 =	spop (v2sf)  }
0x243: {  	v3, _, _ =	vpop (xrf2);
	s1 =	smul.f32 $9.765625000e-04, s6  }
0x244: {  	(v2sf) =	vpush v3, $0xF;
	s7 =	smul.f32 s30, s30;
	_ =	sdelay $0x1  }
0x245: {  	s8 =	spop (v2sf);
	s2 =	ssub.f32 s1, s7  }
0x246: {  	s9 =	spop (v2sf);
	s31 =	smul.f32 $9.765625000e-04, s8  }
0x247: {  	v3, _, _ =	vpop (xrf2);
	s10 =	smul.f32 $9.765625000e-04, s9;
	s2 =	sadd.f32 $9.999999960e-13, s2  }
0x248: {  	(v2sf) =	vpush v3, $0xF;
	v3, _, _ =	vpop (xrf2);
	s11 =	smul.f32 s31, s31  }
0x249: {  	(v2sf) =	vpush v3, $0xF;
	s12 =	sshra.s32 s2, $0x1;
	s7 =	smul.f32 $5.000000000e-01, s2  }
0x24a: {  	v3, _, _ =	vpop (xrf2);
	s13 =	ssub.s32 $0x5F3759DF, s12;
	s3 =	ssub.f32 s10, s11  }
0x24b: {  	(v2sf) =	vpush v3, $0xF;
	s14 =	smul.f32 s13, s7  }
0x24c: {  	s3 =	sadd.f32 $9.999999960e-13, s3  }
0x24d: {  	s4 =	smul.f32 s13, s14  }
0x24e: {  	s15 =	sshra.s32 s3, $0x1;
	s19 =	smul.f32 $5.000000000e-01, s3  }
0x24f: {  	s16 =	ssub.f32 $1.500000000e+00, s4;
	s17 =	ssub.s32 $0x5F3759DF, s15  }
0x250: {  	s5 =	smul.f32 s17, s19  }
0x251: {  	s8 =	smul.f32 s13, s16  }
0x252: {  	s18 =	spop (v2sf);
	s20 =	smul.f32 s17, s5  }
0x253: {  	s21 =	smul.f32 $9.765625000e-04, s18  }
0x254: {  	s22 =	smul.f32 s8, s7  }
0x255: {  	s3 =	ssub.f32 $1.500000000e+00, s20;
	s6 =	smul.f32 s21, s21  }
0x256: {  	[smem:$0x7F2] =	sst s21;
	s5 =	smul.f32 s22, s8  }
0x257: {  	s9 =	simm.s32 $0x11DD0;
	s10 =	spop (v2sf);
	s4 =	smul.f32 s17, s3  }
0x258: {  	v3 =	vld [tilespmem:s9+$0xFFFFFEF0];
	s23 =	smul.f32 $9.765625000e-04, s10;
	s24 =	spop (v2sf)  }
0x259: {  	v5 =	vld [tilespmem:s9+$0xFFFFFFF0];
	s5 =	ssub.f32 $1.500000000e+00, s5;
	s11 =	smul.f32 s4, s19  }
0x25a: {  	v8 =	vld [tilespmem:s9+$0xFFFFFF00];
	s25 =	spop (v2sf);
	s3 =	smul.f32 $9.765625000e-04, s24  }
0x25b: {  	v9 =	vld [tilespmem:s9+$0x0];
	s9 =	smul.f32 $9.765625000e-04, s25  }
0x25c: {  	s24 =	simm.s32 $0x2;
	s6 =	ssub.f32 s23, s6;
	s21 =	smul.f32 s5, s8  }
0x25d: {  	s17 =	simm.s32 $0x1;
	s20 =	sand.u32 $0x6, s24;
	(xrf2) =	vadd.scan.msk.f32 $0xffff, v3;
	s12 =	smul.f32 s3, s3  }
0x25e: {  	s11 =	smul.f32 s11, s4;
	s26 =	sadd.f32 $9.999999960e-13, s6;
	s6 =	simm.s32 $0x0;
	(xrf2) =	vadd.scan.msk.f32 $0xffff, v5  }
0x25f: {  	s13 =	smul.f32 s21, s7;
	s14 =	sand.u32 $0x8, s6;
	(xrf2) =	vadd.scan.msk.f32 $0xffff, v8;
	s1 =	ssub.f32 s9, s12  }
0x260: {  	s23 =	ssub.f32 $1.500000000e+00, s11;
	s15 =	sshra.s32 s26, $0x1;
	s18 =	smul.f32 $5.000000000e-01, s26;
	(xrf2) =	vadd.scan.msk.f32 $0xffff, v9  }
0x261: {  	s26 =	sand.u32 $0x8, s24;
	s24 =	smul.f32 s13, s21;
	s8 =	ssub.s32 $0x5F3759DF, s15  }
0x262: {  	s5 =	simm.s32 $0x4;
	s15 =	sor.u32 $0x10, s14;
	s2 =	smul.f32 s8, s18  }
0x263: {  	s14 =	sadd.f32 $9.999999960e-13, s1;
	s9 =	sor.u32 $0x10, s26;
	s26 =	smul.f32 s23, s4  }
0x264: {  	s7 =	sand.u32 $0x8, s5;
	s0 =	sand.u32 $0x6, s6;
	s25 =	smul.f32 s8, s2  }
0x265: {  	s13 =	sand.u32 $0x6, s5;
	s16 =	smul.f32 $5.000000000e-01, s14;
	s14 =	sshra.s32 s14, $0x1  }
0x266: {  	s23 =	simm.s32 $0x0;
	s22 =	ssub.f32 $1.500000000e+00, s25;
	s25 =	ssub.s32 $0x5F3759DF, s14  }
0x267: {  	s12 =	sor.u32 s0, s15;
	s11 =	sor.u32 s20, s9;
	v3, _, _ =	vpop (xrf2);
	s29 =	smul.f32 s25, s16  }
0x268: {  	s4 =	ssub.f32 $1.500000000e+00, s24;
	s2 =	simm.s32 $0x2;
	s20 =	smul.f32 s8, s22;
	(v2sf) =	vpush v3, $0xF;
	v3, _, _ =	vpop (xrf2)  }
0x269: {  	s24 =	simm.s32 $0x1;
	[smem:$0x7F3] =	sst s2;
	s22 =	smul.f32 s26, s19;
	(v2sf) =	vpush v3, $0xF;
	v3, _, _ =	vpop (xrf2)  }
0x26a: {  	s8 =	sor.u32 $0x10, s7;
	s19 =	simm.s32 $0x3;
	s28 =	smul.f32 s20, s18;
	(v2sf) =	vpush v3, $0xF;
	v3, _, _ =	vpop (xrf2)  }
0x26b: {  	s10 =	sor.u32 s13, s8;
	s14 =	smul.f32 s22, s26;
	s22 =	simm.s32 $0x11DF0;
	(v2sf) =	vpush v3, $0xF  }
.LBB2_9:
0x26c: {  	s1 =	smov.u32 s30;
	s30 =	sand.u32 $0x7, s24;
	s24 =	smov.u32 s6  }
0x26d: {  	s0 =	sld [smem:$0x7F3];
	s13 =	smov.u32 s5;
	s28 =	smul.f32 s28, s20  }
0x26e: {  	s5 =	sadd.s32 $0x2, s5;
	[smem:$0x7F3] =	sst s13;
	s29 =	smul.f32 s25, s29  }
0x26f: {  	s6 =	smov.u32 s31;
	s4 =	smul.f32 s4, s21;
	s14 =	ssub.f32 $1.500000000e+00, s14  }
0x270: {  	s31 =	sand.u32 $0x8, s5;
	s21 =	sor.u32 s30, s15;
	s29 =	ssub.f32 $1.500000000e+00, s29  }
0x271: {  	s30 =	sor.u32 $0x10, s31;
	s31 =	smul.f32 s4, s1;
	s28 =	ssub.f32 $1.500000000e+00, s28  }
0x272: {  	[smem:s23] =	sst s4;
	s4 =	smul.f32 s14, s26  }
0x273: {  	s26 =	sld [smem:$0x7F2];
	s23 =	smul.f32 s25, s29  }
0x274: {  	[smem:s12] =	sst s31;
	s25 =	smul.f32 s4, s6  }
0x275: {  	s2 =	sand.u32 $0x6, s5;
	s15 =	smov.u32 s9;
	[smem:s17] =	sst s4  }
0x276: {  	s9 =	smov.u32 s8;
	s7 =	smov.u32 s0;
	[smem:s21] =	sst s25  }
0x277: {  	s0 =	sor.u32 s2, s30;
	s21 =	smul.f32 s28, s20;
	s13 =	spop (v2sf)  }
0x278: {  	s8 =	smov.u32 s30;
	s13 =	smul.f32 $9.765625000e-04, s13;
	s1 =	spop (v2sf)  }
0x279: {  	v3 =	vld [tilespmem:s22+$0xFFFFFEF0];
	s30 =	smov.u32 s26;
	s14 =	spop (v2sf);
	s1 =	smul.f32 $9.765625000e-04, s1  }
0x27a: {  	v5 =	vld [tilespmem:s22+$0xFFFFFFF0];
	s2 =	smul.f32 s13, s13;
	s26 =	smov.u32 s13;
	s13 =	spop (v2sf)  }
0x27b: {  	v8 =	vld [tilespmem:s22+$0xFFFFFF00];
	s6 =	smov.u32 s7;
	s7 =	smul.f32 $9.765625000e-04, s14;
	[smem:$0x7F2] =	sst s26  }
0x27c: {  	v9 =	vld [tilespmem:s22+$0x0];
	s26 =	smul.f32 s23, s16;
	s1 =	ssub.f32 s1, s2  }
0x27d: {  	s31 =	smov.u32 s3;
	s14 =	smul.f32 $9.765625000e-04, s13;
	s3 =	smov.u32 s7  }
0x27e: {  	(xrf2) =	vadd.scan.msk.f32 $0xffff, v3;
	s12 =	smov.u32 s11;
	s2 =	smul.f32 s7, s3;
	s1 =	sadd.f32 $9.999999960e-13, s1  }
0x27f: {  	s11 =	smov.u32 s10;
	s10 =	smov.u32 s0;
	(xrf2) =	vadd.scan.msk.f32 $0xffff, v5;
	s7 =	smul.f32 s21, s18  }
0x280: {  	(xrf2) =	vadd.scan.msk.f32 $0xffff, v8;
	s0 =	ssub.f32 s14, s2;
	s25 =	sshra.s32 s1, $0x1;
	s1 =	smul.f32 $5.000000000e-01, s1  }
0x281: {  	(xrf2) =	vadd.scan.msk.f32 $0xffff, v9;
	s4 =	ssub.s32 $0x5F3759DF, s25;
	s25 =	smul.f32 s26, s23  }
0x282: {  	s0 =	sadd.f32 $9.999999960e-13, s0;
	s20 =	smul.f32 s4, s1  }
0x283: {  	s2 =	smul.f32 s7, s21;
	s18 =	smov.u32 s1;
	s1 =	ssub.f32 $1.500000000e+00, s25  }
0x284: {  	s26 =	sshra.s32 s0, $0x1;
	s13 =	smul.f32 s4, s20  }
0x285: {  	s25 =	ssub.s32 $0x5F3759DF, s26;
	s26 =	smul.f32 s1, s23  }
0x286: {  	s0 =	smul.f32 $5.000000000e-01, s0  }
0x287: {  	p1 =	slt.u32 s5, $0xE;
	s13 =	ssub.f32 $1.500000000e+00, s13;
	s1 =	smul.f32 s26, s16  }
.Ltmp5:
0x288: {  	v3, _, _ =	vpop (xrf2);
	(pc) =	sbr.rel @p1 .LBB2_9-.Ltmp5, $4  }
0x289: {  	(v2sf) =	vpush v3, $0xF;
	v3, _, _ =	vpop (xrf2);
	s16 =	smov.u32 s0;
	s20 =	smul.f32 s4, s13  }
0x28a: {  	s22 =	sadd.s32 $0x20, s22;
	s24 =	sadd.s32 $0x3, s24;
	(v2sf) =	vpush v3, $0xF;
	v3, _, _ =	vpop (xrf2);
	s29 =	smul.f32 s25, s16  }
0x28b: {  	s17 =	smov.u32 s19;
	(v2sf) =	vpush v3, $0xF;
	v3, _, _ =	vpop (xrf2);
	s23 =	sadd.s32 $0xFFFFFFFF, s19;
	s14 =	smul.f32 s1, s26  }
0x28c: {  	(v2sf) =	vpush v3, $0xF;
	s19 =	sadd.s32 $0x2, s19;
	s4 =	ssub.f32 $1.500000000e+00, s2;
	s28 =	smul.f32 s20, s18  }
0x28d: {  	_ =	sdelay $0x8  }
0x28e: {  	s4 =	smul.f32 s4, s21  }
0x28f: {  	s13 =	ssub.f32 $1.500000000e+00, s14;
	s14 =	smul.f32 s25, s29  }
0x290: {  	s30 =	smul.f32 s4, s30;
	s0 =	spop (v2sf)  }
0x291: {  	s22 =	smul.f32 $9.765625000e-04, s0;
	s1 =	spop (v2sf)  }
0x292: {  	s0 =	smul.f32 $9.765625000e-04, s1;
	s1 =	spop (v2sf)  }
0x293: {  	s5 =	smul.f32 $9.765625000e-04, s1;
	s2 =	spop (v2sf)  }
0x294: {  	s1 =	smul.f32 $9.765625000e-04, s2  }
0x295: {  	s2 =	smul.f32 s22, s22  }
0x296: {  	s14 =	ssub.f32 $1.500000000e+00, s14;
	s7 =	smul.f32 s5, s5  }
0x297: {  	s0 =	ssub.f32 s0, s2;
	s2 =	smul.f32 s13, s26  }
0x298: {  	s13 =	smul.f32 s28, s20;
	s1 =	ssub.f32 s1, s7  }
0x299: {  	s14 =	smul.f32 s25, s14;
	s0 =	sadd.f32 $9.999999960e-13, s0  }
0x29a: {  	s13 =	ssub.f32 $1.500000000e+00, s13;
	s31 =	smul.f32 s2, s31  }
0x29b: {  	s1 =	sadd.f32 $9.999999960e-13, s1;
	s28 =	sshra.s32 s0, $0x1;
	s0 =	smul.f32 $5.000000000e-01, s0  }
0x29c: {  	s13 =	smul.f32 s13, s20  }
0x29d: {  	s21 =	ssub.s32 $0x5F3759DF, s28;
	s29 =	sshra.s32 s1, $0x1;
	s1 =	smul.f32 $5.000000000e-01, s1  }
0x29e: {  	s28 =	smul.f32 s21, s0  }
0x29f: {  	s18 =	smul.f32 s13, s18  }
0x2a0: {  	s26 =	ssub.s32 $0x5F3759DF, s29;
	s28 =	smul.f32 s21, s28  }
0x2a1: {  	s7 =	smul.f32 s26, s1  }
0x2a2: {  	s18 =	smul.f32 s18, s13;
	s28 =	ssub.f32 $1.500000000e+00, s28  }
0x2a3: {  	[smem:s23] =	sst s4;
	s29 =	smul.f32 s26, s7  }
0x2a4: {  	s18 =	ssub.f32 $1.500000000e+00, s18;
	s21 =	smul.f32 s21, s28  }
0x2a5: {  	s7 =	ssub.f32 $1.500000000e+00, s29;
	s28 =	smul.f32 s14, s16  }
0x2a6: {  	[smem:s12] =	sst s30;
	s12 =	sand.u32 $0x7, s24;
	s13 =	smul.f32 s18, s13  }
0x2a7: {  	s23 =	sor.u32 s12, s15;
	[smem:s17] =	sst s2;
	s20 =	smul.f32 s26, s7  }
0x2a8: {  	[smem:s23] =	sst s31;
	s25 =	smul.f32 s28, s14  }
0x2a9: {  	s2 =	sld [smem:$0x7F2];
	s29 =	smul.f32 s21, s0  }
0x2aa: {  	s7 =	smul.f32 s20, s1  }
0x2ab: {  	s26 =	smul.f32 s29, s21  }
0x2ac: {  	s2 =	smul.f32 s13, s2;
	s25 =	ssub.f32 $1.500000000e+00, s25  }
0x2ad: {  	s28 =	smul.f32 s7, s20;
	s26 =	ssub.f32 $1.500000000e+00, s26  }
0x2ae: {  	s14 =	smul.f32 s25, s14  }
0x2af: {  	s29 =	ssub.f32 $1.500000000e+00, s28;
	s21 =	smul.f32 s26, s21  }
0x2b0: {  	s7 =	smul.f32 s14, s16  }
0x2b1: {  	s18 =	smul.f32 s29, s20  }
0x2b2: {  	s0 =	smul.f32 s21, s0  }
0x2b3: {  	s20 =	smul.f32 s7, s14  }
0x2b4: {  	s1 =	smul.f32 s18, s1  }
0x2b5: {  	s25 =	sadd.s32 $0xFFFFFFFF, s19;
	s0 =	smul.f32 s0, s21;
	s24 =	ssub.f32 $1.500000000e+00, s20  }
0x2b6: {  	[smem:s25] =	sst s13;
	s1 =	smul.f32 s1, s18  }
0x2b7: {  	s6 =	sadd.s32 $0x3, s6;
	[smem:s11] =	sst s2;
	s4 =	smul.f32 s24, s14  }
0x2b8: {  	s6 =	sand.u32 $0x7, s6;
	s0 =	ssub.f32 $1.500000000e+00, s0  }
0x2b9: {  	s28 =	sadd.s32 $0x2, s19;
	s1 =	ssub.f32 $1.500000000e+00, s1;
	s3 =	smul.f32 s4, s3  }
0x2ba: {  	s26 =	sor.u32 s6, s9;
	s0 =	smul.f32 s0, s21;
	[smem:s19] =	sst s4  }
0x2bb: {  	s29 =	sadd.s32 $0xFFFFFFFF, s28;
	[smem:s26] =	sst s3  }
0x2bc: {  	[smem:s29] =	sst s0  }
0x2bd: {  	s30 =	smul.f32 s0, s22;
	s0 =	sld [smem:$0x7F3]  }
0x2be: {  	_ = 	snop  }
0x2bf: {  	s1 =	smul.f32 s1, s18  }
0x2c0: {  	s0 =	sadd.s32 $0x3, s0  }
0x2c1: {  	s31 =	smul.f32 s1, s5;
	[smem:s10] =	sst s30;
	s0 =	sand.u32 $0x7, s0  }
0x2c2: {  	[smem:s28] =	sst s1;
	s0 =	sor.u32 s0, s8  }
0x2c3: {  	s15 =	simm.s32 $0xD00;
	s5 =	simm.s32 $0x0;
	[smem:s0] =	sst s31  }
.LBB2_11:
0x2c4: {  	v3 =	vld [tilespmem:s15+$0x0]  }
0x2c5: {  	s0 =	sshll.u32 s5, $0x7;
	v5 =	vld [tilespmem:s15+$0xFFFFFF80]  }
0x2c6: {  	v48 =	vld [tilespmem:s0+$0x11480]  }
0x2c7: {  	v49 =	vld [tilespmem:s0+$0x11490]  }
0x2c8: {  	v46 =	vld [tilespmem:s0+$0x114A0]  }
0x2c9: {  	v44 =	vld [tilespmem:s0+$0x114B0]  }
0x2ca: {  	v41 =	vld [tilespmem:s0+$0x114C0]  }
0x2cb: {  	v39 =	vld [tilespmem:s0+$0x114D0]  }
0x2cc: {  	v37 =	vld [tilespmem:s0+$0x114E0]  }
0x2cd: {  	v35 =	vld [tilespmem:s0+$0x114F0]  }
0x2ce: {  	v50 =	vld [tilespmem:s0+$0x11880]  }
0x2cf: {  	v51 =	vld [tilespmem:s0+$0x11890]  }
0x2d0: {  	v47 =	vld [tilespmem:s0+$0x118A0]  }
0x2d1: {  	v45 =	vld [tilespmem:s0+$0x118B0]  }
0x2d2: {  	s23 =	simm.s32 $0x0;
	v42 =	vld [tilespmem:s0+$0x118C0]  }
0x2d3: {  	s2 =	simm.s32 $0x1;
	v40 =	vld [tilespmem:s0+$0x118D0];
	s1 =	sand.u32 $0x8, s23  }
0x2d4: {  	v38 =	vld [tilespmem:s0+$0x118E0];
	s3 =	sand.u32 $0x7, s2;
	s1 =	sor.u32 $0x10, s1  }
0x2d5: {  	v36 =	vld [tilespmem:s0+$0x118F0];
	s2 =	sld [smem:$0x1];
	s4 =	sor.u32 s3, s1  }
0x2d6: {  	s4 =	sld [smem:s4+$0x0];
	_ =	sdelay $0x1  }
0x2d7: {  	v8 =	vmul.f32 s2, v3  }
0x2d8: {  	v3 =	vmov s4  }
0x2d9: {  	s25 =	simm.s32 $0x0;
	s24 =	sand.u32 $0x6, s23;
	[smem:$0x7F0] =	sst s5;
	v8 =	vsub.f32 v8, v3  }
0x2da: {  	s26 =	sand.u32 $0x40, s25;
	s1 =	sor.u32 s24, s1;
	s19 =	sld [smem:$0x0]  }
0x2db: {  	s30 =	sshll.u32 s5, $0x3;
	s3 =	sor.u32 s3, s26;
	s6 =	sld [smem:s1+$0x0];
	v8 =	vmul.f32 v8, v48  }
0x2dc: {  	s7 =	sadd.s32 s30, s3  }
0x2dd: {  	s0 =	sshll.u32 s7, $0x7;
	v5 =	vmul.f32 s19, v5;
	v9 =	vadd.f32 v8, v50  }
0x2de: {  	s0 =	sand.u32 $0x3FFFFF80, s0;
	v8 =	vmov s6  }
0x2df: {  	v5 =	vsub.f32 v5, v8;
	[tilespmem:s0+$0x8C80] =	vst v9  }
0x2e0: {  	v9 =	vld [tilespmem:s15+$0x10]  }
0x2e1: {  	s8 =	sor.u32 s26, s24;
	v5 =	vmul.f32 v5, v48  }
0x2e2: {  	s1 =	sadd.s32 s30, s8  }
0x2e3: {  	s1 =	sshll.u32 s1, $0x7;
	v5 =	vadd.f32 v5, v50  }
0x2e4: {  	s22 =	sand.u32 $0x3FFFFF80, s1  }
0x2e5: {  	[tilespmem:s22+$0x8C80] =	vst v5;
	v9 =	vmul.f32 s2, v9  }
0x2e6: {  	v5 =	vld [tilespmem:s15+$0xFFFFFF90]  }
0x2e7: {  	v9 =	vsub.f32 v9, v3;
	_ =	sdelay $0x1  }
0x2e8: {  	v9 =	vmul.f32 v9, v49;
	_ =	sdelay $0x1  }
0x2e9: {  	v5 =	vmul.f32 s19, v5;
	v9 =	vadd.f32 v9, v51  }
0x2ea: {  	[tilespmem:s15+$0x0] =	vst v34  }
0x2eb: {  	v5 =	vsub.f32 v5, v8;
	[tilespmem:s0+$0x8C90] =	vst v9  }
0x2ec: {  	v9 =	vld [tilespmem:s15+$0x20]  }
0x2ed: {  	v5 =	vmul.f32 v5, v49;
	_ =	sdelay $0x1  }
0x2ee: {  	s9 =	simm.s32 $0x2;
	s20 =	sadd.s32 $0x100, s15;
	v5 =	vadd.f32 v5, v51  }
0x2ef: {  	s11 =	simm.s32 $0x3;
	s10 =	sand.u32 $0x8, s9;
	v11 =	vld [tilespmem:s20+$0x0];
	[tilespmem:s15+$0xFFFFFF80] =	vst v34  }
0x2f0: {  	s3 =	sor.u32 $0x10, s10;
	s4 =	sand.u32 $0x7, s11;
	[tilespmem:s22+$0x8C90] =	vst v5;
	v9 =	vmul.f32 s2, v9  }
0x2f1: {  	s12 =	sor.u32 s4, s3;
	v5 =	vld [tilespmem:s20+$0xFFFFFF80];
	s24 =	sld [smem:$0x3]  }
0x2f2: {  	s5 =	sld [smem:s12+$0x0];
	v9 =	vsub.f32 v9, v3;
	_ =	sdelay $0x1  }
0x2f3: {  	s1 =	sand.u32 $0x6, s9;
	[tilespmem:s15+$0xFFFFFF90] =	vst v34;
	v11 =	vmul.f32 s24, v11;
	v9 =	vmul.f32 v9, v46  }
0x2f4: {  	s3 =	sor.u32 s1, s3;
	v13 =	vld [tilespmem:s15+$0xFFFFFFA0];
	s21 =	sld [smem:$0x2];
	v56 =	vmov s5  }
0x2f5: {  	s13 =	simm.s32 $0x10;
	s3 =	sld [smem:s3+$0x0];
	v11 =	vsub.f32 v11, v56;
	v9 =	vadd.f32 v9, v47  }
0x2f6: {  	[tilespmem:s15+$0x10] =	vst v34;
	s5 =	sand.u32 $0x40, s13  }
0x2f7: {  	v5 =	vmul.f32 s21, v5;
	s14 =	sor.u32 s4, s5;
	[tilespmem:s0+$0x8CA0] =	vst v9;
	v9 =	vmul.f32 v11, v48  }
0x2f8: {  	v43 =	vmov s3;
	s3 =	sadd.s32 s30, s14;
	v11 =	vld [tilespmem:s15+$0x30]  }
0x2f9: {  	v5 =	vsub.f32 v5, v43;
	s3 =	sshll.u32 s3, $0x7;
	v9 =	vadd.f32 v9, v50  }
0x2fa: {  	s16 =	sor.u32 s5, s1;
	s1 =	sand.u32 $0x3FFFFF80, s3  }
0x2fb: {  	v5 =	vmul.f32 v5, v48;
	[tilespmem:s1+$0x8C80] =	vst v9  }
0x2fc: {  	s17 =	sadd.s32 s30, s16;
	v9 =	vld [tilespmem:s20+$0x10]  }
0x2fd: {  	s3 =	sshll.u32 s17, $0x7;
	v5 =	vadd.f32 v5, v50;
	v11 =	vmul.f32 s2, v11  }
0x2fe: {  	s11 =	sand.u32 $0x3FFFFF80, s3  }
0x2ff: {  	[tilespmem:s11+$0x8C80] =	vst v5;
	v5 =	vsub.f32 v11, v3;
	v11 =	vmul.f32 s19, v13  }
0x300: {  	v13 =	vld [tilespmem:s20+$0xFFFFFF90]  }
0x301: {  	v5 =	vmul.f32 v5, v44;
	v11 =	vsub.f32 v11, v8;
	v9 =	vmul.f32 s24, v9;
	_ =	sdelay $0x1  }
0x302: {  	v5 =	vadd.f32 v5, v45;
	v11 =	vmul.f32 v11, v46;
	v9 =	vsub.f32 v9, v56  }
0x303: {  	[tilespmem:s15+$0x20] =	vst v34  }
0x304: {  	v13 =	vmul.f32 s21, v13;
	[tilespmem:s0+$0x8CB0] =	vst v5;
	v5 =	vadd.f32 v11, v47;
	v9 =	vmul.f32 v9, v49  }
0x305: {  	v11 =	vld [tilespmem:s15+$0x40]  }
0x306: {  	v13 =	vsub.f32 v13, v43;
	[tilespmem:s22+$0x8CA0] =	vst v5;
	v5 =	vadd.f32 v9, v51  }
0x307: {  	[tilespmem:s20+$0x0] =	vst v34  }
0x308: {  	v9 =	vmul.f32 v13, v49;
	v13 =	vld [tilespmem:s15+$0xFFFFFFB0];
	[tilespmem:s1+$0x8C90] =	vst v5  }
0x309: {  	v5 =	vld [tilespmem:s20+$0x20]  }
0x30a: {  	v9 =	vadd.f32 v9, v51;
	v11 =	vmul.f32 s2, v11  }
0x30b: {  	[tilespmem:s20+$0xFFFFFF80] =	vst v34  }
0x30c: {  	s18 =	simm.s32 $0x4;
	[tilespmem:s11+$0x8C90] =	vst v9;
	v9 =	vsub.f32 v11, v3  }
0x30d: {  	s23 =	sand.u32 $0x8, s18;
	s25 =	simm.s32 $0x5;
	s10 =	sadd.s32 $0x100, s20;
	v13 =	vmul.f32 s19, v13  }
0x30e: {  	v15 =	vld [tilespmem:s10+$0x0];
	s4 =	sor.u32 $0x10, s23;
	s5 =	sand.u32 $0x7, s25;
	[tilespmem:s15+$0xFFFFFFA0] =	vst v34;
	v9 =	vmul.f32 v9, v41;
	v5 =	vmul.f32 s24, v5  }
0x30f: {  	s6 =	sor.u32 s5, s4;
	v11 =	vld [tilespmem:s10+$0xFFFFFF80];
	s9 =	sld [smem:$0x5];
	v13 =	vsub.f32 v13, v8  }
0x310: {  	[tilespmem:s20+$0xFFFFFF90] =	vst v34;
	s6 =	sld [smem:s6+$0x0];
	v9 =	vadd.f32 v9, v42;
	v5 =	vsub.f32 v5, v56  }
0x311: {  	s3 =	sand.u32 $0x6, s18;
	v17 =	vld [tilespmem:s20+$0xFFFFFFA0];
	s12 =	sld [smem:$0x4];
	[tilespmem:s15+$0x30] =	vst v34;
	v13 =	vmul.f32 v13, v44  }
0x312: {  	s4 =	sor.u32 s3, s4;
	[tilespmem:s0+$0x8CC0] =	vst v9;
	v5 =	vmul.f32 v5, v46  }
0x313: {  	s4 =	sld [smem:s4+$0x0];
	v15 =	vmul.f32 s9, v15;
	v13 =	vadd.f32 v13, v45;
	v9 =	vld [tilespmem:s15+$0x50]  }
0x314: {  	[tilespmem:s20+$0x10] =	vst v34;
	v53 =	vmov s6;
	v5 =	vadd.f32 v5, v47  }
0x315: {  	s26 =	simm.s32 $0x20;
	v11 =	vmul.f32 s12, v11;
	[tilespmem:s22+$0x8CB0] =	vst v13;
	v13 =	vsub.f32 v15, v53  }
0x316: {  	s6 =	sand.u32 $0x40, s26;
	v52 =	vmov s4;
	[tilespmem:s1+$0x8CA0] =	vst v5  }
0x317: {  	s7 =	sor.u32 s5, s6;
	v13 =	vmul.f32 v13, v48;
	v5 =	vsub.f32 v11, v52;
	v11 =	vld [tilespmem:s20+$0x30]  }
0x318: {  	s4 =	sadd.s32 s30, s7;
	v9 =	vmul.f32 s2, v9  }
0x319: {  	s3 =	sor.u32 s6, s3;
	s4 =	sshll.u32 s4, $0x7;
	v15 =	vld [tilespmem:s15+$0xFFFFFFC0];
	v13 =	vadd.f32 v13, v50;
	v5 =	vmul.f32 v5, v48  }
0x31a: {  	s3 =	sadd.s32 s30, s3;
	s7 =	sand.u32 $0x3FFFFF80, s4;
	v9 =	vsub.f32 v9, v3  }
0x31b: {  	s3 =	sshll.u32 s3, $0x7;
	[tilespmem:s7+$0x8C80] =	vst v13;
	v5 =	vadd.f32 v5, v50  }
0x31c: {  	s31 =	sand.u32 $0x3FFFFF80, s3;
	v13 =	vld [tilespmem:s10+$0x10];
	v9 =	vmul.f32 v9, v39;
	v11 =	vmul.f32 s24, v11  }
0x31d: {  	v17 =	vmul.f32 s21, v17;
	[tilespmem:s31+$0x8C80] =	vst v5  }
0x31e: {  	v5 =	vadd.f32 v9, v40;
	v9 =	vmul.f32 s19, v15;
	v15 =	vld [tilespmem:s10+$0xFFFFFF90];
	v11 =	vsub.f32 v11, v56  }
0x31f: {  	v17 =	vsub.f32 v17, v43;
	[tilespmem:s15+$0x40] =	vst v34  }
0x320: {  	[tilespmem:s0+$0x8CD0] =	vst v5;
	v11 =	vmul.f32 v11, v44  }
0x321: {  	v17 =	vmul.f32 v17, v46;
	v5 =	vsub.f32 v9, v8;
	v13 =	vmul.f32 s9, v13;
	v9 =	vld [tilespmem:s15+$0x60]  }
0x322: {  	[tilespmem:s15+$0xFFFFFFB0] =	vst v34;
	v11 =	vadd.f32 v11, v45  }
0x323: {  	v17 =	vadd.f32 v17, v47;
	[tilespmem:s20+$0x20] =	vst v34;
	v13 =	vsub.f32 v13, v53;
	v15 =	vmul.f32 s12, v15  }
0x324: {  	v5 =	vmul.f32 v5, v41;
	[tilespmem:s1+$0x8CB0] =	vst v11  }
0x325: {  	[tilespmem:s11+$0x8CA0] =	vst v17;
	v13 =	vmul.f32 v13, v49;
	v11 =	vsub.f32 v15, v52;
	v15 =	vld [tilespmem:s20+$0x40]  }
0x326: {  	[tilespmem:s20+$0xFFFFFFA0] =	vst v34;
	v5 =	vadd.f32 v5, v42;
	v9 =	vmul.f32 s2, v9  }
0x327: {  	v17 =	vld [tilespmem:s20+$0xFFFFFFB0];
	[tilespmem:s10+$0x0] =	vst v34;
	v13 =	vadd.f32 v13, v51  }
0x328: {  	[tilespmem:s22+$0x8CC0] =	vst v5;
	v5 =	vmul.f32 v11, v49;
	v9 =	vsub.f32 v9, v3  }
0x329: {  	[tilespmem:s7+$0x8C90] =	vst v13  }
0x32a: {  	[tilespmem:s10+$0xFFFFFF80] =	vst v34;
	v5 =	vadd.f32 v5, v51;
	v13 =	vld [tilespmem:s10+$0x20];
	v9 =	vmul.f32 v9, v37;
	v15 =	vmul.f32 s24, v15  }
0x32b: {  	[tilespmem:s15+$0x50] =	vst v34;
	v11 =	vld [tilespmem:s15+$0xFFFFFFD0]  }
0x32c: {  	s8 =	simm.s32 $0x6;
	s23 =	sadd.s32 $0x100, s10;
	v17 =	vmul.f32 s21, v17;
	[tilespmem:s31+$0x8C90] =	vst v5;
	v5 =	vadd.f32 v9, v38;
	v15 =	vsub.f32 v15, v56  }
0x32d: {  	s13 =	sand.u32 $0x8, s8;
	s14 =	simm.s32 $0x7;
	[tilespmem:s15+$0xFFFFFFC0] =	vst v34;
	v9 =	vld [tilespmem:s23+$0x0]  }
0x32e: {  	s5 =	sand.u32 $0x7, s14;
	s4 =	sor.u32 $0x10, s13;
	[tilespmem:s0+$0x8CE0] =	vst v5;
	v5 =	vsub.f32 v17, v43;
	v15 =	vmul.f32 v15, v41  }
0x32f: {  	v18 =	vld [tilespmem:s23+$0xFFFFFF80];
	s16 =	sor.u32 s5, s4;
	v13 =	vmul.f32 s9, v13;
	s26 =	sld [smem:$0x7]  }
0x330: {  	v11 =	vmul.f32 s19, v11;
	[tilespmem:s10+$0xFFFFFF90] =	vst v34;
	v17 =	vld [tilespmem:s15+$0x70];
	s6 =	sld [smem:s16+$0x0];
	v5 =	vmul.f32 v5, v44;
	v15 =	vadd.f32 v15, v42  }
0x331: {  	v19 =	vld [tilespmem:s10+$0xFFFFFFA0];
	v13 =	vsub.f32 v13, v53;
	s25 =	sld [smem:$0x6];
	[tilespmem:s20+$0x30] =	vst v34  }
0x332: {  	s3 =	sand.u32 $0x6, s8;
	v11 =	vsub.f32 v11, v8;
	v5 =	vadd.f32 v5, v45;
	v9 =	vmul.f32 s26, v9;
	[tilespmem:s1+$0x8CC0] =	vst v15  }
0x333: {  	s4 =	sor.u32 s3, s4;
	v13 =	vmul.f32 v13, v46;
	v55 =	vmov s6;
	v15 =	vld [tilespmem:s20+$0x50]  }
0x334: {  	s17 =	simm.s32 $0x30;
	v11 =	vmul.f32 v11, v39;
	s4 =	sld [smem:s4+$0x0];
	[tilespmem:s11+$0x8CB0] =	vst v5;
	v5 =	vsub.f32 v9, v55  }
0x335: {  	s18 =	sand.u32 $0x40, s17;
	v9 =	vadd.f32 v13, v47;
	v13 =	vmul.f32 s2, v17  }
0x336: {  	[tilespmem:s10+$0x10] =	vst v34;
	v11 =	vadd.f32 v11, v40;
	s6 =	sor.u32 s5, s18;
	v17 =	vmul.f32 s25, v18;
	v5 =	vmul.f32 v5, v48  }
0x337: {  	v54 =	vmov s4;
	s4 =	sadd.s32 s30, s6;
	[tilespmem:s7+$0x8CA0] =	vst v9;
	v3 =	vsub.f32 v13, v3  }
0x338: {  	[tilespmem:s22+$0x8CD0] =	vst v11;
	v9 =	vsub.f32 v17, v54;
	s4 =	sshll.u32 s4, $0x7;
	v13 =	vld [tilespmem:s10+$0x30];
	v5 =	vadd.f32 v5, v50;
	v11 =	vmul.f32 s24, v15  }
0x339: {  	[tilespmem:s15+$0x60] =	vst v34;
	v17 =	vmul.f32 s12, v19;
	s29 =	sand.u32 $0x3FFFFF80, s4;
	v3 =	vmul.f32 v3, v35  }
0x33a: {  	s2 =	sor.u32 s18, s3;
	v15 =	vld [tilespmem:s20+$0xFFFFFFC0];
	v9 =	vmul.f32 v9, v48;
	[tilespmem:s29+$0x8C80] =	vst v5;
	v5 =	vsub.f32 v11, v56  }
0x33b: {  	[tilespmem:s20+$0x40] =	vst v34;
	s2 =	sadd.s32 s30, s2;
	v3 =	vadd.f32 v3, v36;
	v11 =	vsub.f32 v17, v52;
	v17 =	vld [tilespmem:s23+$0x10]  }
0x33c: {  	[tilespmem:s20+$0xFFFFFFB0] =	vst v34;
	s2 =	sshll.u32 s2, $0x7;
	v9 =	vadd.f32 v9, v50  }
0x33d: {  	v18 =	vld [tilespmem:s15+$0xFFFFFFE0];
	v13 =	vmul.f32 s9, v13;
	v5 =	vmul.f32 v5, v39;
	[tilespmem:s0+$0x8CF0] =	vst v3;
	s0 =	sand.u32 $0x3FFFFF80, s2  }
0x33e: {  	v3 =	vmul.f32 v11, v46;
	[tilespmem:s0+$0x8C80] =	vst v9  }
0x33f: {  	[tilespmem:s15+$0xFFFFFFD0] =	vst v34;
	v11 =	vmul.f32 s21, v15;
	v9 =	vsub.f32 v13, v53;
	v5 =	vadd.f32 v5, v40;
	v13 =	vld [tilespmem:s23+$0xFFFFFF90]  }
0x340: {  	[tilespmem:s10+$0x20] =	vst v34;
	v15 =	vmul.f32 s26, v17  }
0x341: {  	v3 =	vadd.f32 v3, v47;
	v11 =	vsub.f32 v11, v43;
	v9 =	vmul.f32 v9, v44;
	[tilespmem:s1+$0x8CD0] =	vst v5  }
0x342: {  	[tilespmem:s23+$0x0] =	vst v34;
	v5 =	vmul.f32 s19, v18;
	v17 =	vld [tilespmem:s20+$0x60];
	v15 =	vsub.f32 v15, v55  }
0x343: {  	[tilespmem:s31+$0x8CA0] =	vst v3;
	v11 =	vmul.f32 v11, v41;
	v3 =	vadd.f32 v9, v45  }
0x344: {  	[tilespmem:s15+$0x70] =	vst v34;
	v5 =	vsub.f32 v5, v8;
	v13 =	vmul.f32 s25, v13;
	v15 =	vmul.f32 v15, v49  }
0x345: {  	v9 =	vadd.f32 v11, v42;
	[tilespmem:s7+$0x8CB0] =	vst v3  }
0x346: {  	[tilespmem:s23+$0xFFFFFF80] =	vst v34;
	v3 =	vmul.f32 v5, v37;
	v5 =	vsub.f32 v13, v54;
	v13 =	vadd.f32 v15, v51;
	v15 =	vld [tilespmem:s10+$0x40]  }
0x347: {  	[tilespmem:s11+$0x8CC0] =	vst v9;
	v9 =	vmul.f32 s24, v17  }
0x348: {  	[tilespmem:s10+$0xFFFFFFA0] =	vst v34;
	v11 =	vld [tilespmem:s10+$0xFFFFFFB0];
	v3 =	vadd.f32 v3, v38  }
0x349: {  	v5 =	vmul.f32 v5, v49;
	[tilespmem:s29+$0x8C90] =	vst v13;
	v9 =	vsub.f32 v9, v56  }
0x34a: {  	[tilespmem:s22+$0x8CE0] =	vst v3;
	v3 =	vld [tilespmem:s23+$0x20]  }
0x34b: {  	[tilespmem:s20+$0x50] =	vst v34;
	v17 =	vld [tilespmem:s20+$0xFFFFFFD0];
	v5 =	vadd.f32 v5, v51;
	v9 =	vmul.f32 v9, v37;
	v13 =	vmul.f32 s9, v15  }
0x34c: {  	s3 =	sadd.s32 $0x100, s23;
	[tilespmem:s20+$0xFFFFFFC0] =	vst v34  }
0x34d: {  	s28 =	simm.s32 $0x8;
	v18 =	vld [tilespmem:s3+$0xFFFFFF80];
	v11 =	vmul.f32 s12, v11;
	[tilespmem:s0+$0x8C90] =	vst v5;
	v5 =	vadd.f32 v9, v38;
	v13 =	vsub.f32 v13, v53  }
0x34e: {  	s8 =	sand.u32 $0x8, s28;
	s13 =	simm.s32 $0x9;
	[tilespmem:s15+$0xFFFFFFE0] =	vst v34;
	v9 =	vld [tilespmem:s3+$0x0]  }
0x34f: {  	s14 =	sor.u32 $0x10, s8;
	s4 =	sand.u32 $0x7, s13;
	v15 =	vld [tilespmem:s15+$0xFFFFFFF0];
	[tilespmem:s1+$0x8CE0] =	vst v5;
	v5 =	vsub.f32 v11, v52;
	v3 =	vmul.f32 s26, v3;
	v11 =	vmul.f32 v13, v41  }
0x350: {  	s2 =	sor.u32 s4, s14;
	v17 =	vmul.f32 s21, v17;
	s8 =	sld [smem:$0x9];
	v13 =	vld [tilespmem:s20+$0x70]  }
0x351: {  	s13 =	sand.u32 $0x6, s28;
	[tilespmem:s23+$0xFFFFFF90] =	vst v34;
	s16 =	sld [smem:s2+$0x0];
	v3 =	vsub.f32 v3, v55;
	v11 =	vadd.f32 v11, v42  }
0x352: {  	s5 =	sor.u32 s13, s14;
	v17 =	vsub.f32 v17, v43;
	v19 =	vld [tilespmem:s23+$0xFFFFFFA0];
	v5 =	vmul.f32 v5, v44;
	s2 =	sld [smem:$0x8];
	[tilespmem:s10+$0x30] =	vst v34  }
0x353: {  	s5 =	sld [smem:s5+$0x0];
	v9 =	vmul.f32 s8, v9;
	v20 =	vmul.f32 v3, v46;
	[tilespmem:s7+$0x8CC0] =	vst v11  }
0x354: {  	[tilespmem:s23+$0x10] =	vst v34;
	v5 =	vadd.f32 v5, v45;
	v3 =	vmov s16;
	v11 =	vmul.f32 v17, v39;
	v17 =	vld [tilespmem:s10+$0x50]  }
0x355: {  	s6 =	simm.s32 $0x40;
	[tilespmem:s20+$0x60] =	vst v34;
	v9 =	vsub.f32 v9, v3;
	v20 =	vadd.f32 v20, v47;
	v13 =	vmul.f32 s24, v13  }
0x356: {  	s17 =	sand.u32 $0x40, s6;
	[tilespmem:s31+$0x8CB0] =	vst v5;
	v18 =	vmul.f32 s2, v18;
	v5 =	vmov s5  }
0x357: {  	s4 =	sor.u32 s4, s17;
	v11 =	vadd.f32 v11, v40;
	v9 =	vmul.f32 v9, v48;
	[tilespmem:s29+$0x8CA0] =	vst v20;
	v13 =	vsub.f32 v13, v56  }
0x358: {  	s4 =	sadd.s32 s30, s4;
	[tilespmem:s10+$0x40] =	vst v34;
	v18 =	vsub.f32 v18, v5;
	v20 =	vld [tilespmem:s23+$0x30]  }
0x359: {  	s4 =	sshll.u32 s4, $0x7;
	[tilespmem:s11+$0x8CD0] =	vst v11;
	v9 =	vadd.f32 v9, v50;
	v13 =	vmul.f32 v13, v35;
	v11 =	vmul.f32 s9, v17  }
0x35a: {  	s18 =	sor.u32 s17, s13;
	v19 =	vmul.f32 s25, v19;
	s24 =	sand.u32 $0x3FFFFF80, s4;
	[tilespmem:s10+$0xFFFFFFB0] =	vst v34;
	v18 =	vmul.f32 v18, v48;
	v17 =	vld [tilespmem:s10+$0xFFFFFFC0]  }
0x35b: {  	s4 =	sadd.s32 s30, s18;
	[tilespmem:s24+$0x8C80] =	vst v9;
	v9 =	vsub.f32 v11, v53;
	v11 =	vadd.f32 v13, v36  }
0x35c: {  	s4 =	sshll.u32 s4, $0x7;
	[tilespmem:s23+$0x20] =	vst v34;
	v18 =	vadd.f32 v18, v50;
	v13 =	vsub.f32 v19, v54;
	v19 =	vld [tilespmem:s3+$0x10]  }
0x35d: {  	v21 =	vld [tilespmem:s20+$0xFFFFFFE0];
	v20 =	vmul.f32 s26, v20;
	v9 =	vmul.f32 v9, v39;
	[tilespmem:s1+$0x8CF0] =	vst v11;
	s1 =	sand.u32 $0x3FFFFF80, s4  }
0x35e: {  	v11 =	vmul.f32 v13, v46;
	[tilespmem:s1+$0x8C80] =	vst v18  }
0x35f: {  	[tilespmem:s20+$0xFFFFFFD0] =	vst v34;
	v13 =	vmul.f32 s12, v17;
	v17 =	vsub.f32 v20, v55;
	v9 =	vadd.f32 v9, v40;
	v18 =	vld [tilespmem:s3+$0xFFFFFF90]  }
0x360: {  	[tilespmem:s3+$0x0] =	vst v34;
	v11 =	vadd.f32 v11, v47  }
0x361: {  	v13 =	vsub.f32 v13, v52;
	v19 =	vmul.f32 s8, v19;
	v17 =	vmul.f32 v17, v44;
	[tilespmem:s7+$0x8CD0] =	vst v9  }
0x362: {  	[tilespmem:s20+$0x70] =	vst v34;
	v9 =	vmul.f32 s21, v21;
	v63 =	vld [tilespmem:s10+$0x60]  }
0x363: {  	[tilespmem:s0+$0x8CA0] =	vst v11;
	v13 =	vmul.f32 v13, v41;
	v19 =	vsub.f32 v19, v3;
	v11 =	vadd.f32 v17, v45  }
0x364: {  	v15 =	vmul.f32 s19, v15;
	[tilespmem:s3+$0xFFFFFF80] =	vst v34;
	v9 =	vsub.f32 v9, v43;
	v18 =	vmul.f32 s2, v18  }
0x365: {  	v17 =	vld [tilespmem:s23+$0xFFFFFFB0];
	v13 =	vadd.f32 v13, v42;
	v19 =	vmul.f32 v19, v49;
	[tilespmem:s29+$0x8CB0] =	vst v11  }
0x366: {  	v8 =	vsub.f32 v15, v8;
	[tilespmem:s23+$0xFFFFFFA0] =	vst v34;
	v9 =	vmul.f32 v9, v37;
	v15 =	vld [tilespmem:s23+$0x40];
	v11 =	vsub.f32 v18, v5  }
0x367: {  	v18 =	vadd.f32 v19, v51;
	[tilespmem:s31+$0x8CC0] =	vst v13;
	v13 =	vmul.f32 s9, v63  }
0x368: {  	v9 =	vadd.f32 v9, v38;
	[tilespmem:s10+$0xFFFFFFC0] =	vst v34;
	v19 =	vmul.f32 v11, v49;
	v11 =	vld [tilespmem:s10+$0xFFFFFFD0]  }
0x369: {  	[tilespmem:s24+$0x8C90] =	vst v18;
	v13 =	vsub.f32 v13, v53  }
0x36a: {  	v8 =	vmul.f32 v8, v35;
	v17 =	vmul.f32 s25, v17;
	[tilespmem:s11+$0x8CE0] =	vst v9;
	v56 =	vld [tilespmem:s3+$0x20]  }
0x36b: {  	v58 =	vadd.f32 v19, v51;
	[tilespmem:s20+$0xFFFFFFE0] =	vst v34;
	v15 =	vmul.f32 s26, v15;
	v13 =	vmul.f32 v13, v37  }
0x36c: {  	s19 =	smov.u32 s3;
	s5 =	simm.s32 $0x9;
	v8 =	vadd.f32 v8, v36;
	v57 =	vsub.f32 v17, v54;
	v9 =	vld [tilespmem:s20+$0xFFFFFFF0];
	[smem:$0x7F1] =	sst s15  }
.LBB2_12:
0x36d: {  	[tilespmem:s1+$0x8C90] =	vst v58;
	s3 =	sadd.s32 $0x100, s3;
	v15 =	vsub.f32 v15, v55;
	v11 =	vmul.f32 s12, v11;
	v13 =	vadd.f32 v13, v38;
	s4 =	smov.u32 s28;
	s28 =	sadd.s32 $0x2, s28  }
0x36e: {  	s13 =	sand.u32 $0x8, s28;
	s14 =	sand.u32 $0x6, s28;
	s4 =	sadd.s32 $0x3, s4;
	v17 =	vld [tilespmem:s3+$0x0];
	v18 =	vmul.f32 v57, v44;
	[tilespmem:s10+$0x50] =	vst v34  }
0x36f: {  	s5 =	sadd.s32 $0x2, s5;
	s13 =	sor.u32 $0x10, s13;
	v19 =	vld [tilespmem:s3+$0xFFFFFF80];
	s4 =	sand.u32 $0x7, s4;
	v20 =	vmul.f32 s8, v56;
	v15 =	vmul.f32 v15, v41;
	v11 =	vsub.f32 v11, v52;
	[tilespmem:s7+$0x8CE0] =	vst v13  }
0x370: {  	s16 =	sor.u32 s14, s13;
	s17 =	sld [smem:s5+$0x0];
	s13 =	sor.u32 s4, s13;
	[tilespmem:s19+$0xFFFFFF90] =	vst v34;
	v13 =	vadd.f32 v18, v45;
	v18 =	vld [tilespmem:s10+$0x70]  }
0x371: {  	p1 =	slt.u32 s28, $0xE;
	s13 =	sld [smem:s13+$0x0];
	v21 =	vld [tilespmem:s19+$0xFFFFFFA0];
	v20 =	vsub.f32 v20, v3;
	v15 =	vadd.f32 v15, v42;
	v11 =	vmul.f32 v11, v39;
	[tilespmem:s22+$0x8CF0] =	vst v8;
	s22 =	smov.u32 s11  }
0x372: {  	v8 =	vmul.f32 s21, v9;
	s21 =	smov.u32 s12;
	s12 =	smov.u32 s25;
	s18 =	sld [smem:s5+$0xFFFFFFFF];
	[tilespmem:s23+$0x30] =	vst v34  }
0x373: {  	s25 =	smov.u32 s2;
	s11 =	smov.u32 s31;
	s16 =	sld [smem:s16+$0x0];
	v9 =	vmul.f32 s17, v17;
	v17 =	vmul.f32 v20, v46;
	[tilespmem:s29+$0x8CC0] =	vst v15;
	v11 =	vadd.f32 v11, v40  }
0x374: {  	s31 =	smov.u32 s0;
	v8 =	vsub.f32 v8, v43;
	v43 =	vmovc v52;
	v52 =	vmovc v54;
	v54 =	vmov v5;
	v15 =	vmov s13;
	[tilespmem:s0+$0x8CB0] =	vst v13;
	v13 =	vld [tilespmem:s23+$0x50];
	s0 =	smov.u32 s1  }
0x375: {  	s6 =	sadd.s32 $0x10, s6;
	v9 =	vsub.f32 v9, v15;
	v17 =	vadd.f32 v17, v47;
	[tilespmem:s23+$0xFFFFFFB0] =	vst v34;
	v20 =	vld [tilespmem:s23+$0xFFFFFFC0];
	v18 =	vmul.f32 s9, v18;
	s9 =	smov.u32 s26;
	s26 =	smov.u32 s8  }
0x376: {  	s1 =	sand.u32 $0x40, s6;
	v19 =	vmul.f32 s18, v19;
	s8 =	smov.u32 s17;
	s2 =	smov.u32 s18;
	v5 =	vmov s16;
	v21 =	vmul.f32 s25, v21;
	[tilespmem:s19+$0x10] =	vst v34  }
0x377: {  	s13 =	sor.u32 s1, s14;
	s1 =	sor.u32 s4, s1;
	v8 =	vmul.f32 v8, v35;
	v9 =	vmul.f32 v9, v48;
	[tilespmem:s24+$0x8CA0] =	vst v17;
	v17 =	vsub.f32 v18, v53  }
0x378: {  	s4 =	sadd.s32 s30, s13;
	s1 =	sadd.s32 s30, s1;
	v18 =	vsub.f32 v19, v5;
	v53 =	vmovc v55;
	v55 =	vmov v3;
	v19 =	vsub.f32 v21, v54;
	v21 =	vld [tilespmem:s19+$0x30];
	[tilespmem:s11+$0x8CD0] =	vst v11  }
0x379: {  	s4 =	sshll.u32 s4, $0x7;
	s13 =	sshll.u32 s1, $0x7;
	v3 =	vmovc v15;
	v9 =	vadd.f32 v9, v50;
	v11 =	vmul.f32 s9, v13;
	[tilespmem:s10+$0xFFFFFFD0] =	vst v34;
	v13 =	vld [tilespmem:s10+$0xFFFFFFE0];
	v17 =	vmul.f32 v17, v35  }
0x37a: {  	v8 =	vadd.f32 v8, v36;
	s1 =	sand.u32 $0x3FFFFF80, s4;
	s4 =	sand.u32 $0x3FFFFF80, s13;
	v15 =	vmul.f32 v18, v48;
	v18 =	vmul.f32 v19, v46;
	[tilespmem:s15+$0xFFFFFFF0] =	vst v34;
	s15 =	smov.u32 s20  }
0x37b: {  	s20 =	smov.u32 s10;
	s10 =	smov.u32 s23;
	s23 =	smov.u32 s19;
	[tilespmem:s4+$0x8C80] =	vst v9;
	v9 =	vmul.f32 s12, v20;
	v11 =	vsub.f32 v11, v53;
	v17 =	vadd.f32 v17, v36  }
0x37c: {  	s19 =	smov.u32 s3;
	v15 =	vadd.f32 v15, v50;
	v19 =	vld [tilespmem:s3+$0x10];
	v18 =	vadd.f32 v18, v47;
	[tilespmem:s20+$0x60] =	vst v34  }
0x37d: {  	v20 =	vmul.f32 s26, v21;
	v9 =	vsub.f32 v9, v52;
	v11 =	vmul.f32 v11, v39;
	[tilespmem:s7+$0x8CF0] =	vst v17;
	s7 =	smov.u32 s29;
	s29 =	smov.u32 s24;
	s24 =	smov.u32 s4  }
0x37e: {  	v13 =	vmul.f32 s21, v13;
	[tilespmem:s20+$0x70] =	vst v34  }
0x37f: {  	[tilespmem:s1+$0x8C80] =	vst v15;
	v15 =	vsub.f32 v20, v55;
	v9 =	vmul.f32 v9, v41;
	v11 =	vadd.f32 v11, v40  }
0x380: {  	v17 =	vld [tilespmem:s3+$0xFFFFFF90];
	[tilespmem:s10+$0x40] =	vst v34;
	v13 =	vsub.f32 v13, v43  }
0x381: {  	v19 =	vmul.f32 s8, v19;
	v15 =	vmul.f32 v15, v44;
	v9 =	vadd.f32 v9, v42;
	[tilespmem:s7+$0x8CD0] =	vst v11  }
0x382: {  	[tilespmem:s3+$0xFFFFFF80] =	vst v34;
	v11 =	vld [tilespmem:s10+$0x60];
	v13 =	vmul.f32 v13, v37  }
0x383: {  	v19 =	vsub.f32 v19, v3;
	[tilespmem:s0+$0x8CA0] =	vst v18;
	v15 =	vadd.f32 v15, v45  }
0x384: {  	v18 =	vld [tilespmem:s23+$0xFFFFFFB0];
	[tilespmem:s23+$0x20] =	vst v34;
	v20 =	vadd.f32 v13, v38  }
0x385: {  	v13 =	vmul.f32 s2, v17;
	v17 =	vmul.f32 v19, v49;
	[tilespmem:s29+$0x8CB0] =	vst v15  }
0x386: {  	[tilespmem:s23+$0xFFFFFFA0] =	vst v34;
	v15 =	vld [tilespmem:s23+$0x40]  }
0x387: {  	v13 =	vsub.f32 v13, v5;
	v17 =	vadd.f32 v17, v51;
	[tilespmem:s31+$0x8CC0] =	vst v9;
	v9 =	vmul.f32 s9, v11  }
.Ltmp6:
0x388: {  	[tilespmem:s3+$0x0] =	vst v34;
	v11 =	vld [tilespmem:s10+$0xFFFFFFD0];
	(pc) =	sbr.rel @p1 .LBB2_12-.Ltmp6, $4  }
0x389: {  	v13 =	vmul.f32 v13, v49;
	[tilespmem:s24+$0x8C90] =	vst v17;
	v17 =	vmul.f32 s25, v18;
	v9 =	vsub.f32 v9, v53  }
0x38a: {  	v56 =	vld [tilespmem:s3+$0x20];
	[tilespmem:s10+$0xFFFFFFC0] =	vst v34  }
0x38b: {  	v58 =	vadd.f32 v13, v51;
	v15 =	vmul.f32 s26, v15;
	v13 =	vmul.f32 v9, v37;
	[tilespmem:s11+$0x8CE0] =	vst v20  }
0x38c: {  	v57 =	vsub.f32 v17, v54;
	[tilespmem:s20+$0xFFFFFFE0] =	vst v34;
	v9 =	vld [tilespmem:s20+$0xFFFFFFF0]  }
0x38d: {  	[tilespmem:s1+$0x8C90] =	vst v58  }
0x38e: {  	v17 =	vld [tilespmem:s19+$0xFFFFFFA0];
	_ =	sdelay $0x1  }
0x38f: {  	v18 =	vmul.f32 s8, v56;
	_ =	sdelay $0x1  }
0x390: {  	v18 =	vsub.f32 v18, v3  }
0x391: {  	v17 =	vmul.f32 s2, v17  }
0x392: {  	v18 =	vmul.f32 v18, v46  }
0x393: {  	v17 =	vsub.f32 v17, v5  }
0x394: {  	v18 =	vadd.f32 v18, v47  }
0x395: {  	[tilespmem:s19+$0x10] =	vst v34;
	v17 =	vmul.f32 v17, v46  }
0x396: {  	[tilespmem:s24+$0x8CA0] =	vst v18  }
0x397: {  	v18 =	vld [tilespmem:s19+$0x30];
	v17 =	vadd.f32 v17, v47  }
0x398: {  	[tilespmem:s19+$0xFFFFFF90] =	vst v34  }
0x399: {  	[tilespmem:s1+$0x8CA0] =	vst v17  }
0x39a: {  	v17 =	vld [tilespmem:s19+$0xFFFFFFB0];
	_ =	sdelay $0x1  }
0x39b: {  	v18 =	vmul.f32 s8, v18;
	_ =	sdelay $0x1  }
0x39c: {  	v19 =	vmul.f32 v57, v44;
	v18 =	vsub.f32 v18, v3  }
0x39d: {  	v17 =	vmul.f32 s2, v17  }
0x39e: {  	v19 =	vadd.f32 v19, v45;
	v18 =	vmul.f32 v18, v44  }
0x39f: {  	v17 =	vsub.f32 v17, v5  }
0x3a0: {  	[tilespmem:s0+$0x8CB0] =	vst v19;
	v18 =	vadd.f32 v18, v45  }
0x3a1: {  	v19 =	vld [tilespmem:s23+$0xFFFFFFC0];
	[tilespmem:s19+$0x20] =	vst v34;
	v17 =	vmul.f32 v17, v44  }
0x3a2: {  	[tilespmem:s24+$0x8CB0] =	vst v18  }
0x3a3: {  	v18 =	vld [tilespmem:s19+$0x40];
	v17 =	vadd.f32 v17, v45  }
0x3a4: {  	[tilespmem:s19+$0xFFFFFFA0] =	vst v34  }
0x3a5: {  	v15 =	vsub.f32 v15, v55;
	[tilespmem:s1+$0x8CB0] =	vst v17  }
0x3a6: {  	v17 =	vmul.f32 s25, v19;
	v19 =	vld [tilespmem:s19+$0xFFFFFFC0]  }
0x3a7: {  	v15 =	vmul.f32 v15, v41  }
0x3a8: {  	v17 =	vsub.f32 v17, v54;
	v18 =	vmul.f32 s8, v18  }
0x3a9: {  	v15 =	vadd.f32 v15, v42  }
0x3aa: {  	[tilespmem:s23+$0x30] =	vst v34;
	v17 =	vmul.f32 v17, v41;
	v18 =	vsub.f32 v18, v3  }
0x3ab: {  	[tilespmem:s29+$0x8CC0] =	vst v15;
	v19 =	vmul.f32 s2, v19  }
0x3ac: {  	v15 =	vadd.f32 v17, v42;
	v17 =	vld [tilespmem:s23+$0x50];
	v18 =	vmul.f32 v18, v41  }
0x3ad: {  	[tilespmem:s23+$0xFFFFFFB0] =	vst v34;
	v19 =	vsub.f32 v19, v5  }
0x3ae: {  	v11 =	vmul.f32 s12, v11;
	[tilespmem:s0+$0x8CC0] =	vst v15;
	v18 =	vadd.f32 v18, v42  }
0x3af: {  	[tilespmem:s19+$0x30] =	vst v34;
	v15 =	vld [tilespmem:s23+$0xFFFFFFD0];
	v19 =	vmul.f32 v19, v41  }
0x3b0: {  	v11 =	vsub.f32 v11, v52;
	[tilespmem:s24+$0x8CC0] =	vst v18  }
0x3b1: {  	v17 =	vmul.f32 s26, v17;
	v18 =	vadd.f32 v19, v42;
	v19 =	vld [tilespmem:s19+$0x50]  }
0x3b2: {  	v11 =	vmul.f32 v11, v39;
	[tilespmem:s19+$0xFFFFFFB0] =	vst v34  }
0x3b3: {  	v13 =	vadd.f32 v13, v38;
	v17 =	vsub.f32 v17, v55;
	[tilespmem:s1+$0x8CC0] =	vst v18  }
0x3b4: {  	[tilespmem:s10+$0x50] =	vst v34;
	v11 =	vadd.f32 v11, v40;
	v15 =	vmul.f32 s25, v15;
	v18 =	vld [tilespmem:s19+$0xFFFFFFD0]  }
0x3b5: {  	[tilespmem:s7+$0x8CE0] =	vst v13;
	v13 =	vmul.f32 v17, v39  }
0x3b6: {  	[tilespmem:s31+$0x8CD0] =	vst v11;
	v15 =	vsub.f32 v15, v54;
	v11 =	vmul.f32 s8, v19  }
0x3b7: {  	v13 =	vadd.f32 v13, v40  }
0x3b8: {  	[tilespmem:s23+$0x40] =	vst v34;
	v15 =	vmul.f32 v15, v39;
	v11 =	vsub.f32 v11, v3  }
0x3b9: {  	[tilespmem:s29+$0x8CD0] =	vst v13;
	v17 =	vmul.f32 s2, v18  }
0x3ba: {  	[tilespmem:s22+$0x8CF0] =	vst v8;
	v13 =	vadd.f32 v15, v40;
	v15 =	vld [tilespmem:s23+$0x60];
	v11 =	vmul.f32 v11, v39  }
0x3bb: {  	[tilespmem:s23+$0xFFFFFFC0] =	vst v34;
	v17 =	vsub.f32 v17, v5  }
0x3bc: {  	v9 =	vmul.f32 s21, v9;
	[tilespmem:s19+$0x40] =	vst v34;
	v18 =	vld [tilespmem:s10+$0xFFFFFFE0];
	v11 =	vadd.f32 v11, v40  }
0x3bd: {  	[tilespmem:s0+$0x8CD0] =	vst v13;
	v13 =	vmul.f32 v17, v39;
	v17 =	vld [tilespmem:s10+$0x70]  }
0x3be: {  	v9 =	vsub.f32 v9, v43;
	[tilespmem:s24+$0x8CD0] =	vst v11  }
0x3bf: {  	[tilespmem:s15+$0xFFFFFFF0] =	vst v34;
	v11 =	vadd.f32 v13, v40;
	v13 =	vmul.f32 s26, v15;
	v15 =	vld [tilespmem:s19+$0x60]  }
0x3c0: {  	v9 =	vmul.f32 v9, v35;
	[tilespmem:s19+$0xFFFFFFC0] =	vst v34;
	v19 =	vld [tilespmem:s23+$0xFFFFFFE0]  }
0x3c1: {  	v18 =	vmul.f32 s12, v18;
	[tilespmem:s1+$0x8CD0] =	vst v11;
	v11 =	vsub.f32 v13, v55  }
0x3c2: {  	[tilespmem:s10+$0x60] =	vst v34;
	v9 =	vadd.f32 v9, v36;
	v13 =	vmul.f32 s9, v17  }
0x3c3: {  	[tilespmem:s10+$0xFFFFFFD0] =	vst v34;
	v17 =	vsub.f32 v18, v52;
	v8 =	vmul.f32 v11, v37  }
0x3c4: {  	[tilespmem:s11+$0x8CF0] =	vst v9;
	v18 =	vld [tilespmem:s19+$0xFFFFFFE0];
	v11 =	vsub.f32 v13, v53;
	v15 =	vmul.f32 s8, v15  }
0x3c5: {  	[tilespmem:s20+$0xFFFFFFF0] =	vst v34;
	v13 =	vmul.f32 v17, v37;
	v17 =	vmul.f32 s25, v19;
	v8 =	vadd.f32 v8, v38  }
0x3c6: {  	[tilespmem:s23+$0x50] =	vst v34;
	v11 =	vmul.f32 v11, v35;
	v15 =	vsub.f32 v15, v3  }
0x3c7: {  	v13 =	vadd.f32 v13, v38;
	[tilespmem:s29+$0x8CE0] =	vst v8;
	v8 =	vsub.f32 v17, v54  }
0x3c8: {  	[tilespmem:s23+$0xFFFFFFD0] =	vst v34;
	v11 =	vadd.f32 v11, v36;
	v15 =	vmul.f32 v15, v37  }
0x3c9: {  	v17 =	vmul.f32 s2, v18;
	[tilespmem:s31+$0x8CE0] =	vst v13;
	v13 =	vld [tilespmem:s23+$0x70];
	v8 =	vmul.f32 v8, v37  }
0x3ca: {  	[tilespmem:s7+$0x8CF0] =	vst v11;
	v11 =	vld [tilespmem:s10+$0xFFFFFFF0];
	v15 =	vadd.f32 v15, v38  }
0x3cb: {  	[tilespmem:s19+$0x50] =	vst v34;
	v17 =	vsub.f32 v17, v5;
	v8 =	vadd.f32 v8, v38  }
0x3cc: {  	[tilespmem:s24+$0x8CE0] =	vst v15  }
0x3cd: {  	v17 =	vmul.f32 v17, v37;
	[tilespmem:s0+$0x8CE0] =	vst v8;
	v8 =	vld [tilespmem:s19+$0x70]  }
0x3ce: {  	[tilespmem:s19+$0xFFFFFFD0] =	vst v34;
	v13 =	vmul.f32 s26, v13  }
0x3cf: {  	[tilespmem:s23+$0x60] =	vst v34;
	v15 =	vadd.f32 v17, v38;
	v17 =	vld [tilespmem:s23+$0xFFFFFFF0];
	v11 =	vmul.f32 s12, v11  }
0x3d0: {  	[tilespmem:s10+$0xFFFFFFE0] =	vst v34;
	v13 =	vsub.f32 v13, v55  }
0x3d1: {  	[tilespmem:s10+$0x70] =	vst v34;
	v11 =	vsub.f32 v11, v52  }
0x3d2: {  	[tilespmem:s19+$0x60] =	vst v34;
	v13 =	vmul.f32 v13, v35;
	v8 =	vmul.f32 s8, v8  }
0x3d3: {  	[tilespmem:s23+$0xFFFFFFE0] =	vst v34;
	v9 =	vmul.f32 v11, v35  }
0x3d4: {  	[tilespmem:s1+$0x8CE0] =	vst v15;
	v11 =	vadd.f32 v13, v36;
	v13 =	vmul.f32 s25, v17;
	v3 =	vsub.f32 v8, v3  }
0x3d5: {  	[tilespmem:s19+$0xFFFFFFE0] =	vst v34;
	v15 =	vld [tilespmem:s19+$0xFFFFFFF0]  }
0x3d6: {  	v8 =	vadd.f32 v9, v36;
	[tilespmem:s29+$0x8CF0] =	vst v11;
	v9 =	vsub.f32 v13, v54;
	v3 =	vmul.f32 v3, v35  }
0x3d7: {  	[tilespmem:s23+$0x70] =	vst v34  }
0x3d8: {  	[tilespmem:s31+$0x8CF0] =	vst v8;
	v8 =	vmul.f32 v9, v35;
	v3 =	vadd.f32 v3, v36  }
0x3d9: {  	[tilespmem:s10+$0xFFFFFFF0] =	vst v34  }
0x3da: {  	v11 =	vmul.f32 s2, v15;
	v8 =	vadd.f32 v8, v36;
	[tilespmem:s24+$0x8CF0] =	vst v3  }
0x3db: {  	[tilespmem:s19+$0x70] =	vst v34  }
0x3dc: {  	v5 =	vsub.f32 v11, v5;
	[tilespmem:s0+$0x8CF0] =	vst v8  }
0x3dd: {  	[tilespmem:s23+$0xFFFFFFF0] =	vst v34  }
0x3de: {  	v3 =	vmul.f32 v5, v35;
	s5 =	sld [smem:$0x7F0];
	_ =	sdelay $0x1  }
0x3df: {  	v3 =	vadd.f32 v3, v36  }
0x3e0: {  	s5 =	sadd.s32 $0x1, s5  }
0x3e1: {  	[tilespmem:s1+$0x8CF0] =	vst v3;
	p1 =	sne.s32 s5, $0x8  }
.Ltmp7:
0x3e2: {  	[tilespmem:s19+$0xFFFFFFF0] =	vst v34;
	(pc) =	sbr.rel @p1 .LBB2_11-.Ltmp7, $2  }
0x3e3: {  	s15 =	sld [smem:$0x7F1];
	_ =	sdelay $0x2  }
0x3e4: {  	s15 =	sadd.s32 $0x800, s15  }
0x3e5: {  	s4 =	sld [smem:$0x7F6];
	_ =	sdelay $0x2  }
0x3e6: {  	s0 =	sshll.u32 s4, $0x8  }
0x3e7: {  	s1 =	rddreg [dreg:$0x7];
	s0 =	sand.u32 $0x3FFFFF00, s0  }
0x3e8: {  	s2 =	simm.s32 $0x80;
	s3 =	simm.s32 $0x8C80;
	s0 =	sadd.s32 $0x400, s0  }
0x3e9: {  	[hbm4b:s1+s2] =	stream.indirect.scatter [tilespmem:s3], [sflag:$0x3], $0x80, s0, s2, $0xb8;
	[tilespmem:$0x11E80] =	vst v63  }
0x3ea: {  	s0 =	sld [smem:$0x7F4];
	_ =	sdelay $0x1  }
0x3eb: {  	p1 =	seq.s32 s4, $0x7  }
0x3ec: {  	s0 =	sadd.s32 @!p1 $0x20, s0  }
0x3ed: {  	s1 =	sand.u32 @!p1 $0x1E0, s0  }
0x3ee: {  	v3 =	vld @!p1 [tilespmem:s1+$0x0];
	s1 =	sld [smem:$0x7FA];
	_ =	sdelay $0x2  }
0x3ef: {  	v5 =	vlaneseq.u32 @!p1;
	s0 =	sadd.s32 @!p1 s1, s0  }
0x3f0: {  	v8 =	vmul.u32 @!p1 $0x8, v5;
	v9 =	vmov @!p1 s0  }
0x3f1: {  	v11 =	vshll.u32 @!p1 v3, $0x3;
	v9 =	vshll.u32 @!p1 v9, $0x3  }
0x3f2: {  	v3 =	vand.u32 @!p1 $0x7, v3;
	v11 =	vand.u32 @!p1 $0xFFFFFFC0, v11;
	v8 =	vor.u32 @!p1 v8, v9  }
0x3f3: {  	v3 =	vor.u32 @!p1 v3, v11;
	v9 =	vand.u32 @!p1 $0x7FFFFFC0, v8;
	v11 =	vand.u32 @!p1 $0x7, v5  }
0x3f4: {  	v13 =	vor.u32 @!p1 v11, v9;
	[tilespmem:$0x200] =	vst @!p1 v3  }
0x3f5: {  	v15 =	vor.u32 @!p1 $0x8, v11;
	[tilespmem:$0x280] =	vst @!p1 v13;
	v13 =	vor.u32 @!p1 $0x8, v3  }
0x3f6: {  	[tilespmem:$0x210] =	vst @!p1 v13;
	v13 =	vor.u32 @!p1 v15, v9  }
0x3f7: {  	v15 =	vor.u32 @!p1 $0x10, v11;
	[tilespmem:$0x290] =	vst @!p1 v13;
	v13 =	vor.u32 @!p1 $0x10, v3  }
0x3f8: {  	[tilespmem:$0x220] =	vst @!p1 v13;
	v13 =	vor.u32 @!p1 v15, v9  }
0x3f9: {  	v15 =	vor.u32 @!p1 $0x18, v11;
	[tilespmem:$0x2A0] =	vst @!p1 v13;
	v13 =	vor.u32 @!p1 $0x18, v3  }
0x3fa: {  	[tilespmem:$0x230] =	vst @!p1 v13;
	v13 =	vor.u32 @!p1 v15, v9  }
0x3fb: {  	v15 =	vor.u32 @!p1 $0x20, v11;
	[tilespmem:$0x2B0] =	vst @!p1 v13;
	v13 =	vor.u32 @!p1 $0x20, v3  }
0x3fc: {  	[tilespmem:$0x240] =	vst @!p1 v13;
	v13 =	vor.u32 @!p1 v15, v9  }
0x3fd: {  	v15 =	vor.u32 @!p1 $0x28, v11;
	[tilespmem:$0x2C0] =	vst @!p1 v13;
	v13 =	vor.u32 @!p1 $0x28, v3  }
0x3fe: {  	v11 =	vor.u32 @!p1 $0x30, v11;
	[tilespmem:$0x250] =	vst @!p1 v13;
	v13 =	vor.u32 @!p1 v15, v9  }
0x3ff: {  	v9 =	vor.u32 @!p1 v11, v9;
	[tilespmem:$0x2D0] =	vst @!p1 v13  }
0x400: {  	v13 =	vor.u32 @!p1 $0x30, v3;
	[tilespmem:$0x2E0] =	vst @!p1 v9  }
0x401: {  	s21 =	sld [smem:$0x7F7];
	v5 =	vor.u32 @!p1 $0x38, v5;
	v3 =	vor.u32 @!p1 $0x38, v3;
	[tilespmem:$0x260] =	vst @!p1 v13  }
0x402: {  	s22 =	sld [smem:$0x7F5];
	s2 =	simm.s32 @!p1 $0xC80;
	[tilespmem:$0x270] =	vst @!p1 v3;
	v3 =	vor.u32 @!p1 v5, v8  }
0x403: {  	s3 =	rddreg [dreg:$0x2];
	s1 =	simm.s32 @!p1 $0x200;
	s0 =	simm.s32 @!p1 $0x80;
	[tilespmem:$0x2F0] =	vst @!p1 v3  }
0x404: {  	[tilespmem:s2], [sflag:$0x1] =	stream.indirect.gather.add.f32 @!p1 [hbm:s3], $0x80, s1, s0, $0xb8;
	[tilespmem:$0x11E80] =	vst v63  }
0x405: {  	s1 =	simm.s32 @!p1 $0x280;
	s3 =	rddreg [dreg:$0x3]  }
0x406: {  	[tilespmem:s2], [sflag:$0x1] =	stream.indirect.gather.add.f32 @!p1 [hbm:s3], $0x80, s1, s0, $0xb8;
	[tilespmem:$0x11E80] =	vst v63  }
0x407: {  	s0 =	sshll.u32 s21, $0x4  }
0x408: {  	s0 =	sand.u32 $0x70, s0  }
0x409: {  	s0 =	sadd.s32 s0, s22  }
0x40a: {  	v3 =	vld [tilespmem:s0+$0x0];
	_ =	sdelay $0x4  }
0x40b: {  	v3 =	vshll.u32 v3, $0x3  }
0x40c: {  	(v2sf) =	vpush v3, $0x0  }
0x40d: {  	(v2sf) =	vpush v3, $0x1  }
0x40e: {  	(v2sf) =	vpush v3, $0x2  }
0x40f: {  	(v2sf) =	vpush v3, $0x3  }
0x410: {  	(v2sf) =	vpush v3, $0x4  }
0x411: {  	(v2sf) =	vpush v3, $0x5  }
0x412: {  	(v2sf) =	vpush v3, $0x6  }
0x413: {  	(v2sf) =	vpush v3, $0x7  }
0x414: {  	(v2sf) =	vpush v3, $0x8  }
0x415: {  	(v2sf) =	vpush v3, $0x9  }
0x416: {  	(v2sf) =	vpush v3, $0xA  }
0x417: {  	(v2sf) =	vpush v3, $0xB  }
0x418: {  	(v2sf) =	vpush v3, $0xC  }
0x419: {  	(v2sf) =	vpush v3, $0xD  }
0x41a: {  	(v2sf) =	vpush v3, $0xE  }
0x41b: {  	s23 =	spop (v2sf);
	(v2sf) =	vpush v3, $0xF  }
0x41c: {  	s24 =	spop (v2sf);
	[dreg:$0x19] =	wrdreg s23  }
0x41d: {  	s25 =	spop (v2sf);
	[dreg:$0x1a] =	wrdreg s24  }
0x41e: {  	s26 =	spop (v2sf);
	[dreg:$0x1b] =	wrdreg s25  }
0x41f: {  	s28 =	spop (v2sf);
	[dreg:$0x1c] =	wrdreg s26  }
0x420: {  	s29 =	spop (v2sf);
	[dreg:$0x1d] =	wrdreg s28  }
0x421: {  	s30 =	spop (v2sf);
	[dreg:$0x1e] =	wrdreg s29  }
0x422: {  	s31 =	spop (v2sf);
	[dreg:$0x1f] =	wrdreg s30  }
0x423: {  	s2 =	spop (v2sf);
	[smem:$0x7E7] =	sst s31  }
0x424: {  	s3 =	spop (v2sf);
	[smem:$0x7E8] =	sst s2  }
0x425: {  	s4 =	spop (v2sf);
	[smem:$0x7E9] =	sst s3  }
0x426: {  	s5 =	spop (v2sf);
	[smem:$0x7EA] =	sst s4  }
0x427: {  	s6 =	spop (v2sf);
	[smem:$0x7EB] =	sst s5  }
0x428: {  	s7 =	spop (v2sf);
	[smem:$0x7EC] =	sst s6  }
0x429: {  	s8 =	spop (v2sf);
	[smem:$0x7ED] =	sst s7  }
0x42a: {  	[smem:$0x7EE] =	sst s8;
	s9 =	spop (v2sf)  }
0x42b: {  	s10 =	simm.s32 $0x2;
	[smem:$0x7EF] =	sst s9  }
0x42c: {  	_ =	swait.ge [sflag:s10], $0x4000  }
0x42d: {  	[sflag:s10] =	ssyncset.done $0x0  }
0x42e: {  	[sflag:s10] =	ssyncadd.s32 $0xFFFFC000  }
0x42f: {  	_ =	swait.ge [sflag:s10], $0x4000  }
0x430: {  	[sflag:s10] =	ssyncset.done $0x0  }
0x431: {  	s1 =	simm.s32 @!p0 $0x4;
	[sflag:s10] =	ssyncadd.s32 $0xFFFFC000  }
0x432: {  	_ =	swait.ge @!p0 [sflag:s1], $0x4000  }
0x433: {  	s0 =	simm.s32 $0x0;
	s11 =	rddreg [dreg:$0x19]  }
0x434: {  	s12 =	simm.s32 $0x0;
	s13 =	sand.u32 $0x70, s0;
	s2 =	sadd.s32 $0x0, s11  }
0x435: {  	s4 =	sand.u32 $0x3FFFF800, s12;
	[sflag:s1] =	ssyncset.done @!p0 $0x0;
	s2 =	sshll.u32 s2, $0x9  }
0x436: {  	s7 =	sor.u32 s13, s4;
	[sflag:s1] =	ssyncadd.s32 @!p0 $0xFFFFC000;
	s14 =	sshra.s32 s2, $0x2  }
0x437: {  	v3 =	vld [tilespmem:s7+$0x4C80];
	s1 =	sor.u32 s13, s14  }
0x438: {  	v5 =	vld [tilespmem:s1+$0x10C80];
	_ =	sdelay $0x2  }
0x439: {  	s15 =	rddreg [dreg:$0x1a]  }
0x43a: {  	s1 =	sadd.s32 $0x0, s15  }
0x43b: {  	s1 =	sshll.u32 s1, $0x9;
	v3 =	vadd.f32 v5, v3  }
0x43c: {  	s1 =	sshra.s32 s1, $0x2  }
0x43d: {  	s1 =	sor.u32 s13, s1;
	v5 =	vld [tilespmem:s7+$0x4D00];
	[tilespmem:s7+$0x4C80] =	vst v3  }
0x43e: {  	v8 =	vld [tilespmem:s1+$0x10C80];
	_ =	sdelay $0x2  }
0x43f: {  	s16 =	rddreg [dreg:$0x1b]  }
0x440: {  	s1 =	sadd.s32 $0x0, s16  }
0x441: {  	s1 =	sshll.u32 s1, $0x9;
	v5 =	vadd.f32 v8, v5  }
0x442: {  	s1 =	sshra.s32 s1, $0x2  }
0x443: {  	s1 =	sor.u32 s13, s1;
	v8 =	vld [tilespmem:s7+$0x4D80];
	[tilespmem:s7+$0x4D00] =	vst v5  }
0x444: {  	v9 =	vld [tilespmem:s1+$0x10C80];
	_ =	sdelay $0x2  }
0x445: {  	s17 =	rddreg [dreg:$0x1c]  }
0x446: {  	s1 =	sadd.s32 $0x0, s17  }
0x447: {  	s1 =	sshll.u32 s1, $0x9;
	v9 =	vadd.f32 v9, v8  }
0x448: {  	s1 =	sshra.s32 s1, $0x2  }
0x449: {  	s1 =	sor.u32 s13, s1;
	v8 =	vld [tilespmem:s7+$0x4E00];
	[tilespmem:s7+$0x4D80] =	vst v9  }
0x44a: {  	v11 =	vld [tilespmem:s1+$0x10C80];
	_ =	sdelay $0x2  }
0x44b: {  	s18 =	rddreg [dreg:$0x1d]  }
0x44c: {  	s1 =	sadd.s32 $0x0, s18  }
0x44d: {  	s1 =	sshll.u32 s1, $0x9;
	v11 =	vadd.f32 v11, v8  }
0x44e: {  	s1 =	sshra.s32 s1, $0x2  }
0x44f: {  	s1 =	sor.u32 s13, s1;
	v8 =	vld [tilespmem:s7+$0x4E80];
	[tilespmem:s7+$0x4E00] =	vst v11  }
0x450: {  	v13 =	vld [tilespmem:s1+$0x10C80];
	_ =	sdelay $0x2  }
0x451: {  	s19 =	rddreg [dreg:$0x1e]  }
0x452: {  	s1 =	sadd.s32 $0x0, s19  }
0x453: {  	s1 =	sshll.u32 s1, $0x9;
	v13 =	vadd.f32 v13, v8  }
0x454: {  	s1 =	sshra.s32 s1, $0x2  }
0x455: {  	s1 =	sor.u32 s13, s1;
	v8 =	vld [tilespmem:s7+$0x4F00];
	[tilespmem:s7+$0x4E80] =	vst v13  }
0x456: {  	v15 =	vld [tilespmem:s1+$0x10C80];
	_ =	sdelay $0x2  }
0x457: {  	s20 =	rddreg [dreg:$0x1f]  }
0x458: {  	s1 =	sadd.s32 $0x0, s20  }
0x459: {  	s1 =	sshll.u32 s1, $0x9;
	v15 =	vadd.f32 v15, v8  }
0x45a: {  	s1 =	sshra.s32 s1, $0x2  }
0x45b: {  	s1 =	sor.u32 s13, s1;
	v8 =	vld [tilespmem:s7+$0x4F80];
	[tilespmem:s7+$0x4F00] =	vst v15  }
0x45c: {  	v17 =	vld [tilespmem:s1+$0x10C80]  }
0x45d: {  	s21 =	sld [smem:$0x7E7];
	_ =	sdelay $0x2  }
0x45e: {  	s1 =	sadd.s32 $0x0, s21  }
0x45f: {  	s1 =	sshll.u32 s1, $0x9;
	v17 =	vadd.f32 v17, v8  }
0x460: {  	s1 =	sshra.s32 s1, $0x2  }
0x461: {  	s1 =	sor.u32 s13, s1;
	v8 =	vld [tilespmem:s7+$0x5000];
	[tilespmem:s7+$0x4F80] =	vst v17  }
0x462: {  	v18 =	vld [tilespmem:s1+$0x10C80]  }
0x463: {  	s22 =	sld [smem:$0x7E8];
	_ =	sdelay $0x2  }
0x464: {  	s1 =	sadd.s32 $0x0, s22  }
0x465: {  	s1 =	sshll.u32 s1, $0x9;
	v18 =	vadd.f32 v18, v8  }
0x466: {  	s1 =	sshra.s32 s1, $0x2  }
0x467: {  	s1 =	sor.u32 s13, s1;
	v8 =	vld [tilespmem:s7+$0x5080];
	[tilespmem:s7+$0x5000] =	vst v18  }
0x468: {  	v19 =	vld [tilespmem:s1+$0x10C80]  }
0x469: {  	s23 =	sld [smem:$0x7E9];
	_ =	sdelay $0x2  }
0x46a: {  	s1 =	sadd.s32 $0x0, s23  }
0x46b: {  	s1 =	sshll.u32 s1, $0x9;
	v19 =	vadd.f32 v19, v8  }
0x46c: {  	s1 =	sshra.s32 s1, $0x2  }
0x46d: {  	s1 =	sor.u32 s13, s1;
	v8 =	vld [tilespmem:s7+$0x5100];
	[tilespmem:s7+$0x5080] =	vst v19  }
0x46e: {  	v20 =	vld [tilespmem:s1+$0x10C80]  }
0x46f: {  	s24 =	sld [smem:$0x7EA];
	_ =	sdelay $0x2  }
0x470: {  	s1 =	sadd.s32 $0x0, s24  }
0x471: {  	s1 =	sshll.u32 s1, $0x9;
	v20 =	vadd.f32 v20, v8  }
0x472: {  	s1 =	sshra.s32 s1, $0x2  }
0x473: {  	s1 =	sor.u32 s13, s1;
	v8 =	vld [tilespmem:s7+$0x5180];
	[tilespmem:s7+$0x5100] =	vst v20  }
0x474: {  	v21 =	vld [tilespmem:s1+$0x10C80]  }
0x475: {  	s25 =	sld [smem:$0x7EB];
	_ =	sdelay $0x2  }
0x476: {  	s1 =	sadd.s32 $0x0, s25  }
0x477: {  	s1 =	sshll.u32 s1, $0x9;
	v21 =	vadd.f32 v21, v8  }
0x478: {  	s1 =	sshra.s32 s1, $0x2  }
0x479: {  	s1 =	sor.u32 s13, s1;
	v8 =	vld [tilespmem:s7+$0x5200];
	[tilespmem:s7+$0x5180] =	vst v21  }
0x47a: {  	v22 =	vld [tilespmem:s1+$0x10C80]  }
0x47b: {  	s26 =	sld [smem:$0x7EC];
	_ =	sdelay $0x2  }
0x47c: {  	s1 =	sadd.s32 $0x0, s26  }
0x47d: {  	s1 =	sshll.u32 s1, $0x9;
	v22 =	vadd.f32 v22, v8  }
0x47e: {  	s1 =	sshra.s32 s1, $0x2  }
0x47f: {  	s1 =	sor.u32 s13, s1;
	v8 =	vld [tilespmem:s7+$0x5280];
	[tilespmem:s7+$0x5200] =	vst v22  }
0x480: {  	v23 =	vld [tilespmem:s1+$0x10C80]  }
0x481: {  	s28 =	sld [smem:$0x7ED];
	_ =	sdelay $0x2  }
0x482: {  	s1 =	sadd.s32 $0x0, s28  }
0x483: {  	s1 =	sshll.u32 s1, $0x9;
	v23 =	vadd.f32 v23, v8  }
0x484: {  	v24 =	vmul.f32 v3, v3;
	s1 =	sshra.s32 s1, $0x2  }
0x485: {  	v35 =	vimm.f32 $0.0e+00;
	v25 =	vld [tilespmem:s7+$0x5300];
	s1 =	sor.u32 s13, s1;
	[tilespmem:s7+$0x5280] =	vst v23  }
0x486: {  	v44 =	vimm.f32 $0.0e+00;
	v63 =	vadd.f32 v24, v35;
	v26 =	vld [tilespmem:s1+$0x10C80]  }
0x487: {  	s29 =	sld [smem:$0x7EE];
	v61 =	vadd.f32 v5, v35;
	v8 =	vadd.f32 v3, v35;
	v3 =	vmul.f32 v5, v5  }
0x488: {  	v57 =	vadd.f32 v11, v35;
	v49 =	vadd.f32 v13, v35;
	v5 =	vmul.f32 v9, v9  }
0x489: {  	v62 =	vadd.f32 v3, v35;
	v3 =	vadd.f32 v9, v35;
	v9 =	vmul.f32 v11, v11  }
0x48a: {  	v59 =	vadd.f32 v15, v35;
	v54 =	vadd.f32 v17, v35;
	v11 =	vmul.f32 v13, v13;
	s1 =	sadd.s32 $0x0, s29  }
0x48b: {  	v58 =	vadd.f32 v9, v35;
	v9 =	vmul.f32 v15, v15;
	s1 =	sshll.u32 s1, $0x9;
	v13 =	vadd.f32 v26, v25  }
0x48c: {  	v60 =	vadd.f32 v18, v35;
	v52 =	vadd.f32 v11, v35;
	v11 =	vmul.f32 v17, v17;
	s1 =	sshra.s32 s1, $0x2  }
0x48d: {  	v56 =	vadd.f32 v19, v35;
	v15 =	vld [tilespmem:s7+$0x5380];
	v53 =	vadd.f32 v9, v35;
	v9 =	vmul.f32 v18, v18;
	s1 =	sor.u32 s13, s1;
	[tilespmem:s7+$0x5300] =	vst v13  }
0x48e: {  	v48 =	vadd.f32 v20, v35;
	v50 =	vadd.f32 v11, v35;
	v11 =	vmul.f32 v19, v19;
	v17 =	vld [tilespmem:s1+$0x10C80]  }
0x48f: {  	s30 =	sld [smem:$0x7EF];
	v47 =	vadd.f32 v21, v35;
	v55 =	vadd.f32 v9, v35;
	v9 =	vmul.f32 v20, v20  }
0x490: {  	v42 =	vadd.f32 v22, v35;
	v51 =	vadd.f32 v11, v35;
	v11 =	vmul.f32 v21, v21  }
0x491: {  	v5 =	vadd.f32 v5, v35;
	v46 =	vadd.f32 v9, v35;
	v9 =	vmul.f32 v22, v22  }
0x492: {  	v39 =	vadd.f32 v23, v35;
	v45 =	vadd.f32 v11, v35;
	v11 =	vmul.f32 v13, v13;
	s1 =	sadd.s32 $0x0, s30  }
0x493: {  	v40 =	vadd.f32 v9, v35;
	v9 =	vmul.f32 v23, v23;
	s1 =	sshll.u32 s1, $0x9;
	v15 =	vadd.f32 v17, v15  }
0x494: {  	v41 =	vimm.f32 $0.0e+00;
	v38 =	vadd.f32 v13, v35;
	v37 =	vadd.f32 v11, v35;
	s31 =	sshra.s32 s1, $0x2  }
0x495: {  	s2 =	simm.s32 $0x1;
	v11 =	vld [tilespmem:s7+$0x5400];
	s1 =	simm.s32 $0x2;
	v43 =	vadd.f32 v9, v35;
	s3 =	sor.u32 s13, s31;
	v36 =	vadd.f32 v15, v35;
	[tilespmem:s7+$0x5380] =	vst v15;
	v9 =	vmul.f32 v15, v15  }
.LBB2_15:
0x496: {  	v13 =	vld [tilespmem:s3+$0x10C80];
	_ =	sdelay $0x2  }
0x497: {  	s13 =	rddreg [dreg:$0x19];
	s8 =	sshrl.u32 s2, $0x3  }
0x498: {  	s14 =	sshll.u32 s2, $0x8;
	s0 =	sadd.s32 $0x10, s0;
	s4 =	sadd.s32 s13, s8  }
0x499: {  	v35 =	vadd.f32 v9, v35;
	s15 =	sand.u32 $0x70, s0;
	s2 =	sand.u32 $0x3FFFF800, s14;
	s4 =	sshll.u32 s4, $0x9;
	v9 =	vadd.f32 v13, v11  }
0x49a: {  	s5 =	sor.u32 s15, s2;
	s4 =	sshra.s32 s4, $0x2  }
0x49b: {  	s4 =	sor.u32 s15, s4;
	v11 =	vld [tilespmem:s5+$0x4C80];
	[tilespmem:s7+$0x5400] =	vst v9  }
0x49c: {  	v13 =	vld [tilespmem:s4+$0x10C80];
	_ =	sdelay $0x2  }
0x49d: {  	s16 =	rddreg [dreg:$0x1a];
	v44 =	vadd.f32 v9, v44;
	v9 =	vmul.f32 v9, v9  }
0x49e: {  	s4 =	sadd.s32 s16, s8  }
0x49f: {  	v41 =	vadd.f32 v9, v41;
	s4 =	sshll.u32 s4, $0x9;
	v9 =	vadd.f32 v13, v11  }
0x4a0: {  	s7 =	smov.u32 s5;
	s4 =	sshra.s32 s4, $0x2  }
0x4a1: {  	s4 =	sor.u32 s15, s4;
	v11 =	vld [tilespmem:s7+$0x4D00];
	[tilespmem:s7+$0x4C80] =	vst v9  }
0x4a2: {  	v13 =	vld [tilespmem:s4+$0x10C80];
	_ =	sdelay $0x2  }
0x4a3: {  	s17 =	rddreg [dreg:$0x1b];
	v8 =	vadd.f32 v9, v8;
	v9 =	vmul.f32 v9, v9  }
0x4a4: {  	s4 =	sadd.s32 s17, s8  }
0x4a5: {  	v63 =	vadd.f32 v9, v63;
	s4 =	sshll.u32 s4, $0x9;
	v9 =	vadd.f32 v13, v11  }
0x4a6: {  	s4 =	sshra.s32 s4, $0x2  }
0x4a7: {  	s4 =	sor.u32 s15, s4;
	v11 =	vld [tilespmem:s7+$0x4D80];
	[tilespmem:s7+$0x4D00] =	vst v9  }
0x4a8: {  	v13 =	vld [tilespmem:s4+$0x10C80];
	_ =	sdelay $0x2  }
0x4a9: {  	s18 =	rddreg [dreg:$0x1c];
	v61 =	vadd.f32 v9, v61;
	v9 =	vmul.f32 v9, v9  }
0x4aa: {  	s4 =	sadd.s32 s18, s8  }
0x4ab: {  	v62 =	vadd.f32 v9, v62;
	s4 =	sshll.u32 s4, $0x9;
	v9 =	vadd.f32 v13, v11  }
0x4ac: {  	s4 =	sshra.s32 s4, $0x2  }
0x4ad: {  	s4 =	sor.u32 s15, s4;
	v11 =	vld [tilespmem:s7+$0x4E00];
	[tilespmem:s7+$0x4D80] =	vst v9  }
0x4ae: {  	v13 =	vld [tilespmem:s4+$0x10C80];
	_ =	sdelay $0x2  }
0x4af: {  	s19 =	rddreg [dreg:$0x1d];
	v3 =	vadd.f32 v9, v3;
	v9 =	vmul.f32 v9, v9  }
0x4b0: {  	s4 =	sadd.s32 s19, s8  }
0x4b1: {  	v5 =	vadd.f32 v9, v5;
	s4 =	sshll.u32 s4, $0x9;
	v9 =	vadd.f32 v13, v11  }
0x4b2: {  	s4 =	sshra.s32 s4, $0x2  }
0x4b3: {  	s4 =	sor.u32 s15, s4;
	v11 =	vld [tilespmem:s7+$0x4E80];
	[tilespmem:s7+$0x4E00] =	vst v9  }
0x4b4: {  	v13 =	vld [tilespmem:s4+$0x10C80];
	_ =	sdelay $0x2  }
0x4b5: {  	s20 =	rddreg [dreg:$0x1e];
	v57 =	vadd.f32 v9, v57;
	v9 =	vmul.f32 v9, v9  }
0x4b6: {  	s4 =	sadd.s32 s20, s8  }
0x4b7: {  	v58 =	vadd.f32 v9, v58;
	s4 =	sshll.u32 s4, $0x9;
	v9 =	vadd.f32 v13, v11  }
0x4b8: {  	s4 =	sshra.s32 s4, $0x2  }
0x4b9: {  	s4 =	sor.u32 s15, s4;
	v11 =	vld [tilespmem:s7+$0x4F00];
	[tilespmem:s7+$0x4E80] =	vst v9  }
0x4ba: {  	v13 =	vld [tilespmem:s4+$0x10C80];
	_ =	sdelay $0x2  }
0x4bb: {  	s21 =	rddreg [dreg:$0x1f];
	v49 =	vadd.f32 v9, v49;
	v9 =	vmul.f32 v9, v9  }
0x4bc: {  	s4 =	sadd.s32 s21, s8  }
0x4bd: {  	v52 =	vadd.f32 v9, v52;
	s4 =	sshll.u32 s4, $0x9;
	v9 =	vadd.f32 v13, v11  }
0x4be: {  	s4 =	sshra.s32 s4, $0x2  }
0x4bf: {  	s4 =	sor.u32 s15, s4;
	v11 =	vld [tilespmem:s7+$0x4F80];
	[tilespmem:s7+$0x4F00] =	vst v9  }
0x4c0: {  	v13 =	vld [tilespmem:s4+$0x10C80]  }
0x4c1: {  	s22 =	sld [smem:$0x7E7];
	_ =	sdelay $0x1  }
0x4c2: {  	v59 =	vadd.f32 v9, v59;
	v9 =	vmul.f32 v9, v9  }
0x4c3: {  	s4 =	sadd.s32 s22, s8  }
0x4c4: {  	v53 =	vadd.f32 v9, v53;
	s4 =	sshll.u32 s4, $0x9;
	v9 =	vadd.f32 v13, v11  }
0x4c5: {  	s4 =	sshra.s32 s4, $0x2  }
0x4c6: {  	s4 =	sor.u32 s15, s4;
	v11 =	vld [tilespmem:s7+$0x5000];
	[tilespmem:s7+$0x4F80] =	vst v9  }
0x4c7: {  	v13 =	vld [tilespmem:s4+$0x10C80]  }
0x4c8: {  	s23 =	sld [smem:$0x7E8];
	_ =	sdelay $0x1  }
0x4c9: {  	v54 =	vadd.f32 v9, v54;
	v9 =	vmul.f32 v9, v9  }
0x4ca: {  	s4 =	sadd.s32 s23, s8  }
0x4cb: {  	v50 =	vadd.f32 v9, v50;
	s4 =	sshll.u32 s4, $0x9;
	v9 =	vadd.f32 v13, v11  }
0x4cc: {  	s4 =	sshra.s32 s4, $0x2  }
0x4cd: {  	s4 =	sor.u32 s15, s4;
	v11 =	vld [tilespmem:s7+$0x5080];
	[tilespmem:s7+$0x5000] =	vst v9  }
0x4ce: {  	v13 =	vld [tilespmem:s4+$0x10C80]  }
0x4cf: {  	s24 =	sld [smem:$0x7E9];
	_ =	sdelay $0x1  }
0x4d0: {  	v60 =	vadd.f32 v9, v60;
	v9 =	vmul.f32 v9, v9  }
0x4d1: {  	s4 =	sadd.s32 s24, s8  }
0x4d2: {  	v55 =	vadd.f32 v9, v55;
	s4 =	sshll.u32 s4, $0x9;
	v9 =	vadd.f32 v13, v11  }
0x4d3: {  	s4 =	sshra.s32 s4, $0x2  }
0x4d4: {  	s4 =	sor.u32 s15, s4;
	v11 =	vld [tilespmem:s7+$0x5100];
	[tilespmem:s7+$0x5080] =	vst v9  }
0x4d5: {  	v13 =	vld [tilespmem:s4+$0x10C80]  }
0x4d6: {  	s25 =	sld [smem:$0x7EA];
	_ =	sdelay $0x1  }
0x4d7: {  	v56 =	vadd.f32 v9, v56;
	v9 =	vmul.f32 v9, v9  }
0x4d8: {  	s4 =	sadd.s32 s25, s8  }
0x4d9: {  	v51 =	vadd.f32 v9, v51;
	s4 =	sshll.u32 s4, $0x9;
	v9 =	vadd.f32 v13, v11  }
0x4da: {  	s4 =	sshra.s32 s4, $0x2  }
0x4db: {  	s4 =	sor.u32 s15, s4;
	v11 =	vld [tilespmem:s7+$0x5180];
	[tilespmem:s7+$0x5100] =	vst v9  }
0x4dc: {  	v13 =	vld [tilespmem:s4+$0x10C80]  }
0x4dd: {  	s26 =	sld [smem:$0x7EB];
	_ =	sdelay $0x1  }
0x4de: {  	v48 =	vadd.f32 v9, v48;
	v9 =	vmul.f32 v9, v9  }
0x4df: {  	s4 =	sadd.s32 s26, s8  }
0x4e0: {  	v46 =	vadd.f32 v9, v46;
	s4 =	sshll.u32 s4, $0x9;
	v9 =	vadd.f32 v13, v11  }
0x4e1: {  	s4 =	sshra.s32 s4, $0x2  }
0x4e2: {  	s4 =	sor.u32 s15, s4;
	v11 =	vld [tilespmem:s7+$0x5200];
	[tilespmem:s7+$0x5180] =	vst v9  }
0x4e3: {  	v13 =	vld [tilespmem:s4+$0x10C80]  }
0x4e4: {  	s28 =	sld [smem:$0x7EC];
	_ =	sdelay $0x1  }
0x4e5: {  	v47 =	vadd.f32 v9, v47;
	v9 =	vmul.f32 v9, v9  }
0x4e6: {  	s4 =	sadd.s32 s28, s8  }
0x4e7: {  	v45 =	vadd.f32 v9, v45;
	s4 =	sshll.u32 s4, $0x9;
	v9 =	vadd.f32 v13, v11  }
0x4e8: {  	s4 =	sshra.s32 s4, $0x2  }
0x4e9: {  	s4 =	sor.u32 s15, s4;
	v11 =	vld [tilespmem:s7+$0x5280];
	[tilespmem:s7+$0x5200] =	vst v9  }
0x4ea: {  	v13 =	vld [tilespmem:s4+$0x10C80]  }
0x4eb: {  	s29 =	sld [smem:$0x7ED];
	_ =	sdelay $0x1  }
0x4ec: {  	v42 =	vadd.f32 v9, v42;
	v9 =	vmul.f32 v9, v9  }
0x4ed: {  	s4 =	sadd.s32 s29, s8  }
0x4ee: {  	v40 =	vadd.f32 v9, v40;
	s4 =	sshll.u32 s4, $0x9;
	v9 =	vadd.f32 v13, v11  }
0x4ef: {  	s4 =	sshra.s32 s4, $0x2  }
0x4f0: {  	s4 =	sor.u32 s15, s4;
	v11 =	vld [tilespmem:s7+$0x5300];
	[tilespmem:s7+$0x5280] =	vst v9  }
0x4f1: {  	v13 =	vld [tilespmem:s4+$0x10C80]  }
0x4f2: {  	s30 =	sld [smem:$0x7EE];
	_ =	sdelay $0x1  }
0x4f3: {  	v39 =	vadd.f32 v9, v39;
	v9 =	vmul.f32 v9, v9  }
0x4f4: {  	s4 =	sadd.s32 s30, s8  }
0x4f5: {  	v43 =	vadd.f32 v9, v43;
	s4 =	sshll.u32 s4, $0x9;
	v9 =	vadd.f32 v13, v11  }
0x4f6: {  	s4 =	sshra.s32 s4, $0x2  }
0x4f7: {  	s4 =	sor.u32 s15, s4;
	v11 =	vld [tilespmem:s7+$0x5380];
	[tilespmem:s7+$0x5300] =	vst v9  }
0x4f8: {  	v13 =	vld [tilespmem:s4+$0x10C80]  }
0x4f9: {  	s31 =	sld [smem:$0x7EF]  }
0x4fa: {  	p0 =	sne.s32 s1, $0x3F  }
.Ltmp8:
0x4fb: {  	v38 =	vadd.f32 v9, v38;
	v9 =	vmul.f32 v9, v9;
	(pc) =	sbr.rel @p0 .LBB2_15-.Ltmp8, $4  }
0x4fc: {  	s4 =	sadd.s32 s31, s8  }
0x4fd: {  	v37 =	vadd.f32 v9, v37;
	s4 =	sshll.u32 s4, $0x9;
	v9 =	vadd.f32 v13, v11  }
0x4fe: {  	s4 =	sshra.s32 s4, $0x2  }
0x4ff: {  	s2 =	smov.u32 s1;
	s1 =	sadd.s32 $0x1, s1;
	s3 =	sor.u32 s15, s4;
	v11 =	vld [tilespmem:s7+$0x5400];
	[tilespmem:s7+$0x5380] =	vst v9;
	v36 =	vadd.f32 v9, v36;
	v9 =	vmul.f32 v9, v9  }
0x500: {  	v13 =	vld [tilespmem:s3+$0x10C80];
	_ =	sdelay $0x2  }
0x501: {  	s1 =	rddreg [dreg:$0x19];
	s22 =	sshrl.u32 s2, $0x3  }
0x502: {  	s23 =	sshll.u32 s2, $0x8;
	s0 =	sadd.s32 $0x10, s0;
	s4 =	sadd.s32 s1, s22  }
0x503: {  	s24 =	sand.u32 $0x70, s0;
	s25 =	sand.u32 $0x3FFFF800, s23;
	s26 =	sshll.u32 s4, $0x9;
	v11 =	vadd.f32 v13, v11  }
0x504: {  	s0 =	sor.u32 s24, s25;
	s2 =	sshra.s32 s26, $0x2  }
0x505: {  	s2 =	sor.u32 s24, s2;
	v13 =	vld [tilespmem:s0+$0x4C80];
	[tilespmem:s7+$0x5400] =	vst v11  }
0x506: {  	v15 =	vld [tilespmem:s2+$0x10C80];
	_ =	sdelay $0x2  }
0x507: {  	s4 =	rddreg [dreg:$0x1a]  }
0x508: {  	s2 =	sadd.s32 s4, s22  }
0x509: {  	s2 =	sshll.u32 s2, $0x9;
	v13 =	vadd.f32 v15, v13  }
0x50a: {  	s2 =	sshra.s32 s2, $0x2  }
0x50b: {  	s2 =	sor.u32 s24, s2;
	v15 =	vld [tilespmem:s0+$0x4D00];
	[tilespmem:s0+$0x4C80] =	vst v13  }
0x50c: {  	v17 =	vld [tilespmem:s2+$0x10C80];
	_ =	sdelay $0x2  }
0x50d: {  	s5 =	rddreg [dreg:$0x1b]  }
0x50e: {  	s2 =	sadd.s32 s5, s22  }
0x50f: {  	s2 =	sshll.u32 s2, $0x9;
	v15 =	vadd.f32 v17, v15  }
0x510: {  	s2 =	sshra.s32 s2, $0x2  }
0x511: {  	s2 =	sor.u32 s24, s2;
	v17 =	vld [tilespmem:s0+$0x4D80];
	[tilespmem:s0+$0x4D00] =	vst v15  }
0x512: {  	v18 =	vld [tilespmem:s2+$0x10C80];
	_ =	sdelay $0x2  }
0x513: {  	s6 =	rddreg [dreg:$0x1c]  }
0x514: {  	s2 =	sadd.s32 s6, s22  }
0x515: {  	s2 =	sshll.u32 s2, $0x9;
	v17 =	vadd.f32 v18, v17  }
0x516: {  	s2 =	sshra.s32 s2, $0x2  }
0x517: {  	s2 =	sor.u32 s24, s2;
	v18 =	vld [tilespmem:s0+$0x4E00];
	[tilespmem:s0+$0x4D80] =	vst v17  }
0x518: {  	v19 =	vld [tilespmem:s2+$0x10C80];
	_ =	sdelay $0x2  }
0x519: {  	s7 =	rddreg [dreg:$0x1d]  }
0x51a: {  	s2 =	sadd.s32 s7, s22  }
0x51b: {  	s2 =	sshll.u32 s2, $0x9;
	v18 =	vadd.f32 v19, v18  }
0x51c: {  	s2 =	sshra.s32 s2, $0x2  }
0x51d: {  	s2 =	sor.u32 s24, s2;
	v19 =	vld [tilespmem:s0+$0x4E80];
	[tilespmem:s0+$0x4E00] =	vst v18  }
0x51e: {  	v20 =	vld [tilespmem:s2+$0x10C80];
	_ =	sdelay $0x2  }
0x51f: {  	s8 =	rddreg [dreg:$0x1e]  }
0x520: {  	s2 =	sadd.s32 s8, s22  }
0x521: {  	s2 =	sshll.u32 s2, $0x9;
	v19 =	vadd.f32 v20, v19  }
0x522: {  	s2 =	sshra.s32 s2, $0x2  }
0x523: {  	v25 =	vld [tilespmem:s0+$0x4F00];
	s2 =	sor.u32 s24, s2;
	[tilespmem:s0+$0x4E80] =	vst v19  }
0x524: {  	v21 =	vld [tilespmem:s2+$0x10C80];
	_ =	sdelay $0x2  }
0x525: {  	s9 =	rddreg [dreg:$0x1f]  }
0x526: {  	s2 =	sadd.s32 s9, s22  }
0x527: {  	s2 =	sshll.u32 s2, $0x9;
	v20 =	vadd.f32 v21, v25  }
0x528: {  	s2 =	sshra.s32 s2, $0x2  }
0x529: {  	v26 =	vld [tilespmem:s0+$0x4F80];
	s2 =	sor.u32 s24, s2;
	[tilespmem:s0+$0x4F00] =	vst v20  }
0x52a: {  	v22 =	vld [tilespmem:s2+$0x10C80]  }
0x52b: {  	s10 =	sld [smem:$0x7E7];
	_ =	sdelay $0x2  }
0x52c: {  	s2 =	sadd.s32 s10, s22  }
0x52d: {  	s2 =	sshll.u32 s2, $0x9;
	v21 =	vadd.f32 v22, v26  }
0x52e: {  	s2 =	sshra.s32 s2, $0x2  }
0x52f: {  	v27 =	vld [tilespmem:s0+$0x5000];
	s2 =	sor.u32 s24, s2;
	[tilespmem:s0+$0x4F80] =	vst v21  }
0x530: {  	v23 =	vld [tilespmem:s2+$0x10C80]  }
0x531: {  	s11 =	sld [smem:$0x7E8];
	_ =	sdelay $0x2  }
0x532: {  	s2 =	sadd.s32 s11, s22  }
0x533: {  	s2 =	sshll.u32 s2, $0x9;
	v22 =	vadd.f32 v23, v27  }
0x534: {  	s2 =	sshra.s32 s2, $0x2  }
0x535: {  	v28 =	vld [tilespmem:s0+$0x5080];
	s2 =	sor.u32 s24, s2;
	[tilespmem:s0+$0x5000] =	vst v22  }
0x536: {  	v24 =	vld [tilespmem:s2+$0x10C80]  }
0x537: {  	s12 =	sld [smem:$0x7E9];
	_ =	sdelay $0x2  }
0x538: {  	s2 =	sadd.s32 s12, s22  }
0x539: {  	s2 =	sshll.u32 s2, $0x9;
	v23 =	vadd.f32 v24, v28  }
0x53a: {  	s2 =	sshra.s32 s2, $0x2  }
0x53b: {  	v29 =	vld [tilespmem:s0+$0x5100];
	s2 =	sor.u32 s24, s2;
	[tilespmem:s0+$0x5080] =	vst v23  }
0x53c: {  	v25 =	vld [tilespmem:s2+$0x10C80]  }
0x53d: {  	s13 =	sld [smem:$0x7EA];
	_ =	sdelay $0x2  }
0x53e: {  	s2 =	sadd.s32 s13, s22  }
0x53f: {  	s2 =	sshll.u32 s2, $0x9;
	v24 =	vadd.f32 v25, v29  }
0x540: {  	s2 =	sshra.s32 s2, $0x2  }
0x541: {  	v30 =	vld [tilespmem:s0+$0x5180];
	s2 =	sor.u32 s24, s2;
	[tilespmem:s0+$0x5100] =	vst v24  }
0x542: {  	v26 =	vld [tilespmem:s2+$0x10C80]  }
0x543: {  	s14 =	sld [smem:$0x7EB];
	_ =	sdelay $0x2  }
0x544: {  	s2 =	sadd.s32 s14, s22  }
0x545: {  	s2 =	sshll.u32 s2, $0x9;
	v25 =	vadd.f32 v26, v30  }
0x546: {  	s2 =	sshra.s32 s2, $0x2  }
0x547: {  	v31 =	vld [tilespmem:s0+$0x5200];
	s2 =	sor.u32 s24, s2;
	[tilespmem:s0+$0x5180] =	vst v25  }
0x548: {  	v27 =	vld [tilespmem:s2+$0x10C80]  }
0x549: {  	s15 =	sld [smem:$0x7EC];
	_ =	sdelay $0x2  }
0x54a: {  	s2 =	sadd.s32 s15, s22  }
0x54b: {  	s2 =	sshll.u32 s2, $0x9;
	v26 =	vadd.f32 v27, v31  }
0x54c: {  	s2 =	sshra.s32 s2, $0x2  }
0x54d: {  	s2 =	sor.u32 s24, s2;
	v27 =	vld [tilespmem:s0+$0x5280];
	[tilespmem:s0+$0x5200] =	vst v26  }
0x54e: {  	v28 =	vld [tilespmem:s2+$0x10C80]  }
0x54f: {  	s16 =	sld [smem:$0x7ED];
	_ =	sdelay $0x2  }
0x550: {  	s2 =	sadd.s32 s16, s22  }
0x551: {  	s2 =	sshll.u32 s2, $0x9;
	v27 =	vadd.f32 v28, v27  }
0x552: {  	s2 =	sshra.s32 s2, $0x2  }
0x553: {  	s2 =	sor.u32 s24, s2;
	v28 =	vld [tilespmem:s0+$0x5300];
	[tilespmem:s0+$0x5280] =	vst v27  }
0x554: {  	v29 =	vld [tilespmem:s2+$0x10C80]  }
0x555: {  	s17 =	sld [smem:$0x7EE];
	_ =	sdelay $0x2  }
0x556: {  	s2 =	sadd.s32 s17, s22  }
0x557: {  	s2 =	sshll.u32 s2, $0x9;
	v28 =	vadd.f32 v29, v28  }
0x558: {  	s2 =	sshra.s32 s2, $0x2  }
0x559: {  	s2 =	sor.u32 s24, s2;
	v29 =	vld [tilespmem:s0+$0x5380];
	[tilespmem:s0+$0x5300] =	vst v28  }
0x55a: {  	v30 =	vld [tilespmem:s2+$0x10C80]  }
0x55b: {  	s18 =	sld [smem:$0x7EF];
	_ =	sdelay $0x2  }
0x55c: {  	s2 =	sadd.s32 s18, s22  }
0x55d: {  	s2 =	sshll.u32 s2, $0x9;
	v29 =	vadd.f32 v30, v29  }
0x55e: {  	s2 =	sshra.s32 s2, $0x2  }
0x55f: {  	s1 =	sor.u32 s24, s2;
	v30 =	vld [tilespmem:s0+$0x5400];
	[tilespmem:s0+$0x5380] =	vst v29  }
0x560: {  	v31 =	vld [tilespmem:s1+$0x10C80];
	_ =	sdelay $0x4  }
0x561: {  	v30 =	vadd.f32 v31, v30;
	v31 =	vmul.f32 v13, v13  }
0x562: {  	v8 =	vadd.f32 v13, v8  }
0x563: {  	v13 =	vadd.f32 v31, v63;
	v63 =	vmul.f32 v15, v15;
	[tilespmem:s0+$0x5400] =	vst v30  }
0x564: {  	v3 =	vadd.f32 v17, v3;
	[tilespmem:$0x11C80] =	vst v8  }
0x565: {  	v8 =	vadd.f32 v63, v62;
	[tilespmem:$0x11D80] =	vst v13;
	v13 =	vmul.f32 v17, v17  }
0x566: {  	v15 =	vadd.f32 v15, v61;
	[tilespmem:$0x11CA0] =	vst v3  }
0x567: {  	v5 =	vadd.f32 v13, v5;
	[tilespmem:$0x11D90] =	vst v8;
	v8 =	vmul.f32 v18, v18  }
0x568: {  	[tilespmem:$0x11C90] =	vst v15;
	v13 =	vadd.f32 v18, v57  }
0x569: {  	v3 =	vadd.f32 v8, v58;
	[tilespmem:$0x11DA0] =	vst v5  }
0x56a: {  	v5 =	vmul.f32 v19, v19;
	v8 =	vadd.f32 v19, v49;
	[tilespmem:$0x11CB0] =	vst v13  }
0x56b: {  	v13 =	vadd.f32 v20, v59;
	[tilespmem:$0x11DB0] =	vst v3  }
0x56c: {  	v5 =	vadd.f32 v5, v52;
	v3 =	vmul.f32 v20, v20;
	[tilespmem:$0x11CC0] =	vst v8  }
0x56d: {  	v8 =	vadd.f32 v21, v54;
	[tilespmem:$0x11CD0] =	vst v13;
	v13 =	vmul.f32 v22, v22  }
0x56e: {  	v3 =	vadd.f32 v3, v53;
	[tilespmem:$0x11DC0] =	vst v5;
	v5 =	vmul.f32 v21, v21  }
0x56f: {  	[tilespmem:$0x11CE0] =	vst v8;
	v8 =	vadd.f32 v13, v55  }
0x570: {  	v5 =	vadd.f32 v5, v50;
	[tilespmem:$0x11DD0] =	vst v3  }
0x571: {  	v13 =	vmul.f32 v23, v23;
	v3 =	vadd.f32 v22, v60;
	[tilespmem:$0x11DF0] =	vst v8  }
0x572: {  	v8 =	vadd.f32 v24, v48;
	[tilespmem:$0x11DE0] =	vst v5  }
0x573: {  	v5 =	vadd.f32 v23, v56;
	[tilespmem:$0x11CF0] =	vst v3;
	v3 =	vadd.f32 v13, v51;
	v13 =	vmul.f32 v24, v24  }
0x574: {  	[tilespmem:$0x11D10] =	vst v8  }
0x575: {  	[tilespmem:$0x11D00] =	vst v5;
	v5 =	vadd.f32 v13, v46;
	v13 =	vmul.f32 v25, v25  }
0x576: {  	[tilespmem:$0x11E00] =	vst v3;
	v3 =	vadd.f32 v25, v47  }
0x577: {  	v8 =	vadd.f32 v13, v45;
	v13 =	vmul.f32 v26, v26;
	[tilespmem:$0x11E10] =	vst v5  }
0x578: {  	v5 =	vadd.f32 v26, v42;
	[tilespmem:$0x11D20] =	vst v3  }
0x579: {  	v3 =	vadd.f32 v13, v40;
	v13 =	vmul.f32 v27, v27;
	[tilespmem:$0x11E20] =	vst v8  }
0x57a: {  	v8 =	vadd.f32 v27, v39;
	[tilespmem:$0x11D30] =	vst v5  }
0x57b: {  	v5 =	vadd.f32 v13, v43;
	v13 =	vmul.f32 v28, v28;
	[tilespmem:$0x11E30] =	vst v3  }
0x57c: {  	v3 =	vadd.f32 v9, v35;
	v9 =	vadd.f32 v28, v38;
	[tilespmem:$0x11D40] =	vst v8  }
0x57d: {  	v15 =	vmul.f32 v29, v29;
	v8 =	vmul.f32 v11, v11;
	v13 =	vadd.f32 v13, v37;
	[tilespmem:$0x11E40] =	vst v5  }
0x57e: {  	v5 =	vadd.f32 v11, v44;
	v11 =	vadd.f32 v29, v36;
	[tilespmem:$0x11D50] =	vst v9  }
0x57f: {  	v8 =	vadd.f32 v8, v41;
	v3 =	vadd.f32 v15, v3;
	v9 =	vmul.f32 v30, v30;
	[tilespmem:$0x11E50] =	vst v13  }
0x580: {  	v5 =	vadd.f32 v30, v5;
	[tilespmem:$0x11D60] =	vst v11  }
0x581: {  	v8 =	vadd.f32 v9, v8;
	[tilespmem:$0x11E60] =	vst v3  }
0x582: {  	[tilespmem:$0x11D70] =	vst v5  }
0x583: {  	s19 =	simm.s32 $0x11D90;
	[tilespmem:$0x11E70] =	vst v8  }
0x584: {  	v3 =	vld [tilespmem:s19+$0xFFFFFEF0]  }
0x585: {  	v5 =	vld [tilespmem:s19+$0xFFFFFFF0];
	_ =	sdelay $0x3  }
0x586: {  	(xrf2) =	vadd.scan.msk.f32 $0xffff, v3;
	v3 =	vld [tilespmem:s19+$0xFFFFFF00]  }
0x587: {  	v8 =	vld [tilespmem:s19+$0x0];
	(xrf2) =	vadd.scan.msk.f32 $0xffff, v5;
	_ =	sdelay $0x3  }
0x588: {  	(xrf2) =	vadd.scan.msk.f32 $0xffff, v3  }
0x589: {  	(xrf2) =	vadd.scan.msk.f32 $0xffff, v8;
	_ =	sdelay $0x3  }
0x58a: {  	v3, _, _ =	vpop (xrf2)  }
0x58b: {  	(v2sf) =	vpush v3, $0xF;
	v3, _, _ =	vpop (xrf2)  }
0x58c: {  	s20 =	simm.s32 $0x11DB0;
	(v2sf) =	vpush v3, $0xF  }
0x58d: {  	v3 =	vld [tilespmem:s20+$0xFFFFFEF0];
	_ =	sdelay $0x1  }
0x58e: {  	v5, _, _ =	vpop (xrf2)  }
0x58f: {  	(v2sf) =	vpush v5, $0xF;
	v5, _, _ =	vpop (xrf2)  }
0x590: {  	(v2sf) =	vpush v5, $0xF  }
0x591: {  	v5 =	vld [tilespmem:s20+$0xFFFFFFF0];
	(xrf2) =	vadd.scan.msk.f32 $0xffff, v3  }
0x592: {  	v3 =	vld [tilespmem:s20+$0xFFFFFF00];
	_ =	sdelay $0x1  }
0x593: {  	v8 =	vld [tilespmem:s20+$0x0];
	_ =	sdelay $0x1  }
0x594: {  	(xrf2) =	vadd.scan.msk.f32 $0xffff, v5  }
0x595: {  	(xrf2) =	vadd.scan.msk.f32 $0xffff, v3;
	_ =	sdelay $0x1  }
0x596: {  	(xrf2) =	vadd.scan.msk.f32 $0xffff, v8;
	s21 =	spop (v2sf)  }
0x597: {  	s0 =	smul.f32 $9.765625000e-04, s21;
	s22 =	spop (v2sf)  }
0x598: {  	v3, _, _ =	vpop (xrf2);
	s1 =	smul.f32 $9.765625000e-04, s22  }
0x599: {  	(v2sf) =	vpush v3, $0xF;
	s23 =	smul.f32 s0, s0;
	_ =	sdelay $0x1  }
0x59a: {  	s24 =	spop (v2sf);
	s2 =	ssub.f32 s1, s23  }
0x59b: {  	s25 =	spop (v2sf);
	s30 =	smul.f32 $9.765625000e-04, s24  }
0x59c: {  	v3, _, _ =	vpop (xrf2);
	s26 =	smul.f32 $9.765625000e-04, s25;
	s2 =	sadd.f32 $9.999999960e-13, s2  }
0x59d: {  	[smem:$0x7E4] =	sst s0;
	(v2sf) =	vpush v3, $0xF;
	v3, _, _ =	vpop (xrf2);
	s0 =	smul.f32 s30, s30  }
0x59e: {  	(v2sf) =	vpush v3, $0xF;
	s5 =	sshra.s32 s2, $0x1;
	s1 =	smul.f32 $5.000000000e-01, s2  }
0x59f: {  	v3, _, _ =	vpop (xrf2);
	s9 =	ssub.s32 $0x5F3759DF, s5;
	s3 =	ssub.f32 s26, s0  }
0x5a0: {  	(v2sf) =	vpush v3, $0xF;
	s10 =	smul.f32 s9, s1  }
0x5a1: {  	s3 =	sadd.f32 $9.999999960e-13, s3  }
0x5a2: {  	s4 =	smul.f32 s9, s10  }
0x5a3: {  	s11 =	sshra.s32 s3, $0x1;
	s18 =	smul.f32 $5.000000000e-01, s3  }
0x5a4: {  	s12 =	ssub.f32 $1.500000000e+00, s4;
	s13 =	ssub.s32 $0x5F3759DF, s11  }
0x5a5: {  	s5 =	smul.f32 s13, s18  }
0x5a6: {  	s8 =	smul.f32 s9, s12  }
0x5a7: {  	s14 =	spop (v2sf);
	s15 =	smul.f32 s13, s5  }
0x5a8: {  	s31 =	smul.f32 $9.765625000e-04, s14  }
0x5a9: {  	s16 =	smul.f32 s8, s1  }
0x5aa: {  	s3 =	ssub.f32 $1.500000000e+00, s15;
	s6 =	smul.f32 s31, s31  }
0x5ab: {  	s5 =	smul.f32 s16, s8  }
0x5ac: {  	s9 =	simm.s32 $0x11DD0;
	s10 =	spop (v2sf);
	s4 =	smul.f32 s13, s3  }
0x5ad: {  	v3 =	vld [tilespmem:s9+$0xFFFFFEF0];
	s17 =	smul.f32 $9.765625000e-04, s10;
	s19 =	spop (v2sf)  }
0x5ae: {  	v5 =	vld [tilespmem:s9+$0xFFFFFFF0];
	s5 =	ssub.f32 $1.500000000e+00, s5;
	s11 =	smul.f32 s4, s18  }
0x5af: {  	v8 =	vld [tilespmem:s9+$0xFFFFFF00];
	s20 =	spop (v2sf);
	s3 =	smul.f32 $9.765625000e-04, s19  }
0x5b0: {  	v9 =	vld [tilespmem:s9+$0x0];
	s9 =	smul.f32 $9.765625000e-04, s20  }
0x5b1: {  	s7 =	simm.s32 $0x2;
	s6 =	ssub.f32 s17, s6;
	s20 =	smul.f32 s5, s8  }
0x5b2: {  	s16 =	simm.s32 $0x1;
	(xrf2) =	vadd.scan.msk.f32 $0xffff, v3;
	s19 =	sand.u32 $0x6, s7;
	s12 =	smul.f32 s3, s3  }
0x5b3: {  	(xrf2) =	vadd.scan.msk.f32 $0xffff, v5;
	s5 =	simm.s32 $0x4;
	s11 =	smul.f32 s11, s4;
	s21 =	sadd.f32 $9.999999960e-13, s6  }
0x5b4: {  	(xrf2) =	vadd.scan.msk.f32 $0xffff, v8;
	s6 =	simm.s32 $0x0;
	s25 =	smul.f32 s20, s1;
	s1 =	sand.u32 $0x8, s7  }
0x5b5: {  	(xrf2) =	vadd.scan.msk.f32 $0xffff, v9;
	s23 =	ssub.f32 s9, s12;
	s14 =	sshra.s32 s21, $0x1;
	s17 =	smul.f32 $5.000000000e-01, s21  }
0x5b6: {  	s13 =	sand.u32 $0x8, s6;
	s22 =	sand.u32 $0x6, s6;
	s8 =	ssub.s32 $0x5F3759DF, s14  }
0x5b7: {  	s14 =	sor.u32 $0x10, s13;
	s26 =	sadd.f32 $9.999999960e-13, s23;
	s24 =	smul.f32 s8, s17  }
0x5b8: {  	s23 =	smul.f32 s25, s20;
	s12 =	sor.u32 s22, s14;
	s22 =	ssub.f32 $1.500000000e+00, s11  }
0x5b9: {  	s2 =	sor.u32 $0x10, s1;
	s9 =	sand.u32 $0x8, s5;
	s0 =	smul.f32 s8, s24  }
0x5ba: {  	[smem:$0x7E5] =	sst s2;
	s10 =	sor.u32 s19, s2;
	s25 =	smul.f32 s22, s4  }
0x5bb: {  	s11 =	sand.u32 $0x6, s5;
	s15 =	smul.f32 $5.000000000e-01, s26;
	s24 =	sshra.s32 s26, $0x1  }
0x5bc: {  	v3, _, _ =	vpop (xrf2);
	s24 =	ssub.s32 $0x5F3759DF, s24;
	s21 =	ssub.f32 $1.500000000e+00, s0;
	s26 =	smul.f32 s25, s18  }
0x5bd: {  	s4 =	ssub.f32 $1.500000000e+00, s23;
	s22 =	simm.s32 $0x0;
	(v2sf) =	vpush v3, $0xF;
	v3, _, _ =	vpop (xrf2);
	s29 =	smul.f32 s24, s15  }
0x5be: {  	s23 =	simm.s32 $0x1;
	s0 =	sor.u32 $0x10, s9;
	(v2sf) =	vpush v3, $0xF;
	v3, _, _ =	vpop (xrf2);
	s19 =	smul.f32 s8, s21  }
0x5bf: {  	s18 =	simm.s32 $0x3;
	[smem:$0x7E6] =	sst s0;
	(v2sf) =	vpush v3, $0xF;
	v3, _, _ =	vpop (xrf2);
	s26 =	smul.f32 s26, s25  }
0x5c0: {  	s8 =	sor.u32 s11, s0;
	(v2sf) =	vpush v3, $0xF;
	s21 =	simm.s32 $0x11DF0;
	s28 =	smul.f32 s19, s17  }
.LBB2_17:
0x5c1: {  	_ =	sdelay $0x3  }
0x5c2: {  	[smem:$0x7E2] =	sst s8;
	s0 =	smov.u32 s6;
	s8 =	smov.u32 s7  }
0x5c3: {  	s9 =	smov.u32 s5;
	s5 =	sadd.s32 $0x2, s5;
	s1 =	sld [smem:$0x7E4]  }
0x5c4: {  	s6 =	smov.u32 s30;
	s7 =	smov.u32 s31;
	s2 =	sld [smem:$0x7E5]  }
0x5c5: {  	s13 =	smul.f32 s28, s19;
	s28 =	sand.u32 $0x7, s23;
	[smem:$0x7E3] =	sst s0  }
0x5c6: {  	s30 =	sand.u32 $0x8, s5;
	s29 =	smul.f32 s24, s29;
	s26 =	ssub.f32 $1.500000000e+00, s26  }
0x5c7: {  	s11 =	sand.u32 $0x6, s5;
	s4 =	smul.f32 s4, s20;
	s23 =	sld [smem:$0x7E6]  }
0x5c8: {  	s20 =	sor.u32 s28, s14;
	s28 =	sor.u32 $0x10, s30;
	s14 =	smov.u32 s12  }
0x5c9: {  	s29 =	ssub.f32 $1.500000000e+00, s29;
	s0 =	sor.u32 s11, s28;
	s31 =	spop (v2sf)  }
0x5ca: {  	s11 =	smov.u32 s17;
	s13 =	ssub.f32 $1.500000000e+00, s13;
	s30 =	smul.f32 $9.765625000e-04, s31  }
0x5cb: {  	[smem:s22] =	sst s4;
	s12 =	smov.u32 s23;
	s31 =	smul.f32 s4, s1  }
0x5cc: {  	s17 =	smov.u32 s3;
	[smem:$0x7E5] =	sst s12;
	s4 =	smul.f32 s26, s25  }
0x5cd: {  	s3 =	smov.u32 s16;
	s1 =	spop (v2sf);
	s25 =	smul.f32 s24, s29  }
0x5ce: {  	s26 =	smov.u32 s7;
	s23 =	spop (v2sf);
	s1 =	smul.f32 $9.765625000e-04, s1  }
0x5cf: {  	s16 =	smov.u32 s2;
	[smem:$0x7E4] =	sst s26;
	s2 =	smul.f32 s30, s30  }
0x5d0: {  	v3 =	vld [tilespmem:s21+$0xFFFFFEF0];
	s12 =	smov.u32 s28;
	[smem:s14] =	sst s31;
	s26 =	smul.f32 s4, s6  }
0x5d1: {  	v5 =	vld [tilespmem:s21+$0xFFFFFFF0];
	s7 =	smov.u32 s9;
	s9 =	spop (v2sf);
	s28 =	smul.f32 s25, s15  }
0x5d2: {  	v8 =	vld [tilespmem:s21+$0xFFFFFF00];
	s23 =	smul.f32 $9.765625000e-04, s23;
	[smem:s3] =	sst s4  }
0x5d3: {  	v9 =	vld [tilespmem:s21+$0x0];
	s24 =	smul.f32 $9.765625000e-04, s9;
	s1 =	ssub.f32 s1, s2  }
0x5d4: {  	[smem:s20] =	sst s26;
	s20 =	smul.f32 s13, s19;
	s3 =	smov.u32 s23  }
0x5d5: {  	(xrf2) =	vadd.scan.msk.f32 $0xffff, v3;
	s31 =	smov.u32 s30;
	s2 =	smul.f32 s23, s3  }
0x5d6: {  	(xrf2) =	vadd.scan.msk.f32 $0xffff, v5;
	s6 =	smov.u32 s8;
	s23 =	smul.f32 s28, s25;
	s1 =	sadd.f32 $9.999999960e-13, s1  }
0x5d7: {  	(xrf2) =	vadd.scan.msk.f32 $0xffff, v8;
	s8 =	smov.u32 s0;
	s11 =	smul.f32 s20, s11;
	s0 =	ssub.f32 s24, s2  }
0x5d8: {  	(xrf2) =	vadd.scan.msk.f32 $0xffff, v9;
	s30 =	smov.u32 s17;
	s9 =	sshra.s32 s1, $0x1;
	s1 =	smul.f32 $5.000000000e-01, s1  }
0x5d9: {  	s2 =	smul.f32 s11, s20;
	s4 =	ssub.s32 $0x5F3759DF, s9;
	s0 =	sadd.f32 $9.999999960e-13, s0  }
0x5da: {  	s22 =	smul.f32 s4, s1;
	s17 =	smov.u32 s1;
	s1 =	ssub.f32 $1.500000000e+00, s23  }
0x5db: {  	s24 =	sshra.s32 s0, $0x1;
	s0 =	smul.f32 $5.000000000e-01, s0  }
0x5dc: {  	s21 =	sadd.s32 $0x20, s21;
	p0 =	slt.u32 s5, $0xE;
	s25 =	smul.f32 s1, s25  }
0x5dd: {  	s14 =	smov.u32 s16;
	s16 =	sld [smem:$0x7E2];
	s13 =	smul.f32 s4, s22  }
0x5de: {  	s26 =	sld [smem:$0x7E3];
	s24 =	ssub.s32 $0x5F3759DF, s24;
	s1 =	smul.f32 s25, s15  }
.Ltmp9:
0x5df: {  	v3, _, _ =	vpop (xrf2);
	s13 =	ssub.f32 $1.500000000e+00, s13;
	s15 =	smov.u32 s0;
	(pc) =	sbr.rel @p0 .LBB2_17-.Ltmp9, $4  }
0x5e0: {  	[smem:$0x7E6] =	sst s12;
	s12 =	smov.u32 s10;
	(v2sf) =	vpush v3, $0xF;
	v3, _, _ =	vpop (xrf2);
	s29 =	smul.f32 s24, s15  }
0x5e1: {  	s10 =	smov.u32 s16;
	s16 =	smov.u32 s18;
	(v2sf) =	vpush v3, $0xF;
	v3, _, _ =	vpop (xrf2);
	s19 =	smul.f32 s4, s13  }
0x5e2: {  	(v2sf) =	vpush v3, $0xF;
	v3, _, _ =	vpop (xrf2);
	s23 =	sadd.s32 $0x3, s26;
	s22 =	sadd.s32 $0xFFFFFFFF, s18;
	s26 =	smul.f32 s1, s25  }
0x5e3: {  	(v2sf) =	vpush v3, $0xF;
	s18 =	sadd.s32 $0x2, s18;
	s4 =	ssub.f32 $1.500000000e+00, s2;
	s28 =	smul.f32 s19, s17  }
0x5e4: {  	_ =	sdelay $0x9  }
0x5e5: {  	s4 =	smul.f32 s4, s20  }
0x5e6: {  	s20 =	smul.f32 s24, s29;
	s0 =	spop (v2sf)  }
0x5e7: {  	s21 =	smul.f32 $9.765625000e-04, s0;
	s5 =	spop (v2sf)  }
0x5e8: {  	s0 =	smul.f32 $9.765625000e-04, s5;
	s1 =	spop (v2sf)  }
0x5e9: {  	s5 =	smul.f32 $9.765625000e-04, s1  }
0x5ea: {  	s9 =	spop (v2sf);
	s2 =	smul.f32 s21, s21  }
0x5eb: {  	s13 =	ssub.f32 $1.500000000e+00, s26;
	s1 =	smul.f32 $9.765625000e-04, s9  }
0x5ec: {  	s20 =	ssub.f32 $1.500000000e+00, s20;
	s11 =	smul.f32 s5, s5  }
0x5ed: {  	s0 =	ssub.f32 s0, s2;
	s2 =	smul.f32 s13, s25  }
0x5ee: {  	s13 =	smul.f32 s28, s19;
	s1 =	ssub.f32 s1, s11  }
0x5ef: {  	s0 =	sadd.f32 $9.999999960e-13, s0  }
0x5f0: {  	s20 =	smul.f32 s24, s20;
	s13 =	ssub.f32 $1.500000000e+00, s13  }
0x5f1: {  	s1 =	sadd.f32 $9.999999960e-13, s1;
	s29 =	sshra.s32 s0, $0x1;
	s0 =	smul.f32 $5.000000000e-01, s0  }
0x5f2: {  	s13 =	smul.f32 s13, s19  }
0x5f3: {  	s25 =	ssub.s32 $0x5F3759DF, s29;
	s9 =	sshra.s32 s1, $0x1;
	s1 =	smul.f32 $5.000000000e-01, s1  }
0x5f4: {  	s11 =	smul.f32 s25, s0  }
0x5f5: {  	s17 =	smul.f32 s13, s17  }
0x5f6: {  	s26 =	ssub.s32 $0x5F3759DF, s9;
	s28 =	smul.f32 s25, s11  }
0x5f7: {  	s9 =	smul.f32 s26, s1  }
0x5f8: {  	s17 =	smul.f32 s17, s13;
	s11 =	ssub.f32 $1.500000000e+00, s28  }
0x5f9: {  	s29 =	smul.f32 s26, s9  }
0x5fa: {  	s17 =	ssub.f32 $1.500000000e+00, s17;
	s24 =	smul.f32 s25, s11  }
0x5fb: {  	s28 =	ssub.f32 $1.500000000e+00, s29;
	s29 =	smul.f32 s20, s15  }
0x5fc: {  	s13 =	smul.f32 s17, s13  }
0x5fd: {  	s19 =	smul.f32 s26, s28  }
0x5fe: {  	s25 =	smul.f32 s29, s20  }
0x5ff: {  	s9 =	smul.f32 s24, s0  }
0x600: {  	s29 =	sld [smem:$0x7E4];
	s11 =	smul.f32 s19, s1  }
0x601: {  	[smem:s22] =	sst s4;
	s26 =	smul.f32 s9, s24  }
0x602: {  	s22 =	smul.f32 s13, s31;
	s25 =	ssub.f32 $1.500000000e+00, s25  }
0x603: {  	s28 =	smul.f32 s11, s19;
	s26 =	ssub.f32 $1.500000000e+00, s26  }
0x604: {  	s20 =	smul.f32 s25, s20  }
0x605: {  	s28 =	ssub.f32 $1.500000000e+00, s28;
	s24 =	smul.f32 s26, s24  }
0x606: {  	s11 =	smul.f32 s20, s15  }
0x607: {  	s17 =	smul.f32 s28, s19  }
0x608: {  	s25 =	sadd.s32 $0xFFFFFFFF, s18;
	s19 =	smul.f32 s4, s29  }
0x609: {  	[smem:s25] =	sst s13;
	s0 =	smul.f32 s24, s0  }
0x60a: {  	[smem:s10] =	sst s22;
	s15 =	smul.f32 s11, s20  }
0x60b: {  	s9 =	smul.f32 s2, s30;
	[smem:s12] =	sst s19  }
0x60c: {  	s12 =	sand.u32 $0x7, s23;
	s0 =	smul.f32 s0, s24;
	s23 =	ssub.f32 $1.500000000e+00, s15  }
0x60d: {  	s1 =	smul.f32 s17, s1;
	[smem:s16] =	sst s2;
	s19 =	sor.u32 s12, s14  }
0x60e: {  	[smem:s19] =	sst s9  }
0x60f: {  	s6 =	sadd.s32 $0x3, s6;
	s0 =	ssub.f32 $1.500000000e+00, s0;
	s1 =	smul.f32 s1, s17  }
0x610: {  	s6 =	sand.u32 $0x7, s6;
	s4 =	smul.f32 s23, s20;
	s2 =	sld [smem:$0x7E5]  }
0x611: {  	s26 =	sadd.s32 $0x2, s18;
	s0 =	smul.f32 s0, s24;
	s1 =	ssub.f32 $1.500000000e+00, s1  }
0x612: {  	s28 =	sadd.s32 $0xFFFFFFFF, s26;
	s3 =	smul.f32 s4, s3;
	[smem:s18] =	sst s4  }
0x613: {  	s2 =	sor.u32 s6, s2;
	s29 =	smul.f32 s0, s21;
	[smem:s28] =	sst s0  }
0x614: {  	s1 =	smul.f32 s1, s17;
	[smem:s2] =	sst s3  }
0x615: {  	[smem:s8] =	sst s29  }
0x616: {  	[smem:s26] =	sst s1  }
0x617: {  	s31 =	smul.f32 s1, s5;
	s1 =	sld [smem:$0x7E6]  }
0x618: {  	s30 =	sadd.s32 $0x3, s7  }
0x619: {  	s0 =	sand.u32 $0x7, s30  }
0x61a: {  	s0 =	sor.u32 s0, s1  }
0x61b: {  	s18 =	simm.s32 $0x4D00;
	s5 =	simm.s32 $0x0;
	[smem:s0] =	sst s31  }
.LBB2_19:
0x61c: {  	v3 =	vld [tilespmem:s18+$0x0]  }
0x61d: {  	s0 =	sshll.u32 s5, $0x7;
	v5 =	vld [tilespmem:s18+$0xFFFFFF80]  }
0x61e: {  	v48 =	vld [tilespmem:s0+$0x11480]  }
0x61f: {  	v49 =	vld [tilespmem:s0+$0x11490]  }
0x620: {  	v46 =	vld [tilespmem:s0+$0x114A0]  }
0x621: {  	v44 =	vld [tilespmem:s0+$0x114B0]  }
0x622: {  	v41 =	vld [tilespmem:s0+$0x114C0]  }
0x623: {  	v39 =	vld [tilespmem:s0+$0x114D0]  }
0x624: {  	v37 =	vld [tilespmem:s0+$0x114E0]  }
0x625: {  	v35 =	vld [tilespmem:s0+$0x114F0]  }
0x626: {  	v50 =	vld [tilespmem:s0+$0x11880]  }
0x627: {  	v51 =	vld [tilespmem:s0+$0x11890]  }
0x628: {  	v47 =	vld [tilespmem:s0+$0x118A0]  }
0x629: {  	v45 =	vld [tilespmem:s0+$0x118B0]  }
0x62a: {  	s26 =	simm.s32 $0x0;
	v42 =	vld [tilespmem:s0+$0x118C0]  }
0x62b: {  	s2 =	simm.s32 $0x1;
	v40 =	vld [tilespmem:s0+$0x118D0];
	s1 =	sand.u32 $0x8, s26  }
0x62c: {  	v38 =	vld [tilespmem:s0+$0x118E0];
	s4 =	sand.u32 $0x7, s2;
	s1 =	sor.u32 $0x10, s1  }
0x62d: {  	v36 =	vld [tilespmem:s0+$0x118F0];
	s2 =	sld [smem:$0x1];
	s3 =	sor.u32 s4, s1  }
0x62e: {  	s3 =	sld [smem:s3+$0x0];
	_ =	sdelay $0x1  }
0x62f: {  	v8 =	vmul.f32 s2, v3  }
0x630: {  	v3 =	vmov s3  }
0x631: {  	s7 =	simm.s32 $0x0;
	s31 =	sand.u32 $0x6, s26;
	[smem:$0x7E0] =	sst s5;
	v8 =	vsub.f32 v8, v3  }
0x632: {  	s6 =	sand.u32 $0x40, s7;
	s8 =	sor.u32 s31, s1;
	s3 =	sld [smem:$0x0]  }
0x633: {  	s22 =	sshll.u32 s5, $0x3;
	s9 =	sor.u32 s4, s6;
	s10 =	sld [smem:s8+$0x0];
	v8 =	vmul.f32 v8, v48  }
0x634: {  	s11 =	sadd.s32 s22, s9  }
0x635: {  	s0 =	sshll.u32 s11, $0x7;
	v5 =	vmul.f32 s3, v5;
	v9 =	vadd.f32 v8, v50  }
0x636: {  	s0 =	sand.u32 $0x3FFFFF80, s0;
	v8 =	vmov s10  }
0x637: {  	v5 =	vsub.f32 v5, v8;
	[tilespmem:s0+$0xCC80] =	vst v9  }
0x638: {  	v9 =	vld [tilespmem:s18+$0x10]  }
0x639: {  	s12 =	sor.u32 s6, s31;
	v5 =	vmul.f32 v5, v48  }
0x63a: {  	s1 =	sadd.s32 s22, s12  }
0x63b: {  	s1 =	sshll.u32 s1, $0x7;
	v5 =	vadd.f32 v5, v50  }
0x63c: {  	s20 =	sand.u32 $0x3FFFFF80, s1  }
0x63d: {  	[tilespmem:s20+$0xCC80] =	vst v5;
	v9 =	vmul.f32 s2, v9  }
0x63e: {  	v5 =	vld [tilespmem:s18+$0xFFFFFF90]  }
0x63f: {  	v9 =	vsub.f32 v9, v3;
	_ =	sdelay $0x1  }
0x640: {  	v9 =	vmul.f32 v9, v49;
	_ =	sdelay $0x1  }
0x641: {  	v5 =	vmul.f32 s3, v5;
	v9 =	vadd.f32 v9, v51  }
0x642: {  	[tilespmem:s18+$0x0] =	vst v34  }
0x643: {  	v5 =	vsub.f32 v5, v8;
	[tilespmem:s0+$0xCC90] =	vst v9  }
0x644: {  	v9 =	vld [tilespmem:s18+$0x20]  }
0x645: {  	v5 =	vmul.f32 v5, v49;
	_ =	sdelay $0x1  }
0x646: {  	s13 =	simm.s32 $0x2;
	s17 =	sadd.s32 $0x100, s18;
	v5 =	vadd.f32 v5, v51  }
0x647: {  	s15 =	simm.s32 $0x3;
	s14 =	sand.u32 $0x8, s13;
	v11 =	vld [tilespmem:s17+$0x0];
	[tilespmem:s18+$0xFFFFFF80] =	vst v34  }
0x648: {  	s4 =	sor.u32 $0x10, s14;
	s5 =	sand.u32 $0x7, s15;
	[tilespmem:s20+$0xCC90] =	vst v5;
	v9 =	vmul.f32 s2, v9  }
0x649: {  	s16 =	sor.u32 s5, s4;
	v5 =	vld [tilespmem:s17+$0xFFFFFF80];
	s24 =	sld [smem:$0x3]  }
0x64a: {  	s6 =	sld [smem:s16+$0x0];
	v9 =	vsub.f32 v9, v3;
	_ =	sdelay $0x1  }
0x64b: {  	s1 =	sand.u32 $0x6, s13;
	[tilespmem:s18+$0xFFFFFF90] =	vst v34;
	v11 =	vmul.f32 s24, v11;
	v9 =	vmul.f32 v9, v46  }
0x64c: {  	s4 =	sor.u32 s1, s4;
	v13 =	vld [tilespmem:s18+$0xFFFFFFA0];
	s21 =	sld [smem:$0x2];
	v56 =	vmov s6  }
0x64d: {  	s19 =	simm.s32 $0x10;
	s4 =	sld [smem:s4+$0x0];
	v11 =	vsub.f32 v11, v56;
	v9 =	vadd.f32 v9, v47  }
0x64e: {  	[tilespmem:s18+$0x10] =	vst v34;
	s6 =	sand.u32 $0x40, s19  }
0x64f: {  	v5 =	vmul.f32 s21, v5;
	s23 =	sor.u32 s5, s6;
	[tilespmem:s0+$0xCCA0] =	vst v9;
	v9 =	vmul.f32 v11, v48  }
0x650: {  	v43 =	vmov s4;
	s4 =	sadd.s32 s22, s23;
	v11 =	vld [tilespmem:s18+$0x30]  }
0x651: {  	v5 =	vsub.f32 v5, v43;
	s4 =	sshll.u32 s4, $0x7;
	v9 =	vadd.f32 v9, v50  }
0x652: {  	s25 =	sor.u32 s6, s1;
	s1 =	sand.u32 $0x3FFFFF80, s4  }
0x653: {  	v5 =	vmul.f32 v5, v48;
	[tilespmem:s1+$0xCC80] =	vst v9  }
0x654: {  	s26 =	sadd.s32 s22, s25;
	v9 =	vld [tilespmem:s17+$0x10]  }
0x655: {  	s4 =	sshll.u32 s26, $0x7;
	v5 =	vadd.f32 v5, v50;
	v11 =	vmul.f32 s2, v11  }
0x656: {  	s11 =	sand.u32 $0x3FFFFF80, s4  }
0x657: {  	[tilespmem:s11+$0xCC80] =	vst v5;
	v5 =	vsub.f32 v11, v3;
	v11 =	vmul.f32 s3, v13  }
0x658: {  	v13 =	vld [tilespmem:s17+$0xFFFFFF90]  }
0x659: {  	v5 =	vmul.f32 v5, v44;
	v11 =	vsub.f32 v11, v8;
	v9 =	vmul.f32 s24, v9;
	_ =	sdelay $0x1  }
0x65a: {  	v5 =	vadd.f32 v5, v45;
	v11 =	vmul.f32 v11, v46;
	v9 =	vsub.f32 v9, v56  }
0x65b: {  	[tilespmem:s18+$0x20] =	vst v34  }
0x65c: {  	v13 =	vmul.f32 s21, v13;
	[tilespmem:s0+$0xCCB0] =	vst v5;
	v5 =	vadd.f32 v11, v47;
	v9 =	vmul.f32 v9, v49  }
0x65d: {  	v11 =	vld [tilespmem:s18+$0x40]  }
0x65e: {  	v13 =	vsub.f32 v13, v43;
	[tilespmem:s20+$0xCCA0] =	vst v5;
	v5 =	vadd.f32 v9, v51  }
0x65f: {  	[tilespmem:s17+$0x0] =	vst v34  }
0x660: {  	v9 =	vmul.f32 v13, v49;
	v13 =	vld [tilespmem:s18+$0xFFFFFFB0];
	[tilespmem:s1+$0xCC90] =	vst v5  }
0x661: {  	v5 =	vld [tilespmem:s17+$0x20]  }
0x662: {  	v9 =	vadd.f32 v9, v51;
	v11 =	vmul.f32 s2, v11  }
0x663: {  	[tilespmem:s17+$0xFFFFFF80] =	vst v34  }
0x664: {  	s31 =	simm.s32 $0x4;
	[tilespmem:s11+$0xCC90] =	vst v9;
	v9 =	vsub.f32 v11, v3  }
0x665: {  	s7 =	simm.s32 $0x5;
	s10 =	sadd.s32 $0x100, s17;
	s6 =	sand.u32 $0x8, s31;
	v13 =	vmul.f32 s3, v13  }
0x666: {  	v15 =	vld [tilespmem:s10+$0x0];
	s5 =	sor.u32 $0x10, s6;
	s6 =	sand.u32 $0x7, s7;
	[tilespmem:s18+$0xFFFFFFA0] =	vst v34;
	v9 =	vmul.f32 v9, v41;
	v5 =	vmul.f32 s24, v5  }
0x667: {  	s7 =	sor.u32 s6, s5;
	v11 =	vld [tilespmem:s10+$0xFFFFFF80];
	s9 =	sld [smem:$0x5];
	v13 =	vsub.f32 v13, v8  }
0x668: {  	[tilespmem:s17+$0xFFFFFF90] =	vst v34;
	s7 =	sld [smem:s7+$0x0];
	v9 =	vadd.f32 v9, v42;
	v5 =	vsub.f32 v5, v56  }
0x669: {  	s4 =	sand.u32 $0x6, s31;
	v17 =	vld [tilespmem:s17+$0xFFFFFFA0];
	s12 =	sld [smem:$0x4];
	[tilespmem:s18+$0x30] =	vst v34;
	v13 =	vmul.f32 v13, v44  }
0x66a: {  	s5 =	sor.u32 s4, s5;
	[tilespmem:s0+$0xCCC0] =	vst v9;
	v5 =	vmul.f32 v5, v46  }
0x66b: {  	s5 =	sld [smem:s5+$0x0];
	v15 =	vmul.f32 s9, v15;
	v13 =	vadd.f32 v13, v45;
	v9 =	vld [tilespmem:s18+$0x50]  }
0x66c: {  	[tilespmem:s17+$0x10] =	vst v34;
	v53 =	vmov s7;
	v5 =	vadd.f32 v5, v47  }
0x66d: {  	s8 =	simm.s32 $0x20;
	v11 =	vmul.f32 s12, v11;
	[tilespmem:s20+$0xCCB0] =	vst v13;
	v13 =	vsub.f32 v15, v53  }
0x66e: {  	s7 =	sand.u32 $0x40, s8;
	v52 =	vmov s5;
	[tilespmem:s1+$0xCCA0] =	vst v5  }
0x66f: {  	s13 =	sor.u32 s6, s7;
	v13 =	vmul.f32 v13, v48;
	v5 =	vsub.f32 v11, v52;
	v11 =	vld [tilespmem:s17+$0x30]  }
0x670: {  	s5 =	sadd.s32 s22, s13;
	v9 =	vmul.f32 s2, v9  }
0x671: {  	s4 =	sor.u32 s7, s4;
	s5 =	sshll.u32 s5, $0x7;
	v15 =	vld [tilespmem:s18+$0xFFFFFFC0];
	v13 =	vadd.f32 v13, v50;
	v5 =	vmul.f32 v5, v48  }
0x672: {  	s4 =	sadd.s32 s22, s4;
	s7 =	sand.u32 $0x3FFFFF80, s5;
	v9 =	vsub.f32 v9, v3  }
0x673: {  	s4 =	sshll.u32 s4, $0x7;
	[tilespmem:s7+$0xCC80] =	vst v13;
	v5 =	vadd.f32 v5, v50  }
0x674: {  	s30 =	sand.u32 $0x3FFFFF80, s4;
	v13 =	vld [tilespmem:s10+$0x10];
	v9 =	vmul.f32 v9, v39;
	v11 =	vmul.f32 s24, v11  }
0x675: {  	v17 =	vmul.f32 s21, v17;
	[tilespmem:s30+$0xCC80] =	vst v5  }
0x676: {  	v5 =	vadd.f32 v9, v40;
	v9 =	vmul.f32 s3, v15;
	v15 =	vld [tilespmem:s10+$0xFFFFFF90];
	v11 =	vsub.f32 v11, v56  }
0x677: {  	v17 =	vsub.f32 v17, v43;
	[tilespmem:s18+$0x40] =	vst v34  }
0x678: {  	[tilespmem:s0+$0xCCD0] =	vst v5;
	v11 =	vmul.f32 v11, v44  }
0x679: {  	v17 =	vmul.f32 v17, v46;
	v5 =	vsub.f32 v9, v8;
	v13 =	vmul.f32 s9, v13;
	v9 =	vld [tilespmem:s18+$0x60]  }
0x67a: {  	[tilespmem:s18+$0xFFFFFFB0] =	vst v34;
	v11 =	vadd.f32 v11, v45  }
0x67b: {  	v17 =	vadd.f32 v17, v47;
	[tilespmem:s17+$0x20] =	vst v34;
	v13 =	vsub.f32 v13, v53;
	v15 =	vmul.f32 s12, v15  }
0x67c: {  	v5 =	vmul.f32 v5, v41;
	[tilespmem:s1+$0xCCB0] =	vst v11  }
0x67d: {  	[tilespmem:s11+$0xCCA0] =	vst v17;
	v13 =	vmul.f32 v13, v49;
	v11 =	vsub.f32 v15, v52;
	v15 =	vld [tilespmem:s17+$0x40]  }
0x67e: {  	[tilespmem:s17+$0xFFFFFFA0] =	vst v34;
	v5 =	vadd.f32 v5, v42;
	v9 =	vmul.f32 s2, v9  }
0x67f: {  	v17 =	vld [tilespmem:s17+$0xFFFFFFB0];
	[tilespmem:s10+$0x0] =	vst v34;
	v13 =	vadd.f32 v13, v51  }
0x680: {  	[tilespmem:s20+$0xCCC0] =	vst v5;
	v5 =	vmul.f32 v11, v49;
	v9 =	vsub.f32 v9, v3  }
0x681: {  	[tilespmem:s7+$0xCC90] =	vst v13  }
0x682: {  	[tilespmem:s10+$0xFFFFFF80] =	vst v34;
	v5 =	vadd.f32 v5, v51;
	v13 =	vld [tilespmem:s10+$0x20];
	v9 =	vmul.f32 v9, v37;
	v15 =	vmul.f32 s24, v15  }
0x683: {  	[tilespmem:s18+$0x50] =	vst v34;
	v11 =	vld [tilespmem:s18+$0xFFFFFFD0]  }
0x684: {  	s14 =	simm.s32 $0x6;
	s23 =	sadd.s32 $0x100, s10;
	v17 =	vmul.f32 s21, v17;
	[tilespmem:s30+$0xCC90] =	vst v5;
	v5 =	vadd.f32 v9, v38;
	v15 =	vsub.f32 v15, v56  }
0x685: {  	s15 =	sand.u32 $0x8, s14;
	s16 =	simm.s32 $0x7;
	[tilespmem:s18+$0xFFFFFFC0] =	vst v34;
	v9 =	vld [tilespmem:s23+$0x0]  }
0x686: {  	s6 =	sand.u32 $0x7, s16;
	s5 =	sor.u32 $0x10, s15;
	[tilespmem:s0+$0xCCE0] =	vst v5;
	v5 =	vsub.f32 v17, v43;
	v15 =	vmul.f32 v15, v41  }
0x687: {  	v18 =	vld [tilespmem:s23+$0xFFFFFF80];
	s8 =	sor.u32 s6, s5;
	v13 =	vmul.f32 s9, v13;
	s26 =	sld [smem:$0x7]  }
0x688: {  	v11 =	vmul.f32 s3, v11;
	[tilespmem:s10+$0xFFFFFF90] =	vst v34;
	v17 =	vld [tilespmem:s18+$0x70];
	s8 =	sld [smem:s8+$0x0];
	v5 =	vmul.f32 v5, v44;
	v15 =	vadd.f32 v15, v42  }
0x689: {  	v19 =	vld [tilespmem:s10+$0xFFFFFFA0];
	v13 =	vsub.f32 v13, v53;
	s25 =	sld [smem:$0x6];
	[tilespmem:s17+$0x30] =	vst v34  }
0x68a: {  	s4 =	sand.u32 $0x6, s14;
	v11 =	vsub.f32 v11, v8;
	v5 =	vadd.f32 v5, v45;
	v9 =	vmul.f32 s26, v9;
	[tilespmem:s1+$0xCCC0] =	vst v15  }
0x68b: {  	s5 =	sor.u32 s4, s5;
	v13 =	vmul.f32 v13, v46;
	v55 =	vmov s8;
	v15 =	vld [tilespmem:s17+$0x50]  }
0x68c: {  	s19 =	simm.s32 $0x30;
	v11 =	vmul.f32 v11, v39;
	s5 =	sld [smem:s5+$0x0];
	[tilespmem:s11+$0xCCB0] =	vst v5;
	v5 =	vsub.f32 v9, v55  }
0x68d: {  	s31 =	sand.u32 $0x40, s19;
	v9 =	vadd.f32 v13, v47;
	v13 =	vmul.f32 s2, v17  }
0x68e: {  	s6 =	sor.u32 s6, s31;
	[tilespmem:s10+$0x10] =	vst v34;
	v11 =	vadd.f32 v11, v40;
	v17 =	vmul.f32 s25, v18;
	v5 =	vmul.f32 v5, v48  }
0x68f: {  	v54 =	vmov s5;
	s5 =	sadd.s32 s22, s6;
	[tilespmem:s7+$0xCCA0] =	vst v9;
	v3 =	vsub.f32 v13, v3  }
0x690: {  	[tilespmem:s20+$0xCCD0] =	vst v11;
	v9 =	vsub.f32 v17, v54;
	s5 =	sshll.u32 s5, $0x7;
	v13 =	vld [tilespmem:s10+$0x30];
	v5 =	vadd.f32 v5, v50;
	v11 =	vmul.f32 s24, v15  }
0x691: {  	[tilespmem:s18+$0x60] =	vst v34;
	v17 =	vmul.f32 s12, v19;
	s29 =	sand.u32 $0x3FFFFF80, s5;
	v3 =	vmul.f32 v3, v35  }
0x692: {  	s2 =	sor.u32 s31, s4;
	v15 =	vld [tilespmem:s17+$0xFFFFFFC0];
	v9 =	vmul.f32 v9, v48;
	[tilespmem:s29+$0xCC80] =	vst v5;
	v5 =	vsub.f32 v11, v56  }
0x693: {  	[tilespmem:s17+$0x40] =	vst v34;
	s2 =	sadd.s32 s22, s2;
	v3 =	vadd.f32 v3, v36;
	v11 =	vsub.f32 v17, v52;
	v17 =	vld [tilespmem:s23+$0x10]  }
0x694: {  	[tilespmem:s17+$0xFFFFFFB0] =	vst v34;
	s2 =	sshll.u32 s2, $0x7;
	v9 =	vadd.f32 v9, v50  }
0x695: {  	v18 =	vld [tilespmem:s18+$0xFFFFFFE0];
	v13 =	vmul.f32 s9, v13;
	v5 =	vmul.f32 v5, v39;
	[tilespmem:s0+$0xCCF0] =	vst v3;
	s0 =	sand.u32 $0x3FFFFF80, s2  }
0x696: {  	v3 =	vmul.f32 v11, v46;
	[tilespmem:s0+$0xCC80] =	vst v9  }
0x697: {  	[tilespmem:s18+$0xFFFFFFD0] =	vst v34;
	v11 =	vmul.f32 s21, v15;
	v9 =	vsub.f32 v13, v53;
	v5 =	vadd.f32 v5, v40;
	v13 =	vld [tilespmem:s23+$0xFFFFFF90]  }
0x698: {  	[tilespmem:s10+$0x20] =	vst v34;
	v15 =	vmul.f32 s26, v17  }
0x699: {  	v3 =	vadd.f32 v3, v47;
	v11 =	vsub.f32 v11, v43;
	v9 =	vmul.f32 v9, v44;
	[tilespmem:s1+$0xCCD0] =	vst v5  }
0x69a: {  	[tilespmem:s23+$0x0] =	vst v34;
	v5 =	vmul.f32 s3, v18;
	v17 =	vld [tilespmem:s17+$0x60];
	v15 =	vsub.f32 v15, v55  }
0x69b: {  	[tilespmem:s30+$0xCCA0] =	vst v3;
	v11 =	vmul.f32 v11, v41;
	v3 =	vadd.f32 v9, v45  }
0x69c: {  	[tilespmem:s18+$0x70] =	vst v34;
	v5 =	vsub.f32 v5, v8;
	v13 =	vmul.f32 s25, v13;
	v15 =	vmul.f32 v15, v49  }
0x69d: {  	v9 =	vadd.f32 v11, v42;
	[tilespmem:s7+$0xCCB0] =	vst v3  }
0x69e: {  	[tilespmem:s23+$0xFFFFFF80] =	vst v34;
	v3 =	vmul.f32 v5, v37;
	v5 =	vsub.f32 v13, v54;
	v13 =	vadd.f32 v15, v51;
	v15 =	vld [tilespmem:s10+$0x40]  }
0x69f: {  	[tilespmem:s11+$0xCCC0] =	vst v9;
	v9 =	vmul.f32 s24, v17  }
0x6a0: {  	[tilespmem:s10+$0xFFFFFFA0] =	vst v34;
	v11 =	vld [tilespmem:s10+$0xFFFFFFB0];
	v3 =	vadd.f32 v3, v38  }
0x6a1: {  	v5 =	vmul.f32 v5, v49;
	[tilespmem:s29+$0xCC90] =	vst v13;
	v9 =	vsub.f32 v9, v56  }
0x6a2: {  	[tilespmem:s20+$0xCCE0] =	vst v3;
	v3 =	vld [tilespmem:s23+$0x20]  }
0x6a3: {  	[tilespmem:s17+$0x50] =	vst v34;
	v17 =	vld [tilespmem:s17+$0xFFFFFFD0];
	v5 =	vadd.f32 v5, v51;
	v9 =	vmul.f32 v9, v37;
	v13 =	vmul.f32 s9, v15  }
0x6a4: {  	s19 =	sadd.s32 $0x100, s23;
	[tilespmem:s17+$0xFFFFFFC0] =	vst v34  }
0x6a5: {  	s28 =	simm.s32 $0x8;
	v18 =	vld [tilespmem:s19+$0xFFFFFF80];
	v11 =	vmul.f32 s12, v11;
	[tilespmem:s0+$0xCC90] =	vst v5;
	v5 =	vadd.f32 v9, v38;
	v13 =	vsub.f32 v13, v53  }
0x6a6: {  	s13 =	simm.s32 $0x9;
	s8 =	sand.u32 $0x8, s28;
	[tilespmem:s18+$0xFFFFFFE0] =	vst v34;
	v9 =	vld [tilespmem:s19+$0x0]  }
0x6a7: {  	s14 =	sor.u32 $0x10, s8;
	s4 =	sand.u32 $0x7, s13;
	v15 =	vld [tilespmem:s18+$0xFFFFFFF0];
	[tilespmem:s1+$0xCCE0] =	vst v5;
	v5 =	vsub.f32 v11, v52;
	v3 =	vmul.f32 s26, v3;
	v11 =	vmul.f32 v13, v41  }
0x6a8: {  	s2 =	sor.u32 s4, s14;
	v17 =	vmul.f32 s21, v17;
	s8 =	sld [smem:$0x9];
	v13 =	vld [tilespmem:s17+$0x70]  }
0x6a9: {  	s13 =	sand.u32 $0x6, s28;
	[tilespmem:s23+$0xFFFFFF90] =	vst v34;
	s15 =	sld [smem:s2+$0x0];
	v3 =	vsub.f32 v3, v55;
	v11 =	vadd.f32 v11, v42  }
0x6aa: {  	s5 =	sor.u32 s13, s14;
	v17 =	vsub.f32 v17, v43;
	v19 =	vld [tilespmem:s23+$0xFFFFFFA0];
	v5 =	vmul.f32 v5, v44;
	s2 =	sld [smem:$0x8];
	[tilespmem:s10+$0x30] =	vst v34  }
0x6ab: {  	s5 =	sld [smem:s5+$0x0];
	v9 =	vmul.f32 s8, v9;
	v20 =	vmul.f32 v3, v46;
	[tilespmem:s7+$0xCCC0] =	vst v11  }
0x6ac: {  	[tilespmem:s23+$0x10] =	vst v34;
	v5 =	vadd.f32 v5, v45;
	v3 =	vmov s15;
	v11 =	vmul.f32 v17, v39;
	v17 =	vld [tilespmem:s10+$0x50]  }
0x6ad: {  	s6 =	simm.s32 $0x40;
	[tilespmem:s17+$0x60] =	vst v34;
	v9 =	vsub.f32 v9, v3;
	v20 =	vadd.f32 v20, v47;
	v13 =	vmul.f32 s24, v13  }
0x6ae: {  	s16 =	sand.u32 $0x40, s6;
	[tilespmem:s30+$0xCCB0] =	vst v5;
	v18 =	vmul.f32 s2, v18;
	v5 =	vmov s5  }
0x6af: {  	s4 =	sor.u32 s4, s16;
	v11 =	vadd.f32 v11, v40;
	v9 =	vmul.f32 v9, v48;
	[tilespmem:s29+$0xCCA0] =	vst v20;
	v13 =	vsub.f32 v13, v56  }
0x6b0: {  	s4 =	sadd.s32 s22, s4;
	[tilespmem:s10+$0x40] =	vst v34;
	v18 =	vsub.f32 v18, v5;
	v20 =	vld [tilespmem:s23+$0x30]  }
0x6b1: {  	s4 =	sshll.u32 s4, $0x7;
	[tilespmem:s11+$0xCCD0] =	vst v11;
	v9 =	vadd.f32 v9, v50;
	v13 =	vmul.f32 v13, v35;
	v11 =	vmul.f32 s9, v17  }
0x6b2: {  	s31 =	sor.u32 s16, s13;
	v19 =	vmul.f32 s25, v19;
	s24 =	sand.u32 $0x3FFFFF80, s4;
	[tilespmem:s10+$0xFFFFFFB0] =	vst v34;
	v18 =	vmul.f32 v18, v48;
	v17 =	vld [tilespmem:s10+$0xFFFFFFC0]  }
0x6b3: {  	s4 =	sadd.s32 s22, s31;
	[tilespmem:s24+$0xCC80] =	vst v9;
	v9 =	vsub.f32 v11, v53;
	v11 =	vadd.f32 v13, v36  }
0x6b4: {  	s4 =	sshll.u32 s4, $0x7;
	[tilespmem:s23+$0x20] =	vst v34;
	v18 =	vadd.f32 v18, v50;
	v13 =	vsub.f32 v19, v54;
	v19 =	vld [tilespmem:s19+$0x10]  }
0x6b5: {  	v21 =	vld [tilespmem:s17+$0xFFFFFFE0];
	v20 =	vmul.f32 s26, v20;
	v9 =	vmul.f32 v9, v39;
	[tilespmem:s1+$0xCCF0] =	vst v11;
	s1 =	sand.u32 $0x3FFFFF80, s4  }
0x6b6: {  	v11 =	vmul.f32 v13, v46;
	[tilespmem:s1+$0xCC80] =	vst v18  }
0x6b7: {  	[tilespmem:s17+$0xFFFFFFD0] =	vst v34;
	v13 =	vmul.f32 s12, v17;
	v17 =	vsub.f32 v20, v55;
	v9 =	vadd.f32 v9, v40;
	v18 =	vld [tilespmem:s19+$0xFFFFFF90]  }
0x6b8: {  	[tilespmem:s19+$0x0] =	vst v34;
	v11 =	vadd.f32 v11, v47  }
0x6b9: {  	v13 =	vsub.f32 v13, v52;
	v19 =	vmul.f32 s8, v19;
	v17 =	vmul.f32 v17, v44;
	[tilespmem:s7+$0xCCD0] =	vst v9  }
0x6ba: {  	[tilespmem:s17+$0x70] =	vst v34;
	v9 =	vmul.f32 s21, v21;
	v63 =	vld [tilespmem:s10+$0x60]  }
0x6bb: {  	[tilespmem:s0+$0xCCA0] =	vst v11;
	v13 =	vmul.f32 v13, v41;
	v19 =	vsub.f32 v19, v3;
	v11 =	vadd.f32 v17, v45  }
0x6bc: {  	v15 =	vmul.f32 s3, v15;
	[tilespmem:s19+$0xFFFFFF80] =	vst v34;
	v9 =	vsub.f32 v9, v43;
	v18 =	vmul.f32 s2, v18  }
0x6bd: {  	v17 =	vld [tilespmem:s23+$0xFFFFFFB0];
	v13 =	vadd.f32 v13, v42;
	v19 =	vmul.f32 v19, v49;
	[tilespmem:s29+$0xCCB0] =	vst v11  }
0x6be: {  	v8 =	vsub.f32 v15, v8;
	[tilespmem:s23+$0xFFFFFFA0] =	vst v34;
	v9 =	vmul.f32 v9, v37;
	v15 =	vld [tilespmem:s23+$0x40];
	v11 =	vsub.f32 v18, v5  }
0x6bf: {  	v18 =	vadd.f32 v19, v51;
	[tilespmem:s30+$0xCCC0] =	vst v13;
	v13 =	vmul.f32 s9, v63  }
0x6c0: {  	v9 =	vadd.f32 v9, v38;
	[tilespmem:s10+$0xFFFFFFC0] =	vst v34;
	v19 =	vmul.f32 v11, v49;
	v11 =	vld [tilespmem:s10+$0xFFFFFFD0]  }
0x6c1: {  	[tilespmem:s24+$0xCC90] =	vst v18;
	v13 =	vsub.f32 v13, v53  }
0x6c2: {  	v8 =	vmul.f32 v8, v35;
	v17 =	vmul.f32 s25, v17;
	[tilespmem:s11+$0xCCE0] =	vst v9;
	v56 =	vld [tilespmem:s19+$0x20]  }
0x6c3: {  	v58 =	vadd.f32 v19, v51;
	[tilespmem:s17+$0xFFFFFFE0] =	vst v34;
	v15 =	vmul.f32 s26, v15;
	v13 =	vmul.f32 v13, v37  }
0x6c4: {  	s3 =	smov.u32 s19;
	s5 =	simm.s32 $0x9;
	v8 =	vadd.f32 v8, v36;
	v57 =	vsub.f32 v17, v54;
	v9 =	vld [tilespmem:s17+$0xFFFFFFF0];
	[smem:$0x7E1] =	sst s18  }
.LBB2_20:
0x6c5: {  	[tilespmem:s1+$0xCC90] =	vst v58;
	s19 =	sadd.s32 $0x100, s19;
	v15 =	vsub.f32 v15, v55;
	v11 =	vmul.f32 s12, v11;
	v13 =	vadd.f32 v13, v38;
	s4 =	smov.u32 s28;
	s28 =	sadd.s32 $0x2, s28  }
0x6c6: {  	s13 =	sand.u32 $0x8, s28;
	s31 =	sand.u32 $0x6, s28;
	s4 =	sadd.s32 $0x3, s4;
	v17 =	vld [tilespmem:s19+$0x0];
	v18 =	vmul.f32 v57, v44;
	[tilespmem:s10+$0x50] =	vst v34  }
0x6c7: {  	s5 =	sadd.s32 $0x2, s5;
	s13 =	sor.u32 $0x10, s13;
	v19 =	vld [tilespmem:s19+$0xFFFFFF80];
	s4 =	sand.u32 $0x7, s4;
	v20 =	vmul.f32 s8, v56;
	v15 =	vmul.f32 v15, v41;
	v11 =	vsub.f32 v11, v52;
	[tilespmem:s7+$0xCCE0] =	vst v13  }
0x6c8: {  	s15 =	sor.u32 s31, s13;
	s16 =	sld [smem:s5+$0x0];
	s13 =	sor.u32 s4, s13;
	[tilespmem:s3+$0xFFFFFF90] =	vst v34;
	v13 =	vadd.f32 v18, v45;
	v18 =	vld [tilespmem:s10+$0x70]  }
0x6c9: {  	p0 =	slt.u32 s28, $0xE;
	s13 =	sld [smem:s13+$0x0];
	v21 =	vld [tilespmem:s3+$0xFFFFFFA0];
	v20 =	vsub.f32 v20, v3;
	v15 =	vadd.f32 v15, v42;
	v11 =	vmul.f32 v11, v39;
	[tilespmem:s20+$0xCCF0] =	vst v8;
	s20 =	smov.u32 s11  }
0x6ca: {  	v8 =	vmul.f32 s21, v9;
	s21 =	smov.u32 s12;
	s12 =	smov.u32 s25;
	s14 =	sld [smem:s5+$0xFFFFFFFF];
	[tilespmem:s23+$0x30] =	vst v34  }
0x6cb: {  	s25 =	smov.u32 s2;
	s11 =	smov.u32 s30;
	s15 =	sld [smem:s15+$0x0];
	v9 =	vmul.f32 s16, v17;
	v17 =	vmul.f32 v20, v46;
	[tilespmem:s29+$0xCCC0] =	vst v15;
	v11 =	vadd.f32 v11, v40  }
0x6cc: {  	s30 =	smov.u32 s0;
	v8 =	vsub.f32 v8, v43;
	v43 =	vmovc v52;
	v52 =	vmovc v54;
	v54 =	vmov v5;
	v15 =	vmov s13;
	[tilespmem:s0+$0xCCB0] =	vst v13;
	v13 =	vld [tilespmem:s23+$0x50];
	s0 =	smov.u32 s1  }
0x6cd: {  	s6 =	sadd.s32 $0x10, s6;
	v9 =	vsub.f32 v9, v15;
	v17 =	vadd.f32 v17, v47;
	[tilespmem:s23+$0xFFFFFFB0] =	vst v34;
	v20 =	vld [tilespmem:s23+$0xFFFFFFC0];
	v18 =	vmul.f32 s9, v18;
	s9 =	smov.u32 s26;
	s26 =	smov.u32 s8  }
0x6ce: {  	s1 =	sand.u32 $0x40, s6;
	v19 =	vmul.f32 s14, v19;
	s8 =	smov.u32 s16;
	s2 =	smov.u32 s14;
	v5 =	vmov s15;
	v21 =	vmul.f32 s25, v21;
	[tilespmem:s3+$0x10] =	vst v34  }
0x6cf: {  	s13 =	sor.u32 s1, s31;
	s1 =	sor.u32 s4, s1;
	v8 =	vmul.f32 v8, v35;
	v9 =	vmul.f32 v9, v48;
	[tilespmem:s24+$0xCCA0] =	vst v17;
	v17 =	vsub.f32 v18, v53  }
0x6d0: {  	s4 =	sadd.s32 s22, s13;
	s1 =	sadd.s32 s22, s1;
	v18 =	vsub.f32 v19, v5;
	v53 =	vmovc v55;
	v55 =	vmov v3;
	v19 =	vsub.f32 v21, v54;
	v21 =	vld [tilespmem:s3+$0x30];
	[tilespmem:s11+$0xCCD0] =	vst v11  }
0x6d1: {  	s4 =	sshll.u32 s4, $0x7;
	s13 =	sshll.u32 s1, $0x7;
	v3 =	vmovc v15;
	v9 =	vadd.f32 v9, v50;
	v11 =	vmul.f32 s9, v13;
	[tilespmem:s10+$0xFFFFFFD0] =	vst v34;
	v13 =	vld [tilespmem:s10+$0xFFFFFFE0];
	v17 =	vmul.f32 v17, v35  }
0x6d2: {  	v8 =	vadd.f32 v8, v36;
	s1 =	sand.u32 $0x3FFFFF80, s4;
	s4 =	sand.u32 $0x3FFFFF80, s13;
	v15 =	vmul.f32 v18, v48;
	v18 =	vmul.f32 v19, v46;
	[tilespmem:s18+$0xFFFFFFF0] =	vst v34;
	s18 =	smov.u32 s17  }
0x6d3: {  	s17 =	smov.u32 s10;
	s10 =	smov.u32 s23;
	s23 =	smov.u32 s3;
	[tilespmem:s4+$0xCC80] =	vst v9;
	v9 =	vmul.f32 s12, v20;
	v11 =	vsub.f32 v11, v53;
	v17 =	vadd.f32 v17, v36  }
0x6d4: {  	s3 =	smov.u32 s19;
	v15 =	vadd.f32 v15, v50;
	v19 =	vld [tilespmem:s19+$0x10];
	v18 =	vadd.f32 v18, v47;
	[tilespmem:s17+$0x60] =	vst v34  }
0x6d5: {  	v20 =	vmul.f32 s26, v21;
	v9 =	vsub.f32 v9, v52;
	v11 =	vmul.f32 v11, v39;
	[tilespmem:s7+$0xCCF0] =	vst v17;
	s7 =	smov.u32 s29;
	s29 =	smov.u32 s24;
	s24 =	smov.u32 s4  }
0x6d6: {  	v13 =	vmul.f32 s21, v13;
	[tilespmem:s17+$0x70] =	vst v34  }
0x6d7: {  	[tilespmem:s1+$0xCC80] =	vst v15;
	v15 =	vsub.f32 v20, v55;
	v9 =	vmul.f32 v9, v41;
	v11 =	vadd.f32 v11, v40  }
0x6d8: {  	v17 =	vld [tilespmem:s19+$0xFFFFFF90];
	[tilespmem:s10+$0x40] =	vst v34;
	v13 =	vsub.f32 v13, v43  }
0x6d9: {  	v19 =	vmul.f32 s8, v19;
	v15 =	vmul.f32 v15, v44;
	v9 =	vadd.f32 v9, v42;
	[tilespmem:s7+$0xCCD0] =	vst v11  }
0x6da: {  	[tilespmem:s19+$0xFFFFFF80] =	vst v34;
	v11 =	vld [tilespmem:s10+$0x60];
	v13 =	vmul.f32 v13, v37  }
0x6db: {  	v19 =	vsub.f32 v19, v3;
	[tilespmem:s0+$0xCCA0] =	vst v18;
	v15 =	vadd.f32 v15, v45  }
0x6dc: {  	v18 =	vld [tilespmem:s23+$0xFFFFFFB0];
	[tilespmem:s23+$0x20] =	vst v34;
	v20 =	vadd.f32 v13, v38  }
0x6dd: {  	v13 =	vmul.f32 s2, v17;
	v17 =	vmul.f32 v19, v49;
	[tilespmem:s29+$0xCCB0] =	vst v15  }
0x6de: {  	[tilespmem:s23+$0xFFFFFFA0] =	vst v34;
	v15 =	vld [tilespmem:s23+$0x40]  }
0x6df: {  	v13 =	vsub.f32 v13, v5;
	v17 =	vadd.f32 v17, v51;
	[tilespmem:s30+$0xCCC0] =	vst v9;
	v9 =	vmul.f32 s9, v11  }
.Ltmp10:
0x6e0: {  	[tilespmem:s19+$0x0] =	vst v34;
	v11 =	vld [tilespmem:s10+$0xFFFFFFD0];
	(pc) =	sbr.rel @p0 .LBB2_20-.Ltmp10, $4  }
0x6e1: {  	v13 =	vmul.f32 v13, v49;
	[tilespmem:s24+$0xCC90] =	vst v17;
	v17 =	vmul.f32 s25, v18;
	v9 =	vsub.f32 v9, v53  }
0x6e2: {  	v56 =	vld [tilespmem:s19+$0x20];
	[tilespmem:s10+$0xFFFFFFC0] =	vst v34  }
0x6e3: {  	v58 =	vadd.f32 v13, v51;
	v15 =	vmul.f32 s26, v15;
	v13 =	vmul.f32 v9, v37;
	[tilespmem:s11+$0xCCE0] =	vst v20  }
0x6e4: {  	v57 =	vsub.f32 v17, v54;
	[tilespmem:s17+$0xFFFFFFE0] =	vst v34;
	v9 =	vld [tilespmem:s17+$0xFFFFFFF0]  }
0x6e5: {  	[tilespmem:s1+$0xCC90] =	vst v58  }
0x6e6: {  	v17 =	vld [tilespmem:s3+$0xFFFFFFA0];
	_ =	sdelay $0x1  }
0x6e7: {  	v18 =	vmul.f32 s8, v56;
	_ =	sdelay $0x1  }
0x6e8: {  	v18 =	vsub.f32 v18, v3  }
0x6e9: {  	v17 =	vmul.f32 s2, v17  }
0x6ea: {  	v18 =	vmul.f32 v18, v46  }
0x6eb: {  	v17 =	vsub.f32 v17, v5  }
0x6ec: {  	v18 =	vadd.f32 v18, v47  }
0x6ed: {  	[tilespmem:s3+$0x10] =	vst v34;
	v17 =	vmul.f32 v17, v46  }
0x6ee: {  	[tilespmem:s24+$0xCCA0] =	vst v18  }
0x6ef: {  	v18 =	vld [tilespmem:s3+$0x30];
	v17 =	vadd.f32 v17, v47  }
0x6f0: {  	[tilespmem:s3+$0xFFFFFF90] =	vst v34  }
0x6f1: {  	[tilespmem:s1+$0xCCA0] =	vst v17  }
0x6f2: {  	v17 =	vld [tilespmem:s3+$0xFFFFFFB0];
	_ =	sdelay $0x1  }
0x6f3: {  	v18 =	vmul.f32 s8, v18;
	_ =	sdelay $0x1  }
0x6f4: {  	v19 =	vmul.f32 v57, v44;
	v18 =	vsub.f32 v18, v3  }
0x6f5: {  	v17 =	vmul.f32 s2, v17  }
0x6f6: {  	v19 =	vadd.f32 v19, v45;
	v18 =	vmul.f32 v18, v44  }
0x6f7: {  	v17 =	vsub.f32 v17, v5  }
0x6f8: {  	[tilespmem:s0+$0xCCB0] =	vst v19;
	v18 =	vadd.f32 v18, v45  }
0x6f9: {  	v19 =	vld [tilespmem:s23+$0xFFFFFFC0];
	[tilespmem:s3+$0x20] =	vst v34;
	v17 =	vmul.f32 v17, v44  }
0x6fa: {  	[tilespmem:s24+$0xCCB0] =	vst v18  }
0x6fb: {  	v18 =	vld [tilespmem:s3+$0x40];
	v17 =	vadd.f32 v17, v45  }
0x6fc: {  	[tilespmem:s3+$0xFFFFFFA0] =	vst v34  }
0x6fd: {  	v15 =	vsub.f32 v15, v55;
	[tilespmem:s1+$0xCCB0] =	vst v17  }
0x6fe: {  	v17 =	vmul.f32 s25, v19;
	v19 =	vld [tilespmem:s3+$0xFFFFFFC0]  }
0x6ff: {  	v15 =	vmul.f32 v15, v41  }
0x700: {  	v17 =	vsub.f32 v17, v54;
	v18 =	vmul.f32 s8, v18  }
0x701: {  	v15 =	vadd.f32 v15, v42  }
0x702: {  	[tilespmem:s23+$0x30] =	vst v34;
	v17 =	vmul.f32 v17, v41;
	v18 =	vsub.f32 v18, v3  }
0x703: {  	[tilespmem:s29+$0xCCC0] =	vst v15;
	v19 =	vmul.f32 s2, v19  }
0x704: {  	v15 =	vadd.f32 v17, v42;
	v17 =	vld [tilespmem:s23+$0x50];
	v18 =	vmul.f32 v18, v41  }
0x705: {  	[tilespmem:s23+$0xFFFFFFB0] =	vst v34;
	v19 =	vsub.f32 v19, v5  }
0x706: {  	v11 =	vmul.f32 s12, v11;
	[tilespmem:s0+$0xCCC0] =	vst v15;
	v18 =	vadd.f32 v18, v42  }
0x707: {  	[tilespmem:s3+$0x30] =	vst v34;
	v15 =	vld [tilespmem:s23+$0xFFFFFFD0];
	v19 =	vmul.f32 v19, v41  }
0x708: {  	v11 =	vsub.f32 v11, v52;
	[tilespmem:s24+$0xCCC0] =	vst v18  }
0x709: {  	v17 =	vmul.f32 s26, v17;
	v18 =	vadd.f32 v19, v42;
	v19 =	vld [tilespmem:s3+$0x50]  }
0x70a: {  	v11 =	vmul.f32 v11, v39;
	[tilespmem:s3+$0xFFFFFFB0] =	vst v34  }
0x70b: {  	v13 =	vadd.f32 v13, v38;
	v17 =	vsub.f32 v17, v55;
	[tilespmem:s1+$0xCCC0] =	vst v18  }
0x70c: {  	[tilespmem:s10+$0x50] =	vst v34;
	v11 =	vadd.f32 v11, v40;
	v15 =	vmul.f32 s25, v15;
	v18 =	vld [tilespmem:s3+$0xFFFFFFD0]  }
0x70d: {  	[tilespmem:s7+$0xCCE0] =	vst v13;
	v13 =	vmul.f32 v17, v39  }
0x70e: {  	[tilespmem:s30+$0xCCD0] =	vst v11;
	v15 =	vsub.f32 v15, v54;
	v11 =	vmul.f32 s8, v19  }
0x70f: {  	v13 =	vadd.f32 v13, v40  }
0x710: {  	[tilespmem:s23+$0x40] =	vst v34;
	v15 =	vmul.f32 v15, v39;
	v11 =	vsub.f32 v11, v3  }
0x711: {  	[tilespmem:s29+$0xCCD0] =	vst v13;
	v17 =	vmul.f32 s2, v18  }
0x712: {  	[tilespmem:s20+$0xCCF0] =	vst v8;
	v13 =	vadd.f32 v15, v40;
	v15 =	vld [tilespmem:s23+$0x60];
	v11 =	vmul.f32 v11, v39  }
0x713: {  	[tilespmem:s23+$0xFFFFFFC0] =	vst v34;
	v17 =	vsub.f32 v17, v5  }
0x714: {  	v9 =	vmul.f32 s21, v9;
	[tilespmem:s3+$0x40] =	vst v34;
	v18 =	vld [tilespmem:s10+$0xFFFFFFE0];
	v11 =	vadd.f32 v11, v40  }
0x715: {  	[tilespmem:s0+$0xCCD0] =	vst v13;
	v13 =	vmul.f32 v17, v39;
	v17 =	vld [tilespmem:s10+$0x70]  }
0x716: {  	v9 =	vsub.f32 v9, v43;
	[tilespmem:s24+$0xCCD0] =	vst v11  }
0x717: {  	[tilespmem:s18+$0xFFFFFFF0] =	vst v34;
	v11 =	vadd.f32 v13, v40;
	v13 =	vmul.f32 s26, v15;
	v15 =	vld [tilespmem:s3+$0x60]  }
0x718: {  	v9 =	vmul.f32 v9, v35;
	[tilespmem:s3+$0xFFFFFFC0] =	vst v34;
	v19 =	vld [tilespmem:s23+$0xFFFFFFE0]  }
0x719: {  	v18 =	vmul.f32 s12, v18;
	[tilespmem:s1+$0xCCD0] =	vst v11;
	v11 =	vsub.f32 v13, v55  }
0x71a: {  	[tilespmem:s10+$0x60] =	vst v34;
	v9 =	vadd.f32 v9, v36;
	v13 =	vmul.f32 s9, v17  }
0x71b: {  	[tilespmem:s10+$0xFFFFFFD0] =	vst v34;
	v17 =	vsub.f32 v18, v52;
	v8 =	vmul.f32 v11, v37  }
0x71c: {  	[tilespmem:s11+$0xCCF0] =	vst v9;
	v18 =	vld [tilespmem:s3+$0xFFFFFFE0];
	v11 =	vsub.f32 v13, v53;
	v15 =	vmul.f32 s8, v15  }
0x71d: {  	[tilespmem:s17+$0xFFFFFFF0] =	vst v34;
	v13 =	vmul.f32 v17, v37;
	v17 =	vmul.f32 s25, v19;
	v8 =	vadd.f32 v8, v38  }
0x71e: {  	[tilespmem:s23+$0x50] =	vst v34;
	v11 =	vmul.f32 v11, v35;
	v15 =	vsub.f32 v15, v3  }
0x71f: {  	v13 =	vadd.f32 v13, v38;
	[tilespmem:s29+$0xCCE0] =	vst v8;
	v8 =	vsub.f32 v17, v54  }
0x720: {  	[tilespmem:s23+$0xFFFFFFD0] =	vst v34;
	v11 =	vadd.f32 v11, v36;
	v15 =	vmul.f32 v15, v37  }
0x721: {  	v17 =	vmul.f32 s2, v18;
	[tilespmem:s30+$0xCCE0] =	vst v13;
	v13 =	vld [tilespmem:s23+$0x70];
	v8 =	vmul.f32 v8, v37  }
0x722: {  	[tilespmem:s7+$0xCCF0] =	vst v11;
	v11 =	vld [tilespmem:s10+$0xFFFFFFF0];
	v15 =	vadd.f32 v15, v38  }
0x723: {  	[tilespmem:s3+$0x50] =	vst v34;
	v17 =	vsub.f32 v17, v5;
	v8 =	vadd.f32 v8, v38  }
0x724: {  	[tilespmem:s24+$0xCCE0] =	vst v15  }
0x725: {  	v17 =	vmul.f32 v17, v37;
	[tilespmem:s0+$0xCCE0] =	vst v8;
	v8 =	vld [tilespmem:s3+$0x70]  }
0x726: {  	[tilespmem:s3+$0xFFFFFFD0] =	vst v34;
	v13 =	vmul.f32 s26, v13  }
0x727: {  	[tilespmem:s23+$0x60] =	vst v34;
	v15 =	vadd.f32 v17, v38;
	v17 =	vld [tilespmem:s23+$0xFFFFFFF0];
	v11 =	vmul.f32 s12, v11  }
0x728: {  	[tilespmem:s10+$0xFFFFFFE0] =	vst v34;
	v13 =	vsub.f32 v13, v55  }
0x729: {  	[tilespmem:s10+$0x70] =	vst v34;
	v11 =	vsub.f32 v11, v52  }
0x72a: {  	[tilespmem:s3+$0x60] =	vst v34;
	v13 =	vmul.f32 v13, v35;
	v8 =	vmul.f32 s8, v8  }
0x72b: {  	[tilespmem:s23+$0xFFFFFFE0] =	vst v34;
	v9 =	vmul.f32 v11, v35  }
0x72c: {  	[tilespmem:s1+$0xCCE0] =	vst v15;
	v11 =	vadd.f32 v13, v36;
	v13 =	vmul.f32 s25, v17;
	v3 =	vsub.f32 v8, v3  }
0x72d: {  	[tilespmem:s3+$0xFFFFFFE0] =	vst v34;
	v15 =	vld [tilespmem:s3+$0xFFFFFFF0]  }
0x72e: {  	v8 =	vadd.f32 v9, v36;
	[tilespmem:s29+$0xCCF0] =	vst v11;
	v9 =	vsub.f32 v13, v54;
	v3 =	vmul.f32 v3, v35  }
0x72f: {  	[tilespmem:s23+$0x70] =	vst v34  }
0x730: {  	[tilespmem:s30+$0xCCF0] =	vst v8;
	v8 =	vmul.f32 v9, v35;
	v3 =	vadd.f32 v3, v36  }
0x731: {  	[tilespmem:s10+$0xFFFFFFF0] =	vst v34  }
0x732: {  	v11 =	vmul.f32 s2, v15;
	v8 =	vadd.f32 v8, v36;
	[tilespmem:s24+$0xCCF0] =	vst v3  }
0x733: {  	[tilespmem:s3+$0x70] =	vst v34  }
0x734: {  	v5 =	vsub.f32 v11, v5;
	[tilespmem:s0+$0xCCF0] =	vst v8  }
0x735: {  	[tilespmem:s23+$0xFFFFFFF0] =	vst v34  }
0x736: {  	v3 =	vmul.f32 v5, v35;
	s5 =	sld [smem:$0x7E0];
	_ =	sdelay $0x1  }
0x737: {  	v3 =	vadd.f32 v3, v36  }
0x738: {  	s5 =	sadd.s32 $0x1, s5  }
0x739: {  	[tilespmem:s1+$0xCCF0] =	vst v3;
	p0 =	sne.s32 s5, $0x8  }
.Ltmp11:
0x73a: {  	[tilespmem:s3+$0xFFFFFFF0] =	vst v34;
	(pc) =	sbr.rel @p0 .LBB2_19-.Ltmp11, $2  }
0x73b: {  	s18 =	sld [smem:$0x7E1];
	_ =	sdelay $0x2  }
0x73c: {  	s18 =	sadd.s32 $0x800, s18  }
0x73d: {  	s0 =	sld [smem:$0x7F7];
	_ =	sdelay $0x1  }
.Ltmp12:
0x73e: {  	_ = 	snop;
	(pc) =	sbr.rel @p1 .LBB2_24-.Ltmp12, $4  }
0x73f: {  	s0 =	sshll.u32 s0, $0x7  }
0x740: {  	s1 =	rddreg [dreg:$0x7];
	s0 =	sand.u32 $0x3FFFFF80, s0  }
0x741: {  	s7 =	simm.s32 $0x80;
	s2 =	simm.s32 $0xCC80;
	s0 =	sadd.s32 $0x400, s0  }
0x742: {  	[hbm4b:s1+s7] =	stream.indirect.scatter [tilespmem:s2], [sflag:$0x4], $0x80, s0, s7, $0xb8;
	[tilespmem:$0x11E80] =	vst v63  }
0x743: {  	s0 =	sld [smem:$0x7F4];
	_ =	sdelay $0x2  }
0x744: {  	s0 =	sadd.s32 $0x30, s0  }
0x745: {  	s1 =	sand.u32 $0x1F0, s0  }
0x746: {  	s26 =	sld [smem:$0x7FA];
	v3 =	vld [tilespmem:s1+$0x0];
	_ =	sdelay $0x2  }
0x747: {  	s0 =	sadd.s32 s26, s0  }
0x748: {  	v5 =	vmov s0  }
0x749: {  	v5 =	vshll.u32 v5, $0x3;
	v8 =	vshll.u32 v3, $0x3  }
0x74a: {  	v5 =	vor.u32 v1, v5;
	v3 =	vand.u32 $0x7, v3;
	v8 =	vand.u32 $0xFFFFFFC0, v8  }
0x74b: {  	v3 =	vor.u32 v3, v8;
	v8 =	vand.u32 $0x7FFFFFC0, v5  }
0x74c: {  	v9 =	vor.u32 v2, v8;
	[tilespmem:$0x300] =	vst v3  }
0x74d: {  	[tilespmem:$0x380] =	vst v9;
	v9 =	vor.u32 $0x8, v3  }
0x74e: {  	[tilespmem:$0x310] =	vst v9;
	v9 =	vor.u32 v4, v8  }
0x74f: {  	[tilespmem:$0x390] =	vst v9;
	v9 =	vor.u32 $0x10, v3  }
0x750: {  	[tilespmem:$0x320] =	vst v9;
	v9 =	vor.u32 v6, v8  }
0x751: {  	[tilespmem:$0x3A0] =	vst v9;
	v9 =	vor.u32 $0x18, v3  }
0x752: {  	[tilespmem:$0x330] =	vst v9;
	v9 =	vor.u32 v7, v8  }
0x753: {  	[tilespmem:$0x3B0] =	vst v9;
	v9 =	vor.u32 $0x20, v3  }
0x754: {  	[tilespmem:$0x340] =	vst v9;
	v9 =	vor.u32 v10, v8  }
0x755: {  	[tilespmem:$0x3C0] =	vst v9;
	v9 =	vor.u32 $0x28, v3  }
0x756: {  	[tilespmem:$0x350] =	vst v9;
	v9 =	vor.u32 v12, v8  }
0x757: {  	v8 =	vor.u32 v14, v8;
	[tilespmem:$0x3D0] =	vst v9  }
0x758: {  	v9 =	vor.u32 $0x30, v3;
	[tilespmem:$0x3E0] =	vst v8  }
0x759: {  	v3 =	vor.u32 $0x38, v3;
	[tilespmem:$0x360] =	vst v9  }
.Ltmp13:
0x75a: {  	s4 =	sld [smem:$0x7F6];
	[tilespmem:$0x370] =	vst v3;
	v3 =	vor.u32 v16, v5;
	(pc) =	sbr.rel .LBB2_6-.Ltmp13, $4  }
0x75b: {  	s28 =	rddreg [dreg:$0x2];
	s29 =	simm.s32 $0x300;
	s2 =	simm.s32 $0x4C80;
	[tilespmem:$0x3F0] =	vst v3  }
0x75c: {  	[tilespmem:s2], [sflag:$0x2] =	stream.indirect.gather.add.f32 [hbm:s28], $0x80, s29, s7, $0xb8;
	[tilespmem:$0x11E80] =	vst v63  }
0x75d: {  	s30 =	rddreg [dreg:$0x3];
	s31 =	simm.s32 $0x380;
	s4 =	sadd.s32 $0x1, s4  }
0x75e: {  	[tilespmem:s2], [sflag:$0x2] =	stream.indirect.gather.add.f32 [hbm:s30], $0x80, s31, s7, $0xb8;
	[tilespmem:$0x11E80] =	vst v63  }
.LBB2_25:
0x75f: {  	_ =	sfence.sel $0x180000  }
0x760: {  	[bflag:$0x0] =	sbarrier.arrive $0xFFFF  }
0x761: {  	_ =	strace $0x90000047  }
0x762: {  	s0 =	stileid.u32;
	[bflag:$0x2] =	sbarrier.arrive $0xFFFF  }
0x763: {  	p0 =	sne.s32 s0, $0x0;
	s0 =	rddreg [dreg:$0x8]  }
0x764: {  	s0 =	sadd.s32 @!p0 $0x100000, s0  }
0x765: {  	[sflag:s0] =	ssyncadd.tile.s32 @!p0 $0x1;
	_ =	shalt  }
.Lfunc_end2:
_tile_overlayer_lowered:
.L_overlay_start_2:
0x766: {  	(tag) =	ssettag $0x2  }
0x767: {  	s0 =	rddreg [dreg:$0x0];
	s2 =	stileid.u32  }
0x768: {  	s1 =	rddreg [dreg:$0x1];
	p0 =	sne.s32 s2, $0x0  }
0x769: {  	s3 =	rddreg [dreg:$0x2];
	[bflag:$0x3] =	sbarrier.arrive $0xFFFF;
	s2 =	simm.s32 @!p0 $0x1C05  }
0x76a: {  	[timem:s3], [sflag:s2] =	dma.local @!p0 [hbm:s0], s1  }
0x76b: {  	s0 =	simm.s32 @!p0 $0x5  }
0x76c: {  	_ =	swait.ge @!p0 [sflag:s0], s1  }
0x76d: {  	s1 =	ssub.s32 @!p0 $0x0, s1;
	[sflag:s0] =	ssyncset.done @!p0 $0x0  }
0x76e: {  	[sflag:s0] =	ssyncadd.s32 @!p0 s1  }
0x76f: {  	[bflag:$0x3] =	sbarrier.arrive $0xFFFF  }
0x770: {  	_ =	shalt  }

</sc_bundles>
